<compile_context>
chip_gen: v7x
topology: tpu7x:2x2x1
jax: 0.10.2.dev20260603
libtpu: 0.0.44.dev20260713+nightly
codegen_flags: <defaults>
</compile_context>

<pallas_src>
import functools

import jax
import jax.numpy as jnp
from jax import lax
from jax.experimental import pallas as pl
from jax.experimental.pallas import tpu as pltpu
from jax.experimental.pallas import tpu_sc as plsc

N_NODES = 10000
NPAD = 10240
FEAT = 128
NB = 2048
NBLK = NPAD // NB
ROWB = 2048
N_EDGES = 160000
NTILES = 16
EK = 64
NCH = 157
EPAD = NTILES * NCH * EK
ROWS_PER_TILE = NPAD // NTILES
POS_FILL = 1.0e6



def _sc_mesh():
    return plsc.VectorSubcoreMesh(core_axis_name="c", subcore_axis_name="s")


def _deg_body(dst_hbm, deg_hbm, dst_v, ones_v, init_v, deg_sh):
    c = lax.axis_index("c")
    s = lax.axis_index("s")

    @pl.when(c == 0)
    def _():
        def w(i, _):
            init_v[pl.ds(i * 16, 16)] = jnp.full((16,), 1.0, jnp.float32)
            return 0
        lax.fori_loop(0, ROWS_PER_TILE // 16, w, 0)
        pltpu.sync_copy(init_v, deg_sh.at[pl.ds(s * ROWS_PER_TILE, ROWS_PER_TILE)])

        def w2(i, _):
            ones_v[pl.ds(i * 16, 16)] = jnp.full((16,), 1.0, jnp.float32)
            return 0
        lax.fori_loop(0, EK // 16, w2, 0)
        pltpu.sync_copy(dst_hbm.at[s], dst_v)
        plsc.subcore_barrier()

        def body(j, _):
            pltpu.sync_copy(ones_v, deg_sh.at[dst_v.at[j]], add=True)
            return 0
        lax.fori_loop(0, NCH, body, 0)
        plsc.subcore_barrier()
        pltpu.sync_copy(deg_sh.at[pl.ds(s * ROWS_PER_TILE, ROWS_PER_TILE)],
                        deg_hbm.at[pl.ds(s * ROWS_PER_TILE, ROWS_PER_TILE)])


def _sc_degree(dst_tiles):
    return pl.kernel(
        _deg_body,
        out_type=jax.ShapeDtypeStruct((NPAD,), jnp.float32),
        mesh=_sc_mesh(),
        scratch_types=[
            pltpu.VMEM((NCH, EK), jnp.int32),
            pltpu.VMEM((EK,), jnp.float32),
            pltpu.VMEM((ROWS_PER_TILE,), jnp.float32),
            pltpu.VMEM_SHARED((NPAD,), jnp.float32),
        ],
        name="sc_degree",
    )(dst_tiles)


def _spmm_body(y_hbm, sd_hbm, out_hbm,
               idx0, idx1, buf0, buf1, acc_sh, gsem0, gsem1, isem0, isem1):
    c = lax.axis_index("c")
    s = lax.axis_index("s")
    rows = pl.ds(s * ROWS_PER_TILE, ROWS_PER_TILE)
    pltpu.sync_copy(y_hbm.at[c].at[rows], acc_sh.at[rows])
    plsc.subcore_barrier()

    pltpu.async_copy(sd_hbm.at[s].at[0], idx0, isem0)
    pltpu.async_copy(sd_hbm.at[s].at[1], idx1, isem1)
    pltpu.make_async_copy(sd_hbm.at[s].at[0], idx0, isem0).wait()
    pltpu.async_copy(y_hbm.at[c].at[idx0.at[0]], buf0, gsem0)

    def loop(i, _):
        j0 = 2 * i
        pltpu.make_async_copy(sd_hbm.at[s].at[0], idx1, isem1).wait()
        cp1 = pltpu.async_copy(y_hbm.at[c].at[idx1.at[0]], buf1, gsem1)
        pltpu.make_async_copy(y_hbm.at[c].at[idx0.at[0]], buf0, gsem0).wait()
        pltpu.sync_copy(buf0, acc_sh.at[idx0.at[1]], add=True)

        @pl.when(j0 + 2 < NCH)
        def _():
            pltpu.async_copy(sd_hbm.at[s].at[j0 + 2], idx0, isem0)
        cp1.wait()
        pltpu.sync_copy(buf1, acc_sh.at[idx1.at[1]], add=True)

        @pl.when(j0 + 2 < NCH)
        def _():
            pltpu.make_async_copy(sd_hbm.at[s].at[0], idx0, isem0).wait()
            pltpu.async_copy(y_hbm.at[c].at[idx0.at[0]], buf0, gsem0)

        @pl.when(j0 + 3 < NCH)
        def _():
            pltpu.async_copy(sd_hbm.at[s].at[j0 + 3], idx1, isem1)
        return 0

    lax.fori_loop(0, NCH // 2, loop, 0)
    pltpu.make_async_copy(y_hbm.at[c].at[idx0.at[0]], buf0, gsem0).wait()
    pltpu.sync_copy(buf0, acc_sh.at[idx0.at[1]], add=True)
    plsc.subcore_barrier()
    pltpu.sync_copy(acc_sh.at[rows], out_hbm.at[c].at[rows])


def _sc_spmm(y, sd_tiles):
    return pl.kernel(
        _spmm_body,
        out_type=jax.ShapeDtypeStruct((2, NPAD, FEAT), jnp.float32),
        mesh=_sc_mesh(),
        scratch_types=(
            [pltpu.VMEM((2, EK), jnp.int32)] * 2
            + [pltpu.VMEM((EK, FEAT), jnp.float32)] * 2
            + [pltpu.VMEM_SHARED((NPAD, FEAT), jnp.float32)]
            + [pltpu.SemaphoreType.DMA] * 4
        ),
        name="sc_spmm",
    )(y, sd_tiles)



def _pass1_body(enc_in_ref, ew1_ref, eb1_ref, ew2_ref, eb2_ref,
                xx_ref, pos_ref, deg_ref, cwp_ref,
                h_ref, s_ref, dinv_ref, posw_ref):
    j = pl.program_id(0)

    @pl.when(j == 0)
    def _():
        a = jnp.maximum(enc_in_ref[...] @ ew1_ref[...] + eb1_ref[...], 0.0)
        h_ref[...] = a @ ew2_ref[...] + eb2_ref[...]
        s_ref[...] = jnp.zeros_like(s_ref)

    pos = pos_ref[...]
    xx = xx_ref[...]
    x2 = jnp.sum(xx * xx, axis=1)
    p2 = jnp.sum(pos * pos, axis=1)
    d2 = x2[:, None] - 2.0 * (xx @ pos.T) + p2[None, :]
    e = jnp.exp(-d2)
    s_ref[...] += jnp.sum(e, axis=1)
    dinv_ref[...] = lax.rsqrt(jnp.maximum(deg_ref[...], 1.0))
    posw_ref[...] = pos @ cwp_ref[...]


def _tc_pass1(enc_in8, ew1_8, eb1, ew2, eb2, points, pos_pad, deg, conv_wp):
    grid = (NBLK,)
    full = lambda shp: pl.BlockSpec(shp, lambda j: tuple(0 for _ in shp))
    return pl.pallas_call(
        _pass1_body,
        grid=grid,
        in_specs=[
            full((2 * 512, 8)), full((8, FEAT)), full((FEAT,)),
            full((FEAT, FEAT)), full((FEAT,)),
            full((2 * 512, 2)),
            pl.BlockSpec((NB, 2), lambda j: (j, 0)),
            pl.BlockSpec((NB,), lambda j: (j,)),
            full((2, FEAT)),
        ],
        out_specs=[
            full((2 * 512, FEAT)),
            full((2 * 512,)),
            pl.BlockSpec((NB,), lambda j: (j,)),
            pl.BlockSpec((NB, FEAT), lambda j: (j, 0)),
        ],
        out_shape=[
            jax.ShapeDtypeStruct((2 * 512, FEAT), jnp.float32),
            jax.ShapeDtypeStruct((2 * 512,), jnp.float32),
            jax.ShapeDtypeStruct((NPAD,), jnp.float32),
            jax.ShapeDtypeStruct((NPAD, FEAT), jnp.float32),
        ],
    )(enc_in8, ew1_8, eb1, ew2, eb2, points, pos_pad, deg, conv_wp)


def _pass2_body(xx_ref, pos_ref, h_ref, s_ref, gx_ref):
    pos = pos_ref[...]
    xx = xx_ref[...]
    x2 = jnp.sum(xx * xx, axis=1)
    p2 = jnp.sum(pos * pos, axis=1)
    d2 = x2[:, None] - 2.0 * (xx @ pos.T) + p2[None, :]
    e = jnp.exp(-d2)
    hs = h_ref[...] / s_ref[...][:, None]
    dn = (((0,), (0,)), ((), ()))
    g0 = lax.dot_general(e[:512], hs[:512], dn)
    g1 = lax.dot_general(e[512:], hs[512:], dn)
    gx_ref[...] = jnp.stack([g0, g1], axis=0)


def _tc_pass2(points, pos_pad, h, s):
    full = lambda shp: pl.BlockSpec(shp, lambda j: tuple(0 for _ in shp))
    return pl.pallas_call(
        _pass2_body,
        grid=(NBLK,),
        in_specs=[
            full((2 * 512, 2)),
            pl.BlockSpec((NB, 2), lambda j: (j, 0)),
            full((2 * 512, FEAT)), full((2 * 512,)),
        ],
        out_specs=pl.BlockSpec((2, NB, FEAT), lambda j: (0, j, 0)),
        out_shape=jax.ShapeDtypeStruct((2, NPAD, FEAT), jnp.float32),
    )(points, pos_pad, h, s)


def _step_body(do_ln, do_y, x_ref, acc_ref, dinv_ref, posw_ref, wx_ref,
               cb_ref, lng_ref, lnb_ref, x1_ref, y_ref):
    dinv = dinv_ref[...][:, None]
    if do_ln:
        z = x_ref[0] + dinv * acc_ref[0] + cb_ref[...]
        mu = jnp.mean(z, axis=1, keepdims=True)
        zc = z - mu
        var = jnp.mean(zc * zc, axis=1, keepdims=True)
        x1 = zc * lax.rsqrt(var + 1e-5) * lng_ref[...] + lnb_ref[...]
    else:
        x1 = x_ref[0]
    x1_ref[0] = x1
    if do_y:
        y_ref[0] = dinv * (x1 @ wx_ref[...] + posw_ref[...])
    else:
        y_ref[0] = jnp.zeros((ROWB, FEAT), jnp.float32)


def _tc_step(x, acc, dinv, posw, wx, cb, lng, lnb, do_ln, do_y):
    full = lambda shp: pl.BlockSpec(shp, lambda b, i: tuple(0 for _ in shp))
    rb = lambda: pl.BlockSpec((1, ROWB, FEAT), lambda b, i: (b, i, 0))
    vb = lambda: pl.BlockSpec((ROWB,), lambda b, i: (i,))
    nb = lambda: pl.BlockSpec((ROWB, FEAT), lambda b, i: (i, 0))
    return pl.pallas_call(
        functools.partial(_step_body, do_ln, do_y),
        grid=(2, NPAD // ROWB),
        in_specs=[rb(), rb(), vb(), nb(), full((FEAT, FEAT)),
                  full((FEAT,)), full((FEAT,)), full((FEAT,))],
        out_specs=[rb(), rb()],
        out_shape=[jax.ShapeDtypeStruct((2, NPAD, FEAT), jnp.float32),
                   jax.ShapeDtypeStruct((2, NPAD, FEAT), jnp.float32)],
    )(x, acc, dinv, posw, wx, cb, lng, lnb)


def _dec_body(qq_ref, pos_ref, gx_ref, w1a_ref, w1b_ref, b1_ref,
              w2_ref, b2_ref, lat_ref, s_ref, out_ref):
    j = pl.program_id(0)

    @pl.when(j == 0)
    def _():
        lat_ref[...] = jnp.zeros_like(lat_ref)
        s_ref[...] = jnp.zeros_like(s_ref)

    pos = pos_ref[...]
    qq = qq_ref[...]
    q2 = jnp.sum(qq * qq, axis=1)
    p2 = jnp.sum(pos * pos, axis=1)
    d2 = q2[:, None] - 2.0 * (qq @ pos.T) + p2[None, :]
    e = jnp.exp(-d2)
    s_ref[...] += jnp.sum(e, axis=1)
    gx = gx_ref[...]
    l0 = e[:512] @ gx[0]
    l1 = e[512:] @ gx[1]
    lat_ref[...] += jnp.concatenate([l0, l1], axis=0)

    @pl.when(j == NBLK - 1)
    def _():
        lat = lat_ref[...] / s_ref[...][:, None]
        a = jnp.maximum(lat @ w1a_ref[...] + qq @ w1b_ref[...] + b1_ref[...], 0.0)
        out_ref[...] = a @ w2_ref[...] + b2_ref[...]


def _tc_decoder(qpts, pos_pad, gx, w1a, w1b, b1, w2_8, b2_8):
    full = lambda shp: pl.BlockSpec(shp, lambda j: tuple(0 for _ in shp))
    return pl.pallas_call(
        _dec_body,
        grid=(NBLK,),
        in_specs=[
            full((2 * 512, 2)),
            pl.BlockSpec((NB, 2), lambda j: (j, 0)),
            pl.BlockSpec((2, NB, FEAT), lambda j: (0, j, 0)),
            full((FEAT, FEAT)), full((2, FEAT)), full((FEAT,)),
            full((FEAT, 8)), full((8,)),
        ],
        out_specs=[full((2 * 512, FEAT)), full((2 * 512,)),
                   full((2 * 512, 8))],
        out_shape=[jax.ShapeDtypeStruct((2 * 512, FEAT), jnp.float32),
                   jax.ShapeDtypeStruct((2 * 512,), jnp.float32),
                   jax.ShapeDtypeStruct((2 * 512, 8), jnp.float32)],
    )(qpts, pos_pad, gx, w1a, w1b, b1, w2_8, b2_8)



def kernel(inp_x, inp_y, q, pos, edge_index, enc_W1, enc_b1, enc_W2, enc_b2,
           conv_W, conv_b, ln_g, ln_b, dec_W1, dec_b1, dec_W2, dec_b2):
    f32 = jnp.float32
    bs, P, _ = inp_x.shape

    pos_pad = jnp.full((NPAD, 2), POS_FILL, f32).at[:N_NODES].set(pos)
    src = edge_index[0].astype(jnp.int32)
    dst = edge_index[1].astype(jnp.int32)
    pad = EPAD - N_EDGES
    src_p = jnp.concatenate([src, jnp.zeros((pad,), jnp.int32)])
    dst_p = jnp.concatenate([dst, jnp.full((pad,), NPAD - 1, jnp.int32)])
    dst_tiles = dst_p.reshape(NTILES, NCH, EK)
    src_tiles = src_p.reshape(NTILES, NCH, EK)
    sd_tiles = jnp.stack([src_tiles, dst_tiles], axis=2)

    points = jnp.concatenate([inp_x[0], inp_x[1]], axis=0)
    qpts = jnp.concatenate([q[0], q[1]], axis=0)
    enc_in = jnp.concatenate([inp_x, inp_y], axis=-1).reshape(2 * P, 3)
    enc_in8 = jnp.pad(enc_in, ((0, 0), (0, 5)))
    ew1_8 = jnp.pad(enc_W1, ((0, 5), (0, 0)))
    conv_wp = conv_W[:2]
    wx = conv_W[2:]
    w1a = dec_W1[:FEAT]
    w1b = dec_W1[FEAT:]
    w2_8 = jnp.pad(dec_W2, ((0, 0), (0, 7)))
    b2_8 = jnp.pad(dec_b2, ((0, 7)))

    deg = _sc_degree(dst_tiles)

    h, s, dinv, posw = _tc_pass1(enc_in8, ew1_8, enc_b1, enc_W2, enc_b2,
                                 points, pos_pad, deg, conv_wp)
    x = _tc_pass2(points, pos_pad, h, s)

    x, y = _tc_step(x, x, dinv, posw, wx, conv_b, ln_g, ln_b,
                    do_ln=False, do_y=True)
    for t in range(4):
        acc = _sc_spmm(y, sd_tiles)
        x, y = _tc_step(x, acc, dinv, posw, wx, conv_b, ln_g, ln_b,
                        do_ln=True, do_y=(t < 3))

    _, _, out8 = _tc_decoder(qpts, pos_pad, x, w1a, w1b, dec_b1, w2_8, b2_8)
    return out8.reshape(2, 512, 8)[:, :, :1]

# --- scband reference (transcript-rebuilt; emitter-appended) ---
"""Pipeline reference for scband-gen-32298154066324 (READ-ONLY COPY).

The authoritative reference and input builder live on the scoring server;
editing this copy changes nothing except your own understanding.
"""

import jax, jax.numpy as jnp
import numpy as np

N_NODES = 10000
N_EDGES = 160000
BS = 2
N_INP = 512
N_Q = 512
POS_DIM = 2
FEAT = 128
MSG_STEPS = 4


def setup_inputs(seed: int = 0):
    key = jax.random.key(seed)
    ks = jax.random.split(key, 10)

    def s(k, shp, fan):
        return jax.random.normal(k, shp, jnp.float32) * (1.0 / np.sqrt(fan))

    inp = {}
    inp['inp_x'] = jax.random.normal(ks[0], (BS, N_INP, POS_DIM), jnp.float32)
    inp['inp_y'] = jax.random.normal(ks[1], (BS, N_INP, 1), jnp.float32)
    inp['q'] = jax.random.normal(ks[2], (BS, N_Q, POS_DIM), jnp.float32)
    inp['pos'] = jax.random.uniform(ks[3], (N_NODES, POS_DIM), dtype=jnp.float32)
    inp['edge_index'] = jax.random.randint(ks[4], (2, N_EDGES), 0, N_NODES)
    inp['enc_W1'] = s(ks[5], (POS_DIM + 1, FEAT), POS_DIM + 1)
    inp['enc_b1'] = jnp.zeros((FEAT,), jnp.float32)
    inp['enc_W2'] = s(ks[6], (FEAT, FEAT), FEAT)
    inp['enc_b2'] = jnp.zeros((FEAT,), jnp.float32)
    inp['conv_W'] = s(ks[7], (FEAT + POS_DIM, FEAT), FEAT + POS_DIM)
    inp['conv_b'] = jnp.zeros((FEAT,), jnp.float32)
    inp['ln_g'] = jnp.ones((FEAT,), jnp.float32)
    inp['ln_b'] = jnp.zeros((FEAT,), jnp.float32)
    inp['dec_W1'] = s(ks[8], (FEAT + POS_DIM, FEAT), FEAT + POS_DIM)
    inp['dec_b1'] = jnp.zeros((FEAT,), jnp.float32)
    inp['dec_W2'] = s(ks[9], (FEAT, 1), FEAT)
    inp['dec_b2'] = jnp.zeros((1,), jnp.float32)
    return inp


def reference(inp_x, inp_y, q, pos, edge_index, enc_W1, enc_b1, enc_W2, enc_b2,
              conv_W, conv_b, ln_g, ln_b, dec_W1, dec_b1, dec_W2, dec_b2):
    bs = inp_x.shape[0]
    n_nodes = pos.shape[0]
    feat = enc_W2.shape[1]
    n_edges = edge_index.shape[1]

    # GENSoftNN-style repr_fn: soft assignment of points to graph nodes
    def repr_fn(node_pos, x):
        d2 = jnp.sum((x[:, :, None, :] - node_pos[None, None, :, :]) ** 2, axis=-1)
        return jax.nn.softmax(-d2, axis=-1)  # [bs, P, N]

    # encoder MLP on (X, y)
    enc_in = jnp.concatenate([inp_x, inp_y], axis=-1)
    h = jax.nn.relu(enc_in @ enc_W1 + enc_b1) @ enc_W2 + enc_b2  # [bs, P, F]

    inp_coord = repr_fn(pos, inp_x)  # [bs, P, N]
    gx = jnp.einsum('bpn,bpf->bnf', inp_coord, h)  # bmm(coord^T, inputs)

    # Batch.from_data_list: concatenate graphs with node offsets
    x = gx.reshape(bs * n_nodes, feat)
    pos_b = jnp.tile(pos, (bs, 1))
    offsets = jnp.repeat(jnp.arange(bs) * n_nodes, n_edges)
    src = jnp.tile(edge_index[0], bs) + offsets
    dst = jnp.tile(edge_index[1], bs) + offsets
    loops = jnp.arange(bs * n_nodes)
    src_sl = jnp.concatenate([src, loops])
    dst_sl = jnp.concatenate([dst, loops])
    deg = jnp.zeros(bs * n_nodes, jnp.float32).at[dst_sl].add(1.0)
    dinv = jax.lax.rsqrt(jnp.clip(deg, 1.0, None))
    norm = dinv[src_sl] * dinv[dst_sl]

    def gcn(xx):
        xin = jnp.concatenate([pos_b, xx], axis=-1)
        xw = xin @ conv_W
        msg = xw[src_sl] * norm[:, None]
        return jax.ops.segment_sum(msg, dst_sl, num_segments=bs * n_nodes) + conv_b

    def layer_norm(xx):
        mu = jnp.mean(xx, axis=-1, keepdims=True)
        var = jnp.var(xx, axis=-1, keepdims=True)
        return (xx - mu) * jax.lax.rsqrt(var + 1e-5) * ln_g + ln_b

    for _ in range(MSG_STEPS):
        x = layer_norm(x + gcn(x))

    gx = x.reshape(bs, n_nodes, feat)
    q_coord = repr_fn(pos, q)  # [bs, Q, N]
    lat = jnp.einsum('bqn,bnf->bqf', q_coord, gx)
    dec_in = jnp.concatenate([lat, q], axis=-1)
    out = jax.nn.relu(dec_in @ dec_W1 + dec_b1) @ dec_W2 + dec_b2
    return out

if __name__ == "__main__":
    import jax
    _d = setup_inputs()
    print(jax.jit(kernel)(*tuple(_d.values())))

</pallas_src>

<mosaic_0001>
#map = affine_map<(d0, d1) -> (0, 0, 0)>
#map1 = affine_map<(d0, d1) -> (0, 0, 0, 0)>
module attributes {stable_mosaic.version = 14 : i64} {
  func.func @sc_spmm(%arg0: i32, %arg1: i32, %arg2: memref<2x10240x128xf32, #tpu.memory_space<hbm>>, %arg3: memref<16x157x2x64xi32, #tpu.memory_space<hbm>>, %arg4: memref<2x10240x128xf32, #tpu.memory_space<hbm>>, %arg5: memref<2x64xi32, #tpu.memory_space<vmem>>, %arg6: memref<2x64xi32, #tpu.memory_space<vmem>>, %arg7: memref<64x128xf32, #tpu.memory_space<vmem>>, %arg8: memref<64x128xf32, #tpu.memory_space<vmem>>, %arg9: memref<10240x128xf32, #tpu.memory_space<vmem_shared>>, %arg10: memref<!tpu.dma_semaphore, #tpu.memory_space<semaphore_mem>>, %arg11: memref<!tpu.dma_semaphore, #tpu.memory_space<semaphore_mem>>, %arg12: memref<!tpu.dma_semaphore, #tpu.memory_space<semaphore_mem>>, %arg13: memref<!tpu.dma_semaphore, #tpu.memory_space<semaphore_mem>>) attributes {dimension_semantics = [#tpu.dimension_semantics<core_parallel>, #tpu.dimension_semantics<subcore_parallel>], iteration_bounds = array<i64: 2, 16>, scalar_prefetch = 0 : i64, scratch_operands = 9 : i64, tpu.core_type = #tpu.core_type<sc_vector_subcore>, window_params = [{transform_indices = #map}, {transform_indices = #map1}, {transform_indices = #map}]} {
    %mul3A = arith.constant 640 : i32
    %mul3A_0 = arith.muli %arg1, %mul3A : i32
    "tpu.region"() ({
      %run_scoped3A_85 = tpu.sem_alloc : memref<!tpu.dma_semaphore, #tpu.memory_space<semaphore_mem>>
      %dma_start3A_86 = arith.constant 0 : i32
      %dma_start3A_87 = tpu.memref_slice %arg9[%mul3A_0, %dma_start3A_86] : memref<10240x128xf32, #tpu.memory_space<vmem_shared>> -> memref<640x128xf32, #tpu.memory_space<vmem_shared>>
      %dma_start3A_88 = arith.constant 0 : i32
      %dma_start3A_89 = arith.constant 0 : i32
      %dma_start3A_90 = tpu.memref_slice %arg2[%arg0, %dma_start3A_88, %dma_start3A_89] : memref<2x10240x128xf32, #tpu.memory_space<hbm>> -> memref<1x10240x128xf32, #tpu.memory_space<hbm>>
      %dma_start3A_91 = tpu.memref_squeeze %dma_start3A_90 : memref<1x10240x128xf32, #tpu.memory_space<hbm>> -> memref<10240x128xf32, #tpu.memory_space<hbm>>
      %dma_start3A_92 = arith.constant 0 : i32
      %dma_start3A_93 = tpu.memref_slice %dma_start3A_91[%mul3A_0, %dma_start3A_92] : memref<10240x128xf32, #tpu.memory_space<hbm>> -> memref<640x128xf32, #tpu.memory_space<hbm>>
      tpu.enqueue_dma source(%dma_start3A_93 : memref<640x128xf32, #tpu.memory_space<hbm>>) target(%dma_start3A_87 : memref<640x128xf32, #tpu.memory_space<vmem_shared>>) target_semaphore(%run_scoped3A_85 : memref<!tpu.dma_semaphore, #tpu.memory_space<semaphore_mem>>)
      %dma_wait3A_94 = arith.constant 0 : i32
      %dma_wait3A_95 = tpu.memref_slice %arg9[%mul3A_0, %dma_wait3A_94] : memref<10240x128xf32, #tpu.memory_space<vmem_shared>> -> memref<640x128xf32, #tpu.memory_space<vmem_shared>>
      %dma_wait3A_96 = arith.constant 0 : i32
      %dma_wait3A_97 = arith.constant 0 : i32
      %dma_wait3A_98 = tpu.memref_slice %arg2[%arg0, %dma_wait3A_96, %dma_wait3A_97] : memref<2x10240x128xf32, #tpu.memory_space<hbm>> -> memref<1x10240x128xf32, #tpu.memory_space<hbm>>
      %dma_wait3A_99 = tpu.memref_squeeze %dma_wait3A_98 : memref<1x10240x128xf32, #tpu.memory_space<hbm>> -> memref<10240x128xf32, #tpu.memory_space<hbm>>
      %dma_wait3A_100 = arith.constant 0 : i32
      %dma_wait3A_101 = tpu.memref_slice %dma_wait3A_99[%mul3A_0, %dma_wait3A_100] : memref<10240x128xf32, #tpu.memory_space<hbm>> -> memref<640x128xf32, #tpu.memory_space<hbm>>
      tpu.wait_dma2 semaphore(%run_scoped3A_85 : memref<!tpu.dma_semaphore, #tpu.memory_space<semaphore_mem>>) src(%dma_wait3A_101 : memref<640x128xf32, #tpu.memory_space<hbm>>) dst(%dma_wait3A_95 : memref<640x128xf32, #tpu.memory_space<vmem_shared>>)
      tpu.yield
    }) : () -> ()
    %barrier3A = arith.constant 0 : index
    tpu.barrier barrier_id(%barrier3A)
    %dma_start3A = arith.constant 0 : i32
    %dma_start3A_1 = arith.constant 0 : i32
    %dma_start3A_2 = arith.constant 0 : i32
    %dma_start3A_3 = arith.constant 0 : i32
    %dma_start3A_4 = tpu.memref_slice %arg3[%arg1, %dma_start3A_1, %dma_start3A_2, %dma_start3A_3] : memref<16x157x2x64xi32, #tpu.memory_space<hbm>> -> memref<1x157x2x64xi32, #tpu.memory_space<hbm>>
    %dma_start3A_5 = tpu.memref_squeeze %dma_start3A_4 : memref<1x157x2x64xi32, #tpu.memory_space<hbm>> -> memref<157x2x64xi32, #tpu.memory_space<hbm>>
    %dma_start3A_6 = arith.constant 0 : i32
    %dma_start3A_7 = arith.constant 0 : i32
    %dma_start3A_8 = tpu.memref_slice %dma_start3A_5[%dma_start3A, %dma_start3A_6, %dma_start3A_7] : memref<157x2x64xi32, #tpu.memory_space<hbm>> -> memref<1x2x64xi32, #tpu.memory_space<hbm>>
    %dma_start3A_9 = tpu.memref_squeeze %dma_start3A_8 : memref<1x2x64xi32, #tpu.memory_space<hbm>> -> memref<2x64xi32, #tpu.memory_space<hbm>>
    %dma_start3A_10 = arith.constant 0 : i32
    %dma_start3A_11 = arith.constant 0 : i32
    %dma_start3A_12 = arith.constant 0 : i32
    %dma_start3A_13 = tpu.memref_slice %arg3[%arg1, %dma_start3A_10, %dma_start3A_11, %dma_start3A_12] : memref<16x157x2x64xi32, #tpu.memory_space<hbm>> -> memref<1x157x2x64xi32, #tpu.memory_space<hbm>>
    %dma_start3A_14 = tpu.memref_squeeze %dma_start3A_13 : memref<1x157x2x64xi32, #tpu.memory_space<hbm>> -> memref<157x2x64xi32, #tpu.memory_space<hbm>>
    %dma_start3A_15 = arith.constant 0 : i32
    %dma_start3A_16 = arith.constant 0 : i32
    %dma_start3A_17 = tpu.memref_slice %dma_start3A_14[%dma_start3A, %dma_start3A_15, %dma_start3A_16] : memref<157x2x64xi32, #tpu.memory_space<hbm>> -> memref<1x2x64xi32, #tpu.memory_space<hbm>>
    %dma_start3A_18 = tpu.memref_squeeze %dma_start3A_17 : memref<1x2x64xi32, #tpu.memory_space<hbm>> -> memref<2x64xi32, #tpu.memory_space<hbm>>
    tpu.enqueue_dma source(%dma_start3A_18 : memref<2x64xi32, #tpu.memory_space<hbm>>) target(%arg5 : memref<2x64xi32, #tpu.memory_space<vmem>>) target_semaphore(%arg12 : memref<!tpu.dma_semaphore, #tpu.memory_space<semaphore_mem>>)
    %dma_start3A_19 = arith.constant 1 : i32
    %dma_start3A_20 = arith.constant 0 : i32
    %dma_start3A_21 = arith.constant 0 : i32
    %dma_start3A_22 = arith.constant 0 : i32
    %dma_start3A_23 = tpu.memref_slice %arg3[%arg1, %dma_start3A_20, %dma_start3A_21, %dma_start3A_22] : memref<16x157x2x64xi32, #tpu.memory_space<hbm>> -> memref<1x157x2x64xi32, #tpu.memory_space<hbm>>
    %dma_start3A_24 = tpu.memref_squeeze %dma_start3A_23 : memref<1x157x2x64xi32, #tpu.memory_space<hbm>> -> memref<157x2x64xi32, #tpu.memory_space<hbm>>
    %dma_start3A_25 = arith.constant 0 : i32
    %dma_start3A_26 = arith.constant 0 : i32
    %dma_start3A_27 = tpu.memref_slice %dma_start3A_24[%dma_start3A_19, %dma_start3A_25, %dma_start3A_26] : memref<157x2x64xi32, #tpu.memory_space<hbm>> -> memref<1x2x64xi32, #tpu.memory_space<hbm>>
    %dma_start3A_28 = tpu.memref_squeeze %dma_start3A_27 : memref<1x2x64xi32, #tpu.memory_space<hbm>> -> memref<2x64xi32, #tpu.memory_space<hbm>>
    %dma_start3A_29 = arith.constant 0 : i32
    %dma_start3A_30 = arith.constant 0 : i32
    %dma_start3A_31 = arith.constant 0 : i32
    %dma_start3A_32 = tpu.memref_slice %arg3[%arg1, %dma_start3A_29, %dma_start3A_30, %dma_start3A_31] : memref<16x157x2x64xi32, #tpu.memory_space<hbm>> -> memref<1x157x2x64xi32, #tpu.memory_space<hbm>>
    %dma_start3A_33 = tpu.memref_squeeze %dma_start3A_32 : memref<1x157x2x64xi32, #tpu.memory_space<hbm>> -> memref<157x2x64xi32, #tpu.memory_space<hbm>>
    %dma_start3A_34 = arith.constant 0 : i32
    %dma_start3A_35 = arith.constant 0 : i32
    %dma_start3A_36 = tpu.memref_slice %dma_start3A_33[%dma_start3A_19, %dma_start3A_34, %dma_start3A_35] : memref<157x2x64xi32, #tpu.memory_space<hbm>> -> memref<1x2x64xi32, #tpu.memory_space<hbm>>
    %dma_start3A_37 = tpu.memref_squeeze %dma_start3A_36 : memref<1x2x64xi32, #tpu.memory_space<hbm>> -> memref<2x64xi32, #tpu.memory_space<hbm>>
    tpu.enqueue_dma source(%dma_start3A_37 : memref<2x64xi32, #tpu.memory_space<hbm>>) target(%arg6 : memref<2x64xi32, #tpu.memory_space<vmem>>) target_semaphore(%arg13 : memref<!tpu.dma_semaphore, #tpu.memory_space<semaphore_mem>>)
    %dma_wait3A = arith.constant 0 : i32
    %dma_wait3A_38 = arith.constant 0 : i32
    %dma_wait3A_39 = arith.constant 0 : i32
    %dma_wait3A_40 = arith.constant 0 : i32
    %dma_wait3A_41 = tpu.memref_slice %arg3[%arg1, %dma_wait3A_38, %dma_wait3A_39, %dma_wait3A_40] : memref<16x157x2x64xi32, #tpu.memory_space<hbm>> -> memref<1x157x2x64xi32, #tpu.memory_space<hbm>>
    %dma_wait3A_42 = tpu.memref_squeeze %dma_wait3A_41 : memref<1x157x2x64xi32, #tpu.memory_space<hbm>> -> memref<157x2x64xi32, #tpu.memory_space<hbm>>
    %dma_wait3A_43 = arith.constant 0 : i32
    %dma_wait3A_44 = arith.constant 0 : i32
    %dma_wait3A_45 = tpu.memref_slice %dma_wait3A_42[%dma_wait3A, %dma_wait3A_43, %dma_wait3A_44] : memref<157x2x64xi32, #tpu.memory_space<hbm>> -> memref<1x2x64xi32, #tpu.memory_space<hbm>>
    %dma_wait3A_46 = tpu.memref_squeeze %dma_wait3A_45 : memref<1x2x64xi32, #tpu.memory_space<hbm>> -> memref<2x64xi32, #tpu.memory_space<hbm>>
    %dma_wait3A_47 = arith.constant 0 : i32
    %dma_wait3A_48 = arith.constant 0 : i32
    %dma_wait3A_49 = arith.constant 0 : i32
    %dma_wait3A_50 = tpu.memref_slice %arg3[%arg1, %dma_wait3A_47, %dma_wait3A_48, %dma_wait3A_49] : memref<16x157x2x64xi32, #tpu.memory_space<hbm>> -> memref<1x157x2x64xi32, #tpu.memory_space<hbm>>
    %dma_wait3A_51 = tpu.memref_squeeze %dma_wait3A_50 : memref<1x157x2x64xi32, #tpu.memory_space<hbm>> -> memref<157x2x64xi32, #tpu.memory_space<hbm>>
    %dma_wait3A_52 = arith.constant 0 : i32
    %dma_wait3A_53 = arith.constant 0 : i32
    %dma_wait3A_54 = tpu.memref_slice %dma_wait3A_51[%dma_wait3A, %dma_wait3A_52, %dma_wait3A_53] : memref<157x2x64xi32, #tpu.memory_space<hbm>> -> memref<1x2x64xi32, #tpu.memory_space<hbm>>
    %dma_wait3A_55 = tpu.memref_squeeze %dma_wait3A_54 : memref<1x2x64xi32, #tpu.memory_space<hbm>> -> memref<2x64xi32, #tpu.memory_space<hbm>>
    tpu.wait_dma2 semaphore(%arg12 : memref<!tpu.dma_semaphore, #tpu.memory_space<semaphore_mem>>) src(%dma_wait3A_55 : memref<2x64xi32, #tpu.memory_space<hbm>>) dst(%arg5 : memref<2x64xi32, #tpu.memory_space<vmem>>)
    %dma_start3A_56 = arith.constant 0 : i32
    %dma_start3A_57 = arith.constant 0 : i32
    %dma_start3A_58 = tpu.memref_slice %arg5[%dma_start3A_56, %dma_start3A_57] : memref<2x64xi32, #tpu.memory_space<vmem>> -> memref<1x64xi32, #tpu.memory_space<vmem>>
    %dma_start3A_59 = tpu.memref_squeeze %dma_start3A_58 : memref<1x64xi32, #tpu.memory_space<vmem>> -> memref<64xi32, #tpu.memory_space<vmem>>
    %dma_start3A_60 = arith.constant 0 : i32
    %dma_start3A_61 = arith.constant 0 : i32
    %dma_start3A_62 = tpu.memref_slice %arg2[%arg0, %dma_start3A_60, %dma_start3A_61] : memref<2x10240x128xf32, #tpu.memory_space<hbm>> -> memref<1x10240x128xf32, #tpu.memory_space<hbm>>
    %dma_start3A_63 = tpu.memref_squeeze %dma_start3A_62 : memref<1x10240x128xf32, #tpu.memory_space<hbm>> -> memref<10240x128xf32, #tpu.memory_space<hbm>>
    %dma_start3A_64 = arith.constant 0 : i32
    %dma_start3A_65 = arith.constant 0 : i32
    %dma_start3A_66 = tpu.memref_slice %dma_start3A_63[%dma_start3A_64, %dma_start3A_65] : memref<10240x128xf32, #tpu.memory_space<hbm>> -> memref<10240x128xf32, #tpu.memory_space<hbm>>
    tpu.enqueue_indirect_dma source(%dma_start3A_66 : memref<10240x128xf32, #tpu.memory_space<hbm>>) target(%arg7 : memref<64x128xf32, #tpu.memory_space<vmem>>) offsets(%dma_start3A_59 : memref<64xi32, #tpu.memory_space<vmem>>) semaphore(%arg10 : memref<!tpu.dma_semaphore, #tpu.memory_space<semaphore_mem>>)
    %scan3A = arith.constant 0 : i32
    %scan3A_67 = arith.constant 0 : i32
    %scan3A_68 = arith.constant 78 : i32
    %scan3A_69 = arith.addi %scan3A_67, %scan3A_68 : i32
    %scan3A_70 = arith.constant 1 : i32
    %scan3A_71 = scf.for %scan3A_85 = %scan3A_67 to %scan3A_69 step %scan3A_70 iter_args(%scan3A_86 = %scan3A) -> (i32)  : i32 {
      %mul3A_87 = arith.constant 2 : i32
      %mul3A_88 = arith.muli %mul3A_87, %scan3A_85 : i32
      %dma_wait3A_89 = arith.constant 0 : i32
      %dma_wait3A_90 = arith.constant 0 : i32
      %dma_wait3A_91 = arith.constant 0 : i32
      %dma_wait3A_92 = arith.constant 0 : i32
      %dma_wait3A_93 = tpu.memref_slice %arg3[%arg1, %dma_wait3A_90, %dma_wait3A_91, %dma_wait3A_92] : memref<16x157x2x64xi32, #tpu.memory_space<hbm>> -> memref<1x157x2x64xi32, #tpu.memory_space<hbm>>
      %dma_wait3A_94 = tpu.memref_squeeze %dma_wait3A_93 : memref<1x157x2x64xi32, #tpu.memory_space<hbm>> -> memref<157x2x64xi32, #tpu.memory_space<hbm>>
      %dma_wait3A_95 = arith.constant 0 : i32
      %dma_wait3A_96 = arith.constant 0 : i32
      %dma_wait3A_97 = tpu.memref_slice %dma_wait3A_94[%dma_wait3A_89, %dma_wait3A_95, %dma_wait3A_96] : memref<157x2x64xi32, #tpu.memory_space<hbm>> -> memref<1x2x64xi32, #tpu.memory_space<hbm>>
      %dma_wait3A_98 = tpu.memref_squeeze %dma_wait3A_97 : memref<1x2x64xi32, #tpu.memory_space<hbm>> -> memref<2x64xi32, #tpu.memory_space<hbm>>
      %dma_wait3A_99 = arith.constant 0 : i32
      %dma_wait3A_100 = arith.constant 0 : i32
      %dma_wait3A_101 = arith.constant 0 : i32
      %dma_wait3A_102 = tpu.memref_slice %arg3[%arg1, %dma_wait3A_99, %dma_wait3A_100, %dma_wait3A_101] : memref<16x157x2x64xi32, #tpu.memory_space<hbm>> -> memref<1x157x2x64xi32, #tpu.memory_space<hbm>>
      %dma_wait3A_103 = tpu.memref_squeeze %dma_wait3A_102 : memref<1x157x2x64xi32, #tpu.memory_space<hbm>> -> memref<157x2x64xi32, #tpu.memory_space<hbm>>
      %dma_wait3A_104 = arith.constant 0 : i32
      %dma_wait3A_105 = arith.constant 0 : i32
      %dma_wait3A_106 = tpu.memref_slice %dma_wait3A_103[%dma_wait3A_89, %dma_wait3A_104, %dma_wait3A_105] : memref<157x2x64xi32, #tpu.memory_space<hbm>> -> memref<1x2x64xi32, #tpu.memory_space<hbm>>
      %dma_wait3A_107 = tpu.memref_squeeze %dma_wait3A_106 : memref<1x2x64xi32, #tpu.memory_space<hbm>> -> memref<2x64xi32, #tpu.memory_space<hbm>>
      tpu.wait_dma2 semaphore(%arg13 : memref<!tpu.dma_semaphore, #tpu.memory_space<semaphore_mem>>) src(%dma_wait3A_107 : memref<2x64xi32, #tpu.memory_space<hbm>>) dst(%arg6 : memref<2x64xi32, #tpu.memory_space<vmem>>)
      %dma_start3A_108 = arith.constant 0 : i32
      %dma_start3A_109 = arith.constant 0 : i32
      %dma_start3A_110 = tpu.memref_slice %arg6[%dma_start3A_108, %dma_start3A_109] : memref<2x64xi32, #tpu.memory_space<vmem>> -> memref<1x64xi32, #tpu.memory_space<vmem>>
      %dma_start3A_111 = tpu.memref_squeeze %dma_start3A_110 : memref<1x64xi32, #tpu.memory_space<vmem>> -> memref<64xi32, #tpu.memory_space<vmem>>
      %dma_start3A_112 = arith.constant 0 : i32
      %dma_start3A_113 = arith.constant 0 : i32
      %dma_start3A_114 = tpu.memref_slice %arg2[%arg0, %dma_start3A_112, %dma_start3A_113] : memref<2x10240x128xf32, #tpu.memory_space<hbm>> -> memref<1x10240x128xf32, #tpu.memory_space<hbm>>
      %dma_start3A_115 = tpu.memref_squeeze %dma_start3A_114 : memref<1x10240x128xf32, #tpu.memory_space<hbm>> -> memref<10240x128xf32, #tpu.memory_space<hbm>>
      %dma_start3A_116 = arith.constant 0 : i32
      %dma_start3A_117 = arith.constant 0 : i32
      %dma_start3A_118 = tpu.memref_slice %dma_start3A_115[%dma_start3A_116, %dma_start3A_117] : memref<10240x128xf32, #tpu.memory_space<hbm>> -> memref<10240x128xf32, #tpu.memory_space<hbm>>
      tpu.enqueue_indirect_dma source(%dma_start3A_118 : memref<10240x128xf32, #tpu.memory_space<hbm>>) target(%arg8 : memref<64x128xf32, #tpu.memory_space<vmem>>) offsets(%dma_start3A_111 : memref<64xi32, #tpu.memory_space<vmem>>) semaphore(%arg11 : memref<!tpu.dma_semaphore, #tpu.memory_space<semaphore_mem>>)
      %dma_wait3A_119 = arith.constant 0 : i32
      %dma_wait3A_120 = arith.constant 0 : i32
      %dma_wait3A_121 = tpu.memref_slice %arg5[%dma_wait3A_119, %dma_wait3A_120] : memref<2x64xi32, #tpu.memory_space<vmem>> -> memref<1x64xi32, #tpu.memory_space<vmem>>
      %dma_wait3A_122 = tpu.memref_squeeze %dma_wait3A_121 : memref<1x64xi32, #tpu.memory_space<vmem>> -> memref<64xi32, #tpu.memory_space<vmem>>
      %dma_wait3A_123 = arith.constant 0 : i32
      %dma_wait3A_124 = arith.constant 0 : i32
      %dma_wait3A_125 = tpu.memref_slice %arg2[%arg0, %dma_wait3A_123, %dma_wait3A_124] : memref<2x10240x128xf32, #tpu.memory_space<hbm>> -> memref<1x10240x128xf32, #tpu.memory_space<hbm>>
      %dma_wait3A_126 = tpu.memref_squeeze %dma_wait3A_125 : memref<1x10240x128xf32, #tpu.memory_space<hbm>> -> memref<10240x128xf32, #tpu.memory_space<hbm>>
      %dma_wait3A_127 = arith.constant 0 : i32
      %dma_wait3A_128 = arith.constant 0 : i32
      %dma_wait3A_129 = tpu.memref_slice %dma_wait3A_126[%dma_wait3A_127, %dma_wait3A_128] : memref<10240x128xf32, #tpu.memory_space<hbm>> -> memref<10240x128xf32, #tpu.memory_space<hbm>>
      tpu.wait_indirect_dma semaphore(%arg10 : memref<!tpu.dma_semaphore, #tpu.memory_space<semaphore_mem>>) src(%dma_wait3A_129 : memref<10240x128xf32, #tpu.memory_space<hbm>>) dst(%arg7 : memref<64x128xf32, #tpu.memory_space<vmem>>)
      %run_scoped3A_130 = arith.constant 1 : i32
      "tpu.region"() ({
        %run_scoped3A_161 = tpu.sem_alloc : memref<!tpu.dma_semaphore, #tpu.memory_space<semaphore_mem>>
        %dma_start3A_162 = arith.constant 0 : i32
        %dma_start3A_163 = tpu.memref_slice %arg5[%run_scoped3A_130, %dma_start3A_162] : memref<2x64xi32, #tpu.memory_space<vmem>> -> memref<1x64xi32, #tpu.memory_space<vmem>>
        %dma_start3A_164 = tpu.memref_squeeze %dma_start3A_163 : memref<1x64xi32, #tpu.memory_space<vmem>> -> memref<64xi32, #tpu.memory_space<vmem>>
        %dma_start3A_165 = arith.constant 0 : i32
        %dma_start3A_166 = arith.constant 0 : i32
        %dma_start3A_167 = tpu.memref_slice %arg9[%dma_start3A_165, %dma_start3A_166] : memref<10240x128xf32, #tpu.memory_space<vmem_shared>> -> memref<10240x128xf32, #tpu.memory_space<vmem_shared>>
        tpu.enqueue_indirect_dma source(%arg7 : memref<64x128xf32, #tpu.memory_space<vmem>>) target(%dma_start3A_167 : memref<10240x128xf32, #tpu.memory_space<vmem_shared>>) offsets(%dma_start3A_164 : memref<64xi32, #tpu.memory_space<vmem>>) semaphore(%run_scoped3A_161 : memref<!tpu.dma_semaphore, #tpu.memory_space<semaphore_mem>>) {add = true}
        %dma_wait3A_168 = arith.constant 0 : i32
        %dma_wait3A_169 = tpu.memref_slice %arg5[%run_scoped3A_130, %dma_wait3A_168] : memref<2x64xi32, #tpu.memory_space<vmem>> -> memref<1x64xi32, #tpu.memory_space<vmem>>
        %dma_wait3A_170 = tpu.memref_squeeze %dma_wait3A_169 : memref<1x64xi32, #tpu.memory_space<vmem>> -> memref<64xi32, #tpu.memory_space<vmem>>
        %dma_wait3A_171 = arith.constant 0 : i32
        %dma_wait3A_172 = arith.constant 0 : i32
        %dma_wait3A_173 = tpu.memref_slice %arg9[%dma_wait3A_171, %dma_wait3A_172] : memref<10240x128xf32, #tpu.memory_space<vmem_shared>> -> memref<10240x128xf32, #tpu.memory_space<vmem_shared>>
        tpu.wait_indirect_dma semaphore(%run_scoped3A_161 : memref<!tpu.dma_semaphore, #tpu.memory_space<semaphore_mem>>) src(%arg7 : memref<64x128xf32, #tpu.memory_space<vmem>>) dst(%dma_wait3A_173 : memref<10240x128xf32, #tpu.memory_space<vmem_shared>>)
        tpu.yield
      }) : () -> ()
      %add3A = arith.constant 2 : i32
      %add3A_131 = arith.addi %mul3A_88, %add3A : i32
      %lt3A = arith.constant 157 : i32
      %lt3A_132 = arith.cmpi slt, %add3A_131, %lt3A : i32
      %convert_element_type3A = arith.extui %lt3A_132 : i1 to i32
      %cond3A = arith.constant 0 : i32
      %cond3A_133 = arith.cmpi ne, %convert_element_type3A, %cond3A : i32
      scf.if %cond3A_133 {
        %add3A_161 = arith.constant 2 : i32
        %add3A_162 = arith.addi %mul3A_88, %add3A_161 : i32
        %dma_start3A_163 = arith.constant 0 : i32
        %dma_start3A_164 = arith.constant 0 : i32
        %dma_start3A_165 = arith.constant 0 : i32
        %dma_start3A_166 = tpu.memref_slice %arg3[%arg1, %dma_start3A_163, %dma_start3A_164, %dma_start3A_165] : memref<16x157x2x64xi32, #tpu.memory_space<hbm>> -> memref<1x157x2x64xi32, #tpu.memory_space<hbm>>
        %dma_start3A_167 = tpu.memref_squeeze %dma_start3A_166 : memref<1x157x2x64xi32, #tpu.memory_space<hbm>> -> memref<157x2x64xi32, #tpu.memory_space<hbm>>
        %dma_start3A_168 = arith.constant 0 : i32
        %dma_start3A_169 = arith.constant 0 : i32
        %dma_start3A_170 = tpu.memref_slice %dma_start3A_167[%add3A_162, %dma_start3A_168, %dma_start3A_169] : memref<157x2x64xi32, #tpu.memory_space<hbm>> -> memref<1x2x64xi32, #tpu.memory_space<hbm>>
        %dma_start3A_171 = tpu.memref_squeeze %dma_start3A_170 : memref<1x2x64xi32, #tpu.memory_space<hbm>> -> memref<2x64xi32, #tpu.memory_space<hbm>>
        %dma_start3A_172 = arith.constant 0 : i32
        %dma_start3A_173 = arith.constant 0 : i32
        %dma_start3A_174 = arith.constant 0 : i32
        %dma_start3A_175 = tpu.memref_slice %arg3[%arg1, %dma_start3A_172, %dma_start3A_173, %dma_start3A_174] : memref<16x157x2x64xi32, #tpu.memory_space<hbm>> -> memref<1x157x2x64xi32, #tpu.memory_space<hbm>>
        %dma_start3A_176 = tpu.memref_squeeze %dma_start3A_175 : memref<1x157x2x64xi32, #tpu.memory_space<hbm>> -> memref<157x2x64xi32, #tpu.memory_space<hbm>>
        %dma_start3A_177 = arith.constant 0 : i32
        %dma_start3A_178 = arith.constant 0 : i32
        %dma_start3A_179 = tpu.memref_slice %dma_start3A_176[%add3A_162, %dma_start3A_177, %dma_start3A_178] : memref<157x2x64xi32, #tpu.memory_space<hbm>> -> memref<1x2x64xi32, #tpu.memory_space<hbm>>
        %dma_start3A_180 = tpu.memref_squeeze %dma_start3A_179 : memref<1x2x64xi32, #tpu.memory_space<hbm>> -> memref<2x64xi32, #tpu.memory_space<hbm>>
        tpu.enqueue_dma source(%dma_start3A_180 : memref<2x64xi32, #tpu.memory_space<hbm>>) target(%arg5 : memref<2x64xi32, #tpu.memory_space<vmem>>) target_semaphore(%arg12 : memref<!tpu.dma_semaphore, #tpu.memory_space<semaphore_mem>>)
      } else {
      }
      %dma_wait3A_134 = arith.constant 0 : i32
      %dma_wait3A_135 = arith.constant 0 : i32
      %dma_wait3A_136 = tpu.memref_slice %arg6[%dma_wait3A_134, %dma_wait3A_135] : memref<2x64xi32, #tpu.memory_space<vmem>> -> memref<1x64xi32, #tpu.memory_space<vmem>>
      %dma_wait3A_137 = tpu.memref_squeeze %dma_wait3A_136 : memref<1x64xi32, #tpu.memory_space<vmem>> -> memref<64xi32, #tpu.memory_space<vmem>>
      %dma_wait3A_138 = arith.constant 0 : i32
      %dma_wait3A_139 = arith.constant 0 : i32
      %dma_wait3A_140 = tpu.memref_slice %arg2[%arg0, %dma_wait3A_138, %dma_wait3A_139] : memref<2x10240x128xf32, #tpu.memory_space<hbm>> -> memref<1x10240x128xf32, #tpu.memory_space<hbm>>
      %dma_wait3A_141 = tpu.memref_squeeze %dma_wait3A_140 : memref<1x10240x128xf32, #tpu.memory_space<hbm>> -> memref<10240x128xf32, #tpu.memory_space<hbm>>
      %dma_wait3A_142 = arith.constant 0 : i32
      %dma_wait3A_143 = arith.constant 0 : i32
      %dma_wait3A_144 = tpu.memref_slice %dma_wait3A_141[%dma_wait3A_142, %dma_wait3A_143] : memref<10240x128xf32, #tpu.memory_space<hbm>> -> memref<10240x128xf32, #tpu.memory_space<hbm>>
      tpu.wait_indirect_dma semaphore(%arg11 : memref<!tpu.dma_semaphore, #tpu.memory_space<semaphore_mem>>) src(%dma_wait3A_144 : memref<10240x128xf32, #tpu.memory_space<hbm>>) dst(%arg8 : memref<64x128xf32, #tpu.memory_space<vmem>>)
      %run_scoped3A_145 = arith.constant 1 : i32
      "tpu.region"() ({
        %run_scoped3A_161 = tpu.sem_alloc : memref<!tpu.dma_semaphore, #tpu.memory_space<semaphore_mem>>
        %dma_start3A_162 = arith.constant 0 : i32
        %dma_start3A_163 = tpu.memref_slice %arg6[%run_scoped3A_145, %dma_start3A_162] : memref<2x64xi32, #tpu.memory_space<vmem>> -> memref<1x64xi32, #tpu.memory_space<vmem>>
        %dma_start3A_164 = tpu.memref_squeeze %dma_start3A_163 : memref<1x64xi32, #tpu.memory_space<vmem>> -> memref<64xi32, #tpu.memory_space<vmem>>
        %dma_start3A_165 = arith.constant 0 : i32
        %dma_start3A_166 = arith.constant 0 : i32
        %dma_start3A_167 = tpu.memref_slice %arg9[%dma_start3A_165, %dma_start3A_166] : memref<10240x128xf32, #tpu.memory_space<vmem_shared>> -> memref<10240x128xf32, #tpu.memory_space<vmem_shared>>
        tpu.enqueue_indirect_dma source(%arg8 : memref<64x128xf32, #tpu.memory_space<vmem>>) target(%dma_start3A_167 : memref<10240x128xf32, #tpu.memory_space<vmem_shared>>) offsets(%dma_start3A_164 : memref<64xi32, #tpu.memory_space<vmem>>) semaphore(%run_scoped3A_161 : memref<!tpu.dma_semaphore, #tpu.memory_space<semaphore_mem>>) {add = true}
        %dma_wait3A_168 = arith.constant 0 : i32
        %dma_wait3A_169 = tpu.memref_slice %arg6[%run_scoped3A_145, %dma_wait3A_168] : memref<2x64xi32, #tpu.memory_space<vmem>> -> memref<1x64xi32, #tpu.memory_space<vmem>>
        %dma_wait3A_170 = tpu.memref_squeeze %dma_wait3A_169 : memref<1x64xi32, #tpu.memory_space<vmem>> -> memref<64xi32, #tpu.memory_space<vmem>>
        %dma_wait3A_171 = arith.constant 0 : i32
        %dma_wait3A_172 = arith.constant 0 : i32
        %dma_wait3A_173 = tpu.memref_slice %arg9[%dma_wait3A_171, %dma_wait3A_172] : memref<10240x128xf32, #tpu.memory_space<vmem_shared>> -> memref<10240x128xf32, #tpu.memory_space<vmem_shared>>
        tpu.wait_indirect_dma semaphore(%run_scoped3A_161 : memref<!tpu.dma_semaphore, #tpu.memory_space<semaphore_mem>>) src(%arg8 : memref<64x128xf32, #tpu.memory_space<vmem>>) dst(%dma_wait3A_173 : memref<10240x128xf32, #tpu.memory_space<vmem_shared>>)
        tpu.yield
      }) : () -> ()
      %add3A_146 = arith.constant 2 : i32
      %add3A_147 = arith.addi %mul3A_88, %add3A_146 : i32
      %lt3A_148 = arith.constant 157 : i32
      %lt3A_149 = arith.cmpi slt, %add3A_147, %lt3A_148 : i32
      %convert_element_type3A_150 = arith.extui %lt3A_149 : i1 to i32
      %cond3A_151 = arith.constant 0 : i32
      %cond3A_152 = arith.cmpi ne, %convert_element_type3A_150, %cond3A_151 : i32
      scf.if %cond3A_152 {
        %dma_wait3A_161 = arith.constant 0 : i32
        %dma_wait3A_162 = arith.constant 0 : i32
        %dma_wait3A_163 = arith.constant 0 : i32
        %dma_wait3A_164 = arith.constant 0 : i32
        %dma_wait3A_165 = tpu.memref_slice %arg3[%arg1, %dma_wait3A_162, %dma_wait3A_163, %dma_wait3A_164] : memref<16x157x2x64xi32, #tpu.memory_space<hbm>> -> memref<1x157x2x64xi32, #tpu.memory_space<hbm>>
        %dma_wait3A_166 = tpu.memref_squeeze %dma_wait3A_165 : memref<1x157x2x64xi32, #tpu.memory_space<hbm>> -> memref<157x2x64xi32, #tpu.memory_space<hbm>>
        %dma_wait3A_167 = arith.constant 0 : i32
        %dma_wait3A_168 = arith.constant 0 : i32
        %dma_wait3A_169 = tpu.memref_slice %dma_wait3A_166[%dma_wait3A_161, %dma_wait3A_167, %dma_wait3A_168] : memref<157x2x64xi32, #tpu.memory_space<hbm>> -> memref<1x2x64xi32, #tpu.memory_space<hbm>>
        %dma_wait3A_170 = tpu.memref_squeeze %dma_wait3A_169 : memref<1x2x64xi32, #tpu.memory_space<hbm>> -> memref<2x64xi32, #tpu.memory_space<hbm>>
        %dma_wait3A_171 = arith.constant 0 : i32
        %dma_wait3A_172 = arith.constant 0 : i32
        %dma_wait3A_173 = arith.constant 0 : i32
        %dma_wait3A_174 = tpu.memref_slice %arg3[%arg1, %dma_wait3A_171, %dma_wait3A_172, %dma_wait3A_173] : memref<16x157x2x64xi32, #tpu.memory_space<hbm>> -> memref<1x157x2x64xi32, #tpu.memory_space<hbm>>
        %dma_wait3A_175 = tpu.memref_squeeze %dma_wait3A_174 : memref<1x157x2x64xi32, #tpu.memory_space<hbm>> -> memref<157x2x64xi32, #tpu.memory_space<hbm>>
        %dma_wait3A_176 = arith.constant 0 : i32
        %dma_wait3A_177 = arith.constant 0 : i32
        %dma_wait3A_178 = tpu.memref_slice %dma_wait3A_175[%dma_wait3A_161, %dma_wait3A_176, %dma_wait3A_177] : memref<157x2x64xi32, #tpu.memory_space<hbm>> -> memref<1x2x64xi32, #tpu.memory_space<hbm>>
        %dma_wait3A_179 = tpu.memref_squeeze %dma_wait3A_178 : memref<1x2x64xi32, #tpu.memory_space<hbm>> -> memref<2x64xi32, #tpu.memory_space<hbm>>
        tpu.wait_dma2 semaphore(%arg12 : memref<!tpu.dma_semaphore, #tpu.memory_space<semaphore_mem>>) src(%dma_wait3A_179 : memref<2x64xi32, #tpu.memory_space<hbm>>) dst(%arg5 : memref<2x64xi32, #tpu.memory_space<vmem>>)
        %dma_start3A_180 = arith.constant 0 : i32
        %dma_start3A_181 = arith.constant 0 : i32
        %dma_start3A_182 = tpu.memref_slice %arg5[%dma_start3A_180, %dma_start3A_181] : memref<2x64xi32, #tpu.memory_space<vmem>> -> memref<1x64xi32, #tpu.memory_space<vmem>>
        %dma_start3A_183 = tpu.memref_squeeze %dma_start3A_182 : memref<1x64xi32, #tpu.memory_space<vmem>> -> memref<64xi32, #tpu.memory_space<vmem>>
        %dma_start3A_184 = arith.constant 0 : i32
        %dma_start3A_185 = arith.constant 0 : i32
        %dma_start3A_186 = tpu.memref_slice %arg2[%arg0, %dma_start3A_184, %dma_start3A_185] : memref<2x10240x128xf32, #tpu.memory_space<hbm>> -> memref<1x10240x128xf32, #tpu.memory_space<hbm>>
        %dma_start3A_187 = tpu.memref_squeeze %dma_start3A_186 : memref<1x10240x128xf32, #tpu.memory_space<hbm>> -> memref<10240x128xf32, #tpu.memory_space<hbm>>
        %dma_start3A_188 = arith.constant 0 : i32
        %dma_start3A_189 = arith.constant 0 : i32
        %dma_start3A_190 = tpu.memref_slice %dma_start3A_187[%dma_start3A_188, %dma_start3A_189] : memref<10240x128xf32, #tpu.memory_space<hbm>> -> memref<10240x128xf32, #tpu.memory_space<hbm>>
        tpu.enqueue_indirect_dma source(%dma_start3A_190 : memref<10240x128xf32, #tpu.memory_space<hbm>>) target(%arg7 : memref<64x128xf32, #tpu.memory_space<vmem>>) offsets(%dma_start3A_183 : memref<64xi32, #tpu.memory_space<vmem>>) semaphore(%arg10 : memref<!tpu.dma_semaphore, #tpu.memory_space<semaphore_mem>>)
      } else {
      }
      %add3A_153 = arith.constant 3 : i32
      %add3A_154 = arith.addi %mul3A_88, %add3A_153 : i32
      %lt3A_155 = arith.constant 157 : i32
      %lt3A_156 = arith.cmpi slt, %add3A_154, %lt3A_155 : i32
      %convert_element_type3A_157 = arith.extui %lt3A_156 : i1 to i32
      %cond3A_158 = arith.constant 0 : i32
      %cond3A_159 = arith.cmpi ne, %convert_element_type3A_157, %cond3A_158 : i32
      scf.if %cond3A_159 {
        %add3A_161 = arith.constant 3 : i32
        %add3A_162 = arith.addi %mul3A_88, %add3A_161 : i32
        %dma_start3A_163 = arith.constant 0 : i32
        %dma_start3A_164 = arith.constant 0 : i32
        %dma_start3A_165 = arith.constant 0 : i32
        %dma_start3A_166 = tpu.memref_slice %arg3[%arg1, %dma_start3A_163, %dma_start3A_164, %dma_start3A_165] : memref<16x157x2x64xi32, #tpu.memory_space<hbm>> -> memref<1x157x2x64xi32, #tpu.memory_space<hbm>>
        %dma_start3A_167 = tpu.memref_squeeze %dma_start3A_166 : memref<1x157x2x64xi32, #tpu.memory_space<hbm>> -> memref<157x2x64xi32, #tpu.memory_space<hbm>>
        %dma_start3A_168 = arith.constant 0 : i32
        %dma_start3A_169 = arith.constant 0 : i32
        %dma_start3A_170 = tpu.memref_slice %dma_start3A_167[%add3A_162, %dma_start3A_168, %dma_start3A_169] : memref<157x2x64xi32, #tpu.memory_space<hbm>> -> memref<1x2x64xi32, #tpu.memory_space<hbm>>
        %dma_start3A_171 = tpu.memref_squeeze %dma_start3A_170 : memref<1x2x64xi32, #tpu.memory_space<hbm>> -> memref<2x64xi32, #tpu.memory_space<hbm>>
        %dma_start3A_172 = arith.constant 0 : i32
        %dma_start3A_173 = arith.constant 0 : i32
        %dma_start3A_174 = arith.constant 0 : i32
        %dma_start3A_175 = tpu.memref_slice %arg3[%arg1, %dma_start3A_172, %dma_start3A_173, %dma_start3A_174] : memref<16x157x2x64xi32, #tpu.memory_space<hbm>> -> memref<1x157x2x64xi32, #tpu.memory_space<hbm>>
        %dma_start3A_176 = tpu.memref_squeeze %dma_start3A_175 : memref<1x157x2x64xi32, #tpu.memory_space<hbm>> -> memref<157x2x64xi32, #tpu.memory_space<hbm>>
        %dma_start3A_177 = arith.constant 0 : i32
        %dma_start3A_178 = arith.constant 0 : i32
        %dma_start3A_179 = tpu.memref_slice %dma_start3A_176[%add3A_162, %dma_start3A_177, %dma_start3A_178] : memref<157x2x64xi32, #tpu.memory_space<hbm>> -> memref<1x2x64xi32, #tpu.memory_space<hbm>>
        %dma_start3A_180 = tpu.memref_squeeze %dma_start3A_179 : memref<1x2x64xi32, #tpu.memory_space<hbm>> -> memref<2x64xi32, #tpu.memory_space<hbm>>
        tpu.enqueue_dma source(%dma_start3A_180 : memref<2x64xi32, #tpu.memory_space<hbm>>) target(%arg6 : memref<2x64xi32, #tpu.memory_space<vmem>>) target_semaphore(%arg13 : memref<!tpu.dma_semaphore, #tpu.memory_space<semaphore_mem>>)
      } else {
      }
      %scan3A_160 = arith.constant 0 : i32
      scf.yield %scan3A_160 : i32
    }
    %scan3A_72 = arith.constant 78 : i32
    %dma_wait3A_73 = arith.constant 0 : i32
    %dma_wait3A_74 = arith.constant 0 : i32
    %dma_wait3A_75 = tpu.memref_slice %arg5[%dma_wait3A_73, %dma_wait3A_74] : memref<2x64xi32, #tpu.memory_space<vmem>> -> memref<1x64xi32, #tpu.memory_space<vmem>>
    %dma_wait3A_76 = tpu.memref_squeeze %dma_wait3A_75 : memref<1x64xi32, #tpu.memory_space<vmem>> -> memref<64xi32, #tpu.memory_space<vmem>>
    %dma_wait3A_77 = arith.constant 0 : i32
    %dma_wait3A_78 = arith.constant 0 : i32
    %dma_wait3A_79 = tpu.memref_slice %arg2[%arg0, %dma_wait3A_77, %dma_wait3A_78] : memref<2x10240x128xf32, #tpu.memory_space<hbm>> -> memref<1x10240x128xf32, #tpu.memory_space<hbm>>
    %dma_wait3A_80 = tpu.memref_squeeze %dma_wait3A_79 : memref<1x10240x128xf32, #tpu.memory_space<hbm>> -> memref<10240x128xf32, #tpu.memory_space<hbm>>
    %dma_wait3A_81 = arith.constant 0 : i32
    %dma_wait3A_82 = arith.constant 0 : i32
    %dma_wait3A_83 = tpu.memref_slice %dma_wait3A_80[%dma_wait3A_81, %dma_wait3A_82] : memref<10240x128xf32, #tpu.memory_space<hbm>> -> memref<10240x128xf32, #tpu.memory_space<hbm>>
    tpu.wait_indirect_dma semaphore(%arg10 : memref<!tpu.dma_semaphore, #tpu.memory_space<semaphore_mem>>) src(%dma_wait3A_83 : memref<10240x128xf32, #tpu.memory_space<hbm>>) dst(%arg7 : memref<64x128xf32, #tpu.memory_space<vmem>>)
    %run_scoped3A = arith.constant 1 : i32
    "tpu.region"() ({
      %run_scoped3A_85 = tpu.sem_alloc : memref<!tpu.dma_semaphore, #tpu.memory_space<semaphore_mem>>
      %dma_start3A_86 = arith.constant 0 : i32
      %dma_start3A_87 = tpu.memref_slice %arg5[%run_scoped3A, %dma_start3A_86] : memref<2x64xi32, #tpu.memory_space<vmem>> -> memref<1x64xi32, #tpu.memory_space<vmem>>
      %dma_start3A_88 = tpu.memref_squeeze %dma_start3A_87 : memref<1x64xi32, #tpu.memory_space<vmem>> -> memref<64xi32, #tpu.memory_space<vmem>>
      %dma_start3A_89 = arith.constant 0 : i32
      %dma_start3A_90 = arith.constant 0 : i32
      %dma_start3A_91 = tpu.memref_slice %arg9[%dma_start3A_89, %dma_start3A_90] : memref<10240x128xf32, #tpu.memory_space<vmem_shared>> -> memref<10240x128xf32, #tpu.memory_space<vmem_shared>>
      tpu.enqueue_indirect_dma source(%arg7 : memref<64x128xf32, #tpu.memory_space<vmem>>) target(%dma_start3A_91 : memref<10240x128xf32, #tpu.memory_space<vmem_shared>>) offsets(%dma_start3A_88 : memref<64xi32, #tpu.memory_space<vmem>>) semaphore(%run_scoped3A_85 : memref<!tpu.dma_semaphore, #tpu.memory_space<semaphore_mem>>) {add = true}
      %dma_wait3A_92 = arith.constant 0 : i32
      %dma_wait3A_93 = tpu.memref_slice %arg5[%run_scoped3A, %dma_wait3A_92] : memref<2x64xi32, #tpu.memory_space<vmem>> -> memref<1x64xi32, #tpu.memory_space<vmem>>
      %dma_wait3A_94 = tpu.memref_squeeze %dma_wait3A_93 : memref<1x64xi32, #tpu.memory_space<vmem>> -> memref<64xi32, #tpu.memory_space<vmem>>
      %dma_wait3A_95 = arith.constant 0 : i32
      %dma_wait3A_96 = arith.constant 0 : i32
      %dma_wait3A_97 = tpu.memref_slice %arg9[%dma_wait3A_95, %dma_wait3A_96] : memref<10240x128xf32, #tpu.memory_space<vmem_shared>> -> memref<10240x128xf32, #tpu.memory_space<vmem_shared>>
      tpu.wait_indirect_dma semaphore(%run_scoped3A_85 : memref<!tpu.dma_semaphore, #tpu.memory_space<semaphore_mem>>) src(%arg7 : memref<64x128xf32, #tpu.memory_space<vmem>>) dst(%dma_wait3A_97 : memref<10240x128xf32, #tpu.memory_space<vmem_shared>>)
      tpu.yield
    }) : () -> ()
    %barrier3A_84 = arith.constant 0 : index
    tpu.barrier barrier_id(%barrier3A_84)
    "tpu.region"() ({
      %run_scoped3A_85 = tpu.sem_alloc : memref<!tpu.dma_semaphore, #tpu.memory_space<semaphore_mem>>
      %dma_start3A_86 = arith.constant 0 : i32
      %dma_start3A_87 = arith.constant 0 : i32
      %dma_start3A_88 = tpu.memref_slice %arg4[%arg0, %dma_start3A_86, %dma_start3A_87] : memref<2x10240x128xf32, #tpu.memory_space<hbm>> -> memref<1x10240x128xf32, #tpu.memory_space<hbm>>
      %dma_start3A_89 = tpu.memref_squeeze %dma_start3A_88 : memref<1x10240x128xf32, #tpu.memory_space<hbm>> -> memref<10240x128xf32, #tpu.memory_space<hbm>>
      %dma_start3A_90 = arith.constant 0 : i32
      %dma_start3A_91 = tpu.memref_slice %dma_start3A_89[%mul3A_0, %dma_start3A_90] : memref<10240x128xf32, #tpu.memory_space<hbm>> -> memref<640x128xf32, #tpu.memory_space<hbm>>
      %dma_start3A_92 = arith.constant 0 : i32
      %dma_start3A_93 = tpu.memref_slice %arg9[%mul3A_0, %dma_start3A_92] : memref<10240x128xf32, #tpu.memory_space<vmem_shared>> -> memref<640x128xf32, #tpu.memory_space<vmem_shared>>
      tpu.enqueue_dma source(%dma_start3A_93 : memref<640x128xf32, #tpu.memory_space<vmem_shared>>) target(%dma_start3A_91 : memref<640x128xf32, #tpu.memory_space<hbm>>) target_semaphore(%run_scoped3A_85 : memref<!tpu.dma_semaphore, #tpu.memory_space<semaphore_mem>>)
      %dma_wait3A_94 = arith.constant 0 : i32
      %dma_wait3A_95 = arith.constant 0 : i32
      %dma_wait3A_96 = tpu.memref_slice %arg4[%arg0, %dma_wait3A_94, %dma_wait3A_95] : memref<2x10240x128xf32, #tpu.memory_space<hbm>> -> memref<1x10240x128xf32, #tpu.memory_space<hbm>>
      %dma_wait3A_97 = tpu.memref_squeeze %dma_wait3A_96 : memref<1x10240x128xf32, #tpu.memory_space<hbm>> -> memref<10240x128xf32, #tpu.memory_space<hbm>>
      %dma_wait3A_98 = arith.constant 0 : i32
      %dma_wait3A_99 = tpu.memref_slice %dma_wait3A_97[%mul3A_0, %dma_wait3A_98] : memref<10240x128xf32, #tpu.memory_space<hbm>> -> memref<640x128xf32, #tpu.memory_space<hbm>>
      %dma_wait3A_100 = arith.constant 0 : i32
      %dma_wait3A_101 = tpu.memref_slice %arg9[%mul3A_0, %dma_wait3A_100] : memref<10240x128xf32, #tpu.memory_space<vmem_shared>> -> memref<640x128xf32, #tpu.memory_space<vmem_shared>>
      tpu.wait_dma2 semaphore(%run_scoped3A_85 : memref<!tpu.dma_semaphore, #tpu.memory_space<semaphore_mem>>) src(%dma_wait3A_101 : memref<640x128xf32, #tpu.memory_space<vmem_shared>>) dst(%dma_wait3A_99 : memref<640x128xf32, #tpu.memory_space<hbm>>)
      tpu.yield
    }) : () -> ()
    return
  }
}

#map = affine_map<(d0, d1) -> (0, 0, 0)>
#map1 = affine_map<(d0, d1) -> (0, 0, 0, 0)>
module attributes {stable_mosaic.version = 14 : i64} {
  func.func @sc_spmm(%arg0: i32, %arg1: i32, %arg2: memref<2x10240x128xf32, #tpu.memory_space<hbm>>, %arg3: memref<16x157x2x64xi32, #tpu.memory_space<hbm>>, %arg4: memref<2x10240x128xf32, #tpu.memory_space<hbm>>, %arg5: memref<2x64xi32, #tpu.memory_space<vmem>>, %arg6: memref<2x64xi32, #tpu.memory_space<vmem>>, %arg7: memref<64x128xf32, #tpu.memory_space<vmem>>, %arg8: memref<64x128xf32, #tpu.memory_space<vmem>>, %arg9: memref<10240x128xf32, #tpu.memory_space<vmem_shared>>, %arg10: memref<!tpu.dma_semaphore, #tpu.memory_space<semaphore_mem>>, %arg11: memref<!tpu.dma_semaphore, #tpu.memory_space<semaphore_mem>>, %arg12: memref<!tpu.dma_semaphore, #tpu.memory_space<semaphore_mem>>, %arg13: memref<!tpu.dma_semaphore, #tpu.memory_space<semaphore_mem>>) attributes {dimension_semantics = [#tpu.dimension_semantics<core_parallel>, #tpu.dimension_semantics<subcore_parallel>], iteration_bounds = array<i64: 2, 16>, scalar_prefetch = 0 : i64, scratch_operands = 9 : i64, tpu.core_type = #tpu.core_type<sc_vector_subcore>, window_params = [{transform_indices = #map}, {transform_indices = #map1}, {transform_indices = #map}]} {
    %mul3A = arith.constant 640 : i32
    %mul3A_0 = arith.muli %arg1, %mul3A : i32
    "tpu.region"() ({
      %run_scoped3A_85 = tpu.sem_alloc : memref<!tpu.dma_semaphore, #tpu.memory_space<semaphore_mem>>
      %dma_start3A_86 = arith.constant 0 : i32
      %dma_start3A_87 = tpu.memref_slice %arg9[%mul3A_0, %dma_start3A_86] : memref<10240x128xf32, #tpu.memory_space<vmem_shared>> -> memref<640x128xf32, #tpu.memory_space<vmem_shared>>
      %dma_start3A_88 = arith.constant 0 : i32
      %dma_start3A_89 = arith.constant 0 : i32
      %dma_start3A_90 = tpu.memref_slice %arg2[%arg0, %dma_start3A_88, %dma_start3A_89] : memref<2x10240x128xf32, #tpu.memory_space<hbm>> -> memref<1x10240x128xf32, #tpu.memory_space<hbm>>
      %dma_start3A_91 = tpu.memref_squeeze %dma_start3A_90 : memref<1x10240x128xf32, #tpu.memory_space<hbm>> -> memref<10240x128xf32, #tpu.memory_space<hbm>>
      %dma_start3A_92 = arith.constant 0 : i32
      %dma_start3A_93 = tpu.memref_slice %dma_start3A_91[%mul3A_0, %dma_start3A_92] : memref<10240x128xf32, #tpu.memory_space<hbm>> -> memref<640x128xf32, #tpu.memory_space<hbm>>
      tpu.enqueue_dma source(%dma_start3A_93 : memref<640x128xf32, #tpu.memory_space<hbm>>) target(%dma_start3A_87 : memref<640x128xf32, #tpu.memory_space<vmem_shared>>) target_semaphore(%run_scoped3A_85 : memref<!tpu.dma_semaphore, #tpu.memory_space<semaphore_mem>>)
      %dma_wait3A_94 = arith.constant 0 : i32
      %dma_wait3A_95 = tpu.memref_slice %arg9[%mul3A_0, %dma_wait3A_94] : memref<10240x128xf32, #tpu.memory_space<vmem_shared>> -> memref<640x128xf32, #tpu.memory_space<vmem_shared>>
      %dma_wait3A_96 = arith.constant 0 : i32
      %dma_wait3A_97 = arith.constant 0 : i32
      %dma_wait3A_98 = tpu.memref_slice %arg2[%arg0, %dma_wait3A_96, %dma_wait3A_97] : memref<2x10240x128xf32, #tpu.memory_space<hbm>> -> memref<1x10240x128xf32, #tpu.memory_space<hbm>>
      %dma_wait3A_99 = tpu.memref_squeeze %dma_wait3A_98 : memref<1x10240x128xf32, #tpu.memory_space<hbm>> -> memref<10240x128xf32, #tpu.memory_space<hbm>>
      %dma_wait3A_100 = arith.constant 0 : i32
      %dma_wait3A_101 = tpu.memref_slice %dma_wait3A_99[%mul3A_0, %dma_wait3A_100] : memref<10240x128xf32, #tpu.memory_space<hbm>> -> memref<640x128xf32, #tpu.memory_space<hbm>>
      tpu.wait_dma2 semaphore(%run_scoped3A_85 : memref<!tpu.dma_semaphore, #tpu.memory_space<semaphore_mem>>) src(%dma_wait3A_101 : memref<640x128xf32, #tpu.memory_space<hbm>>) dst(%dma_wait3A_95 : memref<640x128xf32, #tpu.memory_space<vmem_shared>>)
      tpu.yield
    }) : () -> ()
    %barrier3A = arith.constant 0 : index
    tpu.barrier barrier_id(%barrier3A)
    %dma_start3A = arith.constant 0 : i32
    %dma_start3A_1 = arith.constant 0 : i32
    %dma_start3A_2 = arith.constant 0 : i32
    %dma_start3A_3 = arith.constant 0 : i32
    %dma_start3A_4 = tpu.memref_slice %arg3[%arg1, %dma_start3A_1, %dma_start3A_2, %dma_start3A_3] : memref<16x157x2x64xi32, #tpu.memory_space<hbm>> -> memref<1x157x2x64xi32, #tpu.memory_space<hbm>>
    %dma_start3A_5 = tpu.memref_squeeze %dma_start3A_4 : memref<1x157x2x64xi32, #tpu.memory_space<hbm>> -> memref<157x2x64xi32, #tpu.memory_space<hbm>>
    %dma_start3A_6 = arith.constant 0 : i32
    %dma_start3A_7 = arith.constant 0 : i32
    %dma_start3A_8 = tpu.memref_slice %dma_start3A_5[%dma_start3A, %dma_start3A_6, %dma_start3A_7] : memref<157x2x64xi32, #tpu.memory_space<hbm>> -> memref<1x2x64xi32, #tpu.memory_space<hbm>>
    %dma_start3A_9 = tpu.memref_squeeze %dma_start3A_8 : memref<1x2x64xi32, #tpu.memory_space<hbm>> -> memref<2x64xi32, #tpu.memory_space<hbm>>
    %dma_start3A_10 = arith.constant 0 : i32
    %dma_start3A_11 = arith.constant 0 : i32
    %dma_start3A_12 = arith.constant 0 : i32
    %dma_start3A_13 = tpu.memref_slice %arg3[%arg1, %dma_start3A_10, %dma_start3A_11, %dma_start3A_12] : memref<16x157x2x64xi32, #tpu.memory_space<hbm>> -> memref<1x157x2x64xi32, #tpu.memory_space<hbm>>
    %dma_start3A_14 = tpu.memref_squeeze %dma_start3A_13 : memref<1x157x2x64xi32, #tpu.memory_space<hbm>> -> memref<157x2x64xi32, #tpu.memory_space<hbm>>
    %dma_start3A_15 = arith.constant 0 : i32
    %dma_start3A_16 = arith.constant 0 : i32
    %dma_start3A_17 = tpu.memref_slice %dma_start3A_14[%dma_start3A, %dma_start3A_15, %dma_start3A_16] : memref<157x2x64xi32, #tpu.memory_space<hbm>> -> memref<1x2x64xi32, #tpu.memory_space<hbm>>
    %dma_start3A_18 = tpu.memref_squeeze %dma_start3A_17 : memref<1x2x64xi32, #tpu.memory_space<hbm>> -> memref<2x64xi32, #tpu.memory_space<hbm>>
    tpu.enqueue_dma source(%dma_start3A_18 : memref<2x64xi32, #tpu.memory_space<hbm>>) target(%arg5 : memref<2x64xi32, #tpu.memory_space<vmem>>) target_semaphore(%arg12 : memref<!tpu.dma_semaphore, #tpu.memory_space<semaphore_mem>>)
    %dma_start3A_19 = arith.constant 1 : i32
    %dma_start3A_20 = arith.constant 0 : i32
    %dma_start3A_21 = arith.constant 0 : i32
    %dma_start3A_22 = arith.constant 0 : i32
    %dma_start3A_23 = tpu.memref_slice %arg3[%arg1, %dma_start3A_20, %dma_start3A_21, %dma_start3A_22] : memref<16x157x2x64xi32, #tpu.memory_space<hbm>> -> memref<1x157x2x64xi32, #tpu.memory_space<hbm>>
    %dma_start3A_24 = tpu.memref_squeeze %dma_start3A_23 : memref<1x157x2x64xi32, #tpu.memory_space<hbm>> -> memref<157x2x64xi32, #tpu.memory_space<hbm>>
    %dma_start3A_25 = arith.constant 0 : i32
    %dma_start3A_26 = arith.constant 0 : i32
    %dma_start3A_27 = tpu.memref_slice %dma_start3A_24[%dma_start3A_19, %dma_start3A_25, %dma_start3A_26] : memref<157x2x64xi32, #tpu.memory_space<hbm>> -> memref<1x2x64xi32, #tpu.memory_space<hbm>>
    %dma_start3A_28 = tpu.memref_squeeze %dma_start3A_27 : memref<1x2x64xi32, #tpu.memory_space<hbm>> -> memref<2x64xi32, #tpu.memory_space<hbm>>
    %dma_start3A_29 = arith.constant 0 : i32
    %dma_start3A_30 = arith.constant 0 : i32
    %dma_start3A_31 = arith.constant 0 : i32
    %dma_start3A_32 = tpu.memref_slice %arg3[%arg1, %dma_start3A_29, %dma_start3A_30, %dma_start3A_31] : memref<16x157x2x64xi32, #tpu.memory_space<hbm>> -> memref<1x157x2x64xi32, #tpu.memory_space<hbm>>
    %dma_start3A_33 = tpu.memref_squeeze %dma_start3A_32 : memref<1x157x2x64xi32, #tpu.memory_space<hbm>> -> memref<157x2x64xi32, #tpu.memory_space<hbm>>
    %dma_start3A_34 = arith.constant 0 : i32
    %dma_start3A_35 = arith.constant 0 : i32
    %dma_start3A_36 = tpu.memref_slice %dma_start3A_33[%dma_start3A_19, %dma_start3A_34, %dma_start3A_35] : memref<157x2x64xi32, #tpu.memory_space<hbm>> -> memref<1x2x64xi32, #tpu.memory_space<hbm>>
    %dma_start3A_37 = tpu.memref_squeeze %dma_start3A_36 : memref<1x2x64xi32, #tpu.memory_space<hbm>> -> memref<2x64xi32, #tpu.memory_space<hbm>>
    tpu.enqueue_dma source(%dma_start3A_37 : memref<2x64xi32, #tpu.memory_space<hbm>>) target(%arg6 : memref<2x64xi32, #tpu.memory_space<vmem>>) target_semaphore(%arg13 : memref<!tpu.dma_semaphore, #tpu.memory_space<semaphore_mem>>)
    %dma_wait3A = arith.constant 0 : i32
    %dma_wait3A_38 = arith.constant 0 : i32
    %dma_wait3A_39 = arith.constant 0 : i32
    %dma_wait3A_40 = arith.constant 0 : i32
    %dma_wait3A_41 = tpu.memref_slice %arg3[%arg1, %dma_wait3A_38, %dma_wait3A_39, %dma_wait3A_40] : memref<16x157x2x64xi32, #tpu.memory_space<hbm>> -> memref<1x157x2x64xi32, #tpu.memory_space<hbm>>
    %dma_wait3A_42 = tpu.memref_squeeze %dma_wait3A_41 : memref<1x157x2x64xi32, #tpu.memory_space<hbm>> -> memref<157x2x64xi32, #tpu.memory_space<hbm>>
    %dma_wait3A_43 = arith.constant 0 : i32
    %dma_wait3A_44 = arith.constant 0 : i32
    %dma_wait3A_45 = tpu.memref_slice %dma_wait3A_42[%dma_wait3A, %dma_wait3A_43, %dma_wait3A_44] : memref<157x2x64xi32, #tpu.memory_space<hbm>> -> memref<1x2x64xi32, #tpu.memory_space<hbm>>
    %dma_wait3A_46 = tpu.memref_squeeze %dma_wait3A_45 : memref<1x2x64xi32, #tpu.memory_space<hbm>> -> memref<2x64xi32, #tpu.memory_space<hbm>>
    %dma_wait3A_47 = arith.constant 0 : i32
    %dma_wait3A_48 = arith.constant 0 : i32
    %dma_wait3A_49 = arith.constant 0 : i32
    %dma_wait3A_50 = tpu.memref_slice %arg3[%arg1, %dma_wait3A_47, %dma_wait3A_48, %dma_wait3A_49] : memref<16x157x2x64xi32, #tpu.memory_space<hbm>> -> memref<1x157x2x64xi32, #tpu.memory_space<hbm>>
    %dma_wait3A_51 = tpu.memref_squeeze %dma_wait3A_50 : memref<1x157x2x64xi32, #tpu.memory_space<hbm>> -> memref<157x2x64xi32, #tpu.memory_space<hbm>>
    %dma_wait3A_52 = arith.constant 0 : i32
    %dma_wait3A_53 = arith.constant 0 : i32
    %dma_wait3A_54 = tpu.memref_slice %dma_wait3A_51[%dma_wait3A, %dma_wait3A_52, %dma_wait3A_53] : memref<157x2x64xi32, #tpu.memory_space<hbm>> -> memref<1x2x64xi32, #tpu.memory_space<hbm>>
    %dma_wait3A_55 = tpu.memref_squeeze %dma_wait3A_54 : memref<1x2x64xi32, #tpu.memory_space<hbm>> -> memref<2x64xi32, #tpu.memory_space<hbm>>
    tpu.wait_dma2 semaphore(%arg12 : memref<!tpu.dma_semaphore, #tpu.memory_space<semaphore_mem>>) src(%dma_wait3A_55 : memref<2x64xi32, #tpu.memory_space<hbm>>) dst(%arg5 : memref<2x64xi32, #tpu.memory_space<vmem>>)
    %dma_start3A_56 = arith.constant 0 : i32
    %dma_start3A_57 = arith.constant 0 : i32
    %dma_start3A_58 = tpu.memref_slice %arg5[%dma_start3A_56, %dma_start3A_57] : memref<2x64xi32, #tpu.memory_space<vmem>> -> memref<1x64xi32, #tpu.memory_space<vmem>>
    %dma_start3A_59 = tpu.memref_squeeze %dma_start3A_58 : memref<1x64xi32, #tpu.memory_space<vmem>> -> memref<64xi32, #tpu.memory_space<vmem>>
    %dma_start3A_60 = arith.constant 0 : i32
    %dma_start3A_61 = arith.constant 0 : i32
    %dma_start3A_62 = tpu.memref_slice %arg2[%arg0, %dma_start3A_60, %dma_start3A_61] : memref<2x10240x128xf32, #tpu.memory_space<hbm>> -> memref<1x10240x128xf32, #tpu.memory_space<hbm>>
    %dma_start3A_63 = tpu.memref_squeeze %dma_start3A_62 : memref<1x10240x128xf32, #tpu.memory_space<hbm>> -> memref<10240x128xf32, #tpu.memory_space<hbm>>
    %dma_start3A_64 = arith.constant 0 : i32
    %dma_start3A_65 = arith.constant 0 : i32
    %dma_start3A_66 = tpu.memref_slice %dma_start3A_63[%dma_start3A_64, %dma_start3A_65] : memref<10240x128xf32, #tpu.memory_space<hbm>> -> memref<10240x128xf32, #tpu.memory_space<hbm>>
    tpu.enqueue_indirect_dma source(%dma_start3A_66 : memref<10240x128xf32, #tpu.memory_space<hbm>>) target(%arg7 : memref<64x128xf32, #tpu.memory_space<vmem>>) offsets(%dma_start3A_59 : memref<64xi32, #tpu.memory_space<vmem>>) semaphore(%arg10 : memref<!tpu.dma_semaphore, #tpu.memory_space<semaphore_mem>>)
    %scan3A = arith.constant 0 : i32
    %scan3A_67 = arith.constant 0 : i32
    %scan3A_68 = arith.constant 78 : i32
    %scan3A_69 = arith.addi %scan3A_67, %scan3A_68 : i32
    %scan3A_70 = arith.constant 1 : i32
    %scan3A_71 = scf.for %scan3A_85 = %scan3A_67 to %scan3A_69 step %scan3A_70 iter_args(%scan3A_86 = %scan3A) -> (i32)  : i32 {
      %mul3A_87 = arith.constant 2 : i32
      %mul3A_88 = arith.muli %mul3A_87, %scan3A_85 : i32
      %dma_wait3A_89 = arith.constant 0 : i32
      %dma_wait3A_90 = arith.constant 0 : i32
      %dma_wait3A_91 = arith.constant 0 : i32
      %dma_wait3A_92 = arith.constant 0 : i32
      %dma_wait3A_93 = tpu.memref_slice %arg3[%arg1, %dma_wait3A_90, %dma_wait3A_91, %dma_wait3A_92] : memref<16x157x2x64xi32, #tpu.memory_space<hbm>> -> memref<1x157x2x64xi32, #tpu.memory_space<hbm>>
      %dma_wait3A_94 = tpu.memref_squeeze %dma_wait3A_93 : memref<1x157x2x64xi32, #tpu.memory_space<hbm>> -> memref<157x2x64xi32, #tpu.memory_space<hbm>>
      %dma_wait3A_95 = arith.constant 0 : i32
      %dma_wait3A_96 = arith.constant 0 : i32
      %dma_wait3A_97 = tpu.memref_slice %dma_wait3A_94[%dma_wait3A_89, %dma_wait3A_95, %dma_wait3A_96] : memref<157x2x64xi32, #tpu.memory_space<hbm>> -> memref<1x2x64xi32, #tpu.memory_space<hbm>>
      %dma_wait3A_98 = tpu.memref_squeeze %dma_wait3A_97 : memref<1x2x64xi32, #tpu.memory_space<hbm>> -> memref<2x64xi32, #tpu.memory_space<hbm>>
      %dma_wait3A_99 = arith.constant 0 : i32
      %dma_wait3A_100 = arith.constant 0 : i32
      %dma_wait3A_101 = arith.constant 0 : i32
      %dma_wait3A_102 = tpu.memref_slice %arg3[%arg1, %dma_wait3A_99, %dma_wait3A_100, %dma_wait3A_101] : memref<16x157x2x64xi32, #tpu.memory_space<hbm>> -> memref<1x157x2x64xi32, #tpu.memory_space<hbm>>
      %dma_wait3A_103 = tpu.memref_squeeze %dma_wait3A_102 : memref<1x157x2x64xi32, #tpu.memory_space<hbm>> -> memref<157x2x64xi32, #tpu.memory_space<hbm>>
      %dma_wait3A_104 = arith.constant 0 : i32
      %dma_wait3A_105 = arith.constant 0 : i32
      %dma_wait3A_106 = tpu.memref_slice %dma_wait3A_103[%dma_wait3A_89, %dma_wait3A_104, %dma_wait3A_105] : memref<157x2x64xi32, #tpu.memory_space<hbm>> -> memref<1x2x64xi32, #tpu.memory_space<hbm>>
      %dma_wait3A_107 = tpu.memref_squeeze %dma_wait3A_106 : memref<1x2x64xi32, #tpu.memory_space<hbm>> -> memref<2x64xi32, #tpu.memory_space<hbm>>
      tpu.wait_dma2 semaphore(%arg13 : memref<!tpu.dma_semaphore, #tpu.memory_space<semaphore_mem>>) src(%dma_wait3A_107 : memref<2x64xi32, #tpu.memory_space<hbm>>) dst(%arg6 : memref<2x64xi32, #tpu.memory_space<vmem>>)
      %dma_start3A_108 = arith.constant 0 : i32
      %dma_start3A_109 = arith.constant 0 : i32
      %dma_start3A_110 = tpu.memref_slice %arg6[%dma_start3A_108, %dma_start3A_109] : memref<2x64xi32, #tpu.memory_space<vmem>> -> memref<1x64xi32, #tpu.memory_space<vmem>>
      %dma_start3A_111 = tpu.memref_squeeze %dma_start3A_110 : memref<1x64xi32, #tpu.memory_space<vmem>> -> memref<64xi32, #tpu.memory_space<vmem>>
      %dma_start3A_112 = arith.constant 0 : i32
      %dma_start3A_113 = arith.constant 0 : i32
      %dma_start3A_114 = tpu.memref_slice %arg2[%arg0, %dma_start3A_112, %dma_start3A_113] : memref<2x10240x128xf32, #tpu.memory_space<hbm>> -> memref<1x10240x128xf32, #tpu.memory_space<hbm>>
      %dma_start3A_115 = tpu.memref_squeeze %dma_start3A_114 : memref<1x10240x128xf32, #tpu.memory_space<hbm>> -> memref<10240x128xf32, #tpu.memory_space<hbm>>
      %dma_start3A_116 = arith.constant 0 : i32
      %dma_start3A_117 = arith.constant 0 : i32
      %dma_start3A_118 = tpu.memref_slice %dma_start3A_115[%dma_start3A_116, %dma_start3A_117] : memref<10240x128xf32, #tpu.memory_space<hbm>> -> memref<10240x128xf32, #tpu.memory_space<hbm>>
      tpu.enqueue_indirect_dma source(%dma_start3A_118 : memref<10240x128xf32, #tpu.memory_space<hbm>>) target(%arg8 : memref<64x128xf32, #tpu.memory_space<vmem>>) offsets(%dma_start3A_111 : memref<64xi32, #tpu.memory_space<vmem>>) semaphore(%arg11 : memref<!tpu.dma_semaphore, #tpu.memory_space<semaphore_mem>>)
      %dma_wait3A_119 = arith.constant 0 : i32
      %dma_wait3A_120 = arith.constant 0 : i32
      %dma_wait3A_121 = tpu.memref_slice %arg5[%dma_wait3A_119, %dma_wait3A_120] : memref<2x64xi32, #tpu.memory_space<vmem>> -> memref<1x64xi32, #tpu.memory_space<vmem>>
      %dma_wait3A_122 = tpu.memref_squeeze %dma_wait3A_121 : memref<1x64xi32, #tpu.memory_space<vmem>> -> memref<64xi32, #tpu.memory_space<vmem>>
      %dma_wait3A_123 = arith.constant 0 : i32
      %dma_wait3A_124 = arith.constant 0 : i32
      %dma_wait3A_125 = tpu.memref_slice %arg2[%arg0, %dma_wait3A_123, %dma_wait3A_124] : memref<2x10240x128xf32, #tpu.memory_space<hbm>> -> memref<1x10240x128xf32, #tpu.memory_space<hbm>>
      %dma_wait3A_126 = tpu.memref_squeeze %dma_wait3A_125 : memref<1x10240x128xf32, #tpu.memory_space<hbm>> -> memref<10240x128xf32, #tpu.memory_space<hbm>>
      %dma_wait3A_127 = arith.constant 0 : i32
      %dma_wait3A_128 = arith.constant 0 : i32
      %dma_wait3A_129 = tpu.memref_slice %dma_wait3A_126[%dma_wait3A_127, %dma_wait3A_128] : memref<10240x128xf32, #tpu.memory_space<hbm>> -> memref<10240x128xf32, #tpu.memory_space<hbm>>
      tpu.wait_indirect_dma semaphore(%arg10 : memref<!tpu.dma_semaphore, #tpu.memory_space<semaphore_mem>>) src(%dma_wait3A_129 : memref<10240x128xf32, #tpu.memory_space<hbm>>) dst(%arg7 : memref<64x128xf32, #tpu.memory_space<vmem>>)
      %run_scoped3A_130 = arith.constant 1 : i32
      "tpu.region"() ({
        %run_scoped3A_161 = tpu.sem_alloc : memref<!tpu.dma_semaphore, #tpu.memory_space<semaphore_mem>>
        %dma_start3A_162 = arith.constant 0 : i32
        %dma_start3A_163 = tpu.memref_slice %arg5[%run_scoped3A_130, %dma_start3A_162] : memref<2x64xi32, #tpu.memory_space<vmem>> -> memref<1x64xi32, #tpu.memory_space<vmem>>
        %dma_start3A_164 = tpu.memref_squeeze %dma_start3A_163 : memref<1x64xi32, #tpu.memory_space<vmem>> -> memref<64xi32, #tpu.memory_space<vmem>>
        %dma_start3A_165 = arith.constant 0 : i32
        %dma_start3A_166 = arith.constant 0 : i32
        %dma_start3A_167 = tpu.memref_slice %arg9[%dma_start3A_165, %dma_start3A_166] : memref<10240x128xf32, #tpu.memory_space<vmem_shared>> -> memref<10240x128xf32, #tpu.memory_space<vmem_shared>>
        tpu.enqueue_indirect_dma source(%arg7 : memref<64x128xf32, #tpu.memory_space<vmem>>) target(%dma_start3A_167 : memref<10240x128xf32, #tpu.memory_space<vmem_shared>>) offsets(%dma_start3A_164 : memref<64xi32, #tpu.memory_space<vmem>>) semaphore(%run_scoped3A_161 : memref<!tpu.dma_semaphore, #tpu.memory_space<semaphore_mem>>) {add = true}
        %dma_wait3A_168 = arith.constant 0 : i32
        %dma_wait3A_169 = tpu.memref_slice %arg5[%run_scoped3A_130, %dma_wait3A_168] : memref<2x64xi32, #tpu.memory_space<vmem>> -> memref<1x64xi32, #tpu.memory_space<vmem>>
        %dma_wait3A_170 = tpu.memref_squeeze %dma_wait3A_169 : memref<1x64xi32, #tpu.memory_space<vmem>> -> memref<64xi32, #tpu.memory_space<vmem>>
        %dma_wait3A_171 = arith.constant 0 : i32
        %dma_wait3A_172 = arith.constant 0 : i32
        %dma_wait3A_173 = tpu.memref_slice %arg9[%dma_wait3A_171, %dma_wait3A_172] : memref<10240x128xf32, #tpu.memory_space<vmem_shared>> -> memref<10240x128xf32, #tpu.memory_space<vmem_shared>>
        tpu.wait_indirect_dma semaphore(%run_scoped3A_161 : memref<!tpu.dma_semaphore, #tpu.memory_space<semaphore_mem>>) src(%arg7 : memref<64x128xf32, #tpu.memory_space<vmem>>) dst(%dma_wait3A_173 : memref<10240x128xf32, #tpu.memory_space<vmem_shared>>)
        tpu.yield
      }) : () -> ()
      %add3A = arith.constant 2 : i32
      %add3A_131 = arith.addi %mul3A_88, %add3A : i32
      %lt3A = arith.constant 157 : i32
      %lt3A_132 = arith.cmpi slt, %add3A_131, %lt3A : i32
      %convert_element_type3A = arith.extui %lt3A_132 : i1 to i32
      %cond3A = arith.constant 0 : i32
      %cond3A_133 = arith.cmpi ne, %convert_element_type3A, %cond3A : i32
      scf.if %cond3A_133 {
        %add3A_161 = arith.constant 2 : i32
        %add3A_162 = arith.addi %mul3A_88, %add3A_161 : i32
        %dma_start3A_163 = arith.constant 0 : i32
        %dma_start3A_164 = arith.constant 0 : i32
        %dma_start3A_165 = arith.constant 0 : i32
        %dma_start3A_166 = tpu.memref_slice %arg3[%arg1, %dma_start3A_163, %dma_start3A_164, %dma_start3A_165] : memref<16x157x2x64xi32, #tpu.memory_space<hbm>> -> memref<1x157x2x64xi32, #tpu.memory_space<hbm>>
        %dma_start3A_167 = tpu.memref_squeeze %dma_start3A_166 : memref<1x157x2x64xi32, #tpu.memory_space<hbm>> -> memref<157x2x64xi32, #tpu.memory_space<hbm>>
        %dma_start3A_168 = arith.constant 0 : i32
        %dma_start3A_169 = arith.constant 0 : i32
        %dma_start3A_170 = tpu.memref_slice %dma_start3A_167[%add3A_162, %dma_start3A_168, %dma_start3A_169] : memref<157x2x64xi32, #tpu.memory_space<hbm>> -> memref<1x2x64xi32, #tpu.memory_space<hbm>>
        %dma_start3A_171 = tpu.memref_squeeze %dma_start3A_170 : memref<1x2x64xi32, #tpu.memory_space<hbm>> -> memref<2x64xi32, #tpu.memory_space<hbm>>
        %dma_start3A_172 = arith.constant 0 : i32
        %dma_start3A_173 = arith.constant 0 : i32
        %dma_start3A_174 = arith.constant 0 : i32
        %dma_start3A_175 = tpu.memref_slice %arg3[%arg1, %dma_start3A_172, %dma_start3A_173, %dma_start3A_174] : memref<16x157x2x64xi32, #tpu.memory_space<hbm>> -> memref<1x157x2x64xi32, #tpu.memory_space<hbm>>
        %dma_start3A_176 = tpu.memref_squeeze %dma_start3A_175 : memref<1x157x2x64xi32, #tpu.memory_space<hbm>> -> memref<157x2x64xi32, #tpu.memory_space<hbm>>
        %dma_start3A_177 = arith.constant 0 : i32
        %dma_start3A_178 = arith.constant 0 : i32
        %dma_start3A_179 = tpu.memref_slice %dma_start3A_176[%add3A_162, %dma_start3A_177, %dma_start3A_178] : memref<157x2x64xi32, #tpu.memory_space<hbm>> -> memref<1x2x64xi32, #tpu.memory_space<hbm>>
        %dma_start3A_180 = tpu.memref_squeeze %dma_start3A_179 : memref<1x2x64xi32, #tpu.memory_space<hbm>> -> memref<2x64xi32, #tpu.memory_space<hbm>>
        tpu.enqueue_dma source(%dma_start3A_180 : memref<2x64xi32, #tpu.memory_space<hbm>>) target(%arg5 : memref<2x64xi32, #tpu.memory_space<vmem>>) target_semaphore(%arg12 : memref<!tpu.dma_semaphore, #tpu.memory_space<semaphore_mem>>)
      } else {
      }
      %dma_wait3A_134 = arith.constant 0 : i32
      %dma_wait3A_135 = arith.constant 0 : i32
      %dma_wait3A_136 = tpu.memref_slice %arg6[%dma_wait3A_134, %dma_wait3A_135] : memref<2x64xi32, #tpu.memory_space<vmem>> -> memref<1x64xi32, #tpu.memory_space<vmem>>
      %dma_wait3A_137 = tpu.memref_squeeze %dma_wait3A_136 : memref<1x64xi32, #tpu.memory_space<vmem>> -> memref<64xi32, #tpu.memory_space<vmem>>
      %dma_wait3A_138 = arith.constant 0 : i32
      %dma_wait3A_139 = arith.constant 0 : i32
      %dma_wait3A_140 = tpu.memref_slice %arg2[%arg0, %dma_wait3A_138, %dma_wait3A_139] : memref<2x10240x128xf32, #tpu.memory_space<hbm>> -> memref<1x10240x128xf32, #tpu.memory_space<hbm>>
      %dma_wait3A_141 = tpu.memref_squeeze %dma_wait3A_140 : memref<1x10240x128xf32, #tpu.memory_space<hbm>> -> memref<10240x128xf32, #tpu.memory_space<hbm>>
      %dma_wait3A_142 = arith.constant 0 : i32
      %dma_wait3A_143 = arith.constant 0 : i32
      %dma_wait3A_144 = tpu.memref_slice %dma_wait3A_141[%dma_wait3A_142, %dma_wait3A_143] : memref<10240x128xf32, #tpu.memory_space<hbm>> -> memref<10240x128xf32, #tpu.memory_space<hbm>>
      tpu.wait_indirect_dma semaphore(%arg11 : memref<!tpu.dma_semaphore, #tpu.memory_space<semaphore_mem>>) src(%dma_wait3A_144 : memref<10240x128xf32, #tpu.memory_space<hbm>>) dst(%arg8 : memref<64x128xf32, #tpu.memory_space<vmem>>)
      %run_scoped3A_145 = arith.constant 1 : i32
      "tpu.region"() ({
        %run_scoped3A_161 = tpu.sem_alloc : memref<!tpu.dma_semaphore, #tpu.memory_space<semaphore_mem>>
        %dma_start3A_162 = arith.constant 0 : i32
        %dma_start3A_163 = tpu.memref_slice %arg6[%run_scoped3A_145, %dma_start3A_162] : memref<2x64xi32, #tpu.memory_space<vmem>> -> memref<1x64xi32, #tpu.memory_space<vmem>>
        %dma_start3A_164 = tpu.memref_squeeze %dma_start3A_163 : memref<1x64xi32, #tpu.memory_space<vmem>> -> memref<64xi32, #tpu.memory_space<vmem>>
        %dma_start3A_165 = arith.constant 0 : i32
        %dma_start3A_166 = arith.constant 0 : i32
        %dma_start3A_167 = tpu.memref_slice %arg9[%dma_start3A_165, %dma_start3A_166] : memref<10240x128xf32, #tpu.memory_space<vmem_shared>> -> memref<10240x128xf32, #tpu.memory_space<vmem_shared>>
        tpu.enqueue_indirect_dma source(%arg8 : memref<64x128xf32, #tpu.memory_space<vmem>>) target(%dma_start3A_167 : memref<10240x128xf32, #tpu.memory_space<vmem_shared>>) offsets(%dma_start3A_164 : memref<64xi32, #tpu.memory_space<vmem>>) semaphore(%run_scoped3A_161 : memref<!tpu.dma_semaphore, #tpu.memory_space<semaphore_mem>>) {add = true}
        %dma_wait3A_168 = arith.constant 0 : i32
        %dma_wait3A_169 = tpu.memref_slice %arg6[%run_scoped3A_145, %dma_wait3A_168] : memref<2x64xi32, #tpu.memory_space<vmem>> -> memref<1x64xi32, #tpu.memory_space<vmem>>
        %dma_wait3A_170 = tpu.memref_squeeze %dma_wait3A_169 : memref<1x64xi32, #tpu.memory_space<vmem>> -> memref<64xi32, #tpu.memory_space<vmem>>
        %dma_wait3A_171 = arith.constant 0 : i32
        %dma_wait3A_172 = arith.constant 0 : i32
        %dma_wait3A_173 = tpu.memref_slice %arg9[%dma_wait3A_171, %dma_wait3A_172] : memref<10240x128xf32, #tpu.memory_space<vmem_shared>> -> memref<10240x128xf32, #tpu.memory_space<vmem_shared>>
        tpu.wait_indirect_dma semaphore(%run_scoped3A_161 : memref<!tpu.dma_semaphore, #tpu.memory_space<semaphore_mem>>) src(%arg8 : memref<64x128xf32, #tpu.memory_space<vmem>>) dst(%dma_wait3A_173 : memref<10240x128xf32, #tpu.memory_space<vmem_shared>>)
        tpu.yield
      }) : () -> ()
      %add3A_146 = arith.constant 2 : i32
      %add3A_147 = arith.addi %mul3A_88, %add3A_146 : i32
      %lt3A_148 = arith.constant 157 : i32
      %lt3A_149 = arith.cmpi slt, %add3A_147, %lt3A_148 : i32
      %convert_element_type3A_150 = arith.extui %lt3A_149 : i1 to i32
      %cond3A_151 = arith.constant 0 : i32
      %cond3A_152 = arith.cmpi ne, %convert_element_type3A_150, %cond3A_151 : i32
      scf.if %cond3A_152 {
        %dma_wait3A_161 = arith.constant 0 : i32
        %dma_wait3A_162 = arith.constant 0 : i32
        %dma_wait3A_163 = arith.constant 0 : i32
        %dma_wait3A_164 = arith.constant 0 : i32
        %dma_wait3A_165 = tpu.memref_slice %arg3[%arg1, %dma_wait3A_162, %dma_wait3A_163, %dma_wait3A_164] : memref<16x157x2x64xi32, #tpu.memory_space<hbm>> -> memref<1x157x2x64xi32, #tpu.memory_space<hbm>>
        %dma_wait3A_166 = tpu.memref_squeeze %dma_wait3A_165 : memref<1x157x2x64xi32, #tpu.memory_space<hbm>> -> memref<157x2x64xi32, #tpu.memory_space<hbm>>
        %dma_wait3A_167 = arith.constant 0 : i32
        %dma_wait3A_168 = arith.constant 0 : i32
        %dma_wait3A_169 = tpu.memref_slice %dma_wait3A_166[%dma_wait3A_161, %dma_wait3A_167, %dma_wait3A_168] : memref<157x2x64xi32, #tpu.memory_space<hbm>> -> memref<1x2x64xi32, #tpu.memory_space<hbm>>
        %dma_wait3A_170 = tpu.memref_squeeze %dma_wait3A_169 : memref<1x2x64xi32, #tpu.memory_space<hbm>> -> memref<2x64xi32, #tpu.memory_space<hbm>>
        %dma_wait3A_171 = arith.constant 0 : i32
        %dma_wait3A_172 = arith.constant 0 : i32
        %dma_wait3A_173 = arith.constant 0 : i32
        %dma_wait3A_174 = tpu.memref_slice %arg3[%arg1, %dma_wait3A_171, %dma_wait3A_172, %dma_wait3A_173] : memref<16x157x2x64xi32, #tpu.memory_space<hbm>> -> memref<1x157x2x64xi32, #tpu.memory_space<hbm>>
        %dma_wait3A_175 = tpu.memref_squeeze %dma_wait3A_174 : memref<1x157x2x64xi32, #tpu.memory_space<hbm>> -> memref<157x2x64xi32, #tpu.memory_space<hbm>>
        %dma_wait3A_176 = arith.constant 0 : i32
        %dma_wait3A_177 = arith.constant 0 : i32
        %dma_wait3A_178 = tpu.memref_slice %dma_wait3A_175[%dma_wait3A_161, %dma_wait3A_176, %dma_wait3A_177] : memref<157x2x64xi32, #tpu.memory_space<hbm>> -> memref<1x2x64xi32, #tpu.memory_space<hbm>>
        %dma_wait3A_179 = tpu.memref_squeeze %dma_wait3A_178 : memref<1x2x64xi32, #tpu.memory_space<hbm>> -> memref<2x64xi32, #tpu.memory_space<hbm>>
        tpu.wait_dma2 semaphore(%arg12 : memref<!tpu.dma_semaphore, #tpu.memory_space<semaphore_mem>>) src(%dma_wait3A_179 : memref<2x64xi32, #tpu.memory_space<hbm>>) dst(%arg5 : memref<2x64xi32, #tpu.memory_space<vmem>>)
        %dma_start3A_180 = arith.constant 0 : i32
        %dma_start3A_181 = arith.constant 0 : i32
        %dma_start3A_182 = tpu.memref_slice %arg5[%dma_start3A_180, %dma_start3A_181] : memref<2x64xi32, #tpu.memory_space<vmem>> -> memref<1x64xi32, #tpu.memory_space<vmem>>
        %dma_start3A_183 = tpu.memref_squeeze %dma_start3A_182 : memref<1x64xi32, #tpu.memory_space<vmem>> -> memref<64xi32, #tpu.memory_space<vmem>>
        %dma_start3A_184 = arith.constant 0 : i32
        %dma_start3A_185 = arith.constant 0 : i32
        %dma_start3A_186 = tpu.memref_slice %arg2[%arg0, %dma_start3A_184, %dma_start3A_185] : memref<2x10240x128xf32, #tpu.memory_space<hbm>> -> memref<1x10240x128xf32, #tpu.memory_space<hbm>>
        %dma_start3A_187 = tpu.memref_squeeze %dma_start3A_186 : memref<1x10240x128xf32, #tpu.memory_space<hbm>> -> memref<10240x128xf32, #tpu.memory_space<hbm>>
        %dma_start3A_188 = arith.constant 0 : i32
        %dma_start3A_189 = arith.constant 0 : i32
        %dma_start3A_190 = tpu.memref_slice %dma_start3A_187[%dma_start3A_188, %dma_start3A_189] : memref<10240x128xf32, #tpu.memory_space<hbm>> -> memref<10240x128xf32, #tpu.memory_space<hbm>>
        tpu.enqueue_indirect_dma source(%dma_start3A_190 : memref<10240x128xf32, #tpu.memory_space<hbm>>) target(%arg7 : memref<64x128xf32, #tpu.memory_space<vmem>>) offsets(%dma_start3A_183 : memref<64xi32, #tpu.memory_space<vmem>>) semaphore(%arg10 : memref<!tpu.dma_semaphore, #tpu.memory_space<semaphore_mem>>)
      } else {
      }
      %add3A_153 = arith.constant 3 : i32
      %add3A_154 = arith.addi %mul3A_88, %add3A_153 : i32
      %lt3A_155 = arith.constant 157 : i32
      %lt3A_156 = arith.cmpi slt, %add3A_154, %lt3A_155 : i32
      %convert_element_type3A_157 = arith.extui %lt3A_156 : i1 to i32
      %cond3A_158 = arith.constant 0 : i32
      %cond3A_159 = arith.cmpi ne, %convert_element_type3A_157, %cond3A_158 : i32
      scf.if %cond3A_159 {
        %add3A_161 = arith.constant 3 : i32
        %add3A_162 = arith.addi %mul3A_88, %add3A_161 : i32
        %dma_start3A_163 = arith.constant 0 : i32
        %dma_start3A_164 = arith.constant 0 : i32
        %dma_start3A_165 = arith.constant 0 : i32
        %dma_start3A_166 = tpu.memref_slice %arg3[%arg1, %dma_start3A_163, %dma_start3A_164, %dma_start3A_165] : memref<16x157x2x64xi32, #tpu.memory_space<hbm>> -> memref<1x157x2x64xi32, #tpu.memory_space<hbm>>
        %dma_start3A_167 = tpu.memref_squeeze %dma_start3A_166 : memref<1x157x2x64xi32, #tpu.memory_space<hbm>> -> memref<157x2x64xi32, #tpu.memory_space<hbm>>
        %dma_start3A_168 = arith.constant 0 : i32
        %dma_start3A_169 = arith.constant 0 : i32
        %dma_start3A_170 = tpu.memref_slice %dma_start3A_167[%add3A_162, %dma_start3A_168, %dma_start3A_169] : memref<157x2x64xi32, #tpu.memory_space<hbm>> -> memref<1x2x64xi32, #tpu.memory_space<hbm>>
        %dma_start3A_171 = tpu.memref_squeeze %dma_start3A_170 : memref<1x2x64xi32, #tpu.memory_space<hbm>> -> memref<2x64xi32, #tpu.memory_space<hbm>>
        %dma_start3A_172 = arith.constant 0 : i32
        %dma_start3A_173 = arith.constant 0 : i32
        %dma_start3A_174 = arith.constant 0 : i32
        %dma_start3A_175 = tpu.memref_slice %arg3[%arg1, %dma_start3A_172, %dma_start3A_173, %dma_start3A_174] : memref<16x157x2x64xi32, #tpu.memory_space<hbm>> -> memref<1x157x2x64xi32, #tpu.memory_space<hbm>>
        %dma_start3A_176 = tpu.memref_squeeze %dma_start3A_175 : memref<1x157x2x64xi32, #tpu.memory_space<hbm>> -> memref<157x2x64xi32, #tpu.memory_space<hbm>>
        %dma_start3A_177 = arith.constant 0 : i32
        %dma_start3A_178 = arith.constant 0 : i32
        %dma_start3A_179 = tpu.memref_slice %dma_start3A_176[%add3A_162, %dma_start3A_177, %dma_start3A_178] : memref<157x2x64xi32, #tpu.memory_space<hbm>> -> memref<1x2x64xi32, #tpu.memory_space<hbm>>
        %dma_start3A_180 = tpu.memref_squeeze %dma_start3A_179 : memref<1x2x64xi32, #tpu.memory_space<hbm>> -> memref<2x64xi32, #tpu.memory_space<hbm>>
        tpu.enqueue_dma source(%dma_start3A_180 : memref<2x64xi32, #tpu.memory_space<hbm>>) target(%arg6 : memref<2x64xi32, #tpu.memory_space<vmem>>) target_semaphore(%arg13 : memref<!tpu.dma_semaphore, #tpu.memory_space<semaphore_mem>>)
      } else {
      }
      %scan3A_160 = arith.constant 0 : i32
      scf.yield %scan3A_160 : i32
    }
    %scan3A_72 = arith.constant 78 : i32
    %dma_wait3A_73 = arith.constant 0 : i32
    %dma_wait3A_74 = arith.constant 0 : i32
    %dma_wait3A_75 = tpu.memref_slice %arg5[%dma_wait3A_73, %dma_wait3A_74] : memref<2x64xi32, #tpu.memory_space<vmem>> -> memref<1x64xi32, #tpu.memory_space<vmem>>
    %dma_wait3A_76 = tpu.memref_squeeze %dma_wait3A_75 : memref<1x64xi32, #tpu.memory_space<vmem>> -> memref<64xi32, #tpu.memory_space<vmem>>
    %dma_wait3A_77 = arith.constant 0 : i32
    %dma_wait3A_78 = arith.constant 0 : i32
    %dma_wait3A_79 = tpu.memref_slice %arg2[%arg0, %dma_wait3A_77, %dma_wait3A_78] : memref<2x10240x128xf32, #tpu.memory_space<hbm>> -> memref<1x10240x128xf32, #tpu.memory_space<hbm>>
    %dma_wait3A_80 = tpu.memref_squeeze %dma_wait3A_79 : memref<1x10240x128xf32, #tpu.memory_space<hbm>> -> memref<10240x128xf32, #tpu.memory_space<hbm>>
    %dma_wait3A_81 = arith.constant 0 : i32
    %dma_wait3A_82 = arith.constant 0 : i32
    %dma_wait3A_83 = tpu.memref_slice %dma_wait3A_80[%dma_wait3A_81, %dma_wait3A_82] : memref<10240x128xf32, #tpu.memory_space<hbm>> -> memref<10240x128xf32, #tpu.memory_space<hbm>>
    tpu.wait_indirect_dma semaphore(%arg10 : memref<!tpu.dma_semaphore, #tpu.memory_space<semaphore_mem>>) src(%dma_wait3A_83 : memref<10240x128xf32, #tpu.memory_space<hbm>>) dst(%arg7 : memref<64x128xf32, #tpu.memory_space<vmem>>)
    %run_scoped3A = arith.constant 1 : i32
    "tpu.region"() ({
      %run_scoped3A_85 = tpu.sem_alloc : memref<!tpu.dma_semaphore, #tpu.memory_space<semaphore_mem>>
      %dma_start3A_86 = arith.constant 0 : i32
      %dma_start3A_87 = tpu.memref_slice %arg5[%run_scoped3A, %dma_start3A_86] : memref<2x64xi32, #tpu.memory_space<vmem>> -> memref<1x64xi32, #tpu.memory_space<vmem>>
      %dma_start3A_88 = tpu.memref_squeeze %dma_start3A_87 : memref<1x64xi32, #tpu.memory_space<vmem>> -> memref<64xi32, #tpu.memory_space<vmem>>
      %dma_start3A_89 = arith.constant 0 : i32
      %dma_start3A_90 = arith.constant 0 : i32
      %dma_start3A_91 = tpu.memref_slice %arg9[%dma_start3A_89, %dma_start3A_90] : memref<10240x128xf32, #tpu.memory_space<vmem_shared>> -> memref<10240x128xf32, #tpu.memory_space<vmem_shared>>
      tpu.enqueue_indirect_dma source(%arg7 : memref<64x128xf32, #tpu.memory_space<vmem>>) target(%dma_start3A_91 : memref<10240x128xf32, #tpu.memory_space<vmem_shared>>) offsets(%dma_start3A_88 : memref<64xi32, #tpu.memory_space<vmem>>) semaphore(%run_scoped3A_85 : memref<!tpu.dma_semaphore, #tpu.memory_space<semaphore_mem>>) {add = true}
      %dma_wait3A_92 = arith.constant 0 : i32
      %dma_wait3A_93 = tpu.memref_slice %arg5[%run_scoped3A, %dma_wait3A_92] : memref<2x64xi32, #tpu.memory_space<vmem>> -> memref<1x64xi32, #tpu.memory_space<vmem>>
      %dma_wait3A_94 = tpu.memref_squeeze %dma_wait3A_93 : memref<1x64xi32, #tpu.memory_space<vmem>> -> memref<64xi32, #tpu.memory_space<vmem>>
      %dma_wait3A_95 = arith.constant 0 : i32
      %dma_wait3A_96 = arith.constant 0 : i32
      %dma_wait3A_97 = tpu.memref_slice %arg9[%dma_wait3A_95, %dma_wait3A_96] : memref<10240x128xf32, #tpu.memory_space<vmem_shared>> -> memref<10240x128xf32, #tpu.memory_space<vmem_shared>>
      tpu.wait_indirect_dma semaphore(%run_scoped3A_85 : memref<!tpu.dma_semaphore, #tpu.memory_space<semaphore_mem>>) src(%arg7 : memref<64x128xf32, #tpu.memory_space<vmem>>) dst(%dma_wait3A_97 : memref<10240x128xf32, #tpu.memory_space<vmem_shared>>)
      tpu.yield
    }) : () -> ()
    %barrier3A_84 = arith.constant 0 : index
    tpu.barrier barrier_id(%barrier3A_84)
    "tpu.region"() ({
      %run_scoped3A_85 = tpu.sem_alloc : memref<!tpu.dma_semaphore, #tpu.memory_space<semaphore_mem>>
      %dma_start3A_86 = arith.constant 0 : i32
      %dma_start3A_87 = arith.constant 0 : i32
      %dma_start3A_88 = tpu.memref_slice %arg4[%arg0, %dma_start3A_86, %dma_start3A_87] : memref<2x10240x128xf32, #tpu.memory_space<hbm>> -> memref<1x10240x128xf32, #tpu.memory_space<hbm>>
      %dma_start3A_89 = tpu.memref_squeeze %dma_start3A_88 : memref<1x10240x128xf32, #tpu.memory_space<hbm>> -> memref<10240x128xf32, #tpu.memory_space<hbm>>
      %dma_start3A_90 = arith.constant 0 : i32
      %dma_start3A_91 = tpu.memref_slice %dma_start3A_89[%mul3A_0, %dma_start3A_90] : memref<10240x128xf32, #tpu.memory_space<hbm>> -> memref<640x128xf32, #tpu.memory_space<hbm>>
      %dma_start3A_92 = arith.constant 0 : i32
      %dma_start3A_93 = tpu.memref_slice %arg9[%mul3A_0, %dma_start3A_92] : memref<10240x128xf32, #tpu.memory_space<vmem_shared>> -> memref<640x128xf32, #tpu.memory_space<vmem_shared>>
      tpu.enqueue_dma source(%dma_start3A_93 : memref<640x128xf32, #tpu.memory_space<vmem_shared>>) target(%dma_start3A_91 : memref<640x128xf32, #tpu.memory_space<hbm>>) target_semaphore(%run_scoped3A_85 : memref<!tpu.dma_semaphore, #tpu.memory_space<semaphore_mem>>)
      %dma_wait3A_94 = arith.constant 0 : i32
      %dma_wait3A_95 = arith.constant 0 : i32
      %dma_wait3A_96 = tpu.memref_slice %arg4[%arg0, %dma_wait3A_94, %dma_wait3A_95] : memref<2x10240x128xf32, #tpu.memory_space<hbm>> -> memref<1x10240x128xf32, #tpu.memory_space<hbm>>
      %dma_wait3A_97 = tpu.memref_squeeze %dma_wait3A_96 : memref<1x10240x128xf32, #tpu.memory_space<hbm>> -> memref<10240x128xf32, #tpu.memory_space<hbm>>
      %dma_wait3A_98 = arith.constant 0 : i32
      %dma_wait3A_99 = tpu.memref_slice %dma_wait3A_97[%mul3A_0, %dma_wait3A_98] : memref<10240x128xf32, #tpu.memory_space<hbm>> -> memref<640x128xf32, #tpu.memory_space<hbm>>
      %dma_wait3A_100 = arith.constant 0 : i32
      %dma_wait3A_101 = tpu.memref_slice %arg9[%mul3A_0, %dma_wait3A_100] : memref<10240x128xf32, #tpu.memory_space<vmem_shared>> -> memref<640x128xf32, #tpu.memory_space<vmem_shared>>
      tpu.wait_dma2 semaphore(%run_scoped3A_85 : memref<!tpu.dma_semaphore, #tpu.memory_space<semaphore_mem>>) src(%dma_wait3A_101 : memref<640x128xf32, #tpu.memory_space<vmem_shared>>) dst(%dma_wait3A_99 : memref<640x128xf32, #tpu.memory_space<hbm>>)
      tpu.yield
    }) : () -> ()
    return
  }
}

#map = affine_map<(d0, d1) -> (0, 0, 0)>
#map1 = affine_map<(d0, d1) -> (0)>
module attributes {stable_mosaic.version = 14 : i64} {
  func.func @sc_degree(%arg0: i32, %arg1: i32, %arg2: memref<16x157x64xi32, #tpu.memory_space<hbm>>, %arg3: memref<10240xf32, #tpu.memory_space<hbm>>, %arg4: memref<157x64xi32, #tpu.memory_space<vmem>>, %arg5: memref<64xf32, #tpu.memory_space<vmem>>, %arg6: memref<640xf32, #tpu.memory_space<vmem>>, %arg7: memref<10240xf32, #tpu.memory_space<vmem_shared>>) attributes {dimension_semantics = [#tpu.dimension_semantics<core_parallel>, #tpu.dimension_semantics<subcore_parallel>], iteration_bounds = array<i64: 2, 16>, scalar_prefetch = 0 : i64, scratch_operands = 4 : i64, tpu.core_type = #tpu.core_type<sc_vector_subcore>, window_params = [{transform_indices = #map}, {transform_indices = #map1}]} {
    %eq3A = arith.constant 0 : i32
    %eq3A_0 = arith.cmpi eq, %arg0, %eq3A : i32
    %convert_element_type3A = arith.extui %eq3A_0 : i1 to i32
    %cond3A = arith.constant 0 : i32
    %cond3A_1 = arith.cmpi ne, %convert_element_type3A, %cond3A : i32
    scf.if %cond3A_1 {
      %scan3A = arith.constant 0 : i32
      %scan3A_2 = arith.constant 0 : i32
      %scan3A_3 = arith.constant 40 : i32
      %scan3A_4 = arith.addi %scan3A_2, %scan3A_3 : i32
      %scan3A_5 = arith.constant 1 : i32
      %scan3A_6 = scf.for %scan3A_28 = %scan3A_2 to %scan3A_4 step %scan3A_5 iter_args(%scan3A_29 = %scan3A) -> (i32)  : i32 {
        %broadcast_in_dim3A = arith.constant 1.000000e+00 : f32
        %broadcast_in_dim3A_30 = vector.broadcast %broadcast_in_dim3A : f32 to vector<16xf32>
        %mul3A_31 = arith.constant 16 : i32
        %mul3A_32 = arith.muli %scan3A_28, %mul3A_31 : i32
        %swap3A = arith.index_cast %mul3A_32 : i32 to index
        %swap3A_33 = tpu.vector_load %arg6[%swap3A] {strides = array<i32>} : memref<640xf32, #tpu.memory_space<vmem>>, vector<16xf32>,
        %swap3A_34 = vector.shape_cast %swap3A_33 : vector<16xf32> to vector<16xf32>
        %swap3A_35 = vector.shape_cast %broadcast_in_dim3A_30 : vector<16xf32> to vector<16xf32>
        tpu.vector_store %arg6[%swap3A], %swap3A_35 {strides = array<i32>} : memref<640xf32, #tpu.memory_space<vmem>>, vector<16xf32>,
        %scan3A_36 = arith.constant 0 : i32
        scf.yield %scan3A_36 : i32
      }
      %scan3A_7 = arith.constant 40 : i32
      %mul3A = arith.constant 640 : i32
      %mul3A_8 = arith.muli %arg1, %mul3A : i32
      "tpu.region"() ({
        %run_scoped3A = tpu.sem_alloc : memref<!tpu.dma_semaphore, #tpu.memory_space<semaphore_mem>>
        %dma_start3A = tpu.memref_slice %arg7[%mul3A_8] : memref<10240xf32, #tpu.memory_space<vmem_shared>> -> memref<640xf32, #tpu.memory_space<vmem_shared>>
        %dma_start3A_28 = tpu.memref_slice %arg7[%mul3A_8] : memref<10240xf32, #tpu.memory_space<vmem_shared>> -> memref<640xf32, #tpu.memory_space<vmem_shared>>
        tpu.enqueue_dma source(%arg6 : memref<640xf32, #tpu.memory_space<vmem>>) target(%dma_start3A_28 : memref<640xf32, #tpu.memory_space<vmem_shared>>) target_semaphore(%run_scoped3A : memref<!tpu.dma_semaphore, #tpu.memory_space<semaphore_mem>>)
        %dma_wait3A = tpu.memref_slice %arg7[%mul3A_8] : memref<10240xf32, #tpu.memory_space<vmem_shared>> -> memref<640xf32, #tpu.memory_space<vmem_shared>>
        %dma_wait3A_29 = tpu.memref_slice %arg7[%mul3A_8] : memref<10240xf32, #tpu.memory_space<vmem_shared>> -> memref<640xf32, #tpu.memory_space<vmem_shared>>
        tpu.wait_dma2 semaphore(%run_scoped3A : memref<!tpu.dma_semaphore, #tpu.memory_space<semaphore_mem>>) src(%arg6 : memref<640xf32, #tpu.memory_space<vmem>>) dst(%dma_wait3A_29 : memref<640xf32, #tpu.memory_space<vmem_shared>>)
        tpu.yield
      }) : () -> ()
      %scan3A_9 = arith.constant 0 : i32
      %scan3A_10 = arith.constant 0 : i32
      %scan3A_11 = arith.constant 4 : i32
      %scan3A_12 = arith.addi %scan3A_10, %scan3A_11 : i32
      %scan3A_13 = arith.constant 1 : i32
      %scan3A_14 = scf.for %scan3A_28 = %scan3A_10 to %scan3A_12 step %scan3A_13 iter_args(%scan3A_29 = %scan3A_9) -> (i32)  : i32 {
        %broadcast_in_dim3A = arith.constant 1.000000e+00 : f32
        %broadcast_in_dim3A_30 = vector.broadcast %broadcast_in_dim3A : f32 to vector<16xf32>
        %mul3A_31 = arith.constant 16 : i32
        %mul3A_32 = arith.muli %scan3A_28, %mul3A_31 : i32
        %swap3A = arith.index_cast %mul3A_32 : i32 to index
        %swap3A_33 = tpu.vector_load %arg5[%swap3A] {strides = array<i32>} : memref<64xf32, #tpu.memory_space<vmem>>, vector<16xf32>,
        %swap3A_34 = vector.shape_cast %swap3A_33 : vector<16xf32> to vector<16xf32>
        %swap3A_35 = vector.shape_cast %broadcast_in_dim3A_30 : vector<16xf32> to vector<16xf32>
        tpu.vector_store %arg5[%swap3A], %swap3A_35 {strides = array<i32>} : memref<64xf32, #tpu.memory_space<vmem>>, vector<16xf32>,
        %scan3A_36 = arith.constant 0 : i32
        scf.yield %scan3A_36 : i32
      }
      %scan3A_15 = arith.constant 4 : i32
      "tpu.region"() ({
        %run_scoped3A = tpu.sem_alloc : memref<!tpu.dma_semaphore, #tpu.memory_space<semaphore_mem>>
        %dma_start3A = arith.constant 0 : i32
        %dma_start3A_28 = arith.constant 0 : i32
        %dma_start3A_29 = tpu.memref_slice %arg2[%arg1, %dma_start3A, %dma_start3A_28] : memref<16x157x64xi32, #tpu.memory_space<hbm>> -> memref<1x157x64xi32, #tpu.memory_space<hbm>>
        %dma_start3A_30 = tpu.memref_squeeze %dma_start3A_29 : memref<1x157x64xi32, #tpu.memory_space<hbm>> -> memref<157x64xi32, #tpu.memory_space<hbm>>
        %dma_start3A_31 = arith.constant 0 : i32
        %dma_start3A_32 = arith.constant 0 : i32
        %dma_start3A_33 = tpu.memref_slice %arg2[%arg1, %dma_start3A_31, %dma_start3A_32] : memref<16x157x64xi32, #tpu.memory_space<hbm>> -> memref<1x157x64xi32, #tpu.memory_space<hbm>>
        %dma_start3A_34 = tpu.memref_squeeze %dma_start3A_33 : memref<1x157x64xi32, #tpu.memory_space<hbm>> -> memref<157x64xi32, #tpu.memory_space<hbm>>
        tpu.enqueue_dma source(%dma_start3A_34 : memref<157x64xi32, #tpu.memory_space<hbm>>) target(%arg4 : memref<157x64xi32, #tpu.memory_space<vmem>>) target_semaphore(%run_scoped3A : memref<!tpu.dma_semaphore, #tpu.memory_space<semaphore_mem>>)
        %dma_wait3A = arith.constant 0 : i32
        %dma_wait3A_35 = arith.constant 0 : i32
        %dma_wait3A_36 = tpu.memref_slice %arg2[%arg1, %dma_wait3A, %dma_wait3A_35] : memref<16x157x64xi32, #tpu.memory_space<hbm>> -> memref<1x157x64xi32, #tpu.memory_space<hbm>>
        %dma_wait3A_37 = tpu.memref_squeeze %dma_wait3A_36 : memref<1x157x64xi32, #tpu.memory_space<hbm>> -> memref<157x64xi32, #tpu.memory_space<hbm>>
        %dma_wait3A_38 = arith.constant 0 : i32
        %dma_wait3A_39 = arith.constant 0 : i32
        %dma_wait3A_40 = tpu.memref_slice %arg2[%arg1, %dma_wait3A_38, %dma_wait3A_39] : memref<16x157x64xi32, #tpu.memory_space<hbm>> -> memref<1x157x64xi32, #tpu.memory_space<hbm>>
        %dma_wait3A_41 = tpu.memref_squeeze %dma_wait3A_40 : memref<1x157x64xi32, #tpu.memory_space<hbm>> -> memref<157x64xi32, #tpu.memory_space<hbm>>
        tpu.wait_dma2 semaphore(%run_scoped3A : memref<!tpu.dma_semaphore, #tpu.memory_space<semaphore_mem>>) src(%dma_wait3A_41 : memref<157x64xi32, #tpu.memory_space<hbm>>) dst(%arg4 : memref<157x64xi32, #tpu.memory_space<vmem>>)
        tpu.yield
      }) : () -> ()
      %barrier3A = arith.constant 0 : index
      tpu.barrier barrier_id(%barrier3A)
      %scan3A_16 = arith.constant 0 : i32
      %scan3A_17 = arith.constant 0 : i32
      %scan3A_18 = arith.constant 157 : i32
      %scan3A_19 = arith.addi %scan3A_17, %scan3A_18 : i32
      %scan3A_20 = arith.constant 1 : i32
      %scan3A_21 = scf.for %scan3A_28 = %scan3A_17 to %scan3A_19 step %scan3A_20 iter_args(%scan3A_29 = %scan3A_16) -> (i32)  : i32 {
        "tpu.region"() ({
          %run_scoped3A = tpu.sem_alloc : memref<!tpu.dma_semaphore, #tpu.memory_space<semaphore_mem>>
          %dma_start3A = arith.constant 0 : i32
          %dma_start3A_31 = tpu.memref_slice %arg4[%scan3A_28, %dma_start3A] : memref<157x64xi32, #tpu.memory_space<vmem>> -> memref<1x64xi32, #tpu.memory_space<vmem>>
          %dma_start3A_32 = tpu.memref_squeeze %dma_start3A_31 : memref<1x64xi32, #tpu.memory_space<vmem>> -> memref<64xi32, #tpu.memory_space<vmem>>
          %dma_start3A_33 = arith.constant 0 : i32
          %dma_start3A_34 = tpu.memref_slice %arg7[%dma_start3A_33] : memref<10240xf32, #tpu.memory_space<vmem_shared>> -> memref<10240xf32, #tpu.memory_space<vmem_shared>>
          tpu.enqueue_indirect_dma source(%arg5 : memref<64xf32, #tpu.memory_space<vmem>>) target(%dma_start3A_34 : memref<10240xf32, #tpu.memory_space<vmem_shared>>) offsets(%dma_start3A_32 : memref<64xi32, #tpu.memory_space<vmem>>) semaphore(%run_scoped3A : memref<!tpu.dma_semaphore, #tpu.memory_space<semaphore_mem>>) {add = true}
          %dma_wait3A = arith.constant 0 : i32
          %dma_wait3A_35 = tpu.memref_slice %arg4[%scan3A_28, %dma_wait3A] : memref<157x64xi32, #tpu.memory_space<vmem>> -> memref<1x64xi32, #tpu.memory_space<vmem>>
          %dma_wait3A_36 = tpu.memref_squeeze %dma_wait3A_35 : memref<1x64xi32, #tpu.memory_space<vmem>> -> memref<64xi32, #tpu.memory_space<vmem>>
          %dma_wait3A_37 = arith.constant 0 : i32
          %dma_wait3A_38 = tpu.memref_slice %arg7[%dma_wait3A_37] : memref<10240xf32, #tpu.memory_space<vmem_shared>> -> memref<10240xf32, #tpu.memory_space<vmem_shared>>
          tpu.wait_indirect_dma semaphore(%run_scoped3A : memref<!tpu.dma_semaphore, #tpu.memory_space<semaphore_mem>>) src(%arg5 : memref<64xf32, #tpu.memory_space<vmem>>) dst(%dma_wait3A_38 : memref<10240xf32, #tpu.memory_space<vmem_shared>>)
          tpu.yield
        }) : () -> ()
        %scan3A_30 = arith.constant 0 : i32
        scf.yield %scan3A_30 : i32
      }
      %scan3A_22 = arith.constant 157 : i32
      %barrier3A_23 = arith.constant 0 : index
      tpu.barrier barrier_id(%barrier3A_23)
      %mul3A_24 = arith.constant 640 : i32
      %mul3A_25 = arith.muli %arg1, %mul3A_24 : i32
      %mul3A_26 = arith.constant 640 : i32
      %mul3A_27 = arith.muli %arg1, %mul3A_26 : i32
      "tpu.region"() ({
        %run_scoped3A = tpu.sem_alloc : memref<!tpu.dma_semaphore, #tpu.memory_space<semaphore_mem>>
        %dma_start3A = tpu.memref_slice %arg3[%mul3A_27] : memref<10240xf32, #tpu.memory_space<hbm>> -> memref<640xf32, #tpu.memory_space<hbm>>
        %dma_start3A_28 = tpu.memref_slice %arg7[%mul3A_25] : memref<10240xf32, #tpu.memory_space<vmem_shared>> -> memref<640xf32, #tpu.memory_space<vmem_shared>>
        tpu.enqueue_dma source(%dma_start3A_28 : memref<640xf32, #tpu.memory_space<vmem_shared>>) target(%dma_start3A : memref<640xf32, #tpu.memory_space<hbm>>) target_semaphore(%run_scoped3A : memref<!tpu.dma_semaphore, #tpu.memory_space<semaphore_mem>>)
        %dma_wait3A = tpu.memref_slice %arg3[%mul3A_27] : memref<10240xf32, #tpu.memory_space<hbm>> -> memref<640xf32, #tpu.memory_space<hbm>>
        %dma_wait3A_29 = tpu.memref_slice %arg7[%mul3A_25] : memref<10240xf32, #tpu.memory_space<vmem_shared>> -> memref<640xf32, #tpu.memory_space<vmem_shared>>
        tpu.wait_dma2 semaphore(%run_scoped3A : memref<!tpu.dma_semaphore, #tpu.memory_space<semaphore_mem>>) src(%dma_wait3A_29 : memref<640xf32, #tpu.memory_space<vmem_shared>>) dst(%dma_wait3A : memref<640xf32, #tpu.memory_space<hbm>>)
        tpu.yield
      }) : () -> ()
    } else {
    }
    return
  }
}

#map = affine_map<(d0, d1) -> (0, 0, 0)>
#map1 = affine_map<(d0, d1) -> (0, 0, 0, 0)>
module attributes {stable_mosaic.version = 14 : i64} {
  func.func @sc_spmm(%arg0: i32, %arg1: i32, %arg2: memref<2x10240x128xf32, #tpu.memory_space<hbm>>, %arg3: memref<16x157x2x64xi32, #tpu.memory_space<hbm>>, %arg4: memref<2x10240x128xf32, #tpu.memory_space<hbm>>, %arg5: memref<2x64xi32, #tpu.memory_space<vmem>>, %arg6: memref<2x64xi32, #tpu.memory_space<vmem>>, %arg7: memref<64x128xf32, #tpu.memory_space<vmem>>, %arg8: memref<64x128xf32, #tpu.memory_space<vmem>>, %arg9: memref<10240x128xf32, #tpu.memory_space<vmem_shared>>, %arg10: memref<!tpu.dma_semaphore, #tpu.memory_space<semaphore_mem>>, %arg11: memref<!tpu.dma_semaphore, #tpu.memory_space<semaphore_mem>>, %arg12: memref<!tpu.dma_semaphore, #tpu.memory_space<semaphore_mem>>, %arg13: memref<!tpu.dma_semaphore, #tpu.memory_space<semaphore_mem>>) attributes {dimension_semantics = [#tpu.dimension_semantics<core_parallel>, #tpu.dimension_semantics<subcore_parallel>], iteration_bounds = array<i64: 2, 16>, scalar_prefetch = 0 : i64, scratch_operands = 9 : i64, tpu.core_type = #tpu.core_type<sc_vector_subcore>, window_params = [{transform_indices = #map}, {transform_indices = #map1}, {transform_indices = #map}]} {
    %mul3A = arith.constant 640 : i32
    %mul3A_0 = arith.muli %arg1, %mul3A : i32
    "tpu.region"() ({
      %run_scoped3A_85 = tpu.sem_alloc : memref<!tpu.dma_semaphore, #tpu.memory_space<semaphore_mem>>
      %dma_start3A_86 = arith.constant 0 : i32
      %dma_start3A_87 = tpu.memref_slice %arg9[%mul3A_0, %dma_start3A_86] : memref<10240x128xf32, #tpu.memory_space<vmem_shared>> -> memref<640x128xf32, #tpu.memory_space<vmem_shared>>
      %dma_start3A_88 = arith.constant 0 : i32
      %dma_start3A_89 = arith.constant 0 : i32
      %dma_start3A_90 = tpu.memref_slice %arg2[%arg0, %dma_start3A_88, %dma_start3A_89] : memref<2x10240x128xf32, #tpu.memory_space<hbm>> -> memref<1x10240x128xf32, #tpu.memory_space<hbm>>
      %dma_start3A_91 = tpu.memref_squeeze %dma_start3A_90 : memref<1x10240x128xf32, #tpu.memory_space<hbm>> -> memref<10240x128xf32, #tpu.memory_space<hbm>>
      %dma_start3A_92 = arith.constant 0 : i32
      %dma_start3A_93 = tpu.memref_slice %dma_start3A_91[%mul3A_0, %dma_start3A_92] : memref<10240x128xf32, #tpu.memory_space<hbm>> -> memref<640x128xf32, #tpu.memory_space<hbm>>
      tpu.enqueue_dma source(%dma_start3A_93 : memref<640x128xf32, #tpu.memory_space<hbm>>) target(%dma_start3A_87 : memref<640x128xf32, #tpu.memory_space<vmem_shared>>) target_semaphore(%run_scoped3A_85 : memref<!tpu.dma_semaphore, #tpu.memory_space<semaphore_mem>>)
      %dma_wait3A_94 = arith.constant 0 : i32
      %dma_wait3A_95 = tpu.memref_slice %arg9[%mul3A_0, %dma_wait3A_94] : memref<10240x128xf32, #tpu.memory_space<vmem_shared>> -> memref<640x128xf32, #tpu.memory_space<vmem_shared>>
      %dma_wait3A_96 = arith.constant 0 : i32
      %dma_wait3A_97 = arith.constant 0 : i32
      %dma_wait3A_98 = tpu.memref_slice %arg2[%arg0, %dma_wait3A_96, %dma_wait3A_97] : memref<2x10240x128xf32, #tpu.memory_space<hbm>> -> memref<1x10240x128xf32, #tpu.memory_space<hbm>>
      %dma_wait3A_99 = tpu.memref_squeeze %dma_wait3A_98 : memref<1x10240x128xf32, #tpu.memory_space<hbm>> -> memref<10240x128xf32, #tpu.memory_space<hbm>>
      %dma_wait3A_100 = arith.constant 0 : i32
      %dma_wait3A_101 = tpu.memref_slice %dma_wait3A_99[%mul3A_0, %dma_wait3A_100] : memref<10240x128xf32, #tpu.memory_space<hbm>> -> memref<640x128xf32, #tpu.memory_space<hbm>>
      tpu.wait_dma2 semaphore(%run_scoped3A_85 : memref<!tpu.dma_semaphore, #tpu.memory_space<semaphore_mem>>) src(%dma_wait3A_101 : memref<640x128xf32, #tpu.memory_space<hbm>>) dst(%dma_wait3A_95 : memref<640x128xf32, #tpu.memory_space<vmem_shared>>)
      tpu.yield
    }) : () -> ()
    %barrier3A = arith.constant 0 : index
    tpu.barrier barrier_id(%barrier3A)
    %dma_start3A = arith.constant 0 : i32
    %dma_start3A_1 = arith.constant 0 : i32
    %dma_start3A_2 = arith.constant 0 : i32
    %dma_start3A_3 = arith.constant 0 : i32
    %dma_start3A_4 = tpu.memref_slice %arg3[%arg1, %dma_start3A_1, %dma_start3A_2, %dma_start3A_3] : memref<16x157x2x64xi32, #tpu.memory_space<hbm>> -> memref<1x157x2x64xi32, #tpu.memory_space<hbm>>
    %dma_start3A_5 = tpu.memref_squeeze %dma_start3A_4 : memref<1x157x2x64xi32, #tpu.memory_space<hbm>> -> memref<157x2x64xi32, #tpu.memory_space<hbm>>
    %dma_start3A_6 = arith.constant 0 : i32
    %dma_start3A_7 = arith.constant 0 : i32
    %dma_start3A_8 = tpu.memref_slice %dma_start3A_5[%dma_start3A, %dma_start3A_6, %dma_start3A_7] : memref<157x2x64xi32, #tpu.memory_space<hbm>> -> memref<1x2x64xi32, #tpu.memory_space<hbm>>
    %dma_start3A_9 = tpu.memref_squeeze %dma_start3A_8 : memref<1x2x64xi32, #tpu.memory_space<hbm>> -> memref<2x64xi32, #tpu.memory_space<hbm>>
    %dma_start3A_10 = arith.constant 0 : i32
    %dma_start3A_11 = arith.constant 0 : i32
    %dma_start3A_12 = arith.constant 0 : i32
    %dma_start3A_13 = tpu.memref_slice %arg3[%arg1, %dma_start3A_10, %dma_start3A_11, %dma_start3A_12] : memref<16x157x2x64xi32, #tpu.memory_space<hbm>> -> memref<1x157x2x64xi32, #tpu.memory_space<hbm>>
    %dma_start3A_14 = tpu.memref_squeeze %dma_start3A_13 : memref<1x157x2x64xi32, #tpu.memory_space<hbm>> -> memref<157x2x64xi32, #tpu.memory_space<hbm>>
    %dma_start3A_15 = arith.constant 0 : i32
    %dma_start3A_16 = arith.constant 0 : i32
    %dma_start3A_17 = tpu.memref_slice %dma_start3A_14[%dma_start3A, %dma_start3A_15, %dma_start3A_16] : memref<157x2x64xi32, #tpu.memory_space<hbm>> -> memref<1x2x64xi32, #tpu.memory_space<hbm>>
    %dma_start3A_18 = tpu.memref_squeeze %dma_start3A_17 : memref<1x2x64xi32, #tpu.memory_space<hbm>> -> memref<2x64xi32, #tpu.memory_space<hbm>>
    tpu.enqueue_dma source(%dma_start3A_18 : memref<2x64xi32, #tpu.memory_space<hbm>>) target(%arg5 : memref<2x64xi32, #tpu.memory_space<vmem>>) target_semaphore(%arg12 : memref<!tpu.dma_semaphore, #tpu.memory_space<semaphore_mem>>)
    %dma_start3A_19 = arith.constant 1 : i32
    %dma_start3A_20 = arith.constant 0 : i32
    %dma_start3A_21 = arith.constant 0 : i32
    %dma_start3A_22 = arith.constant 0 : i32
    %dma_start3A_23 = tpu.memref_slice %arg3[%arg1, %dma_start3A_20, %dma_start3A_21, %dma_start3A_22] : memref<16x157x2x64xi32, #tpu.memory_space<hbm>> -> memref<1x157x2x64xi32, #tpu.memory_space<hbm>>
    %dma_start3A_24 = tpu.memref_squeeze %dma_start3A_23 : memref<1x157x2x64xi32, #tpu.memory_space<hbm>> -> memref<157x2x64xi32, #tpu.memory_space<hbm>>
    %dma_start3A_25 = arith.constant 0 : i32
    %dma_start3A_26 = arith.constant 0 : i32
    %dma_start3A_27 = tpu.memref_slice %dma_start3A_24[%dma_start3A_19, %dma_start3A_25, %dma_start3A_26] : memref<157x2x64xi32, #tpu.memory_space<hbm>> -> memref<1x2x64xi32, #tpu.memory_space<hbm>>
    %dma_start3A_28 = tpu.memref_squeeze %dma_start3A_27 : memref<1x2x64xi32, #tpu.memory_space<hbm>> -> memref<2x64xi32, #tpu.memory_space<hbm>>
    %dma_start3A_29 = arith.constant 0 : i32
    %dma_start3A_30 = arith.constant 0 : i32
    %dma_start3A_31 = arith.constant 0 : i32
    %dma_start3A_32 = tpu.memref_slice %arg3[%arg1, %dma_start3A_29, %dma_start3A_30, %dma_start3A_31] : memref<16x157x2x64xi32, #tpu.memory_space<hbm>> -> memref<1x157x2x64xi32, #tpu.memory_space<hbm>>
    %dma_start3A_33 = tpu.memref_squeeze %dma_start3A_32 : memref<1x157x2x64xi32, #tpu.memory_space<hbm>> -> memref<157x2x64xi32, #tpu.memory_space<hbm>>
    %dma_start3A_34 = arith.constant 0 : i32
    %dma_start3A_35 = arith.constant 0 : i32
    %dma_start3A_36 = tpu.memref_slice %dma_start3A_33[%dma_start3A_19, %dma_start3A_34, %dma_start3A_35] : memref<157x2x64xi32, #tpu.memory_space<hbm>> -> memref<1x2x64xi32, #tpu.memory_space<hbm>>
    %dma_start3A_37 = tpu.memref_squeeze %dma_start3A_36 : memref<1x2x64xi32, #tpu.memory_space<hbm>> -> memref<2x64xi32, #tpu.memory_space<hbm>>
    tpu.enqueue_dma source(%dma_start3A_37 : memref<2x64xi32, #tpu.memory_space<hbm>>) target(%arg6 : memref<2x64xi32, #tpu.memory_space<vmem>>) target_semaphore(%arg13 : memref<!tpu.dma_semaphore, #tpu.memory_space<semaphore_mem>>)
    %dma_wait3A = arith.constant 0 : i32
    %dma_wait3A_38 = arith.constant 0 : i32
    %dma_wait3A_39 = arith.constant 0 : i32
    %dma_wait3A_40 = arith.constant 0 : i32
    %dma_wait3A_41 = tpu.memref_slice %arg3[%arg1, %dma_wait3A_38, %dma_wait3A_39, %dma_wait3A_40] : memref<16x157x2x64xi32, #tpu.memory_space<hbm>> -> memref<1x157x2x64xi32, #tpu.memory_space<hbm>>
    %dma_wait3A_42 = tpu.memref_squeeze %dma_wait3A_41 : memref<1x157x2x64xi32, #tpu.memory_space<hbm>> -> memref<157x2x64xi32, #tpu.memory_space<hbm>>
    %dma_wait3A_43 = arith.constant 0 : i32
    %dma_wait3A_44 = arith.constant 0 : i32
    %dma_wait3A_45 = tpu.memref_slice %dma_wait3A_42[%dma_wait3A, %dma_wait3A_43, %dma_wait3A_44] : memref<157x2x64xi32, #tpu.memory_space<hbm>> -> memref<1x2x64xi32, #tpu.memory_space<hbm>>
    %dma_wait3A_46 = tpu.memref_squeeze %dma_wait3A_45 : memref<1x2x64xi32, #tpu.memory_space<hbm>> -> memref<2x64xi32, #tpu.memory_space<hbm>>
    %dma_wait3A_47 = arith.constant 0 : i32
    %dma_wait3A_48 = arith.constant 0 : i32
    %dma_wait3A_49 = arith.constant 0 : i32
    %dma_wait3A_50 = tpu.memref_slice %arg3[%arg1, %dma_wait3A_47, %dma_wait3A_48, %dma_wait3A_49] : memref<16x157x2x64xi32, #tpu.memory_space<hbm>> -> memref<1x157x2x64xi32, #tpu.memory_space<hbm>>
    %dma_wait3A_51 = tpu.memref_squeeze %dma_wait3A_50 : memref<1x157x2x64xi32, #tpu.memory_space<hbm>> -> memref<157x2x64xi32, #tpu.memory_space<hbm>>
    %dma_wait3A_52 = arith.constant 0 : i32
    %dma_wait3A_53 = arith.constant 0 : i32
    %dma_wait3A_54 = tpu.memref_slice %dma_wait3A_51[%dma_wait3A, %dma_wait3A_52, %dma_wait3A_53] : memref<157x2x64xi32, #tpu.memory_space<hbm>> -> memref<1x2x64xi32, #tpu.memory_space<hbm>>
    %dma_wait3A_55 = tpu.memref_squeeze %dma_wait3A_54 : memref<1x2x64xi32, #tpu.memory_space<hbm>> -> memref<2x64xi32, #tpu.memory_space<hbm>>
    tpu.wait_dma2 semaphore(%arg12 : memref<!tpu.dma_semaphore, #tpu.memory_space<semaphore_mem>>) src(%dma_wait3A_55 : memref<2x64xi32, #tpu.memory_space<hbm>>) dst(%arg5 : memref<2x64xi32, #tpu.memory_space<vmem>>)
    %dma_start3A_56 = arith.constant 0 : i32
    %dma_start3A_57 = arith.constant 0 : i32
    %dma_start3A_58 = tpu.memref_slice %arg5[%dma_start3A_56, %dma_start3A_57] : memref<2x64xi32, #tpu.memory_space<vmem>> -> memref<1x64xi32, #tpu.memory_space<vmem>>
    %dma_start3A_59 = tpu.memref_squeeze %dma_start3A_58 : memref<1x64xi32, #tpu.memory_space<vmem>> -> memref<64xi32, #tpu.memory_space<vmem>>
    %dma_start3A_60 = arith.constant 0 : i32
    %dma_start3A_61 = arith.constant 0 : i32
    %dma_start3A_62 = tpu.memref_slice %arg2[%arg0, %dma_start3A_60, %dma_start3A_61] : memref<2x10240x128xf32, #tpu.memory_space<hbm>> -> memref<1x10240x128xf32, #tpu.memory_space<hbm>>
    %dma_start3A_63 = tpu.memref_squeeze %dma_start3A_62 : memref<1x10240x128xf32, #tpu.memory_space<hbm>> -> memref<10240x128xf32, #tpu.memory_space<hbm>>
    %dma_start3A_64 = arith.constant 0 : i32
    %dma_start3A_65 = arith.constant 0 : i32
    %dma_start3A_66 = tpu.memref_slice %dma_start3A_63[%dma_start3A_64, %dma_start3A_65] : memref<10240x128xf32, #tpu.memory_space<hbm>> -> memref<10240x128xf32, #tpu.memory_space<hbm>>
    tpu.enqueue_indirect_dma source(%dma_start3A_66 : memref<10240x128xf32, #tpu.memory_space<hbm>>) target(%arg7 : memref<64x128xf32, #tpu.memory_space<vmem>>) offsets(%dma_start3A_59 : memref<64xi32, #tpu.memory_space<vmem>>) semaphore(%arg10 : memref<!tpu.dma_semaphore, #tpu.memory_space<semaphore_mem>>)
    %scan3A = arith.constant 0 : i32
    %scan3A_67 = arith.constant 0 : i32
    %scan3A_68 = arith.constant 78 : i32
    %scan3A_69 = arith.addi %scan3A_67, %scan3A_68 : i32
    %scan3A_70 = arith.constant 1 : i32
    %scan3A_71 = scf.for %scan3A_85 = %scan3A_67 to %scan3A_69 step %scan3A_70 iter_args(%scan3A_86 = %scan3A) -> (i32)  : i32 {
      %mul3A_87 = arith.constant 2 : i32
      %mul3A_88 = arith.muli %mul3A_87, %scan3A_85 : i32
      %dma_wait3A_89 = arith.constant 0 : i32
      %dma_wait3A_90 = arith.constant 0 : i32
      %dma_wait3A_91 = arith.constant 0 : i32
      %dma_wait3A_92 = arith.constant 0 : i32
      %dma_wait3A_93 = tpu.memref_slice %arg3[%arg1, %dma_wait3A_90, %dma_wait3A_91, %dma_wait3A_92] : memref<16x157x2x64xi32, #tpu.memory_space<hbm>> -> memref<1x157x2x64xi32, #tpu.memory_space<hbm>>
      %dma_wait3A_94 = tpu.memref_squeeze %dma_wait3A_93 : memref<1x157x2x64xi32, #tpu.memory_space<hbm>> -> memref<157x2x64xi32, #tpu.memory_space<hbm>>
      %dma_wait3A_95 = arith.constant 0 : i32
      %dma_wait3A_96 = arith.constant 0 : i32
      %dma_wait3A_97 = tpu.memref_slice %dma_wait3A_94[%dma_wait3A_89, %dma_wait3A_95, %dma_wait3A_96] : memref<157x2x64xi32, #tpu.memory_space<hbm>> -> memref<1x2x64xi32, #tpu.memory_space<hbm>>
      %dma_wait3A_98 = tpu.memref_squeeze %dma_wait3A_97 : memref<1x2x64xi32, #tpu.memory_space<hbm>> -> memref<2x64xi32, #tpu.memory_space<hbm>>
      %dma_wait3A_99 = arith.constant 0 : i32
      %dma_wait3A_100 = arith.constant 0 : i32
      %dma_wait3A_101 = arith.constant 0 : i32
      %dma_wait3A_102 = tpu.memref_slice %arg3[%arg1, %dma_wait3A_99, %dma_wait3A_100, %dma_wait3A_101] : memref<16x157x2x64xi32, #tpu.memory_space<hbm>> -> memref<1x157x2x64xi32, #tpu.memory_space<hbm>>
      %dma_wait3A_103 = tpu.memref_squeeze %dma_wait3A_102 : memref<1x157x2x64xi32, #tpu.memory_space<hbm>> -> memref<157x2x64xi32, #tpu.memory_space<hbm>>
      %dma_wait3A_104 = arith.constant 0 : i32
      %dma_wait3A_105 = arith.constant 0 : i32
      %dma_wait3A_106 = tpu.memref_slice %dma_wait3A_103[%dma_wait3A_89, %dma_wait3A_104, %dma_wait3A_105] : memref<157x2x64xi32, #tpu.memory_space<hbm>> -> memref<1x2x64xi32, #tpu.memory_space<hbm>>
      %dma_wait3A_107 = tpu.memref_squeeze %dma_wait3A_106 : memref<1x2x64xi32, #tpu.memory_space<hbm>> -> memref<2x64xi32, #tpu.memory_space<hbm>>
      tpu.wait_dma2 semaphore(%arg13 : memref<!tpu.dma_semaphore, #tpu.memory_space<semaphore_mem>>) src(%dma_wait3A_107 : memref<2x64xi32, #tpu.memory_space<hbm>>) dst(%arg6 : memref<2x64xi32, #tpu.memory_space<vmem>>)
      %dma_start3A_108 = arith.constant 0 : i32
      %dma_start3A_109 = arith.constant 0 : i32
      %dma_start3A_110 = tpu.memref_slice %arg6[%dma_start3A_108, %dma_start3A_109] : memref<2x64xi32, #tpu.memory_space<vmem>> -> memref<1x64xi32, #tpu.memory_space<vmem>>
      %dma_start3A_111 = tpu.memref_squeeze %dma_start3A_110 : memref<1x64xi32, #tpu.memory_space<vmem>> -> memref<64xi32, #tpu.memory_space<vmem>>
      %dma_start3A_112 = arith.constant 0 : i32
      %dma_start3A_113 = arith.constant 0 : i32
      %dma_start3A_114 = tpu.memref_slice %arg2[%arg0, %dma_start3A_112, %dma_start3A_113] : memref<2x10240x128xf32, #tpu.memory_space<hbm>> -> memref<1x10240x128xf32, #tpu.memory_space<hbm>>
      %dma_start3A_115 = tpu.memref_squeeze %dma_start3A_114 : memref<1x10240x128xf32, #tpu.memory_space<hbm>> -> memref<10240x128xf32, #tpu.memory_space<hbm>>
      %dma_start3A_116 = arith.constant 0 : i32
      %dma_start3A_117 = arith.constant 0 : i32
      %dma_start3A_118 = tpu.memref_slice %dma_start3A_115[%dma_start3A_116, %dma_start3A_117] : memref<10240x128xf32, #tpu.memory_space<hbm>> -> memref<10240x128xf32, #tpu.memory_space<hbm>>
      tpu.enqueue_indirect_dma source(%dma_start3A_118 : memref<10240x128xf32, #tpu.memory_space<hbm>>) target(%arg8 : memref<64x128xf32, #tpu.memory_space<vmem>>) offsets(%dma_start3A_111 : memref<64xi32, #tpu.memory_space<vmem>>) semaphore(%arg11 : memref<!tpu.dma_semaphore, #tpu.memory_space<semaphore_mem>>)
      %dma_wait3A_119 = arith.constant 0 : i32
      %dma_wait3A_120 = arith.constant 0 : i32
      %dma_wait3A_121 = tpu.memref_slice %arg5[%dma_wait3A_119, %dma_wait3A_120] : memref<2x64xi32, #tpu.memory_space<vmem>> -> memref<1x64xi32, #tpu.memory_space<vmem>>
      %dma_wait3A_122 = tpu.memref_squeeze %dma_wait3A_121 : memref<1x64xi32, #tpu.memory_space<vmem>> -> memref<64xi32, #tpu.memory_space<vmem>>
      %dma_wait3A_123 = arith.constant 0 : i32
      %dma_wait3A_124 = arith.constant 0 : i32
      %dma_wait3A_125 = tpu.memref_slice %arg2[%arg0, %dma_wait3A_123, %dma_wait3A_124] : memref<2x10240x128xf32, #tpu.memory_space<hbm>> -> memref<1x10240x128xf32, #tpu.memory_space<hbm>>
      %dma_wait3A_126 = tpu.memref_squeeze %dma_wait3A_125 : memref<1x10240x128xf32, #tpu.memory_space<hbm>> -> memref<10240x128xf32, #tpu.memory_space<hbm>>
      %dma_wait3A_127 = arith.constant 0 : i32
      %dma_wait3A_128 = arith.constant 0 : i32
      %dma_wait3A_129 = tpu.memref_slice %dma_wait3A_126[%dma_wait3A_127, %dma_wait3A_128] : memref<10240x128xf32, #tpu.memory_space<hbm>> -> memref<10240x128xf32, #tpu.memory_space<hbm>>
      tpu.wait_indirect_dma semaphore(%arg10 : memref<!tpu.dma_semaphore, #tpu.memory_space<semaphore_mem>>) src(%dma_wait3A_129 : memref<10240x128xf32, #tpu.memory_space<hbm>>) dst(%arg7 : memref<64x128xf32, #tpu.memory_space<vmem>>)
      %run_scoped3A_130 = arith.constant 1 : i32
      "tpu.region"() ({
        %run_scoped3A_161 = tpu.sem_alloc : memref<!tpu.dma_semaphore, #tpu.memory_space<semaphore_mem>>
        %dma_start3A_162 = arith.constant 0 : i32
        %dma_start3A_163 = tpu.memref_slice %arg5[%run_scoped3A_130, %dma_start3A_162] : memref<2x64xi32, #tpu.memory_space<vmem>> -> memref<1x64xi32, #tpu.memory_space<vmem>>
        %dma_start3A_164 = tpu.memref_squeeze %dma_start3A_163 : memref<1x64xi32, #tpu.memory_space<vmem>> -> memref<64xi32, #tpu.memory_space<vmem>>
        %dma_start3A_165 = arith.constant 0 : i32
        %dma_start3A_166 = arith.constant 0 : i32
        %dma_start3A_167 = tpu.memref_slice %arg9[%dma_start3A_165, %dma_start3A_166] : memref<10240x128xf32, #tpu.memory_space<vmem_shared>> -> memref<10240x128xf32, #tpu.memory_space<vmem_shared>>
        tpu.enqueue_indirect_dma source(%arg7 : memref<64x128xf32, #tpu.memory_space<vmem>>) target(%dma_start3A_167 : memref<10240x128xf32, #tpu.memory_space<vmem_shared>>) offsets(%dma_start3A_164 : memref<64xi32, #tpu.memory_space<vmem>>) semaphore(%run_scoped3A_161 : memref<!tpu.dma_semaphore, #tpu.memory_space<semaphore_mem>>) {add = true}
        %dma_wait3A_168 = arith.constant 0 : i32
        %dma_wait3A_169 = tpu.memref_slice %arg5[%run_scoped3A_130, %dma_wait3A_168] : memref<2x64xi32, #tpu.memory_space<vmem>> -> memref<1x64xi32, #tpu.memory_space<vmem>>
        %dma_wait3A_170 = tpu.memref_squeeze %dma_wait3A_169 : memref<1x64xi32, #tpu.memory_space<vmem>> -> memref<64xi32, #tpu.memory_space<vmem>>
        %dma_wait3A_171 = arith.constant 0 : i32
        %dma_wait3A_172 = arith.constant 0 : i32
        %dma_wait3A_173 = tpu.memref_slice %arg9[%dma_wait3A_171, %dma_wait3A_172] : memref<10240x128xf32, #tpu.memory_space<vmem_shared>> -> memref<10240x128xf32, #tpu.memory_space<vmem_shared>>
        tpu.wait_indirect_dma semaphore(%run_scoped3A_161 : memref<!tpu.dma_semaphore, #tpu.memory_space<semaphore_mem>>) src(%arg7 : memref<64x128xf32, #tpu.memory_space<vmem>>) dst(%dma_wait3A_173 : memref<10240x128xf32, #tpu.memory_space<vmem_shared>>)
        tpu.yield
      }) : () -> ()
      %add3A = arith.constant 2 : i32
      %add3A_131 = arith.addi %mul3A_88, %add3A : i32
      %lt3A = arith.constant 157 : i32
      %lt3A_132 = arith.cmpi slt, %add3A_131, %lt3A : i32
      %convert_element_type3A = arith.extui %lt3A_132 : i1 to i32
      %cond3A = arith.constant 0 : i32
      %cond3A_133 = arith.cmpi ne, %convert_element_type3A, %cond3A : i32
      scf.if %cond3A_133 {
        %add3A_161 = arith.constant 2 : i32
        %add3A_162 = arith.addi %mul3A_88, %add3A_161 : i32
        %dma_start3A_163 = arith.constant 0 : i32
        %dma_start3A_164 = arith.constant 0 : i32
        %dma_start3A_165 = arith.constant 0 : i32
        %dma_start3A_166 = tpu.memref_slice %arg3[%arg1, %dma_start3A_163, %dma_start3A_164, %dma_start3A_165] : memref<16x157x2x64xi32, #tpu.memory_space<hbm>> -> memref<1x157x2x64xi32, #tpu.memory_space<hbm>>
        %dma_start3A_167 = tpu.memref_squeeze %dma_start3A_166 : memref<1x157x2x64xi32, #tpu.memory_space<hbm>> -> memref<157x2x64xi32, #tpu.memory_space<hbm>>
        %dma_start3A_168 = arith.constant 0 : i32
        %dma_start3A_169 = arith.constant 0 : i32
        %dma_start3A_170 = tpu.memref_slice %dma_start3A_167[%add3A_162, %dma_start3A_168, %dma_start3A_169] : memref<157x2x64xi32, #tpu.memory_space<hbm>> -> memref<1x2x64xi32, #tpu.memory_space<hbm>>
        %dma_start3A_171 = tpu.memref_squeeze %dma_start3A_170 : memref<1x2x64xi32, #tpu.memory_space<hbm>> -> memref<2x64xi32, #tpu.memory_space<hbm>>
        %dma_start3A_172 = arith.constant 0 : i32
        %dma_start3A_173 = arith.constant 0 : i32
        %dma_start3A_174 = arith.constant 0 : i32
        %dma_start3A_175 = tpu.memref_slice %arg3[%arg1, %dma_start3A_172, %dma_start3A_173, %dma_start3A_174] : memref<16x157x2x64xi32, #tpu.memory_space<hbm>> -> memref<1x157x2x64xi32, #tpu.memory_space<hbm>>
        %dma_start3A_176 = tpu.memref_squeeze %dma_start3A_175 : memref<1x157x2x64xi32, #tpu.memory_space<hbm>> -> memref<157x2x64xi32, #tpu.memory_space<hbm>>
        %dma_start3A_177 = arith.constant 0 : i32
        %dma_start3A_178 = arith.constant 0 : i32
        %dma_start3A_179 = tpu.memref_slice %dma_start3A_176[%add3A_162, %dma_start3A_177, %dma_start3A_178] : memref<157x2x64xi32, #tpu.memory_space<hbm>> -> memref<1x2x64xi32, #tpu.memory_space<hbm>>
        %dma_start3A_180 = tpu.memref_squeeze %dma_start3A_179 : memref<1x2x64xi32, #tpu.memory_space<hbm>> -> memref<2x64xi32, #tpu.memory_space<hbm>>
        tpu.enqueue_dma source(%dma_start3A_180 : memref<2x64xi32, #tpu.memory_space<hbm>>) target(%arg5 : memref<2x64xi32, #tpu.memory_space<vmem>>) target_semaphore(%arg12 : memref<!tpu.dma_semaphore, #tpu.memory_space<semaphore_mem>>)
      } else {
      }
      %dma_wait3A_134 = arith.constant 0 : i32
      %dma_wait3A_135 = arith.constant 0 : i32
      %dma_wait3A_136 = tpu.memref_slice %arg6[%dma_wait3A_134, %dma_wait3A_135] : memref<2x64xi32, #tpu.memory_space<vmem>> -> memref<1x64xi32, #tpu.memory_space<vmem>>
      %dma_wait3A_137 = tpu.memref_squeeze %dma_wait3A_136 : memref<1x64xi32, #tpu.memory_space<vmem>> -> memref<64xi32, #tpu.memory_space<vmem>>
      %dma_wait3A_138 = arith.constant 0 : i32
      %dma_wait3A_139 = arith.constant 0 : i32
      %dma_wait3A_140 = tpu.memref_slice %arg2[%arg0, %dma_wait3A_138, %dma_wait3A_139] : memref<2x10240x128xf32, #tpu.memory_space<hbm>> -> memref<1x10240x128xf32, #tpu.memory_space<hbm>>
      %dma_wait3A_141 = tpu.memref_squeeze %dma_wait3A_140 : memref<1x10240x128xf32, #tpu.memory_space<hbm>> -> memref<10240x128xf32, #tpu.memory_space<hbm>>
      %dma_wait3A_142 = arith.constant 0 : i32
      %dma_wait3A_143 = arith.constant 0 : i32
      %dma_wait3A_144 = tpu.memref_slice %dma_wait3A_141[%dma_wait3A_142, %dma_wait3A_143] : memref<10240x128xf32, #tpu.memory_space<hbm>> -> memref<10240x128xf32, #tpu.memory_space<hbm>>
      tpu.wait_indirect_dma semaphore(%arg11 : memref<!tpu.dma_semaphore, #tpu.memory_space<semaphore_mem>>) src(%dma_wait3A_144 : memref<10240x128xf32, #tpu.memory_space<hbm>>) dst(%arg8 : memref<64x128xf32, #tpu.memory_space<vmem>>)
      %run_scoped3A_145 = arith.constant 1 : i32
      "tpu.region"() ({
        %run_scoped3A_161 = tpu.sem_alloc : memref<!tpu.dma_semaphore, #tpu.memory_space<semaphore_mem>>
        %dma_start3A_162 = arith.constant 0 : i32
        %dma_start3A_163 = tpu.memref_slice %arg6[%run_scoped3A_145, %dma_start3A_162] : memref<2x64xi32, #tpu.memory_space<vmem>> -> memref<1x64xi32, #tpu.memory_space<vmem>>
        %dma_start3A_164 = tpu.memref_squeeze %dma_start3A_163 : memref<1x64xi32, #tpu.memory_space<vmem>> -> memref<64xi32, #tpu.memory_space<vmem>>
        %dma_start3A_165 = arith.constant 0 : i32
        %dma_start3A_166 = arith.constant 0 : i32
        %dma_start3A_167 = tpu.memref_slice %arg9[%dma_start3A_165, %dma_start3A_166] : memref<10240x128xf32, #tpu.memory_space<vmem_shared>> -> memref<10240x128xf32, #tpu.memory_space<vmem_shared>>
        tpu.enqueue_indirect_dma source(%arg8 : memref<64x128xf32, #tpu.memory_space<vmem>>) target(%dma_start3A_167 : memref<10240x128xf32, #tpu.memory_space<vmem_shared>>) offsets(%dma_start3A_164 : memref<64xi32, #tpu.memory_space<vmem>>) semaphore(%run_scoped3A_161 : memref<!tpu.dma_semaphore, #tpu.memory_space<semaphore_mem>>) {add = true}
        %dma_wait3A_168 = arith.constant 0 : i32
        %dma_wait3A_169 = tpu.memref_slice %arg6[%run_scoped3A_145, %dma_wait3A_168] : memref<2x64xi32, #tpu.memory_space<vmem>> -> memref<1x64xi32, #tpu.memory_space<vmem>>
        %dma_wait3A_170 = tpu.memref_squeeze %dma_wait3A_169 : memref<1x64xi32, #tpu.memory_space<vmem>> -> memref<64xi32, #tpu.memory_space<vmem>>
        %dma_wait3A_171 = arith.constant 0 : i32
        %dma_wait3A_172 = arith.constant 0 : i32
        %dma_wait3A_173 = tpu.memref_slice %arg9[%dma_wait3A_171, %dma_wait3A_172] : memref<10240x128xf32, #tpu.memory_space<vmem_shared>> -> memref<10240x128xf32, #tpu.memory_space<vmem_shared>>
        tpu.wait_indirect_dma semaphore(%run_scoped3A_161 : memref<!tpu.dma_semaphore, #tpu.memory_space<semaphore_mem>>) src(%arg8 : memref<64x128xf32, #tpu.memory_space<vmem>>) dst(%dma_wait3A_173 : memref<10240x128xf32, #tpu.memory_space<vmem_shared>>)
        tpu.yield
      }) : () -> ()
      %add3A_146 = arith.constant 2 : i32
      %add3A_147 = arith.addi %mul3A_88, %add3A_146 : i32
      %lt3A_148 = arith.constant 157 : i32
      %lt3A_149 = arith.cmpi slt, %add3A_147, %lt3A_148 : i32
      %convert_element_type3A_150 = arith.extui %lt3A_149 : i1 to i32
      %cond3A_151 = arith.constant 0 : i32
      %cond3A_152 = arith.cmpi ne, %convert_element_type3A_150, %cond3A_151 : i32
      scf.if %cond3A_152 {
        %dma_wait3A_161 = arith.constant 0 : i32
        %dma_wait3A_162 = arith.constant 0 : i32
        %dma_wait3A_163 = arith.constant 0 : i32
        %dma_wait3A_164 = arith.constant 0 : i32
        %dma_wait3A_165 = tpu.memref_slice %arg3[%arg1, %dma_wait3A_162, %dma_wait3A_163, %dma_wait3A_164] : memref<16x157x2x64xi32, #tpu.memory_space<hbm>> -> memref<1x157x2x64xi32, #tpu.memory_space<hbm>>
        %dma_wait3A_166 = tpu.memref_squeeze %dma_wait3A_165 : memref<1x157x2x64xi32, #tpu.memory_space<hbm>> -> memref<157x2x64xi32, #tpu.memory_space<hbm>>
        %dma_wait3A_167 = arith.constant 0 : i32
        %dma_wait3A_168 = arith.constant 0 : i32
        %dma_wait3A_169 = tpu.memref_slice %dma_wait3A_166[%dma_wait3A_161, %dma_wait3A_167, %dma_wait3A_168] : memref<157x2x64xi32, #tpu.memory_space<hbm>> -> memref<1x2x64xi32, #tpu.memory_space<hbm>>
        %dma_wait3A_170 = tpu.memref_squeeze %dma_wait3A_169 : memref<1x2x64xi32, #tpu.memory_space<hbm>> -> memref<2x64xi32, #tpu.memory_space<hbm>>
        %dma_wait3A_171 = arith.constant 0 : i32
        %dma_wait3A_172 = arith.constant 0 : i32
        %dma_wait3A_173 = arith.constant 0 : i32
        %dma_wait3A_174 = tpu.memref_slice %arg3[%arg1, %dma_wait3A_171, %dma_wait3A_172, %dma_wait3A_173] : memref<16x157x2x64xi32, #tpu.memory_space<hbm>> -> memref<1x157x2x64xi32, #tpu.memory_space<hbm>>
        %dma_wait3A_175 = tpu.memref_squeeze %dma_wait3A_174 : memref<1x157x2x64xi32, #tpu.memory_space<hbm>> -> memref<157x2x64xi32, #tpu.memory_space<hbm>>
        %dma_wait3A_176 = arith.constant 0 : i32
        %dma_wait3A_177 = arith.constant 0 : i32
        %dma_wait3A_178 = tpu.memref_slice %dma_wait3A_175[%dma_wait3A_161, %dma_wait3A_176, %dma_wait3A_177] : memref<157x2x64xi32, #tpu.memory_space<hbm>> -> memref<1x2x64xi32, #tpu.memory_space<hbm>>
        %dma_wait3A_179 = tpu.memref_squeeze %dma_wait3A_178 : memref<1x2x64xi32, #tpu.memory_space<hbm>> -> memref<2x64xi32, #tpu.memory_space<hbm>>
        tpu.wait_dma2 semaphore(%arg12 : memref<!tpu.dma_semaphore, #tpu.memory_space<semaphore_mem>>) src(%dma_wait3A_179 : memref<2x64xi32, #tpu.memory_space<hbm>>) dst(%arg5 : memref<2x64xi32, #tpu.memory_space<vmem>>)
        %dma_start3A_180 = arith.constant 0 : i32
        %dma_start3A_181 = arith.constant 0 : i32
        %dma_start3A_182 = tpu.memref_slice %arg5[%dma_start3A_180, %dma_start3A_181] : memref<2x64xi32, #tpu.memory_space<vmem>> -> memref<1x64xi32, #tpu.memory_space<vmem>>
        %dma_start3A_183 = tpu.memref_squeeze %dma_start3A_182 : memref<1x64xi32, #tpu.memory_space<vmem>> -> memref<64xi32, #tpu.memory_space<vmem>>
        %dma_start3A_184 = arith.constant 0 : i32
        %dma_start3A_185 = arith.constant 0 : i32
        %dma_start3A_186 = tpu.memref_slice %arg2[%arg0, %dma_start3A_184, %dma_start3A_185] : memref<2x10240x128xf32, #tpu.memory_space<hbm>> -> memref<1x10240x128xf32, #tpu.memory_space<hbm>>
        %dma_start3A_187 = tpu.memref_squeeze %dma_start3A_186 : memref<1x10240x128xf32, #tpu.memory_space<hbm>> -> memref<10240x128xf32, #tpu.memory_space<hbm>>
        %dma_start3A_188 = arith.constant 0 : i32
        %dma_start3A_189 = arith.constant 0 : i32
        %dma_start3A_190 = tpu.memref_slice %dma_start3A_187[%dma_start3A_188, %dma_start3A_189] : memref<10240x128xf32, #tpu.memory_space<hbm>> -> memref<10240x128xf32, #tpu.memory_space<hbm>>
        tpu.enqueue_indirect_dma source(%dma_start3A_190 : memref<10240x128xf32, #tpu.memory_space<hbm>>) target(%arg7 : memref<64x128xf32, #tpu.memory_space<vmem>>) offsets(%dma_start3A_183 : memref<64xi32, #tpu.memory_space<vmem>>) semaphore(%arg10 : memref<!tpu.dma_semaphore, #tpu.memory_space<semaphore_mem>>)
      } else {
      }
      %add3A_153 = arith.constant 3 : i32
      %add3A_154 = arith.addi %mul3A_88, %add3A_153 : i32
      %lt3A_155 = arith.constant 157 : i32
      %lt3A_156 = arith.cmpi slt, %add3A_154, %lt3A_155 : i32
      %convert_element_type3A_157 = arith.extui %lt3A_156 : i1 to i32
      %cond3A_158 = arith.constant 0 : i32
      %cond3A_159 = arith.cmpi ne, %convert_element_type3A_157, %cond3A_158 : i32
      scf.if %cond3A_159 {
        %add3A_161 = arith.constant 3 : i32
        %add3A_162 = arith.addi %mul3A_88, %add3A_161 : i32
        %dma_start3A_163 = arith.constant 0 : i32
        %dma_start3A_164 = arith.constant 0 : i32
        %dma_start3A_165 = arith.constant 0 : i32
        %dma_start3A_166 = tpu.memref_slice %arg3[%arg1, %dma_start3A_163, %dma_start3A_164, %dma_start3A_165] : memref<16x157x2x64xi32, #tpu.memory_space<hbm>> -> memref<1x157x2x64xi32, #tpu.memory_space<hbm>>
        %dma_start3A_167 = tpu.memref_squeeze %dma_start3A_166 : memref<1x157x2x64xi32, #tpu.memory_space<hbm>> -> memref<157x2x64xi32, #tpu.memory_space<hbm>>
        %dma_start3A_168 = arith.constant 0 : i32
        %dma_start3A_169 = arith.constant 0 : i32
        %dma_start3A_170 = tpu.memref_slice %dma_start3A_167[%add3A_162, %dma_start3A_168, %dma_start3A_169] : memref<157x2x64xi32, #tpu.memory_space<hbm>> -> memref<1x2x64xi32, #tpu.memory_space<hbm>>
        %dma_start3A_171 = tpu.memref_squeeze %dma_start3A_170 : memref<1x2x64xi32, #tpu.memory_space<hbm>> -> memref<2x64xi32, #tpu.memory_space<hbm>>
        %dma_start3A_172 = arith.constant 0 : i32
        %dma_start3A_173 = arith.constant 0 : i32
        %dma_start3A_174 = arith.constant 0 : i32
        %dma_start3A_175 = tpu.memref_slice %arg3[%arg1, %dma_start3A_172, %dma_start3A_173, %dma_start3A_174] : memref<16x157x2x64xi32, #tpu.memory_space<hbm>> -> memref<1x157x2x64xi32, #tpu.memory_space<hbm>>
        %dma_start3A_176 = tpu.memref_squeeze %dma_start3A_175 : memref<1x157x2x64xi32, #tpu.memory_space<hbm>> -> memref<157x2x64xi32, #tpu.memory_space<hbm>>
        %dma_start3A_177 = arith.constant 0 : i32
        %dma_start3A_178 = arith.constant 0 : i32
        %dma_start3A_179 = tpu.memref_slice %dma_start3A_176[%add3A_162, %dma_start3A_177, %dma_start3A_178] : memref<157x2x64xi32, #tpu.memory_space<hbm>> -> memref<1x2x64xi32, #tpu.memory_space<hbm>>
        %dma_start3A_180 = tpu.memref_squeeze %dma_start3A_179 : memref<1x2x64xi32, #tpu.memory_space<hbm>> -> memref<2x64xi32, #tpu.memory_space<hbm>>
        tpu.enqueue_dma source(%dma_start3A_180 : memref<2x64xi32, #tpu.memory_space<hbm>>) target(%arg6 : memref<2x64xi32, #tpu.memory_space<vmem>>) target_semaphore(%arg13 : memref<!tpu.dma_semaphore, #tpu.memory_space<semaphore_mem>>)
      } else {
      }
      %scan3A_160 = arith.constant 0 : i32
      scf.yield %scan3A_160 : i32
    }
    %scan3A_72 = arith.constant 78 : i32
    %dma_wait3A_73 = arith.constant 0 : i32
    %dma_wait3A_74 = arith.constant 0 : i32
    %dma_wait3A_75 = tpu.memref_slice %arg5[%dma_wait3A_73, %dma_wait3A_74] : memref<2x64xi32, #tpu.memory_space<vmem>> -> memref<1x64xi32, #tpu.memory_space<vmem>>
    %dma_wait3A_76 = tpu.memref_squeeze %dma_wait3A_75 : memref<1x64xi32, #tpu.memory_space<vmem>> -> memref<64xi32, #tpu.memory_space<vmem>>
    %dma_wait3A_77 = arith.constant 0 : i32
    %dma_wait3A_78 = arith.constant 0 : i32
    %dma_wait3A_79 = tpu.memref_slice %arg2[%arg0, %dma_wait3A_77, %dma_wait3A_78] : memref<2x10240x128xf32, #tpu.memory_space<hbm>> -> memref<1x10240x128xf32, #tpu.memory_space<hbm>>
    %dma_wait3A_80 = tpu.memref_squeeze %dma_wait3A_79 : memref<1x10240x128xf32, #tpu.memory_space<hbm>> -> memref<10240x128xf32, #tpu.memory_space<hbm>>
    %dma_wait3A_81 = arith.constant 0 : i32
    %dma_wait3A_82 = arith.constant 0 : i32
    %dma_wait3A_83 = tpu.memref_slice %dma_wait3A_80[%dma_wait3A_81, %dma_wait3A_82] : memref<10240x128xf32, #tpu.memory_space<hbm>> -> memref<10240x128xf32, #tpu.memory_space<hbm>>
    tpu.wait_indirect_dma semaphore(%arg10 : memref<!tpu.dma_semaphore, #tpu.memory_space<semaphore_mem>>) src(%dma_wait3A_83 : memref<10240x128xf32, #tpu.memory_space<hbm>>) dst(%arg7 : memref<64x128xf32, #tpu.memory_space<vmem>>)
    %run_scoped3A = arith.constant 1 : i32
    "tpu.region"() ({
      %run_scoped3A_85 = tpu.sem_alloc : memref<!tpu.dma_semaphore, #tpu.memory_space<semaphore_mem>>
      %dma_start3A_86 = arith.constant 0 : i32
      %dma_start3A_87 = tpu.memref_slice %arg5[%run_scoped3A, %dma_start3A_86] : memref<2x64xi32, #tpu.memory_space<vmem>> -> memref<1x64xi32, #tpu.memory_space<vmem>>
      %dma_start3A_88 = tpu.memref_squeeze %dma_start3A_87 : memref<1x64xi32, #tpu.memory_space<vmem>> -> memref<64xi32, #tpu.memory_space<vmem>>
      %dma_start3A_89 = arith.constant 0 : i32
      %dma_start3A_90 = arith.constant 0 : i32
      %dma_start3A_91 = tpu.memref_slice %arg9[%dma_start3A_89, %dma_start3A_90] : memref<10240x128xf32, #tpu.memory_space<vmem_shared>> -> memref<10240x128xf32, #tpu.memory_space<vmem_shared>>
      tpu.enqueue_indirect_dma source(%arg7 : memref<64x128xf32, #tpu.memory_space<vmem>>) target(%dma_start3A_91 : memref<10240x128xf32, #tpu.memory_space<vmem_shared>>) offsets(%dma_start3A_88 : memref<64xi32, #tpu.memory_space<vmem>>) semaphore(%run_scoped3A_85 : memref<!tpu.dma_semaphore, #tpu.memory_space<semaphore_mem>>) {add = true}
      %dma_wait3A_92 = arith.constant 0 : i32
      %dma_wait3A_93 = tpu.memref_slice %arg5[%run_scoped3A, %dma_wait3A_92] : memref<2x64xi32, #tpu.memory_space<vmem>> -> memref<1x64xi32, #tpu.memory_space<vmem>>
      %dma_wait3A_94 = tpu.memref_squeeze %dma_wait3A_93 : memref<1x64xi32, #tpu.memory_space<vmem>> -> memref<64xi32, #tpu.memory_space<vmem>>
      %dma_wait3A_95 = arith.constant 0 : i32
      %dma_wait3A_96 = arith.constant 0 : i32
      %dma_wait3A_97 = tpu.memref_slice %arg9[%dma_wait3A_95, %dma_wait3A_96] : memref<10240x128xf32, #tpu.memory_space<vmem_shared>> -> memref<10240x128xf32, #tpu.memory_space<vmem_shared>>
      tpu.wait_indirect_dma semaphore(%run_scoped3A_85 : memref<!tpu.dma_semaphore, #tpu.memory_space<semaphore_mem>>) src(%arg7 : memref<64x128xf32, #tpu.memory_space<vmem>>) dst(%dma_wait3A_97 : memref<10240x128xf32, #tpu.memory_space<vmem_shared>>)
      tpu.yield
    }) : () -> ()
    %barrier3A_84 = arith.constant 0 : index
    tpu.barrier barrier_id(%barrier3A_84)
    "tpu.region"() ({
      %run_scoped3A_85 = tpu.sem_alloc : memref<!tpu.dma_semaphore, #tpu.memory_space<semaphore_mem>>
      %dma_start3A_86 = arith.constant 0 : i32
      %dma_start3A_87 = arith.constant 0 : i32
      %dma_start3A_88 = tpu.memref_slice %arg4[%arg0, %dma_start3A_86, %dma_start3A_87] : memref<2x10240x128xf32, #tpu.memory_space<hbm>> -> memref<1x10240x128xf32, #tpu.memory_space<hbm>>
      %dma_start3A_89 = tpu.memref_squeeze %dma_start3A_88 : memref<1x10240x128xf32, #tpu.memory_space<hbm>> -> memref<10240x128xf32, #tpu.memory_space<hbm>>
      %dma_start3A_90 = arith.constant 0 : i32
      %dma_start3A_91 = tpu.memref_slice %dma_start3A_89[%mul3A_0, %dma_start3A_90] : memref<10240x128xf32, #tpu.memory_space<hbm>> -> memref<640x128xf32, #tpu.memory_space<hbm>>
      %dma_start3A_92 = arith.constant 0 : i32
      %dma_start3A_93 = tpu.memref_slice %arg9[%mul3A_0, %dma_start3A_92] : memref<10240x128xf32, #tpu.memory_space<vmem_shared>> -> memref<640x128xf32, #tpu.memory_space<vmem_shared>>
      tpu.enqueue_dma source(%dma_start3A_93 : memref<640x128xf32, #tpu.memory_space<vmem_shared>>) target(%dma_start3A_91 : memref<640x128xf32, #tpu.memory_space<hbm>>) target_semaphore(%run_scoped3A_85 : memref<!tpu.dma_semaphore, #tpu.memory_space<semaphore_mem>>)
      %dma_wait3A_94 = arith.constant 0 : i32
      %dma_wait3A_95 = arith.constant 0 : i32
      %dma_wait3A_96 = tpu.memref_slice %arg4[%arg0, %dma_wait3A_94, %dma_wait3A_95] : memref<2x10240x128xf32, #tpu.memory_space<hbm>> -> memref<1x10240x128xf32, #tpu.memory_space<hbm>>
      %dma_wait3A_97 = tpu.memref_squeeze %dma_wait3A_96 : memref<1x10240x128xf32, #tpu.memory_space<hbm>> -> memref<10240x128xf32, #tpu.memory_space<hbm>>
      %dma_wait3A_98 = arith.constant 0 : i32
      %dma_wait3A_99 = tpu.memref_slice %dma_wait3A_97[%mul3A_0, %dma_wait3A_98] : memref<10240x128xf32, #tpu.memory_space<hbm>> -> memref<640x128xf32, #tpu.memory_space<hbm>>
      %dma_wait3A_100 = arith.constant 0 : i32
      %dma_wait3A_101 = tpu.memref_slice %arg9[%mul3A_0, %dma_wait3A_100] : memref<10240x128xf32, #tpu.memory_space<vmem_shared>> -> memref<640x128xf32, #tpu.memory_space<vmem_shared>>
      tpu.wait_dma2 semaphore(%run_scoped3A_85 : memref<!tpu.dma_semaphore, #tpu.memory_space<semaphore_mem>>) src(%dma_wait3A_101 : memref<640x128xf32, #tpu.memory_space<vmem_shared>>) dst(%dma_wait3A_99 : memref<640x128xf32, #tpu.memory_space<hbm>>)
      tpu.yield
    }) : () -> ()
    return
  }
}

#map = affine_map<(d0, d1) -> (0, 0, 0)>
#map1 = affine_map<(d0, d1) -> (0, 0, 0, 0)>
module attributes {stable_mosaic.version = 14 : i64} {
  func.func @sc_spmm(%arg0: i32, %arg1: i32, %arg2: memref<2x10240x128xf32, #tpu.memory_space<hbm>>, %arg3: memref<16x157x2x64xi32, #tpu.memory_space<hbm>>, %arg4: memref<2x10240x128xf32, #tpu.memory_space<hbm>>, %arg5: memref<2x64xi32, #tpu.memory_space<vmem>>, %arg6: memref<2x64xi32, #tpu.memory_space<vmem>>, %arg7: memref<64x128xf32, #tpu.memory_space<vmem>>, %arg8: memref<64x128xf32, #tpu.memory_space<vmem>>, %arg9: memref<10240x128xf32, #tpu.memory_space<vmem_shared>>, %arg10: memref<!tpu.dma_semaphore, #tpu.memory_space<semaphore_mem>>, %arg11: memref<!tpu.dma_semaphore, #tpu.memory_space<semaphore_mem>>, %arg12: memref<!tpu.dma_semaphore, #tpu.memory_space<semaphore_mem>>, %arg13: memref<!tpu.dma_semaphore, #tpu.memory_space<semaphore_mem>>) attributes {dimension_semantics = [#tpu.dimension_semantics<core_parallel>, #tpu.dimension_semantics<subcore_parallel>], iteration_bounds = array<i64: 2, 16>, scalar_prefetch = 0 : i64, scratch_operands = 9 : i64, tpu.core_type = #tpu.core_type<sc_vector_subcore>, window_params = [{transform_indices = #map}, {transform_indices = #map1}, {transform_indices = #map}]} {
    %mul3A = arith.constant 640 : i32
    %mul3A_0 = arith.muli %arg1, %mul3A : i32
    "tpu.region"() ({
      %run_scoped3A_85 = tpu.sem_alloc : memref<!tpu.dma_semaphore, #tpu.memory_space<semaphore_mem>>
      %dma_start3A_86 = arith.constant 0 : i32
      %dma_start3A_87 = tpu.memref_slice %arg9[%mul3A_0, %dma_start3A_86] : memref<10240x128xf32, #tpu.memory_space<vmem_shared>> -> memref<640x128xf32, #tpu.memory_space<vmem_shared>>
      %dma_start3A_88 = arith.constant 0 : i32
      %dma_start3A_89 = arith.constant 0 : i32
      %dma_start3A_90 = tpu.memref_slice %arg2[%arg0, %dma_start3A_88, %dma_start3A_89] : memref<2x10240x128xf32, #tpu.memory_space<hbm>> -> memref<1x10240x128xf32, #tpu.memory_space<hbm>>
      %dma_start3A_91 = tpu.memref_squeeze %dma_start3A_90 : memref<1x10240x128xf32, #tpu.memory_space<hbm>> -> memref<10240x128xf32, #tpu.memory_space<hbm>>
      %dma_start3A_92 = arith.constant 0 : i32
      %dma_start3A_93 = tpu.memref_slice %dma_start3A_91[%mul3A_0, %dma_start3A_92] : memref<10240x128xf32, #tpu.memory_space<hbm>> -> memref<640x128xf32, #tpu.memory_space<hbm>>
      tpu.enqueue_dma source(%dma_start3A_93 : memref<640x128xf32, #tpu.memory_space<hbm>>) target(%dma_start3A_87 : memref<640x128xf32, #tpu.memory_space<vmem_shared>>) target_semaphore(%run_scoped3A_85 : memref<!tpu.dma_semaphore, #tpu.memory_space<semaphore_mem>>)
      %dma_wait3A_94 = arith.constant 0 : i32
      %dma_wait3A_95 = tpu.memref_slice %arg9[%mul3A_0, %dma_wait3A_94] : memref<10240x128xf32, #tpu.memory_space<vmem_shared>> -> memref<640x128xf32, #tpu.memory_space<vmem_shared>>
      %dma_wait3A_96 = arith.constant 0 : i32
      %dma_wait3A_97 = arith.constant 0 : i32
      %dma_wait3A_98 = tpu.memref_slice %arg2[%arg0, %dma_wait3A_96, %dma_wait3A_97] : memref<2x10240x128xf32, #tpu.memory_space<hbm>> -> memref<1x10240x128xf32, #tpu.memory_space<hbm>>
      %dma_wait3A_99 = tpu.memref_squeeze %dma_wait3A_98 : memref<1x10240x128xf32, #tpu.memory_space<hbm>> -> memref<10240x128xf32, #tpu.memory_space<hbm>>
      %dma_wait3A_100 = arith.constant 0 : i32
      %dma_wait3A_101 = tpu.memref_slice %dma_wait3A_99[%mul3A_0, %dma_wait3A_100] : memref<10240x128xf32, #tpu.memory_space<hbm>> -> memref<640x128xf32, #tpu.memory_space<hbm>>
      tpu.wait_dma2 semaphore(%run_scoped3A_85 : memref<!tpu.dma_semaphore, #tpu.memory_space<semaphore_mem>>) src(%dma_wait3A_101 : memref<640x128xf32, #tpu.memory_space<hbm>>) dst(%dma_wait3A_95 : memref<640x128xf32, #tpu.memory_space<vmem_shared>>)
      tpu.yield
    }) : () -> ()
    %barrier3A = arith.constant 0 : index
    tpu.barrier barrier_id(%barrier3A)
    %dma_start3A = arith.constant 0 : i32
    %dma_start3A_1 = arith.constant 0 : i32
    %dma_start3A_2 = arith.constant 0 : i32
    %dma_start3A_3 = arith.constant 0 : i32
    %dma_start3A_4 = tpu.memref_slice %arg3[%arg1, %dma_start3A_1, %dma_start3A_2, %dma_start3A_3] : memref<16x157x2x64xi32, #tpu.memory_space<hbm>> -> memref<1x157x2x64xi32, #tpu.memory_space<hbm>>
    %dma_start3A_5 = tpu.memref_squeeze %dma_start3A_4 : memref<1x157x2x64xi32, #tpu.memory_space<hbm>> -> memref<157x2x64xi32, #tpu.memory_space<hbm>>
    %dma_start3A_6 = arith.constant 0 : i32
    %dma_start3A_7 = arith.constant 0 : i32
    %dma_start3A_8 = tpu.memref_slice %dma_start3A_5[%dma_start3A, %dma_start3A_6, %dma_start3A_7] : memref<157x2x64xi32, #tpu.memory_space<hbm>> -> memref<1x2x64xi32, #tpu.memory_space<hbm>>
    %dma_start3A_9 = tpu.memref_squeeze %dma_start3A_8 : memref<1x2x64xi32, #tpu.memory_space<hbm>> -> memref<2x64xi32, #tpu.memory_space<hbm>>
    %dma_start3A_10 = arith.constant 0 : i32
    %dma_start3A_11 = arith.constant 0 : i32
    %dma_start3A_12 = arith.constant 0 : i32
    %dma_start3A_13 = tpu.memref_slice %arg3[%arg1, %dma_start3A_10, %dma_start3A_11, %dma_start3A_12] : memref<16x157x2x64xi32, #tpu.memory_space<hbm>> -> memref<1x157x2x64xi32, #tpu.memory_space<hbm>>
    %dma_start3A_14 = tpu.memref_squeeze %dma_start3A_13 : memref<1x157x2x64xi32, #tpu.memory_space<hbm>> -> memref<157x2x64xi32, #tpu.memory_space<hbm>>
    %dma_start3A_15 = arith.constant 0 : i32
    %dma_start3A_16 = arith.constant 0 : i32
    %dma_start3A_17 = tpu.memref_slice %dma_start3A_14[%dma_start3A, %dma_start3A_15, %dma_start3A_16] : memref<157x2x64xi32, #tpu.memory_space<hbm>> -> memref<1x2x64xi32, #tpu.memory_space<hbm>>
    %dma_start3A_18 = tpu.memref_squeeze %dma_start3A_17 : memref<1x2x64xi32, #tpu.memory_space<hbm>> -> memref<2x64xi32, #tpu.memory_space<hbm>>
    tpu.enqueue_dma source(%dma_start3A_18 : memref<2x64xi32, #tpu.memory_space<hbm>>) target(%arg5 : memref<2x64xi32, #tpu.memory_space<vmem>>) target_semaphore(%arg12 : memref<!tpu.dma_semaphore, #tpu.memory_space<semaphore_mem>>)
    %dma_start3A_19 = arith.constant 1 : i32
    %dma_start3A_20 = arith.constant 0 : i32
    %dma_start3A_21 = arith.constant 0 : i32
    %dma_start3A_22 = arith.constant 0 : i32
    %dma_start3A_23 = tpu.memref_slice %arg3[%arg1, %dma_start3A_20, %dma_start3A_21, %dma_start3A_22] : memref<16x157x2x64xi32, #tpu.memory_space<hbm>> -> memref<1x157x2x64xi32, #tpu.memory_space<hbm>>
    %dma_start3A_24 = tpu.memref_squeeze %dma_start3A_23 : memref<1x157x2x64xi32, #tpu.memory_space<hbm>> -> memref<157x2x64xi32, #tpu.memory_space<hbm>>
    %dma_start3A_25 = arith.constant 0 : i32
    %dma_start3A_26 = arith.constant 0 : i32
    %dma_start3A_27 = tpu.memref_slice %dma_start3A_24[%dma_start3A_19, %dma_start3A_25, %dma_start3A_26] : memref<157x2x64xi32, #tpu.memory_space<hbm>> -> memref<1x2x64xi32, #tpu.memory_space<hbm>>
    %dma_start3A_28 = tpu.memref_squeeze %dma_start3A_27 : memref<1x2x64xi32, #tpu.memory_space<hbm>> -> memref<2x64xi32, #tpu.memory_space<hbm>>
    %dma_start3A_29 = arith.constant 0 : i32
    %dma_start3A_30 = arith.constant 0 : i32
    %dma_start3A_31 = arith.constant 0 : i32
    %dma_start3A_32 = tpu.memref_slice %arg3[%arg1, %dma_start3A_29, %dma_start3A_30, %dma_start3A_31] : memref<16x157x2x64xi32, #tpu.memory_space<hbm>> -> memref<1x157x2x64xi32, #tpu.memory_space<hbm>>
    %dma_start3A_33 = tpu.memref_squeeze %dma_start3A_32 : memref<1x157x2x64xi32, #tpu.memory_space<hbm>> -> memref<157x2x64xi32, #tpu.memory_space<hbm>>
    %dma_start3A_34 = arith.constant 0 : i32
    %dma_start3A_35 = arith.constant 0 : i32
    %dma_start3A_36 = tpu.memref_slice %dma_start3A_33[%dma_start3A_19, %dma_start3A_34, %dma_start3A_35] : memref<157x2x64xi32, #tpu.memory_space<hbm>> -> memref<1x2x64xi32, #tpu.memory_space<hbm>>
    %dma_start3A_37 = tpu.memref_squeeze %dma_start3A_36 : memref<1x2x64xi32, #tpu.memory_space<hbm>> -> memref<2x64xi32, #tpu.memory_space<hbm>>
    tpu.enqueue_dma source(%dma_start3A_37 : memref<2x64xi32, #tpu.memory_space<hbm>>) target(%arg6 : memref<2x64xi32, #tpu.memory_space<vmem>>) target_semaphore(%arg13 : memref<!tpu.dma_semaphore, #tpu.memory_space<semaphore_mem>>)
    %dma_wait3A = arith.constant 0 : i32
    %dma_wait3A_38 = arith.constant 0 : i32
    %dma_wait3A_39 = arith.constant 0 : i32
    %dma_wait3A_40 = arith.constant 0 : i32
    %dma_wait3A_41 = tpu.memref_slice %arg3[%arg1, %dma_wait3A_38, %dma_wait3A_39, %dma_wait3A_40] : memref<16x157x2x64xi32, #tpu.memory_space<hbm>> -> memref<1x157x2x64xi32, #tpu.memory_space<hbm>>
    %dma_wait3A_42 = tpu.memref_squeeze %dma_wait3A_41 : memref<1x157x2x64xi32, #tpu.memory_space<hbm>> -> memref<157x2x64xi32, #tpu.memory_space<hbm>>
    %dma_wait3A_43 = arith.constant 0 : i32
    %dma_wait3A_44 = arith.constant 0 : i32
    %dma_wait3A_45 = tpu.memref_slice %dma_wait3A_42[%dma_wait3A, %dma_wait3A_43, %dma_wait3A_44] : memref<157x2x64xi32, #tpu.memory_space<hbm>> -> memref<1x2x64xi32, #tpu.memory_space<hbm>>
    %dma_wait3A_46 = tpu.memref_squeeze %dma_wait3A_45 : memref<1x2x64xi32, #tpu.memory_space<hbm>> -> memref<2x64xi32, #tpu.memory_space<hbm>>
    %dma_wait3A_47 = arith.constant 0 : i32
    %dma_wait3A_48 = arith.constant 0 : i32
    %dma_wait3A_49 = arith.constant 0 : i32
    %dma_wait3A_50 = tpu.memref_slice %arg3[%arg1, %dma_wait3A_47, %dma_wait3A_48, %dma_wait3A_49] : memref<16x157x2x64xi32, #tpu.memory_space<hbm>> -> memref<1x157x2x64xi32, #tpu.memory_space<hbm>>
    %dma_wait3A_51 = tpu.memref_squeeze %dma_wait3A_50 : memref<1x157x2x64xi32, #tpu.memory_space<hbm>> -> memref<157x2x64xi32, #tpu.memory_space<hbm>>
    %dma_wait3A_52 = arith.constant 0 : i32
    %dma_wait3A_53 = arith.constant 0 : i32
    %dma_wait3A_54 = tpu.memref_slice %dma_wait3A_51[%dma_wait3A, %dma_wait3A_52, %dma_wait3A_53] : memref<157x2x64xi32, #tpu.memory_space<hbm>> -> memref<1x2x64xi32, #tpu.memory_space<hbm>>
    %dma_wait3A_55 = tpu.memref_squeeze %dma_wait3A_54 : memref<1x2x64xi32, #tpu.memory_space<hbm>> -> memref<2x64xi32, #tpu.memory_space<hbm>>
    tpu.wait_dma2 semaphore(%arg12 : memref<!tpu.dma_semaphore, #tpu.memory_space<semaphore_mem>>) src(%dma_wait3A_55 : memref<2x64xi32, #tpu.memory_space<hbm>>) dst(%arg5 : memref<2x64xi32, #tpu.memory_space<vmem>>)
    %dma_start3A_56 = arith.constant 0 : i32
    %dma_start3A_57 = arith.constant 0 : i32
    %dma_start3A_58 = tpu.memref_slice %arg5[%dma_start3A_56, %dma_start3A_57] : memref<2x64xi32, #tpu.memory_space<vmem>> -> memref<1x64xi32, #tpu.memory_space<vmem>>
    %dma_start3A_59 = tpu.memref_squeeze %dma_start3A_58 : memref<1x64xi32, #tpu.memory_space<vmem>> -> memref<64xi32, #tpu.memory_space<vmem>>
    %dma_start3A_60 = arith.constant 0 : i32
    %dma_start3A_61 = arith.constant 0 : i32
    %dma_start3A_62 = tpu.memref_slice %arg2[%arg0, %dma_start3A_60, %dma_start3A_61] : memref<2x10240x128xf32, #tpu.memory_space<hbm>> -> memref<1x10240x128xf32, #tpu.memory_space<hbm>>
    %dma_start3A_63 = tpu.memref_squeeze %dma_start3A_62 : memref<1x10240x128xf32, #tpu.memory_space<hbm>> -> memref<10240x128xf32, #tpu.memory_space<hbm>>
    %dma_start3A_64 = arith.constant 0 : i32
    %dma_start3A_65 = arith.constant 0 : i32
    %dma_start3A_66 = tpu.memref_slice %dma_start3A_63[%dma_start3A_64, %dma_start3A_65] : memref<10240x128xf32, #tpu.memory_space<hbm>> -> memref<10240x128xf32, #tpu.memory_space<hbm>>
    tpu.enqueue_indirect_dma source(%dma_start3A_66 : memref<10240x128xf32, #tpu.memory_space<hbm>>) target(%arg7 : memref<64x128xf32, #tpu.memory_space<vmem>>) offsets(%dma_start3A_59 : memref<64xi32, #tpu.memory_space<vmem>>) semaphore(%arg10 : memref<!tpu.dma_semaphore, #tpu.memory_space<semaphore_mem>>)
    %scan3A = arith.constant 0 : i32
    %scan3A_67 = arith.constant 0 : i32
    %scan3A_68 = arith.constant 78 : i32
    %scan3A_69 = arith.addi %scan3A_67, %scan3A_68 : i32
    %scan3A_70 = arith.constant 1 : i32
    %scan3A_71 = scf.for %scan3A_85 = %scan3A_67 to %scan3A_69 step %scan3A_70 iter_args(%scan3A_86 = %scan3A) -> (i32)  : i32 {
      %mul3A_87 = arith.constant 2 : i32
      %mul3A_88 = arith.muli %mul3A_87, %scan3A_85 : i32
      %dma_wait3A_89 = arith.constant 0 : i32
      %dma_wait3A_90 = arith.constant 0 : i32
      %dma_wait3A_91 = arith.constant 0 : i32
      %dma_wait3A_92 = arith.constant 0 : i32
      %dma_wait3A_93 = tpu.memref_slice %arg3[%arg1, %dma_wait3A_90, %dma_wait3A_91, %dma_wait3A_92] : memref<16x157x2x64xi32, #tpu.memory_space<hbm>> -> memref<1x157x2x64xi32, #tpu.memory_space<hbm>>
      %dma_wait3A_94 = tpu.memref_squeeze %dma_wait3A_93 : memref<1x157x2x64xi32, #tpu.memory_space<hbm>> -> memref<157x2x64xi32, #tpu.memory_space<hbm>>
      %dma_wait3A_95 = arith.constant 0 : i32
      %dma_wait3A_96 = arith.constant 0 : i32
      %dma_wait3A_97 = tpu.memref_slice %dma_wait3A_94[%dma_wait3A_89, %dma_wait3A_95, %dma_wait3A_96] : memref<157x2x64xi32, #tpu.memory_space<hbm>> -> memref<1x2x64xi32, #tpu.memory_space<hbm>>
      %dma_wait3A_98 = tpu.memref_squeeze %dma_wait3A_97 : memref<1x2x64xi32, #tpu.memory_space<hbm>> -> memref<2x64xi32, #tpu.memory_space<hbm>>
      %dma_wait3A_99 = arith.constant 0 : i32
      %dma_wait3A_100 = arith.constant 0 : i32
      %dma_wait3A_101 = arith.constant 0 : i32
      %dma_wait3A_102 = tpu.memref_slice %arg3[%arg1, %dma_wait3A_99, %dma_wait3A_100, %dma_wait3A_101] : memref<16x157x2x64xi32, #tpu.memory_space<hbm>> -> memref<1x157x2x64xi32, #tpu.memory_space<hbm>>
      %dma_wait3A_103 = tpu.memref_squeeze %dma_wait3A_102 : memref<1x157x2x64xi32, #tpu.memory_space<hbm>> -> memref<157x2x64xi32, #tpu.memory_space<hbm>>
      %dma_wait3A_104 = arith.constant 0 : i32
      %dma_wait3A_105 = arith.constant 0 : i32
      %dma_wait3A_106 = tpu.memref_slice %dma_wait3A_103[%dma_wait3A_89, %dma_wait3A_104, %dma_wait3A_105] : memref<157x2x64xi32, #tpu.memory_space<hbm>> -> memref<1x2x64xi32, #tpu.memory_space<hbm>>
      %dma_wait3A_107 = tpu.memref_squeeze %dma_wait3A_106 : memref<1x2x64xi32, #tpu.memory_space<hbm>> -> memref<2x64xi32, #tpu.memory_space<hbm>>
      tpu.wait_dma2 semaphore(%arg13 : memref<!tpu.dma_semaphore, #tpu.memory_space<semaphore_mem>>) src(%dma_wait3A_107 : memref<2x64xi32, #tpu.memory_space<hbm>>) dst(%arg6 : memref<2x64xi32, #tpu.memory_space<vmem>>)
      %dma_start3A_108 = arith.constant 0 : i32
      %dma_start3A_109 = arith.constant 0 : i32
      %dma_start3A_110 = tpu.memref_slice %arg6[%dma_start3A_108, %dma_start3A_109] : memref<2x64xi32, #tpu.memory_space<vmem>> -> memref<1x64xi32, #tpu.memory_space<vmem>>
      %dma_start3A_111 = tpu.memref_squeeze %dma_start3A_110 : memref<1x64xi32, #tpu.memory_space<vmem>> -> memref<64xi32, #tpu.memory_space<vmem>>
      %dma_start3A_112 = arith.constant 0 : i32
      %dma_start3A_113 = arith.constant 0 : i32
      %dma_start3A_114 = tpu.memref_slice %arg2[%arg0, %dma_start3A_112, %dma_start3A_113] : memref<2x10240x128xf32, #tpu.memory_space<hbm>> -> memref<1x10240x128xf32, #tpu.memory_space<hbm>>
      %dma_start3A_115 = tpu.memref_squeeze %dma_start3A_114 : memref<1x10240x128xf32, #tpu.memory_space<hbm>> -> memref<10240x128xf32, #tpu.memory_space<hbm>>
      %dma_start3A_116 = arith.constant 0 : i32
      %dma_start3A_117 = arith.constant 0 : i32
      %dma_start3A_118 = tpu.memref_slice %dma_start3A_115[%dma_start3A_116, %dma_start3A_117] : memref<10240x128xf32, #tpu.memory_space<hbm>> -> memref<10240x128xf32, #tpu.memory_space<hbm>>
      tpu.enqueue_indirect_dma source(%dma_start3A_118 : memref<10240x128xf32, #tpu.memory_space<hbm>>) target(%arg8 : memref<64x128xf32, #tpu.memory_space<vmem>>) offsets(%dma_start3A_111 : memref<64xi32, #tpu.memory_space<vmem>>) semaphore(%arg11 : memref<!tpu.dma_semaphore, #tpu.memory_space<semaphore_mem>>)
      %dma_wait3A_119 = arith.constant 0 : i32
      %dma_wait3A_120 = arith.constant 0 : i32
      %dma_wait3A_121 = tpu.memref_slice %arg5[%dma_wait3A_119, %dma_wait3A_120] : memref<2x64xi32, #tpu.memory_space<vmem>> -> memref<1x64xi32, #tpu.memory_space<vmem>>
      %dma_wait3A_122 = tpu.memref_squeeze %dma_wait3A_121 : memref<1x64xi32, #tpu.memory_space<vmem>> -> memref<64xi32, #tpu.memory_space<vmem>>
      %dma_wait3A_123 = arith.constant 0 : i32
      %dma_wait3A_124 = arith.constant 0 : i32
      %dma_wait3A_125 = tpu.memref_slice %arg2[%arg0, %dma_wait3A_123, %dma_wait3A_124] : memref<2x10240x128xf32, #tpu.memory_space<hbm>> -> memref<1x10240x128xf32, #tpu.memory_space<hbm>>
      %dma_wait3A_126 = tpu.memref_squeeze %dma_wait3A_125 : memref<1x10240x128xf32, #tpu.memory_space<hbm>> -> memref<10240x128xf32, #tpu.memory_space<hbm>>
      %dma_wait3A_127 = arith.constant 0 : i32
      %dma_wait3A_128 = arith.constant 0 : i32
      %dma_wait3A_129 = tpu.memref_slice %dma_wait3A_126[%dma_wait3A_127, %dma_wait3A_128] : memref<10240x128xf32, #tpu.memory_space<hbm>> -> memref<10240x128xf32, #tpu.memory_space<hbm>>
      tpu.wait_indirect_dma semaphore(%arg10 : memref<!tpu.dma_semaphore, #tpu.memory_space<semaphore_mem>>) src(%dma_wait3A_129 : memref<10240x128xf32, #tpu.memory_space<hbm>>) dst(%arg7 : memref<64x128xf32, #tpu.memory_space<vmem>>)
      %run_scoped3A_130 = arith.constant 1 : i32
      "tpu.region"() ({
        %run_scoped3A_161 = tpu.sem_alloc : memref<!tpu.dma_semaphore, #tpu.memory_space<semaphore_mem>>
        %dma_start3A_162 = arith.constant 0 : i32
        %dma_start3A_163 = tpu.memref_slice %arg5[%run_scoped3A_130, %dma_start3A_162] : memref<2x64xi32, #tpu.memory_space<vmem>> -> memref<1x64xi32, #tpu.memory_space<vmem>>
        %dma_start3A_164 = tpu.memref_squeeze %dma_start3A_163 : memref<1x64xi32, #tpu.memory_space<vmem>> -> memref<64xi32, #tpu.memory_space<vmem>>
        %dma_start3A_165 = arith.constant 0 : i32
        %dma_start3A_166 = arith.constant 0 : i32
        %dma_start3A_167 = tpu.memref_slice %arg9[%dma_start3A_165, %dma_start3A_166] : memref<10240x128xf32, #tpu.memory_space<vmem_shared>> -> memref<10240x128xf32, #tpu.memory_space<vmem_shared>>
        tpu.enqueue_indirect_dma source(%arg7 : memref<64x128xf32, #tpu.memory_space<vmem>>) target(%dma_start3A_167 : memref<10240x128xf32, #tpu.memory_space<vmem_shared>>) offsets(%dma_start3A_164 : memref<64xi32, #tpu.memory_space<vmem>>) semaphore(%run_scoped3A_161 : memref<!tpu.dma_semaphore, #tpu.memory_space<semaphore_mem>>) {add = true}
        %dma_wait3A_168 = arith.constant 0 : i32
        %dma_wait3A_169 = tpu.memref_slice %arg5[%run_scoped3A_130, %dma_wait3A_168] : memref<2x64xi32, #tpu.memory_space<vmem>> -> memref<1x64xi32, #tpu.memory_space<vmem>>
        %dma_wait3A_170 = tpu.memref_squeeze %dma_wait3A_169 : memref<1x64xi32, #tpu.memory_space<vmem>> -> memref<64xi32, #tpu.memory_space<vmem>>
        %dma_wait3A_171 = arith.constant 0 : i32
        %dma_wait3A_172 = arith.constant 0 : i32
        %dma_wait3A_173 = tpu.memref_slice %arg9[%dma_wait3A_171, %dma_wait3A_172] : memref<10240x128xf32, #tpu.memory_space<vmem_shared>> -> memref<10240x128xf32, #tpu.memory_space<vmem_shared>>
        tpu.wait_indirect_dma semaphore(%run_scoped3A_161 : memref<!tpu.dma_semaphore, #tpu.memory_space<semaphore_mem>>) src(%arg7 : memref<64x128xf32, #tpu.memory_space<vmem>>) dst(%dma_wait3A_173 : memref<10240x128xf32, #tpu.memory_space<vmem_shared>>)
        tpu.yield
      }) : () -> ()
      %add3A = arith.constant 2 : i32
      %add3A_131 = arith.addi %mul3A_88, %add3A : i32
      %lt3A = arith.constant 157 : i32
      %lt3A_132 = arith.cmpi slt, %add3A_131, %lt3A : i32
      %convert_element_type3A = arith.extui %lt3A_132 : i1 to i32
      %cond3A = arith.constant 0 : i32
      %cond3A_133 = arith.cmpi ne, %convert_element_type3A, %cond3A : i32
      scf.if %cond3A_133 {
        %add3A_161 = arith.constant 2 : i32
        %add3A_162 = arith.addi %mul3A_88, %add3A_161 : i32
        %dma_start3A_163 = arith.constant 0 : i32
        %dma_start3A_164 = arith.constant 0 : i32
        %dma_start3A_165 = arith.constant 0 : i32
        %dma_start3A_166 = tpu.memref_slice %arg3[%arg1, %dma_start3A_163, %dma_start3A_164, %dma_start3A_165] : memref<16x157x2x64xi32, #tpu.memory_space<hbm>> -> memref<1x157x2x64xi32, #tpu.memory_space<hbm>>
        %dma_start3A_167 = tpu.memref_squeeze %dma_start3A_166 : memref<1x157x2x64xi32, #tpu.memory_space<hbm>> -> memref<157x2x64xi32, #tpu.memory_space<hbm>>
        %dma_start3A_168 = arith.constant 0 : i32
        %dma_start3A_169 = arith.constant 0 : i32
        %dma_start3A_170 = tpu.memref_slice %dma_start3A_167[%add3A_162, %dma_start3A_168, %dma_start3A_169] : memref<157x2x64xi32, #tpu.memory_space<hbm>> -> memref<1x2x64xi32, #tpu.memory_space<hbm>>
        %dma_start3A_171 = tpu.memref_squeeze %dma_start3A_170 : memref<1x2x64xi32, #tpu.memory_space<hbm>> -> memref<2x64xi32, #tpu.memory_space<hbm>>
        %dma_start3A_172 = arith.constant 0 : i32
        %dma_start3A_173 = arith.constant 0 : i32
        %dma_start3A_174 = arith.constant 0 : i32
        %dma_start3A_175 = tpu.memref_slice %arg3[%arg1, %dma_start3A_172, %dma_start3A_173, %dma_start3A_174] : memref<16x157x2x64xi32, #tpu.memory_space<hbm>> -> memref<1x157x2x64xi32, #tpu.memory_space<hbm>>
        %dma_start3A_176 = tpu.memref_squeeze %dma_start3A_175 : memref<1x157x2x64xi32, #tpu.memory_space<hbm>> -> memref<157x2x64xi32, #tpu.memory_space<hbm>>
        %dma_start3A_177 = arith.constant 0 : i32
        %dma_start3A_178 = arith.constant 0 : i32
        %dma_start3A_179 = tpu.memref_slice %dma_start3A_176[%add3A_162, %dma_start3A_177, %dma_start3A_178] : memref<157x2x64xi32, #tpu.memory_space<hbm>> -> memref<1x2x64xi32, #tpu.memory_space<hbm>>
        %dma_start3A_180 = tpu.memref_squeeze %dma_start3A_179 : memref<1x2x64xi32, #tpu.memory_space<hbm>> -> memref<2x64xi32, #tpu.memory_space<hbm>>
        tpu.enqueue_dma source(%dma_start3A_180 : memref<2x64xi32, #tpu.memory_space<hbm>>) target(%arg5 : memref<2x64xi32, #tpu.memory_space<vmem>>) target_semaphore(%arg12 : memref<!tpu.dma_semaphore, #tpu.memory_space<semaphore_mem>>)
      } else {
      }
      %dma_wait3A_134 = arith.constant 0 : i32
      %dma_wait3A_135 = arith.constant 0 : i32
      %dma_wait3A_136 = tpu.memref_slice %arg6[%dma_wait3A_134, %dma_wait3A_135] : memref<2x64xi32, #tpu.memory_space<vmem>> -> memref<1x64xi32, #tpu.memory_space<vmem>>
      %dma_wait3A_137 = tpu.memref_squeeze %dma_wait3A_136 : memref<1x64xi32, #tpu.memory_space<vmem>> -> memref<64xi32, #tpu.memory_space<vmem>>
      %dma_wait3A_138 = arith.constant 0 : i32
      %dma_wait3A_139 = arith.constant 0 : i32
      %dma_wait3A_140 = tpu.memref_slice %arg2[%arg0, %dma_wait3A_138, %dma_wait3A_139] : memref<2x10240x128xf32, #tpu.memory_space<hbm>> -> memref<1x10240x128xf32, #tpu.memory_space<hbm>>
      %dma_wait3A_141 = tpu.memref_squeeze %dma_wait3A_140 : memref<1x10240x128xf32, #tpu.memory_space<hbm>> -> memref<10240x128xf32, #tpu.memory_space<hbm>>
      %dma_wait3A_142 = arith.constant 0 : i32
      %dma_wait3A_143 = arith.constant 0 : i32
      %dma_wait3A_144 = tpu.memref_slice %dma_wait3A_141[%dma_wait3A_142, %dma_wait3A_143] : memref<10240x128xf32, #tpu.memory_space<hbm>> -> memref<10240x128xf32, #tpu.memory_space<hbm>>
      tpu.wait_indirect_dma semaphore(%arg11 : memref<!tpu.dma_semaphore, #tpu.memory_space<semaphore_mem>>) src(%dma_wait3A_144 : memref<10240x128xf32, #tpu.memory_space<hbm>>) dst(%arg8 : memref<64x128xf32, #tpu.memory_space<vmem>>)
      %run_scoped3A_145 = arith.constant 1 : i32
      "tpu.region"() ({
        %run_scoped3A_161 = tpu.sem_alloc : memref<!tpu.dma_semaphore, #tpu.memory_space<semaphore_mem>>
        %dma_start3A_162 = arith.constant 0 : i32
        %dma_start3A_163 = tpu.memref_slice %arg6[%run_scoped3A_145, %dma_start3A_162] : memref<2x64xi32, #tpu.memory_space<vmem>> -> memref<1x64xi32, #tpu.memory_space<vmem>>
        %dma_start3A_164 = tpu.memref_squeeze %dma_start3A_163 : memref<1x64xi32, #tpu.memory_space<vmem>> -> memref<64xi32, #tpu.memory_space<vmem>>
        %dma_start3A_165 = arith.constant 0 : i32
        %dma_start3A_166 = arith.constant 0 : i32
        %dma_start3A_167 = tpu.memref_slice %arg9[%dma_start3A_165, %dma_start3A_166] : memref<10240x128xf32, #tpu.memory_space<vmem_shared>> -> memref<10240x128xf32, #tpu.memory_space<vmem_shared>>
        tpu.enqueue_indirect_dma source(%arg8 : memref<64x128xf32, #tpu.memory_space<vmem>>) target(%dma_start3A_167 : memref<10240x128xf32, #tpu.memory_space<vmem_shared>>) offsets(%dma_start3A_164 : memref<64xi32, #tpu.memory_space<vmem>>) semaphore(%run_scoped3A_161 : memref<!tpu.dma_semaphore, #tpu.memory_space<semaphore_mem>>) {add = true}
        %dma_wait3A_168 = arith.constant 0 : i32
        %dma_wait3A_169 = tpu.memref_slice %arg6[%run_scoped3A_145, %dma_wait3A_168] : memref<2x64xi32, #tpu.memory_space<vmem>> -> memref<1x64xi32, #tpu.memory_space<vmem>>
        %dma_wait3A_170 = tpu.memref_squeeze %dma_wait3A_169 : memref<1x64xi32, #tpu.memory_space<vmem>> -> memref<64xi32, #tpu.memory_space<vmem>>
        %dma_wait3A_171 = arith.constant 0 : i32
        %dma_wait3A_172 = arith.constant 0 : i32
        %dma_wait3A_173 = tpu.memref_slice %arg9[%dma_wait3A_171, %dma_wait3A_172] : memref<10240x128xf32, #tpu.memory_space<vmem_shared>> -> memref<10240x128xf32, #tpu.memory_space<vmem_shared>>
        tpu.wait_indirect_dma semaphore(%run_scoped3A_161 : memref<!tpu.dma_semaphore, #tpu.memory_space<semaphore_mem>>) src(%arg8 : memref<64x128xf32, #tpu.memory_space<vmem>>) dst(%dma_wait3A_173 : memref<10240x128xf32, #tpu.memory_space<vmem_shared>>)
        tpu.yield
      }) : () -> ()
      %add3A_146 = arith.constant 2 : i32
      %add3A_147 = arith.addi %mul3A_88, %add3A_146 : i32
      %lt3A_148 = arith.constant 157 : i32
      %lt3A_149 = arith.cmpi slt, %add3A_147, %lt3A_148 : i32
      %convert_element_type3A_150 = arith.extui %lt3A_149 : i1 to i32
      %cond3A_151 = arith.constant 0 : i32
      %cond3A_152 = arith.cmpi ne, %convert_element_type3A_150, %cond3A_151 : i32
      scf.if %cond3A_152 {
        %dma_wait3A_161 = arith.constant 0 : i32
        %dma_wait3A_162 = arith.constant 0 : i32
        %dma_wait3A_163 = arith.constant 0 : i32
        %dma_wait3A_164 = arith.constant 0 : i32
        %dma_wait3A_165 = tpu.memref_slice %arg3[%arg1, %dma_wait3A_162, %dma_wait3A_163, %dma_wait3A_164] : memref<16x157x2x64xi32, #tpu.memory_space<hbm>> -> memref<1x157x2x64xi32, #tpu.memory_space<hbm>>
        %dma_wait3A_166 = tpu.memref_squeeze %dma_wait3A_165 : memref<1x157x2x64xi32, #tpu.memory_space<hbm>> -> memref<157x2x64xi32, #tpu.memory_space<hbm>>
        %dma_wait3A_167 = arith.constant 0 : i32
        %dma_wait3A_168 = arith.constant 0 : i32
        %dma_wait3A_169 = tpu.memref_slice %dma_wait3A_166[%dma_wait3A_161, %dma_wait3A_167, %dma_wait3A_168] : memref<157x2x64xi32, #tpu.memory_space<hbm>> -> memref<1x2x64xi32, #tpu.memory_space<hbm>>
        %dma_wait3A_170 = tpu.memref_squeeze %dma_wait3A_169 : memref<1x2x64xi32, #tpu.memory_space<hbm>> -> memref<2x64xi32, #tpu.memory_space<hbm>>
        %dma_wait3A_171 = arith.constant 0 : i32
        %dma_wait3A_172 = arith.constant 0 : i32
        %dma_wait3A_173 = arith.constant 0 : i32
        %dma_wait3A_174 = tpu.memref_slice %arg3[%arg1, %dma_wait3A_171, %dma_wait3A_172, %dma_wait3A_173] : memref<16x157x2x64xi32, #tpu.memory_space<hbm>> -> memref<1x157x2x64xi32, #tpu.memory_space<hbm>>
        %dma_wait3A_175 = tpu.memref_squeeze %dma_wait3A_174 : memref<1x157x2x64xi32, #tpu.memory_space<hbm>> -> memref<157x2x64xi32, #tpu.memory_space<hbm>>
        %dma_wait3A_176 = arith.constant 0 : i32
        %dma_wait3A_177 = arith.constant 0 : i32
        %dma_wait3A_178 = tpu.memref_slice %dma_wait3A_175[%dma_wait3A_161, %dma_wait3A_176, %dma_wait3A_177] : memref<157x2x64xi32, #tpu.memory_space<hbm>> -> memref<1x2x64xi32, #tpu.memory_space<hbm>>
        %dma_wait3A_179 = tpu.memref_squeeze %dma_wait3A_178 : memref<1x2x64xi32, #tpu.memory_space<hbm>> -> memref<2x64xi32, #tpu.memory_space<hbm>>
        tpu.wait_dma2 semaphore(%arg12 : memref<!tpu.dma_semaphore, #tpu.memory_space<semaphore_mem>>) src(%dma_wait3A_179 : memref<2x64xi32, #tpu.memory_space<hbm>>) dst(%arg5 : memref<2x64xi32, #tpu.memory_space<vmem>>)
        %dma_start3A_180 = arith.constant 0 : i32
        %dma_start3A_181 = arith.constant 0 : i32
        %dma_start3A_182 = tpu.memref_slice %arg5[%dma_start3A_180, %dma_start3A_181] : memref<2x64xi32, #tpu.memory_space<vmem>> -> memref<1x64xi32, #tpu.memory_space<vmem>>
        %dma_start3A_183 = tpu.memref_squeeze %dma_start3A_182 : memref<1x64xi32, #tpu.memory_space<vmem>> -> memref<64xi32, #tpu.memory_space<vmem>>
        %dma_start3A_184 = arith.constant 0 : i32
        %dma_start3A_185 = arith.constant 0 : i32
        %dma_start3A_186 = tpu.memref_slice %arg2[%arg0, %dma_start3A_184, %dma_start3A_185] : memref<2x10240x128xf32, #tpu.memory_space<hbm>> -> memref<1x10240x128xf32, #tpu.memory_space<hbm>>
        %dma_start3A_187 = tpu.memref_squeeze %dma_start3A_186 : memref<1x10240x128xf32, #tpu.memory_space<hbm>> -> memref<10240x128xf32, #tpu.memory_space<hbm>>
        %dma_start3A_188 = arith.constant 0 : i32
        %dma_start3A_189 = arith.constant 0 : i32
        %dma_start3A_190 = tpu.memref_slice %dma_start3A_187[%dma_start3A_188, %dma_start3A_189] : memref<10240x128xf32, #tpu.memory_space<hbm>> -> memref<10240x128xf32, #tpu.memory_space<hbm>>
        tpu.enqueue_indirect_dma source(%dma_start3A_190 : memref<10240x128xf32, #tpu.memory_space<hbm>>) target(%arg7 : memref<64x128xf32, #tpu.memory_space<vmem>>) offsets(%dma_start3A_183 : memref<64xi32, #tpu.memory_space<vmem>>) semaphore(%arg10 : memref<!tpu.dma_semaphore, #tpu.memory_space<semaphore_mem>>)
      } else {
      }
      %add3A_153 = arith.constant 3 : i32
      %add3A_154 = arith.addi %mul3A_88, %add3A_153 : i32
      %lt3A_155 = arith.constant 157 : i32
      %lt3A_156 = arith.cmpi slt, %add3A_154, %lt3A_155 : i32
      %convert_element_type3A_157 = arith.extui %lt3A_156 : i1 to i32
      %cond3A_158 = arith.constant 0 : i32
      %cond3A_159 = arith.cmpi ne, %convert_element_type3A_157, %cond3A_158 : i32
      scf.if %cond3A_159 {
        %add3A_161 = arith.constant 3 : i32
        %add3A_162 = arith.addi %mul3A_88, %add3A_161 : i32
        %dma_start3A_163 = arith.constant 0 : i32
        %dma_start3A_164 = arith.constant 0 : i32
        %dma_start3A_165 = arith.constant 0 : i32
        %dma_start3A_166 = tpu.memref_slice %arg3[%arg1, %dma_start3A_163, %dma_start3A_164, %dma_start3A_165] : memref<16x157x2x64xi32, #tpu.memory_space<hbm>> -> memref<1x157x2x64xi32, #tpu.memory_space<hbm>>
        %dma_start3A_167 = tpu.memref_squeeze %dma_start3A_166 : memref<1x157x2x64xi32, #tpu.memory_space<hbm>> -> memref<157x2x64xi32, #tpu.memory_space<hbm>>
        %dma_start3A_168 = arith.constant 0 : i32
        %dma_start3A_169 = arith.constant 0 : i32
        %dma_start3A_170 = tpu.memref_slice %dma_start3A_167[%add3A_162, %dma_start3A_168, %dma_start3A_169] : memref<157x2x64xi32, #tpu.memory_space<hbm>> -> memref<1x2x64xi32, #tpu.memory_space<hbm>>
        %dma_start3A_171 = tpu.memref_squeeze %dma_start3A_170 : memref<1x2x64xi32, #tpu.memory_space<hbm>> -> memref<2x64xi32, #tpu.memory_space<hbm>>
        %dma_start3A_172 = arith.constant 0 : i32
        %dma_start3A_173 = arith.constant 0 : i32
        %dma_start3A_174 = arith.constant 0 : i32
        %dma_start3A_175 = tpu.memref_slice %arg3[%arg1, %dma_start3A_172, %dma_start3A_173, %dma_start3A_174] : memref<16x157x2x64xi32, #tpu.memory_space<hbm>> -> memref<1x157x2x64xi32, #tpu.memory_space<hbm>>
        %dma_start3A_176 = tpu.memref_squeeze %dma_start3A_175 : memref<1x157x2x64xi32, #tpu.memory_space<hbm>> -> memref<157x2x64xi32, #tpu.memory_space<hbm>>
        %dma_start3A_177 = arith.constant 0 : i32
        %dma_start3A_178 = arith.constant 0 : i32
        %dma_start3A_179 = tpu.memref_slice %dma_start3A_176[%add3A_162, %dma_start3A_177, %dma_start3A_178] : memref<157x2x64xi32, #tpu.memory_space<hbm>> -> memref<1x2x64xi32, #tpu.memory_space<hbm>>
        %dma_start3A_180 = tpu.memref_squeeze %dma_start3A_179 : memref<1x2x64xi32, #tpu.memory_space<hbm>> -> memref<2x64xi32, #tpu.memory_space<hbm>>
        tpu.enqueue_dma source(%dma_start3A_180 : memref<2x64xi32, #tpu.memory_space<hbm>>) target(%arg6 : memref<2x64xi32, #tpu.memory_space<vmem>>) target_semaphore(%arg13 : memref<!tpu.dma_semaphore, #tpu.memory_space<semaphore_mem>>)
      } else {
      }
      %scan3A_160 = arith.constant 0 : i32
      scf.yield %scan3A_160 : i32
    }
    %scan3A_72 = arith.constant 78 : i32
    %dma_wait3A_73 = arith.constant 0 : i32
    %dma_wait3A_74 = arith.constant 0 : i32
    %dma_wait3A_75 = tpu.memref_slice %arg5[%dma_wait3A_73, %dma_wait3A_74] : memref<2x64xi32, #tpu.memory_space<vmem>> -> memref<1x64xi32, #tpu.memory_space<vmem>>
    %dma_wait3A_76 = tpu.memref_squeeze %dma_wait3A_75 : memref<1x64xi32, #tpu.memory_space<vmem>> -> memref<64xi32, #tpu.memory_space<vmem>>
    %dma_wait3A_77 = arith.constant 0 : i32
    %dma_wait3A_78 = arith.constant 0 : i32
    %dma_wait3A_79 = tpu.memref_slice %arg2[%arg0, %dma_wait3A_77, %dma_wait3A_78] : memref<2x10240x128xf32, #tpu.memory_space<hbm>> -> memref<1x10240x128xf32, #tpu.memory_space<hbm>>
    %dma_wait3A_80 = tpu.memref_squeeze %dma_wait3A_79 : memref<1x10240x128xf32, #tpu.memory_space<hbm>> -> memref<10240x128xf32, #tpu.memory_space<hbm>>
    %dma_wait3A_81 = arith.constant 0 : i32
    %dma_wait3A_82 = arith.constant 0 : i32
    %dma_wait3A_83 = tpu.memref_slice %dma_wait3A_80[%dma_wait3A_81, %dma_wait3A_82] : memref<10240x128xf32, #tpu.memory_space<hbm>> -> memref<10240x128xf32, #tpu.memory_space<hbm>>
    tpu.wait_indirect_dma semaphore(%arg10 : memref<!tpu.dma_semaphore, #tpu.memory_space<semaphore_mem>>) src(%dma_wait3A_83 : memref<10240x128xf32, #tpu.memory_space<hbm>>) dst(%arg7 : memref<64x128xf32, #tpu.memory_space<vmem>>)
    %run_scoped3A = arith.constant 1 : i32
    "tpu.region"() ({
      %run_scoped3A_85 = tpu.sem_alloc : memref<!tpu.dma_semaphore, #tpu.memory_space<semaphore_mem>>
      %dma_start3A_86 = arith.constant 0 : i32
      %dma_start3A_87 = tpu.memref_slice %arg5[%run_scoped3A, %dma_start3A_86] : memref<2x64xi32, #tpu.memory_space<vmem>> -> memref<1x64xi32, #tpu.memory_space<vmem>>
      %dma_start3A_88 = tpu.memref_squeeze %dma_start3A_87 : memref<1x64xi32, #tpu.memory_space<vmem>> -> memref<64xi32, #tpu.memory_space<vmem>>
      %dma_start3A_89 = arith.constant 0 : i32
      %dma_start3A_90 = arith.constant 0 : i32
      %dma_start3A_91 = tpu.memref_slice %arg9[%dma_start3A_89, %dma_start3A_90] : memref<10240x128xf32, #tpu.memory_space<vmem_shared>> -> memref<10240x128xf32, #tpu.memory_space<vmem_shared>>
      tpu.enqueue_indirect_dma source(%arg7 : memref<64x128xf32, #tpu.memory_space<vmem>>) target(%dma_start3A_91 : memref<10240x128xf32, #tpu.memory_space<vmem_shared>>) offsets(%dma_start3A_88 : memref<64xi32, #tpu.memory_space<vmem>>) semaphore(%run_scoped3A_85 : memref<!tpu.dma_semaphore, #tpu.memory_space<semaphore_mem>>) {add = true}
      %dma_wait3A_92 = arith.constant 0 : i32
      %dma_wait3A_93 = tpu.memref_slice %arg5[%run_scoped3A, %dma_wait3A_92] : memref<2x64xi32, #tpu.memory_space<vmem>> -> memref<1x64xi32, #tpu.memory_space<vmem>>
      %dma_wait3A_94 = tpu.memref_squeeze %dma_wait3A_93 : memref<1x64xi32, #tpu.memory_space<vmem>> -> memref<64xi32, #tpu.memory_space<vmem>>
      %dma_wait3A_95 = arith.constant 0 : i32
      %dma_wait3A_96 = arith.constant 0 : i32
      %dma_wait3A_97 = tpu.memref_slice %arg9[%dma_wait3A_95, %dma_wait3A_96] : memref<10240x128xf32, #tpu.memory_space<vmem_shared>> -> memref<10240x128xf32, #tpu.memory_space<vmem_shared>>
      tpu.wait_indirect_dma semaphore(%run_scoped3A_85 : memref<!tpu.dma_semaphore, #tpu.memory_space<semaphore_mem>>) src(%arg7 : memref<64x128xf32, #tpu.memory_space<vmem>>) dst(%dma_wait3A_97 : memref<10240x128xf32, #tpu.memory_space<vmem_shared>>)
      tpu.yield
    }) : () -> ()
    %barrier3A_84 = arith.constant 0 : index
    tpu.barrier barrier_id(%barrier3A_84)
    "tpu.region"() ({
      %run_scoped3A_85 = tpu.sem_alloc : memref<!tpu.dma_semaphore, #tpu.memory_space<semaphore_mem>>
      %dma_start3A_86 = arith.constant 0 : i32
      %dma_start3A_87 = arith.constant 0 : i32
      %dma_start3A_88 = tpu.memref_slice %arg4[%arg0, %dma_start3A_86, %dma_start3A_87] : memref<2x10240x128xf32, #tpu.memory_space<hbm>> -> memref<1x10240x128xf32, #tpu.memory_space<hbm>>
      %dma_start3A_89 = tpu.memref_squeeze %dma_start3A_88 : memref<1x10240x128xf32, #tpu.memory_space<hbm>> -> memref<10240x128xf32, #tpu.memory_space<hbm>>
      %dma_start3A_90 = arith.constant 0 : i32
      %dma_start3A_91 = tpu.memref_slice %dma_start3A_89[%mul3A_0, %dma_start3A_90] : memref<10240x128xf32, #tpu.memory_space<hbm>> -> memref<640x128xf32, #tpu.memory_space<hbm>>
      %dma_start3A_92 = arith.constant 0 : i32
      %dma_start3A_93 = tpu.memref_slice %arg9[%mul3A_0, %dma_start3A_92] : memref<10240x128xf32, #tpu.memory_space<vmem_shared>> -> memref<640x128xf32, #tpu.memory_space<vmem_shared>>
      tpu.enqueue_dma source(%dma_start3A_93 : memref<640x128xf32, #tpu.memory_space<vmem_shared>>) target(%dma_start3A_91 : memref<640x128xf32, #tpu.memory_space<hbm>>) target_semaphore(%run_scoped3A_85 : memref<!tpu.dma_semaphore, #tpu.memory_space<semaphore_mem>>)
      %dma_wait3A_94 = arith.constant 0 : i32
      %dma_wait3A_95 = arith.constant 0 : i32
      %dma_wait3A_96 = tpu.memref_slice %arg4[%arg0, %dma_wait3A_94, %dma_wait3A_95] : memref<2x10240x128xf32, #tpu.memory_space<hbm>> -> memref<1x10240x128xf32, #tpu.memory_space<hbm>>
      %dma_wait3A_97 = tpu.memref_squeeze %dma_wait3A_96 : memref<1x10240x128xf32, #tpu.memory_space<hbm>> -> memref<10240x128xf32, #tpu.memory_space<hbm>>
      %dma_wait3A_98 = arith.constant 0 : i32
      %dma_wait3A_99 = tpu.memref_slice %dma_wait3A_97[%mul3A_0, %dma_wait3A_98] : memref<10240x128xf32, #tpu.memory_space<hbm>> -> memref<640x128xf32, #tpu.memory_space<hbm>>
      %dma_wait3A_100 = arith.constant 0 : i32
      %dma_wait3A_101 = tpu.memref_slice %arg9[%mul3A_0, %dma_wait3A_100] : memref<10240x128xf32, #tpu.memory_space<vmem_shared>> -> memref<640x128xf32, #tpu.memory_space<vmem_shared>>
      tpu.wait_dma2 semaphore(%run_scoped3A_85 : memref<!tpu.dma_semaphore, #tpu.memory_space<semaphore_mem>>) src(%dma_wait3A_101 : memref<640x128xf32, #tpu.memory_space<vmem_shared>>) dst(%dma_wait3A_99 : memref<640x128xf32, #tpu.memory_space<hbm>>)
      tpu.yield
    }) : () -> ()
    return
  }
}

module attributes {stable_mosaic.version = 14 : i64} {
  func.func @_pass1_body(%arg0: i32, %arg1: memref<1024x8xf32, #tpu.memory_space<vmem>>, %arg2: memref<8x128xf32, #tpu.memory_space<vmem>>, %arg3: memref<128xf32, #tpu.memory_space<vmem>>, %arg4: memref<128x128xf32, #tpu.memory_space<vmem>>, %arg5: memref<128xf32, #tpu.memory_space<vmem>>, %arg6: memref<1024x2xf32, #tpu.memory_space<vmem>>, %arg7: memref<2048x2xf32, #tpu.memory_space<vmem>>, %arg8: memref<2048xf32, #tpu.memory_space<vmem>>, %arg9: memref<2x128xf32, #tpu.memory_space<vmem>>, %arg10: memref<1024x128xf32, #tpu.memory_space<vmem>>, %arg11: memref<1024xf32, #tpu.memory_space<vmem>>, %arg12: memref<2048xf32, #tpu.memory_space<vmem>>, %arg13: memref<2048x128xf32, #tpu.memory_space<vmem>>) attributes {dimension_semantics = [#tpu.dimension_semantics<arbitrary>], iteration_bounds = array<i64: 5>, scalar_prefetch = 0 : i64, scratch_operands = 0 : i64, tpu.core_type = #tpu.core_type<tc>, window_params = [{pipeline_mode = #tpu.pipeline_mode<synchronous>, transform_indices = @transform_0, window_bounds = array<i64: 1024, 8>}, {pipeline_mode = #tpu.pipeline_mode<synchronous>, transform_indices = @transform_1, window_bounds = array<i64: 8, 128>}, {pipeline_mode = #tpu.pipeline_mode<synchronous>, transform_indices = @transform_2, window_bounds = array<i64: 128>}, {pipeline_mode = #tpu.pipeline_mode<synchronous>, transform_indices = @transform_3, window_bounds = array<i64: 128, 128>}, {pipeline_mode = #tpu.pipeline_mode<synchronous>, transform_indices = @transform_4, window_bounds = array<i64: 128>}, {pipeline_mode = #tpu.pipeline_mode<synchronous>, transform_indices = @transform_5, window_bounds = array<i64: 1024, 2>}, {transform_indices = @transform_6, window_bounds = array<i64: 2048, 2>}, {transform_indices = @transform_7, window_bounds = array<i64: 2048>}, {pipeline_mode = #tpu.pipeline_mode<synchronous>, transform_indices = @transform_8, window_bounds = array<i64: 2, 128>}, {pipeline_mode = #tpu.pipeline_mode<synchronous>, transform_indices = @transform_9, window_bounds = array<i64: 1024, 128>}, {pipeline_mode = #tpu.pipeline_mode<synchronous>, transform_indices = @transform_10, window_bounds = array<i64: 1024>}, {transform_indices = @transform_11, window_bounds = array<i64: 2048>}, {transform_indices = @transform_12, window_bounds = array<i64: 2048, 128>}]} {
    %eq3A = arith.constant 0 : i32
    %eq3A_0 = arith.cmpi eq, %arg0, %eq3A : i32
    %convert_element_type3A = arith.extui %eq3A_0 : i1 to i32
    %cond3A = arith.constant 0 : i32
    %cond3A_1 = arith.cmpi ne, %convert_element_type3A, %cond3A : i32
    scf.if %cond3A_1 {
      %get3A_40 = arith.constant 0 : index
      %get3A_41 = arith.constant 0 : index
      %get3A_42 = vector.load %arg1[%get3A_40, %get3A_41] : memref<1024x8xf32, #tpu.memory_space<vmem>>, vector<1024x8xf32>
      %get3A_43 = arith.constant 0 : index
      %get3A_44 = arith.constant 0 : index
      %get3A_45 = vector.load %arg2[%get3A_43, %get3A_44] : memref<8x128xf32, #tpu.memory_space<vmem>>, vector<8x128xf32>
      %dot_general3A_46 = arith.constant dense<0.000000e+00> : vector<1024x128xf32>
      %dot_general3A_47 = tpu.matmul %get3A_42, %get3A_45, %dot_general3A_46 {dimension_numbers = #tpu.dot_dimension_numbers<[1], [0], [0], [1], [0, 0, 1, 1], [], []>, transpose_lhs_hint = false} : vector<1024x8xf32>, vector<8x128xf32>, vector<1024x128xf32> -> vector<1024x128xf32>
      %get3A_48 = arith.constant 0 : index
      %get3A_49 = vector.load %arg3[%get3A_48] : memref<128xf32, #tpu.memory_space<vmem>>, vector<128xf32>
      %broadcast_in_dim3A_50 = vector.shape_cast %get3A_49 : vector<128xf32> to vector<1x128xf32>
      %add3A_51 = vector.broadcast %broadcast_in_dim3A_50 : vector<1x128xf32> to vector<1024x128xf32>
      %add3A_52 = arith.addf %dot_general3A_47, %add3A_51 : vector<1024x128xf32>
      %max3A_53 = arith.constant 0.000000e+00 : f32
      %max3A_54 = vector.broadcast %max3A_53 : f32 to vector<1024x128xf32>
      %max3A_55 = arith.maximumf %add3A_52, %max3A_54 : vector<1024x128xf32>
      %get3A_56 = arith.constant 0 : index
      %get3A_57 = arith.constant 0 : index
      %get3A_58 = vector.load %arg4[%get3A_56, %get3A_57] : memref<128x128xf32, #tpu.memory_space<vmem>>, vector<128x128xf32>
      %dot_general3A_59 = arith.constant dense<0.000000e+00> : vector<1024x128xf32>
      %dot_general3A_60 = tpu.matmul %max3A_55, %get3A_58, %dot_general3A_59 {dimension_numbers = #tpu.dot_dimension_numbers<[1], [0], [0], [1], [0, 0, 1, 1], [], []>, transpose_lhs_hint = false} : vector<1024x128xf32>, vector<128x128xf32>, vector<1024x128xf32> -> vector<1024x128xf32>
      %get3A_61 = arith.constant 0 : index
      %get3A_62 = vector.load %arg5[%get3A_61] : memref<128xf32, #tpu.memory_space<vmem>>, vector<128xf32>
      %broadcast_in_dim3A_63 = vector.shape_cast %get3A_62 : vector<128xf32> to vector<1x128xf32>
      %add3A_64 = vector.broadcast %broadcast_in_dim3A_63 : vector<1x128xf32> to vector<1024x128xf32>
      %add3A_65 = arith.addf %dot_general3A_60, %add3A_64 : vector<1024x128xf32>
      %swap3A_66 = arith.constant 0 : index
      %swap3A_67 = arith.constant 0 : index
      %swap3A_68 = vector.load %arg10[%swap3A_66, %swap3A_67] : memref<1024x128xf32, #tpu.memory_space<vmem>>, vector<1024x128xf32>
      tpu.vector_store %arg10[%swap3A_66, %swap3A_67], %add3A_65 {strides = array<i32>} : memref<1024x128xf32, #tpu.memory_space<vmem>>, vector<1024x128xf32>,
      %broadcast_in_dim3A_69 = arith.constant 0.000000e+00 : f32
      %broadcast_in_dim3A_70 = vector.broadcast %broadcast_in_dim3A_69 : f32 to vector<1024xf32>
      %swap3A_71 = arith.constant 0 : index
      %swap3A_72 = vector.load %arg11[%swap3A_71] : memref<1024xf32, #tpu.memory_space<vmem>>, vector<1024xf32>
      tpu.vector_store %arg11[%swap3A_71], %broadcast_in_dim3A_70 {strides = array<i32>} : memref<1024xf32, #tpu.memory_space<vmem>>, vector<1024xf32>,
    } else {
    }
    %get3A = arith.constant 0 : index
    %get3A_2 = arith.constant 0 : index
    %get3A_3 = vector.load %arg7[%get3A, %get3A_2] : memref<2048x2xf32, #tpu.memory_space<vmem>>, vector<2048x2xf32>
    %get3A_4 = arith.constant 0 : index
    %get3A_5 = arith.constant 0 : index
    %get3A_6 = vector.load %arg6[%get3A_4, %get3A_5] : memref<1024x2xf32, #tpu.memory_space<vmem>>, vector<1024x2xf32>
    %mul3A = arith.mulf %get3A_6, %get3A_6 : vector<1024x2xf32>
    %reduce_sum3A = arith.constant dense<0.000000e+00> : vector<1024xf32>
    %reduce_sum3A_7 = vector.multi_reduction <add>, %mul3A, %reduce_sum3A [1] : vector<1024x2xf32> to vector<1024xf32>
    %mul3A_8 = arith.mulf %get3A_3, %get3A_3 : vector<2048x2xf32>
    %reduce_sum3A_9 = arith.constant dense<0.000000e+00> : vector<2048xf32>
    %reduce_sum3A_10 = vector.multi_reduction <add>, %mul3A_8, %reduce_sum3A_9 [1] : vector<2048x2xf32> to vector<2048xf32>
    %broadcast_in_dim3A = vector.shape_cast %reduce_sum3A_7 : vector<1024xf32> to vector<1024x1xf32>
    %transpose3A = tpu.transpose %get3A_3, [1, 0] : vector<2048x2xf32> -> vector<2x2048xf32>
    %dot_general3A = arith.constant dense<0.000000e+00> : vector<1024x2048xf32>
    %dot_general3A_11 = tpu.matmul %get3A_6, %transpose3A, %dot_general3A {dimension_numbers = #tpu.dot_dimension_numbers<[1], [0], [0], [1], [0, 0, 1, 1], [], []>, transpose_lhs_hint = false} : vector<1024x2xf32>, vector<2x2048xf32>, vector<1024x2048xf32> -> vector<1024x2048xf32>
    %mul3A_12 = arith.constant 2.000000e+00 : f32
    %mul3A_13 = vector.broadcast %mul3A_12 : f32 to vector<1024x2048xf32>
    %mul3A_14 = arith.mulf %mul3A_13, %dot_general3A_11 : vector<1024x2048xf32>
    %sub3A = vector.broadcast %broadcast_in_dim3A : vector<1024x1xf32> to vector<1024x2048xf32>
    %sub3A_15 = arith.subf %sub3A, %mul3A_14 : vector<1024x2048xf32>
    %broadcast_in_dim3A_16 = vector.shape_cast %reduce_sum3A_10 : vector<2048xf32> to vector<1x2048xf32>
    %add3A = vector.broadcast %broadcast_in_dim3A_16 : vector<1x2048xf32> to vector<1024x2048xf32>
    %add3A_17 = arith.addf %sub3A_15, %add3A : vector<1024x2048xf32>
    %neg3A = arith.constant 0.000000e+00 : f32
    %neg3A_18 = vector.broadcast %neg3A : f32 to vector<1024x2048xf32>
    %neg3A_19 = arith.subf %neg3A_18, %add3A_17 : vector<1024x2048xf32>
    %exp3A = math.exp %neg3A_19 : vector<1024x2048xf32>
    %get3A_20 = arith.constant 0 : index
    %get3A_21 = vector.load %arg11[%get3A_20] : memref<1024xf32, #tpu.memory_space<vmem>>, vector<1024xf32>
    %reduce_sum3A_22 = arith.constant dense<0.000000e+00> : vector<1024xf32>
    %reduce_sum3A_23 = vector.multi_reduction <add>, %exp3A, %reduce_sum3A_22 [1] : vector<1024x2048xf32> to vector<1024xf32>
    %add3A_24 = arith.addf %get3A_21, %reduce_sum3A_23 : vector<1024xf32>
    %swap3A = arith.constant 0 : index
    %swap3A_25 = vector.load %arg11[%swap3A] : memref<1024xf32, #tpu.memory_space<vmem>>, vector<1024xf32>
    tpu.vector_store %arg11[%swap3A], %add3A_24 {strides = array<i32>} : memref<1024xf32, #tpu.memory_space<vmem>>, vector<1024xf32>,
    %get3A_26 = arith.constant 0 : index
    %get3A_27 = vector.load %arg8[%get3A_26] : memref<2048xf32, #tpu.memory_space<vmem>>, vector<2048xf32>
    %max3A = arith.constant 1.000000e+00 : f32
    %max3A_28 = vector.broadcast %max3A : f32 to vector<2048xf32>
    %max3A_29 = arith.maximumf %get3A_27, %max3A_28 : vector<2048xf32>
    %rsqrt3A = math.rsqrt %max3A_29 : vector<2048xf32>
    %swap3A_30 = arith.constant 0 : index
    %swap3A_31 = vector.load %arg12[%swap3A_30] : memref<2048xf32, #tpu.memory_space<vmem>>, vector<2048xf32>
    tpu.vector_store %arg12[%swap3A_30], %rsqrt3A {strides = array<i32>} : memref<2048xf32, #tpu.memory_space<vmem>>, vector<2048xf32>,
    %get3A_32 = arith.constant 0 : index
    %get3A_33 = arith.constant 0 : index
    %get3A_34 = vector.load %arg9[%get3A_32, %get3A_33] : memref<2x128xf32, #tpu.memory_space<vmem>>, vector<2x128xf32>
    %dot_general3A_35 = arith.constant dense<0.000000e+00> : vector<2048x128xf32>
    %dot_general3A_36 = tpu.matmul %get3A_3, %get3A_34, %dot_general3A_35 {dimension_numbers = #tpu.dot_dimension_numbers<[1], [0], [0], [1], [0, 0, 1, 1], [], []>, transpose_lhs_hint = false} : vector<2048x2xf32>, vector<2x128xf32>, vector<2048x128xf32> -> vector<2048x128xf32>
    %swap3A_37 = arith.constant 0 : index
    %swap3A_38 = arith.constant 0 : index
    %swap3A_39 = vector.load %arg13[%swap3A_37, %swap3A_38] : memref<2048x128xf32, #tpu.memory_space<vmem>>, vector<2048x128xf32>
    tpu.vector_store %arg13[%swap3A_37, %swap3A_38], %dot_general3A_36 {strides = array<i32>} : memref<2048x128xf32, #tpu.memory_space<vmem>>, vector<2048x128xf32>,
    return
  }
  func.func @transform_0(%arg0: i32) -> (i32, i32) {
    %c0_i32 = arith.constant 0 : i32
    %c0_i32_0 = arith.constant 0 : i32
    %c0_i32_1 = arith.constant 0 : i32
    return %c0_i32, %c0_i32_0 : i32, i32
  }
  func.func @transform_1(%arg0: i32) -> (i32, i32) {
    %c0_i32 = arith.constant 0 : i32
    %c0_i32_0 = arith.constant 0 : i32
    %c0_i32_1 = arith.constant 0 : i32
    return %c0_i32, %c0_i32_0 : i32, i32
  }
  func.func @transform_2(%arg0: i32) -> i32 {
    %c0_i32 = arith.constant 0 : i32
    %c0_i32_0 = arith.constant 0 : i32
    return %c0_i32 : i32
  }
  func.func @transform_3(%arg0: i32) -> (i32, i32) {
    %c0_i32 = arith.constant 0 : i32
    %c0_i32_0 = arith.constant 0 : i32
    %c0_i32_1 = arith.constant 0 : i32
    return %c0_i32, %c0_i32_0 : i32, i32
  }
  func.func @transform_4(%arg0: i32) -> i32 {
    %c0_i32 = arith.constant 0 : i32
    %c0_i32_0 = arith.constant 0 : i32
    return %c0_i32 : i32
  }
  func.func @transform_5(%arg0: i32) -> (i32, i32) {
    %c0_i32 = arith.constant 0 : i32
    %c0_i32_0 = arith.constant 0 : i32
    %c0_i32_1 = arith.constant 0 : i32
    return %c0_i32, %c0_i32_0 : i32, i32
  }
  func.func @transform_6(%arg0: i32) -> (i32, i32) {
    %c0_i32 = arith.constant 0 : i32
    %c0_i32_0 = arith.constant 0 : i32
    return %arg0, %c0_i32 : i32, i32
  }
  func.func @transform_7(%arg0: i32) -> i32 {
    %c0_i32 = arith.constant 0 : i32
    return %arg0 : i32
  }
  func.func @transform_8(%arg0: i32) -> (i32, i32) {
    %c0_i32 = arith.constant 0 : i32
    %c0_i32_0 = arith.constant 0 : i32
    %c0_i32_1 = arith.constant 0 : i32
    return %c0_i32, %c0_i32_0 : i32, i32
  }
  func.func @transform_9(%arg0: i32) -> (i32, i32) {
    %c0_i32 = arith.constant 0 : i32
    %c0_i32_0 = arith.constant 0 : i32
    %c0_i32_1 = arith.constant 0 : i32
    return %c0_i32, %c0_i32_0 : i32, i32
  }
  func.func @transform_10(%arg0: i32) -> i32 {
    %c0_i32 = arith.constant 0 : i32
    %c0_i32_0 = arith.constant 0 : i32
    return %c0_i32 : i32
  }
  func.func @transform_11(%arg0: i32) -> i32 {
    %c0_i32 = arith.constant 0 : i32
    return %arg0 : i32
  }
  func.func @transform_12(%arg0: i32) -> (i32, i32) {
    %c0_i32 = arith.constant 0 : i32
    %c0_i32_0 = arith.constant 0 : i32
    return %arg0, %c0_i32 : i32, i32
  }
}

module attributes {stable_mosaic.version = 14 : i64} {
  func.func @_pass2_body(%arg0: i32, %arg1: memref<1024x2xf32, #tpu.memory_space<vmem>>, %arg2: memref<2048x2xf32, #tpu.memory_space<vmem>>, %arg3: memref<1024x128xf32, #tpu.memory_space<vmem>>, %arg4: memref<1024xf32, #tpu.memory_space<vmem>>, %arg5: memref<2x2048x128xf32, #tpu.memory_space<vmem>>) attributes {dimension_semantics = [#tpu.dimension_semantics<arbitrary>], iteration_bounds = array<i64: 5>, scalar_prefetch = 0 : i64, scratch_operands = 0 : i64, tpu.core_type = #tpu.core_type<tc>, window_params = [{pipeline_mode = #tpu.pipeline_mode<synchronous>, transform_indices = @transform_0, window_bounds = array<i64: 1024, 2>}, {transform_indices = @transform_1, window_bounds = array<i64: 2048, 2>}, {pipeline_mode = #tpu.pipeline_mode<synchronous>, transform_indices = @transform_2, window_bounds = array<i64: 1024, 128>}, {pipeline_mode = #tpu.pipeline_mode<synchronous>, transform_indices = @transform_3, window_bounds = array<i64: 1024>}, {transform_indices = @transform_4, window_bounds = array<i64: 2, 2048, 128>}]} {
    %get3A = arith.constant 0 : index
    %get3A_0 = arith.constant 0 : index
    %get3A_1 = vector.load %arg2[%get3A, %get3A_0] : memref<2048x2xf32, #tpu.memory_space<vmem>>, vector<2048x2xf32>
    %get3A_2 = arith.constant 0 : index
    %get3A_3 = arith.constant 0 : index
    %get3A_4 = vector.load %arg1[%get3A_2, %get3A_3] : memref<1024x2xf32, #tpu.memory_space<vmem>>, vector<1024x2xf32>
    %mul3A = arith.mulf %get3A_4, %get3A_4 : vector<1024x2xf32>
    %reduce_sum3A = arith.constant dense<0.000000e+00> : vector<1024xf32>
    %reduce_sum3A_5 = vector.multi_reduction <add>, %mul3A, %reduce_sum3A [1] : vector<1024x2xf32> to vector<1024xf32>
    %mul3A_6 = arith.mulf %get3A_1, %get3A_1 : vector<2048x2xf32>
    %reduce_sum3A_7 = arith.constant dense<0.000000e+00> : vector<2048xf32>
    %reduce_sum3A_8 = vector.multi_reduction <add>, %mul3A_6, %reduce_sum3A_7 [1] : vector<2048x2xf32> to vector<2048xf32>
    %broadcast_in_dim3A = vector.shape_cast %reduce_sum3A_5 : vector<1024xf32> to vector<1024x1xf32>
    %transpose3A = tpu.transpose %get3A_1, [1, 0] : vector<2048x2xf32> -> vector<2x2048xf32>
    %dot_general3A = arith.constant dense<0.000000e+00> : vector<1024x2048xf32>
    %dot_general3A_9 = tpu.matmul %get3A_4, %transpose3A, %dot_general3A {dimension_numbers = #tpu.dot_dimension_numbers<[1], [0], [0], [1], [0, 0, 1, 1], [], []>, transpose_lhs_hint = false} : vector<1024x2xf32>, vector<2x2048xf32>, vector<1024x2048xf32> -> vector<1024x2048xf32>
    %mul3A_10 = arith.constant 2.000000e+00 : f32
    %mul3A_11 = vector.broadcast %mul3A_10 : f32 to vector<1024x2048xf32>
    %mul3A_12 = arith.mulf %mul3A_11, %dot_general3A_9 : vector<1024x2048xf32>
    %sub3A = vector.broadcast %broadcast_in_dim3A : vector<1024x1xf32> to vector<1024x2048xf32>
    %sub3A_13 = arith.subf %sub3A, %mul3A_12 : vector<1024x2048xf32>
    %broadcast_in_dim3A_14 = vector.shape_cast %reduce_sum3A_8 : vector<2048xf32> to vector<1x2048xf32>
    %add3A = vector.broadcast %broadcast_in_dim3A_14 : vector<1x2048xf32> to vector<1024x2048xf32>
    %add3A_15 = arith.addf %sub3A_13, %add3A : vector<1024x2048xf32>
    %neg3A = arith.constant 0.000000e+00 : f32
    %neg3A_16 = vector.broadcast %neg3A : f32 to vector<1024x2048xf32>
    %neg3A_17 = arith.subf %neg3A_16, %add3A_15 : vector<1024x2048xf32>
    %exp3A = math.exp %neg3A_17 : vector<1024x2048xf32>
    %get3A_18 = arith.constant 0 : index
    %get3A_19 = arith.constant 0 : index
    %get3A_20 = vector.load %arg3[%get3A_18, %get3A_19] : memref<1024x128xf32, #tpu.memory_space<vmem>>, vector<1024x128xf32>
    %get3A_21 = arith.constant 0 : index
    %get3A_22 = vector.load %arg4[%get3A_21] : memref<1024xf32, #tpu.memory_space<vmem>>, vector<1024xf32>
    %broadcast_in_dim3A_23 = vector.shape_cast %get3A_22 : vector<1024xf32> to vector<1024x1xf32>
    %div3A = vector.broadcast %broadcast_in_dim3A_23 : vector<1024x1xf32> to vector<1024x128xf32>
    %div3A_24 = arith.divf %get3A_20, %div3A : vector<1024x128xf32>
    %slice3A = vector.extract_strided_slice %exp3A {offsets = [0, 0], sizes = [512, 2048], strides = [1, 1]} : vector<1024x2048xf32> to vector<512x2048xf32>
    %slice3A_25 = vector.extract_strided_slice %div3A_24 {offsets = [0, 0], sizes = [512, 128], strides = [1, 1]} : vector<1024x128xf32> to vector<512x128xf32>
    %dot_general3A_26 = arith.constant dense<0.000000e+00> : vector<2048x128xf32>
    %dot_general3A_27 = tpu.matmul %slice3A, %slice3A_25, %dot_general3A_26 {dimension_numbers = #tpu.dot_dimension_numbers<[0], [0], [1], [1], [0, 1, 1, 1], [], []>, transpose_lhs_hint = false} : vector<512x2048xf32>, vector<512x128xf32>, vector<2048x128xf32> -> vector<2048x128xf32>
    %slice3A_28 = vector.extract_strided_slice %exp3A {offsets = [512, 0], sizes = [512, 2048], strides = [1, 1]} : vector<1024x2048xf32> to vector<512x2048xf32>
    %slice3A_29 = vector.extract_strided_slice %div3A_24 {offsets = [512, 0], sizes = [512, 128], strides = [1, 1]} : vector<1024x128xf32> to vector<512x128xf32>
    %dot_general3A_30 = arith.constant dense<0.000000e+00> : vector<2048x128xf32>
    %dot_general3A_31 = tpu.matmul %slice3A_28, %slice3A_29, %dot_general3A_30 {dimension_numbers = #tpu.dot_dimension_numbers<[0], [0], [1], [1], [0, 1, 1, 1], [], []>, transpose_lhs_hint = false} : vector<512x2048xf32>, vector<512x128xf32>, vector<2048x128xf32> -> vector<2048x128xf32>
    %stack3A = vector.shape_cast %dot_general3A_27 : vector<2048x128xf32> to vector<1x2048x128xf32>
    %stack3A_32 = vector.shape_cast %dot_general3A_31 : vector<2048x128xf32> to vector<1x2048x128xf32>
    %stack3A_33 = tpu.concatenate %stack3A, %stack3A_32 in 0 : vector<1x2048x128xf32>, vector<1x2048x128xf32> -> vector<2x2048x128xf32>
    %swap3A = arith.constant 0 : index
    %swap3A_34 = arith.constant 0 : index
    %swap3A_35 = arith.constant 0 : index
    %swap3A_36 = vector.load %arg5[%swap3A, %swap3A_34, %swap3A_35] : memref<2x2048x128xf32, #tpu.memory_space<vmem>>, vector<2x2048x128xf32>
    tpu.vector_store %arg5[%swap3A, %swap3A_34, %swap3A_35], %stack3A_33 {strides = array<i32>} : memref<2x2048x128xf32, #tpu.memory_space<vmem>>, vector<2x2048x128xf32>,
    return
  }
  func.func @transform_0(%arg0: i32) -> (i32, i32) {
    %c0_i32 = arith.constant 0 : i32
    %c0_i32_0 = arith.constant 0 : i32
    %c0_i32_1 = arith.constant 0 : i32
    return %c0_i32, %c0_i32_0 : i32, i32
  }
  func.func @transform_1(%arg0: i32) -> (i32, i32) {
    %c0_i32 = arith.constant 0 : i32
    %c0_i32_0 = arith.constant 0 : i32
    return %arg0, %c0_i32 : i32, i32
  }
  func.func @transform_2(%arg0: i32) -> (i32, i32) {
    %c0_i32 = arith.constant 0 : i32
    %c0_i32_0 = arith.constant 0 : i32
    %c0_i32_1 = arith.constant 0 : i32
    return %c0_i32, %c0_i32_0 : i32, i32
  }
  func.func @transform_3(%arg0: i32) -> i32 {
    %c0_i32 = arith.constant 0 : i32
    %c0_i32_0 = arith.constant 0 : i32
    return %c0_i32 : i32
  }
  func.func @transform_4(%arg0: i32) -> (i32, i32, i32) {
    %c0_i32 = arith.constant 0 : i32
    %c0_i32_0 = arith.constant 0 : i32
    %c0_i32_1 = arith.constant 0 : i32
    return %c0_i32, %arg0, %c0_i32_0 : i32, i32, i32
  }
}

module attributes {stable_mosaic.version = 14 : i64} {
  func.func @_step_body(%arg0: i32, %arg1: i32, %arg2: memref<1x2048x128xf32, #tpu.memory_space<vmem>>, %arg3: memref<1x2048x128xf32, #tpu.memory_space<vmem>>, %arg4: memref<2048xf32, #tpu.memory_space<vmem>>, %arg5: memref<2048x128xf32, #tpu.memory_space<vmem>>, %arg6: memref<128x128xf32, #tpu.memory_space<vmem>>, %arg7: memref<128xf32, #tpu.memory_space<vmem>>, %arg8: memref<128xf32, #tpu.memory_space<vmem>>, %arg9: memref<128xf32, #tpu.memory_space<vmem>>, %arg10: memref<1x2048x128xf32, #tpu.memory_space<vmem>>, %arg11: memref<1x2048x128xf32, #tpu.memory_space<vmem>>) attributes {dimension_semantics = [#tpu.dimension_semantics<arbitrary>, #tpu.dimension_semantics<arbitrary>], iteration_bounds = array<i64: 2, 5>, scalar_prefetch = 0 : i64, scratch_operands = 0 : i64, tpu.core_type = #tpu.core_type<tc>, window_params = [{transform_indices = @transform_0, window_bounds = array<i64: 1, 2048, 128>}, {transform_indices = @transform_1, window_bounds = array<i64: 1, 2048, 128>}, {transform_indices = @transform_2, window_bounds = array<i64: 2048>}, {transform_indices = @transform_3, window_bounds = array<i64: 2048, 128>}, {pipeline_mode = #tpu.pipeline_mode<synchronous>, transform_indices = @transform_4, window_bounds = array<i64: 128, 128>}, {pipeline_mode = #tpu.pipeline_mode<synchronous>, transform_indices = @transform_5, window_bounds = array<i64: 128>}, {pipeline_mode = #tpu.pipeline_mode<synchronous>, transform_indices = @transform_6, window_bounds = array<i64: 128>}, {pipeline_mode = #tpu.pipeline_mode<synchronous>, transform_indices = @transform_7, window_bounds = array<i64: 128>}, {transform_indices = @transform_8, window_bounds = array<i64: 1, 2048, 128>}, {transform_indices = @transform_9, window_bounds = array<i64: 1, 2048, 128>}]} {
    %get3A = arith.constant 0 : index
    %get3A_0 = vector.load %arg4[%get3A] : memref<2048xf32, #tpu.memory_space<vmem>>, vector<2048xf32>
    %broadcast_in_dim3A = vector.shape_cast %get3A_0 : vector<2048xf32> to vector<2048x1xf32>
    %get3A_1 = arith.constant 0 : index
    %get3A_2 = arith.constant 0 : index
    %get3A_3 = arith.constant 0 : index
    %get3A_4 = vector.load %arg2[%get3A_1, %get3A_2, %get3A_3] : memref<1x2048x128xf32, #tpu.memory_space<vmem>>, vector<1x2048x128xf32>
    %get3A_5 = vector.shape_cast %get3A_4 : vector<1x2048x128xf32> to vector<2048x128xf32>
    %swap3A = arith.constant 0 : index
    %swap3A_6 = arith.constant 0 : index
    %swap3A_7 = arith.constant 0 : index
    %swap3A_8 = vector.load %arg10[%swap3A, %swap3A_6, %swap3A_7] : memref<1x2048x128xf32, #tpu.memory_space<vmem>>, vector<1x2048x128xf32>
    %swap3A_9 = vector.shape_cast %swap3A_8 : vector<1x2048x128xf32> to vector<2048x128xf32>
    %swap3A_10 = vector.shape_cast %get3A_5 : vector<2048x128xf32> to vector<1x2048x128xf32>
    tpu.vector_store %arg10[%swap3A, %swap3A_6, %swap3A_7], %swap3A_10 {strides = array<i32>} : memref<1x2048x128xf32, #tpu.memory_space<vmem>>, vector<1x2048x128xf32>,
    %get3A_11 = arith.constant 0 : index
    %get3A_12 = arith.constant 0 : index
    %get3A_13 = vector.load %arg6[%get3A_11, %get3A_12] : memref<128x128xf32, #tpu.memory_space<vmem>>, vector<128x128xf32>
    %dot_general3A = arith.constant dense<0.000000e+00> : vector<2048x128xf32>
    %dot_general3A_14 = tpu.matmul %get3A_5, %get3A_13, %dot_general3A {dimension_numbers = #tpu.dot_dimension_numbers<[1], [0], [0], [1], [0, 0, 1, 1], [], []>, transpose_lhs_hint = false} : vector<2048x128xf32>, vector<128x128xf32>, vector<2048x128xf32> -> vector<2048x128xf32>
    %get3A_15 = arith.constant 0 : index
    %get3A_16 = arith.constant 0 : index
    %get3A_17 = vector.load %arg5[%get3A_15, %get3A_16] : memref<2048x128xf32, #tpu.memory_space<vmem>>, vector<2048x128xf32>
    %add3A = arith.addf %dot_general3A_14, %get3A_17 : vector<2048x128xf32>
    %mul3A = vector.broadcast %broadcast_in_dim3A : vector<2048x1xf32> to vector<2048x128xf32>
    %mul3A_18 = arith.mulf %mul3A, %add3A : vector<2048x128xf32>
    %swap3A_19 = arith.constant 0 : index
    %swap3A_20 = arith.constant 0 : index
    %swap3A_21 = arith.constant 0 : index
    %swap3A_22 = vector.load %arg11[%swap3A_19, %swap3A_20, %swap3A_21] : memref<1x2048x128xf32, #tpu.memory_space<vmem>>, vector<1x2048x128xf32>
    %swap3A_23 = vector.shape_cast %swap3A_22 : vector<1x2048x128xf32> to vector<2048x128xf32>
    %swap3A_24 = vector.shape_cast %mul3A_18 : vector<2048x128xf32> to vector<1x2048x128xf32>
    tpu.vector_store %arg11[%swap3A_19, %swap3A_20, %swap3A_21], %swap3A_24 {strides = array<i32>} : memref<1x2048x128xf32, #tpu.memory_space<vmem>>, vector<1x2048x128xf32>,
    return
  }
  func.func @transform_0(%arg0: i32, %arg1: i32) -> (i32, i32, i32) {
    %c0_i32 = arith.constant 0 : i32
    %c0_i32_0 = arith.constant 0 : i32
    return %arg0, %arg1, %c0_i32 : i32, i32, i32
  }
  func.func @transform_1(%arg0: i32, %arg1: i32) -> (i32, i32, i32) {
    %c0_i32 = arith.constant 0 : i32
    %c0_i32_0 = arith.constant 0 : i32
    return %arg0, %arg1, %c0_i32 : i32, i32, i32
  }
  func.func @transform_2(%arg0: i32, %arg1: i32) -> i32 {
    %c0_i32 = arith.constant 0 : i32
    return %arg1 : i32
  }
  func.func @transform_3(%arg0: i32, %arg1: i32) -> (i32, i32) {
    %c0_i32 = arith.constant 0 : i32
    %c0_i32_0 = arith.constant 0 : i32
    return %arg1, %c0_i32 : i32, i32
  }
  func.func @transform_4(%arg0: i32, %arg1: i32) -> (i32, i32) {
    %c0_i32 = arith.constant 0 : i32
    %c0_i32_0 = arith.constant 0 : i32
    %c0_i32_1 = arith.constant 0 : i32
    return %c0_i32, %c0_i32_0 : i32, i32
  }
  func.func @transform_5(%arg0: i32, %arg1: i32) -> i32 {
    %c0_i32 = arith.constant 0 : i32
    %c0_i32_0 = arith.constant 0 : i32
    return %c0_i32 : i32
  }
  func.func @transform_6(%arg0: i32, %arg1: i32) -> i32 {
    %c0_i32 = arith.constant 0 : i32
    %c0_i32_0 = arith.constant 0 : i32
    return %c0_i32 : i32
  }
  func.func @transform_7(%arg0: i32, %arg1: i32) -> i32 {
    %c0_i32 = arith.constant 0 : i32
    %c0_i32_0 = arith.constant 0 : i32
    return %c0_i32 : i32
  }
  func.func @transform_8(%arg0: i32, %arg1: i32) -> (i32, i32, i32) {
    %c0_i32 = arith.constant 0 : i32
    %c0_i32_0 = arith.constant 0 : i32
    return %arg0, %arg1, %c0_i32 : i32, i32, i32
  }
  func.func @transform_9(%arg0: i32, %arg1: i32) -> (i32, i32, i32) {
    %c0_i32 = arith.constant 0 : i32
    %c0_i32_0 = arith.constant 0 : i32
    return %arg0, %arg1, %c0_i32 : i32, i32, i32
  }
}

module attributes {stable_mosaic.version = 14 : i64} {
  func.func @_step_body(%arg0: i32, %arg1: i32, %arg2: memref<1x2048x128xf32, #tpu.memory_space<vmem>>, %arg3: memref<1x2048x128xf32, #tpu.memory_space<vmem>>, %arg4: memref<2048xf32, #tpu.memory_space<vmem>>, %arg5: memref<2048x128xf32, #tpu.memory_space<vmem>>, %arg6: memref<128x128xf32, #tpu.memory_space<vmem>>, %arg7: memref<128xf32, #tpu.memory_space<vmem>>, %arg8: memref<128xf32, #tpu.memory_space<vmem>>, %arg9: memref<128xf32, #tpu.memory_space<vmem>>, %arg10: memref<1x2048x128xf32, #tpu.memory_space<vmem>>, %arg11: memref<1x2048x128xf32, #tpu.memory_space<vmem>>) attributes {dimension_semantics = [#tpu.dimension_semantics<arbitrary>, #tpu.dimension_semantics<arbitrary>], iteration_bounds = array<i64: 2, 5>, scalar_prefetch = 0 : i64, scratch_operands = 0 : i64, tpu.core_type = #tpu.core_type<tc>, window_params = [{transform_indices = @transform_0, window_bounds = array<i64: 1, 2048, 128>}, {transform_indices = @transform_1, window_bounds = array<i64: 1, 2048, 128>}, {transform_indices = @transform_2, window_bounds = array<i64: 2048>}, {transform_indices = @transform_3, window_bounds = array<i64: 2048, 128>}, {pipeline_mode = #tpu.pipeline_mode<synchronous>, transform_indices = @transform_4, window_bounds = array<i64: 128, 128>}, {pipeline_mode = #tpu.pipeline_mode<synchronous>, transform_indices = @transform_5, window_bounds = array<i64: 128>}, {pipeline_mode = #tpu.pipeline_mode<synchronous>, transform_indices = @transform_6, window_bounds = array<i64: 128>}, {pipeline_mode = #tpu.pipeline_mode<synchronous>, transform_indices = @transform_7, window_bounds = array<i64: 128>}, {transform_indices = @transform_8, window_bounds = array<i64: 1, 2048, 128>}, {transform_indices = @transform_9, window_bounds = array<i64: 1, 2048, 128>}]} {
    %get3A = arith.constant 0 : index
    %get3A_0 = vector.load %arg4[%get3A] : memref<2048xf32, #tpu.memory_space<vmem>>, vector<2048xf32>
    %broadcast_in_dim3A = vector.shape_cast %get3A_0 : vector<2048xf32> to vector<2048x1xf32>
    %get3A_1 = arith.constant 0 : index
    %get3A_2 = arith.constant 0 : index
    %get3A_3 = arith.constant 0 : index
    %get3A_4 = vector.load %arg2[%get3A_1, %get3A_2, %get3A_3] : memref<1x2048x128xf32, #tpu.memory_space<vmem>>, vector<1x2048x128xf32>
    %get3A_5 = vector.shape_cast %get3A_4 : vector<1x2048x128xf32> to vector<2048x128xf32>
    %get3A_6 = arith.constant 0 : index
    %get3A_7 = arith.constant 0 : index
    %get3A_8 = arith.constant 0 : index
    %get3A_9 = vector.load %arg3[%get3A_6, %get3A_7, %get3A_8] : memref<1x2048x128xf32, #tpu.memory_space<vmem>>, vector<1x2048x128xf32>
    %get3A_10 = vector.shape_cast %get3A_9 : vector<1x2048x128xf32> to vector<2048x128xf32>
    %mul3A = vector.broadcast %broadcast_in_dim3A : vector<2048x1xf32> to vector<2048x128xf32>
    %mul3A_11 = arith.mulf %mul3A, %get3A_10 : vector<2048x128xf32>
    %add3A = arith.addf %get3A_5, %mul3A_11 : vector<2048x128xf32>
    %get3A_12 = arith.constant 0 : index
    %get3A_13 = vector.load %arg7[%get3A_12] : memref<128xf32, #tpu.memory_space<vmem>>, vector<128xf32>
    %broadcast_in_dim3A_14 = vector.shape_cast %get3A_13 : vector<128xf32> to vector<1x128xf32>
    %add3A_15 = vector.broadcast %broadcast_in_dim3A_14 : vector<1x128xf32> to vector<2048x128xf32>
    %add3A_16 = arith.addf %add3A, %add3A_15 : vector<2048x128xf32>
    %reduce_sum3A = arith.constant dense<0.000000e+00> : vector<2048xf32>
    %reduce_sum3A_17 = vector.multi_reduction <add>, %add3A_16, %reduce_sum3A [1] : vector<2048x128xf32> to vector<2048xf32>
    %broadcast_in_dim3A_18 = vector.shape_cast %reduce_sum3A_17 : vector<2048xf32> to vector<2048x1xf32>
    %div3A = arith.constant 1.280000e+02 : f32
    %div3A_19 = vector.broadcast %div3A : f32 to vector<2048x1xf32>
    %div3A_20 = arith.divf %broadcast_in_dim3A_18, %div3A_19 : vector<2048x1xf32>
    %sub3A = vector.broadcast %div3A_20 : vector<2048x1xf32> to vector<2048x128xf32>
    %sub3A_21 = arith.subf %add3A_16, %sub3A : vector<2048x128xf32>
    %mul3A_22 = arith.mulf %sub3A_21, %sub3A_21 : vector<2048x128xf32>
    %reduce_sum3A_23 = arith.constant dense<0.000000e+00> : vector<2048xf32>
    %reduce_sum3A_24 = vector.multi_reduction <add>, %mul3A_22, %reduce_sum3A_23 [1] : vector<2048x128xf32> to vector<2048xf32>
    %broadcast_in_dim3A_25 = vector.shape_cast %reduce_sum3A_24 : vector<2048xf32> to vector<2048x1xf32>
    %div3A_26 = arith.constant 1.280000e+02 : f32
    %div3A_27 = vector.broadcast %div3A_26 : f32 to vector<2048x1xf32>
    %div3A_28 = arith.divf %broadcast_in_dim3A_25, %div3A_27 : vector<2048x1xf32>
    %add3A_29 = arith.constant 9.99999974E-6 : f32
    %add3A_30 = vector.broadcast %add3A_29 : f32 to vector<2048x1xf32>
    %add3A_31 = arith.addf %div3A_28, %add3A_30 : vector<2048x1xf32>
    %rsqrt3A = math.rsqrt %add3A_31 : vector<2048x1xf32>
    %mul3A_32 = vector.broadcast %rsqrt3A : vector<2048x1xf32> to vector<2048x128xf32>
    %mul3A_33 = arith.mulf %sub3A_21, %mul3A_32 : vector<2048x128xf32>
    %get3A_34 = arith.constant 0 : index
    %get3A_35 = vector.load %arg8[%get3A_34] : memref<128xf32, #tpu.memory_space<vmem>>, vector<128xf32>
    %broadcast_in_dim3A_36 = vector.shape_cast %get3A_35 : vector<128xf32> to vector<1x128xf32>
    %mul3A_37 = vector.broadcast %broadcast_in_dim3A_36 : vector<1x128xf32> to vector<2048x128xf32>
    %mul3A_38 = arith.mulf %mul3A_33, %mul3A_37 : vector<2048x128xf32>
    %get3A_39 = arith.constant 0 : index
    %get3A_40 = vector.load %arg9[%get3A_39] : memref<128xf32, #tpu.memory_space<vmem>>, vector<128xf32>
    %broadcast_in_dim3A_41 = vector.shape_cast %get3A_40 : vector<128xf32> to vector<1x128xf32>
    %add3A_42 = vector.broadcast %broadcast_in_dim3A_41 : vector<1x128xf32> to vector<2048x128xf32>
    %add3A_43 = arith.addf %mul3A_38, %add3A_42 : vector<2048x128xf32>
    %swap3A = arith.constant 0 : index
    %swap3A_44 = arith.constant 0 : index
    %swap3A_45 = arith.constant 0 : index
    %swap3A_46 = vector.load %arg10[%swap3A, %swap3A_44, %swap3A_45] : memref<1x2048x128xf32, #tpu.memory_space<vmem>>, vector<1x2048x128xf32>
    %swap3A_47 = vector.shape_cast %swap3A_46 : vector<1x2048x128xf32> to vector<2048x128xf32>
    %swap3A_48 = vector.shape_cast %add3A_43 : vector<2048x128xf32> to vector<1x2048x128xf32>
    tpu.vector_store %arg10[%swap3A, %swap3A_44, %swap3A_45], %swap3A_48 {strides = array<i32>} : memref<1x2048x128xf32, #tpu.memory_space<vmem>>, vector<1x2048x128xf32>,
    %get3A_49 = arith.constant 0 : index
    %get3A_50 = arith.constant 0 : index
    %get3A_51 = vector.load %arg6[%get3A_49, %get3A_50] : memref<128x128xf32, #tpu.memory_space<vmem>>, vector<128x128xf32>
    %dot_general3A = arith.constant dense<0.000000e+00> : vector<2048x128xf32>
    %dot_general3A_52 = tpu.matmul %add3A_43, %get3A_51, %dot_general3A {dimension_numbers = #tpu.dot_dimension_numbers<[1], [0], [0], [1], [0, 0, 1, 1], [], []>, transpose_lhs_hint = false} : vector<2048x128xf32>, vector<128x128xf32>, vector<2048x128xf32> -> vector<2048x128xf32>
    %get3A_53 = arith.constant 0 : index
    %get3A_54 = arith.constant 0 : index
    %get3A_55 = vector.load %arg5[%get3A_53, %get3A_54] : memref<2048x128xf32, #tpu.memory_space<vmem>>, vector<2048x128xf32>
    %add3A_56 = arith.addf %dot_general3A_52, %get3A_55 : vector<2048x128xf32>
    %mul3A_57 = vector.broadcast %broadcast_in_dim3A : vector<2048x1xf32> to vector<2048x128xf32>
    %mul3A_58 = arith.mulf %mul3A_57, %add3A_56 : vector<2048x128xf32>
    %swap3A_59 = arith.constant 0 : index
    %swap3A_60 = arith.constant 0 : index
    %swap3A_61 = arith.constant 0 : index
    %swap3A_62 = vector.load %arg11[%swap3A_59, %swap3A_60, %swap3A_61] : memref<1x2048x128xf32, #tpu.memory_space<vmem>>, vector<1x2048x128xf32>
    %swap3A_63 = vector.shape_cast %swap3A_62 : vector<1x2048x128xf32> to vector<2048x128xf32>
    %swap3A_64 = vector.shape_cast %mul3A_58 : vector<2048x128xf32> to vector<1x2048x128xf32>
    tpu.vector_store %arg11[%swap3A_59, %swap3A_60, %swap3A_61], %swap3A_64 {strides = array<i32>} : memref<1x2048x128xf32, #tpu.memory_space<vmem>>, vector<1x2048x128xf32>,
    return
  }
  func.func @transform_0(%arg0: i32, %arg1: i32) -> (i32, i32, i32) {
    %c0_i32 = arith.constant 0 : i32
    %c0_i32_0 = arith.constant 0 : i32
    return %arg0, %arg1, %c0_i32 : i32, i32, i32
  }
  func.func @transform_1(%arg0: i32, %arg1: i32) -> (i32, i32, i32) {
    %c0_i32 = arith.constant 0 : i32
    %c0_i32_0 = arith.constant 0 : i32
    return %arg0, %arg1, %c0_i32 : i32, i32, i32
  }
  func.func @transform_2(%arg0: i32, %arg1: i32) -> i32 {
    %c0_i32 = arith.constant 0 : i32
    return %arg1 : i32
  }
  func.func @transform_3(%arg0: i32, %arg1: i32) -> (i32, i32) {
    %c0_i32 = arith.constant 0 : i32
    %c0_i32_0 = arith.constant 0 : i32
    return %arg1, %c0_i32 : i32, i32
  }
  func.func @transform_4(%arg0: i32, %arg1: i32) -> (i32, i32) {
    %c0_i32 = arith.constant 0 : i32
    %c0_i32_0 = arith.constant 0 : i32
    %c0_i32_1 = arith.constant 0 : i32
    return %c0_i32, %c0_i32_0 : i32, i32
  }
  func.func @transform_5(%arg0: i32, %arg1: i32) -> i32 {
    %c0_i32 = arith.constant 0 : i32
    %c0_i32_0 = arith.constant 0 : i32
    return %c0_i32 : i32
  }
  func.func @transform_6(%arg0: i32, %arg1: i32) -> i32 {
    %c0_i32 = arith.constant 0 : i32
    %c0_i32_0 = arith.constant 0 : i32
    return %c0_i32 : i32
  }
  func.func @transform_7(%arg0: i32, %arg1: i32) -> i32 {
    %c0_i32 = arith.constant 0 : i32
    %c0_i32_0 = arith.constant 0 : i32
    return %c0_i32 : i32
  }
  func.func @transform_8(%arg0: i32, %arg1: i32) -> (i32, i32, i32) {
    %c0_i32 = arith.constant 0 : i32
    %c0_i32_0 = arith.constant 0 : i32
    return %arg0, %arg1, %c0_i32 : i32, i32, i32
  }
  func.func @transform_9(%arg0: i32, %arg1: i32) -> (i32, i32, i32) {
    %c0_i32 = arith.constant 0 : i32
    %c0_i32_0 = arith.constant 0 : i32
    return %arg0, %arg1, %c0_i32 : i32, i32, i32
  }
}

module attributes {stable_mosaic.version = 14 : i64} {
  func.func @_step_body(%arg0: i32, %arg1: i32, %arg2: memref<1x2048x128xf32, #tpu.memory_space<vmem>>, %arg3: memref<1x2048x128xf32, #tpu.memory_space<vmem>>, %arg4: memref<2048xf32, #tpu.memory_space<vmem>>, %arg5: memref<2048x128xf32, #tpu.memory_space<vmem>>, %arg6: memref<128x128xf32, #tpu.memory_space<vmem>>, %arg7: memref<128xf32, #tpu.memory_space<vmem>>, %arg8: memref<128xf32, #tpu.memory_space<vmem>>, %arg9: memref<128xf32, #tpu.memory_space<vmem>>, %arg10: memref<1x2048x128xf32, #tpu.memory_space<vmem>>, %arg11: memref<1x2048x128xf32, #tpu.memory_space<vmem>>) attributes {dimension_semantics = [#tpu.dimension_semantics<arbitrary>, #tpu.dimension_semantics<arbitrary>], iteration_bounds = array<i64: 2, 5>, scalar_prefetch = 0 : i64, scratch_operands = 0 : i64, tpu.core_type = #tpu.core_type<tc>, window_params = [{transform_indices = @transform_0, window_bounds = array<i64: 1, 2048, 128>}, {transform_indices = @transform_1, window_bounds = array<i64: 1, 2048, 128>}, {transform_indices = @transform_2, window_bounds = array<i64: 2048>}, {transform_indices = @transform_3, window_bounds = array<i64: 2048, 128>}, {pipeline_mode = #tpu.pipeline_mode<synchronous>, transform_indices = @transform_4, window_bounds = array<i64: 128, 128>}, {pipeline_mode = #tpu.pipeline_mode<synchronous>, transform_indices = @transform_5, window_bounds = array<i64: 128>}, {pipeline_mode = #tpu.pipeline_mode<synchronous>, transform_indices = @transform_6, window_bounds = array<i64: 128>}, {pipeline_mode = #tpu.pipeline_mode<synchronous>, transform_indices = @transform_7, window_bounds = array<i64: 128>}, {transform_indices = @transform_8, window_bounds = array<i64: 1, 2048, 128>}, {transform_indices = @transform_9, window_bounds = array<i64: 1, 2048, 128>}]} {
    %get3A = arith.constant 0 : index
    %get3A_0 = vector.load %arg4[%get3A] : memref<2048xf32, #tpu.memory_space<vmem>>, vector<2048xf32>
    %broadcast_in_dim3A = vector.shape_cast %get3A_0 : vector<2048xf32> to vector<2048x1xf32>
    %get3A_1 = arith.constant 0 : index
    %get3A_2 = arith.constant 0 : index
    %get3A_3 = arith.constant 0 : index
    %get3A_4 = vector.load %arg2[%get3A_1, %get3A_2, %get3A_3] : memref<1x2048x128xf32, #tpu.memory_space<vmem>>, vector<1x2048x128xf32>
    %get3A_5 = vector.shape_cast %get3A_4 : vector<1x2048x128xf32> to vector<2048x128xf32>
    %get3A_6 = arith.constant 0 : index
    %get3A_7 = arith.constant 0 : index
    %get3A_8 = arith.constant 0 : index
    %get3A_9 = vector.load %arg3[%get3A_6, %get3A_7, %get3A_8] : memref<1x2048x128xf32, #tpu.memory_space<vmem>>, vector<1x2048x128xf32>
    %get3A_10 = vector.shape_cast %get3A_9 : vector<1x2048x128xf32> to vector<2048x128xf32>
    %mul3A = vector.broadcast %broadcast_in_dim3A : vector<2048x1xf32> to vector<2048x128xf32>
    %mul3A_11 = arith.mulf %mul3A, %get3A_10 : vector<2048x128xf32>
    %add3A = arith.addf %get3A_5, %mul3A_11 : vector<2048x128xf32>
    %get3A_12 = arith.constant 0 : index
    %get3A_13 = vector.load %arg7[%get3A_12] : memref<128xf32, #tpu.memory_space<vmem>>, vector<128xf32>
    %broadcast_in_dim3A_14 = vector.shape_cast %get3A_13 : vector<128xf32> to vector<1x128xf32>
    %add3A_15 = vector.broadcast %broadcast_in_dim3A_14 : vector<1x128xf32> to vector<2048x128xf32>
    %add3A_16 = arith.addf %add3A, %add3A_15 : vector<2048x128xf32>
    %reduce_sum3A = arith.constant dense<0.000000e+00> : vector<2048xf32>
    %reduce_sum3A_17 = vector.multi_reduction <add>, %add3A_16, %reduce_sum3A [1] : vector<2048x128xf32> to vector<2048xf32>
    %broadcast_in_dim3A_18 = vector.shape_cast %reduce_sum3A_17 : vector<2048xf32> to vector<2048x1xf32>
    %div3A = arith.constant 1.280000e+02 : f32
    %div3A_19 = vector.broadcast %div3A : f32 to vector<2048x1xf32>
    %div3A_20 = arith.divf %broadcast_in_dim3A_18, %div3A_19 : vector<2048x1xf32>
    %sub3A = vector.broadcast %div3A_20 : vector<2048x1xf32> to vector<2048x128xf32>
    %sub3A_21 = arith.subf %add3A_16, %sub3A : vector<2048x128xf32>
    %mul3A_22 = arith.mulf %sub3A_21, %sub3A_21 : vector<2048x128xf32>
    %reduce_sum3A_23 = arith.constant dense<0.000000e+00> : vector<2048xf32>
    %reduce_sum3A_24 = vector.multi_reduction <add>, %mul3A_22, %reduce_sum3A_23 [1] : vector<2048x128xf32> to vector<2048xf32>
    %broadcast_in_dim3A_25 = vector.shape_cast %reduce_sum3A_24 : vector<2048xf32> to vector<2048x1xf32>
    %div3A_26 = arith.constant 1.280000e+02 : f32
    %div3A_27 = vector.broadcast %div3A_26 : f32 to vector<2048x1xf32>
    %div3A_28 = arith.divf %broadcast_in_dim3A_25, %div3A_27 : vector<2048x1xf32>
    %add3A_29 = arith.constant 9.99999974E-6 : f32
    %add3A_30 = vector.broadcast %add3A_29 : f32 to vector<2048x1xf32>
    %add3A_31 = arith.addf %div3A_28, %add3A_30 : vector<2048x1xf32>
    %rsqrt3A = math.rsqrt %add3A_31 : vector<2048x1xf32>
    %mul3A_32 = vector.broadcast %rsqrt3A : vector<2048x1xf32> to vector<2048x128xf32>
    %mul3A_33 = arith.mulf %sub3A_21, %mul3A_32 : vector<2048x128xf32>
    %get3A_34 = arith.constant 0 : index
    %get3A_35 = vector.load %arg8[%get3A_34] : memref<128xf32, #tpu.memory_space<vmem>>, vector<128xf32>
    %broadcast_in_dim3A_36 = vector.shape_cast %get3A_35 : vector<128xf32> to vector<1x128xf32>
    %mul3A_37 = vector.broadcast %broadcast_in_dim3A_36 : vector<1x128xf32> to vector<2048x128xf32>
    %mul3A_38 = arith.mulf %mul3A_33, %mul3A_37 : vector<2048x128xf32>
    %get3A_39 = arith.constant 0 : index
    %get3A_40 = vector.load %arg9[%get3A_39] : memref<128xf32, #tpu.memory_space<vmem>>, vector<128xf32>
    %broadcast_in_dim3A_41 = vector.shape_cast %get3A_40 : vector<128xf32> to vector<1x128xf32>
    %add3A_42 = vector.broadcast %broadcast_in_dim3A_41 : vector<1x128xf32> to vector<2048x128xf32>
    %add3A_43 = arith.addf %mul3A_38, %add3A_42 : vector<2048x128xf32>
    %swap3A = arith.constant 0 : index
    %swap3A_44 = arith.constant 0 : index
    %swap3A_45 = arith.constant 0 : index
    %swap3A_46 = vector.load %arg10[%swap3A, %swap3A_44, %swap3A_45] : memref<1x2048x128xf32, #tpu.memory_space<vmem>>, vector<1x2048x128xf32>
    %swap3A_47 = vector.shape_cast %swap3A_46 : vector<1x2048x128xf32> to vector<2048x128xf32>
    %swap3A_48 = vector.shape_cast %add3A_43 : vector<2048x128xf32> to vector<1x2048x128xf32>
    tpu.vector_store %arg10[%swap3A, %swap3A_44, %swap3A_45], %swap3A_48 {strides = array<i32>} : memref<1x2048x128xf32, #tpu.memory_space<vmem>>, vector<1x2048x128xf32>,
    %broadcast_in_dim3A_49 = arith.constant 0.000000e+00 : f32
    %broadcast_in_dim3A_50 = vector.broadcast %broadcast_in_dim3A_49 : f32 to vector<2048x128xf32>
    %swap3A_51 = arith.constant 0 : index
    %swap3A_52 = arith.constant 0 : index
    %swap3A_53 = arith.constant 0 : index
    %swap3A_54 = vector.load %arg11[%swap3A_51, %swap3A_52, %swap3A_53] : memref<1x2048x128xf32, #tpu.memory_space<vmem>>, vector<1x2048x128xf32>
    %swap3A_55 = vector.shape_cast %swap3A_54 : vector<1x2048x128xf32> to vector<2048x128xf32>
    %swap3A_56 = vector.shape_cast %broadcast_in_dim3A_50 : vector<2048x128xf32> to vector<1x2048x128xf32>
    tpu.vector_store %arg11[%swap3A_51, %swap3A_52, %swap3A_53], %swap3A_56 {strides = array<i32>} : memref<1x2048x128xf32, #tpu.memory_space<vmem>>, vector<1x2048x128xf32>,
    return
  }
  func.func @transform_0(%arg0: i32, %arg1: i32) -> (i32, i32, i32) {
    %c0_i32 = arith.constant 0 : i32
    %c0_i32_0 = arith.constant 0 : i32
    return %arg0, %arg1, %c0_i32 : i32, i32, i32
  }
  func.func @transform_1(%arg0: i32, %arg1: i32) -> (i32, i32, i32) {
    %c0_i32 = arith.constant 0 : i32
    %c0_i32_0 = arith.constant 0 : i32
    return %arg0, %arg1, %c0_i32 : i32, i32, i32
  }
  func.func @transform_2(%arg0: i32, %arg1: i32) -> i32 {
    %c0_i32 = arith.constant 0 : i32
    return %arg1 : i32
  }
  func.func @transform_3(%arg0: i32, %arg1: i32) -> (i32, i32) {
    %c0_i32 = arith.constant 0 : i32
    %c0_i32_0 = arith.constant 0 : i32
    return %arg1, %c0_i32 : i32, i32
  }
  func.func @transform_4(%arg0: i32, %arg1: i32) -> (i32, i32) {
    %c0_i32 = arith.constant 0 : i32
    %c0_i32_0 = arith.constant 0 : i32
    %c0_i32_1 = arith.constant 0 : i32
    return %c0_i32, %c0_i32_0 : i32, i32
  }
  func.func @transform_5(%arg0: i32, %arg1: i32) -> i32 {
    %c0_i32 = arith.constant 0 : i32
    %c0_i32_0 = arith.constant 0 : i32
    return %c0_i32 : i32
  }
  func.func @transform_6(%arg0: i32, %arg1: i32) -> i32 {
    %c0_i32 = arith.constant 0 : i32
    %c0_i32_0 = arith.constant 0 : i32
    return %c0_i32 : i32
  }
  func.func @transform_7(%arg0: i32, %arg1: i32) -> i32 {
    %c0_i32 = arith.constant 0 : i32
    %c0_i32_0 = arith.constant 0 : i32
    return %c0_i32 : i32
  }
  func.func @transform_8(%arg0: i32, %arg1: i32) -> (i32, i32, i32) {
    %c0_i32 = arith.constant 0 : i32
    %c0_i32_0 = arith.constant 0 : i32
    return %arg0, %arg1, %c0_i32 : i32, i32, i32
  }
  func.func @transform_9(%arg0: i32, %arg1: i32) -> (i32, i32, i32) {
    %c0_i32 = arith.constant 0 : i32
    %c0_i32_0 = arith.constant 0 : i32
    return %arg0, %arg1, %c0_i32 : i32, i32, i32
  }
}

module attributes {stable_mosaic.version = 14 : i64} {
  func.func @_dec_body(%arg0: i32, %arg1: memref<1024x2xf32, #tpu.memory_space<vmem>>, %arg2: memref<2048x2xf32, #tpu.memory_space<vmem>>, %arg3: memref<2x2048x128xf32, #tpu.memory_space<vmem>>, %arg4: memref<128x128xf32, #tpu.memory_space<vmem>>, %arg5: memref<2x128xf32, #tpu.memory_space<vmem>>, %arg6: memref<128xf32, #tpu.memory_space<vmem>>, %arg7: memref<128x8xf32, #tpu.memory_space<vmem>>, %arg8: memref<8xf32, #tpu.memory_space<vmem>>, %arg9: memref<1024x128xf32, #tpu.memory_space<vmem>>, %arg10: memref<1024xf32, #tpu.memory_space<vmem>>, %arg11: memref<1024x8xf32, #tpu.memory_space<vmem>>) attributes {dimension_semantics = [#tpu.dimension_semantics<arbitrary>], iteration_bounds = array<i64: 5>, scalar_prefetch = 0 : i64, scratch_operands = 0 : i64, tpu.core_type = #tpu.core_type<tc>, window_params = [{pipeline_mode = #tpu.pipeline_mode<synchronous>, transform_indices = @transform_0, window_bounds = array<i64: 1024, 2>}, {transform_indices = @transform_1, window_bounds = array<i64: 2048, 2>}, {transform_indices = @transform_2, window_bounds = array<i64: 2, 2048, 128>}, {pipeline_mode = #tpu.pipeline_mode<synchronous>, transform_indices = @transform_3, window_bounds = array<i64: 128, 128>}, {pipeline_mode = #tpu.pipeline_mode<synchronous>, transform_indices = @transform_4, window_bounds = array<i64: 2, 128>}, {pipeline_mode = #tpu.pipeline_mode<synchronous>, transform_indices = @transform_5, window_bounds = array<i64: 128>}, {pipeline_mode = #tpu.pipeline_mode<synchronous>, transform_indices = @transform_6, window_bounds = array<i64: 128, 8>}, {pipeline_mode = #tpu.pipeline_mode<synchronous>, transform_indices = @transform_7, window_bounds = array<i64: 8>}, {pipeline_mode = #tpu.pipeline_mode<synchronous>, transform_indices = @transform_8, window_bounds = array<i64: 1024, 128>}, {pipeline_mode = #tpu.pipeline_mode<synchronous>, transform_indices = @transform_9, window_bounds = array<i64: 1024>}, {pipeline_mode = #tpu.pipeline_mode<synchronous>, transform_indices = @transform_10, window_bounds = array<i64: 1024, 8>}]} {
    %eq3A = arith.constant 0 : i32
    %eq3A_0 = arith.cmpi eq, %arg0, %eq3A : i32
    %convert_element_type3A = arith.extui %eq3A_0 : i1 to i32
    %cond3A = arith.constant 0 : i32
    %cond3A_1 = arith.cmpi ne, %convert_element_type3A, %cond3A : i32
    scf.if %cond3A_1 {
      %broadcast_in_dim3A_50 = arith.constant 0.000000e+00 : f32
      %broadcast_in_dim3A_51 = vector.broadcast %broadcast_in_dim3A_50 : f32 to vector<1024x128xf32>
      %swap3A_52 = arith.constant 0 : index
      %swap3A_53 = arith.constant 0 : index
      %swap3A_54 = vector.load %arg9[%swap3A_52, %swap3A_53] : memref<1024x128xf32, #tpu.memory_space<vmem>>, vector<1024x128xf32>
      tpu.vector_store %arg9[%swap3A_52, %swap3A_53], %broadcast_in_dim3A_51 {strides = array<i32>} : memref<1024x128xf32, #tpu.memory_space<vmem>>, vector<1024x128xf32>,
      %broadcast_in_dim3A_55 = arith.constant 0.000000e+00 : f32
      %broadcast_in_dim3A_56 = vector.broadcast %broadcast_in_dim3A_55 : f32 to vector<1024xf32>
      %swap3A_57 = arith.constant 0 : index
      %swap3A_58 = vector.load %arg10[%swap3A_57] : memref<1024xf32, #tpu.memory_space<vmem>>, vector<1024xf32>
      tpu.vector_store %arg10[%swap3A_57], %broadcast_in_dim3A_56 {strides = array<i32>} : memref<1024xf32, #tpu.memory_space<vmem>>, vector<1024xf32>,
    } else {
    }
    %get3A = arith.constant 0 : index
    %get3A_2 = arith.constant 0 : index
    %get3A_3 = vector.load %arg2[%get3A, %get3A_2] : memref<2048x2xf32, #tpu.memory_space<vmem>>, vector<2048x2xf32>
    %get3A_4 = arith.constant 0 : index
    %get3A_5 = arith.constant 0 : index
    %get3A_6 = vector.load %arg1[%get3A_4, %get3A_5] : memref<1024x2xf32, #tpu.memory_space<vmem>>, vector<1024x2xf32>
    %mul3A = arith.mulf %get3A_6, %get3A_6 : vector<1024x2xf32>
    %reduce_sum3A = arith.constant dense<0.000000e+00> : vector<1024xf32>
    %reduce_sum3A_7 = vector.multi_reduction <add>, %mul3A, %reduce_sum3A [1] : vector<1024x2xf32> to vector<1024xf32>
    %mul3A_8 = arith.mulf %get3A_3, %get3A_3 : vector<2048x2xf32>
    %reduce_sum3A_9 = arith.constant dense<0.000000e+00> : vector<2048xf32>
    %reduce_sum3A_10 = vector.multi_reduction <add>, %mul3A_8, %reduce_sum3A_9 [1] : vector<2048x2xf32> to vector<2048xf32>
    %broadcast_in_dim3A = vector.shape_cast %reduce_sum3A_7 : vector<1024xf32> to vector<1024x1xf32>
    %transpose3A = tpu.transpose %get3A_3, [1, 0] : vector<2048x2xf32> -> vector<2x2048xf32>
    %dot_general3A = arith.constant dense<0.000000e+00> : vector<1024x2048xf32>
    %dot_general3A_11 = tpu.matmul %get3A_6, %transpose3A, %dot_general3A {dimension_numbers = #tpu.dot_dimension_numbers<[1], [0], [0], [1], [0, 0, 1, 1], [], []>, transpose_lhs_hint = false} : vector<1024x2xf32>, vector<2x2048xf32>, vector<1024x2048xf32> -> vector<1024x2048xf32>
    %mul3A_12 = arith.constant 2.000000e+00 : f32
    %mul3A_13 = vector.broadcast %mul3A_12 : f32 to vector<1024x2048xf32>
    %mul3A_14 = arith.mulf %mul3A_13, %dot_general3A_11 : vector<1024x2048xf32>
    %sub3A = vector.broadcast %broadcast_in_dim3A : vector<1024x1xf32> to vector<1024x2048xf32>
    %sub3A_15 = arith.subf %sub3A, %mul3A_14 : vector<1024x2048xf32>
    %broadcast_in_dim3A_16 = vector.shape_cast %reduce_sum3A_10 : vector<2048xf32> to vector<1x2048xf32>
    %add3A = vector.broadcast %broadcast_in_dim3A_16 : vector<1x2048xf32> to vector<1024x2048xf32>
    %add3A_17 = arith.addf %sub3A_15, %add3A : vector<1024x2048xf32>
    %neg3A = arith.constant 0.000000e+00 : f32
    %neg3A_18 = vector.broadcast %neg3A : f32 to vector<1024x2048xf32>
    %neg3A_19 = arith.subf %neg3A_18, %add3A_17 : vector<1024x2048xf32>
    %exp3A = math.exp %neg3A_19 : vector<1024x2048xf32>
    %get3A_20 = arith.constant 0 : index
    %get3A_21 = vector.load %arg10[%get3A_20] : memref<1024xf32, #tpu.memory_space<vmem>>, vector<1024xf32>
    %reduce_sum3A_22 = arith.constant dense<0.000000e+00> : vector<1024xf32>
    %reduce_sum3A_23 = vector.multi_reduction <add>, %exp3A, %reduce_sum3A_22 [1] : vector<1024x2048xf32> to vector<1024xf32>
    %add3A_24 = arith.addf %get3A_21, %reduce_sum3A_23 : vector<1024xf32>
    %swap3A = arith.constant 0 : index
    %swap3A_25 = vector.load %arg10[%swap3A] : memref<1024xf32, #tpu.memory_space<vmem>>, vector<1024xf32>
    tpu.vector_store %arg10[%swap3A], %add3A_24 {strides = array<i32>} : memref<1024xf32, #tpu.memory_space<vmem>>, vector<1024xf32>,
    %get3A_26 = arith.constant 0 : index
    %get3A_27 = arith.constant 0 : index
    %get3A_28 = arith.constant 0 : index
    %get3A_29 = vector.load %arg3[%get3A_26, %get3A_27, %get3A_28] : memref<2x2048x128xf32, #tpu.memory_space<vmem>>, vector<2x2048x128xf32>
    %slice3A = vector.extract_strided_slice %exp3A {offsets = [0, 0], sizes = [512, 2048], strides = [1, 1]} : vector<1024x2048xf32> to vector<512x2048xf32>
    %slice3A_30 = vector.extract_strided_slice %get3A_29 {offsets = [0, 0, 0], sizes = [1, 2048, 128], strides = [1, 1, 1]} : vector<2x2048x128xf32> to vector<1x2048x128xf32>
    %squeeze3A = vector.shape_cast %slice3A_30 : vector<1x2048x128xf32> to vector<2048x128xf32>
    %dot_general3A_31 = arith.constant dense<0.000000e+00> : vector<512x128xf32>
    %dot_general3A_32 = tpu.matmul %slice3A, %squeeze3A, %dot_general3A_31 {dimension_numbers = #tpu.dot_dimension_numbers<[1], [0], [0], [1], [0, 0, 1, 1], [], []>, transpose_lhs_hint = false} : vector<512x2048xf32>, vector<2048x128xf32>, vector<512x128xf32> -> vector<512x128xf32>
    %slice3A_33 = vector.extract_strided_slice %exp3A {offsets = [512, 0], sizes = [512, 2048], strides = [1, 1]} : vector<1024x2048xf32> to vector<512x2048xf32>
    %slice3A_34 = vector.extract_strided_slice %get3A_29 {offsets = [1, 0, 0], sizes = [1, 2048, 128], strides = [1, 1, 1]} : vector<2x2048x128xf32> to vector<1x2048x128xf32>
    %squeeze3A_35 = vector.shape_cast %slice3A_34 : vector<1x2048x128xf32> to vector<2048x128xf32>
    %dot_general3A_36 = arith.constant dense<0.000000e+00> : vector<512x128xf32>
    %dot_general3A_37 = tpu.matmul %slice3A_33, %squeeze3A_35, %dot_general3A_36 {dimension_numbers = #tpu.dot_dimension_numbers<[1], [0], [0], [1], [0, 0, 1, 1], [], []>, transpose_lhs_hint = false} : vector<512x2048xf32>, vector<2048x128xf32>, vector<512x128xf32> -> vector<512x128xf32>
    %get3A_38 = arith.constant 0 : index
    %get3A_39 = arith.constant 0 : index
    %get3A_40 = vector.load %arg9[%get3A_38, %get3A_39] : memref<1024x128xf32, #tpu.memory_space<vmem>>, vector<1024x128xf32>
    %concatenate3A = tpu.concatenate %dot_general3A_32, %dot_general3A_37 in 0 : vector<512x128xf32>, vector<512x128xf32> -> vector<1024x128xf32>
    %add3A_41 = arith.addf %get3A_40, %concatenate3A : vector<1024x128xf32>
    %swap3A_42 = arith.constant 0 : index
    %swap3A_43 = arith.constant 0 : index
    %swap3A_44 = vector.load %arg9[%swap3A_42, %swap3A_43] : memref<1024x128xf32, #tpu.memory_space<vmem>>, vector<1024x128xf32>
    tpu.vector_store %arg9[%swap3A_42, %swap3A_43], %add3A_41 {strides = array<i32>} : memref<1024x128xf32, #tpu.memory_space<vmem>>, vector<1024x128xf32>,
    %eq3A_45 = arith.constant 4 : i32
    %eq3A_46 = arith.cmpi eq, %arg0, %eq3A_45 : i32
    %convert_element_type3A_47 = arith.extui %eq3A_46 : i1 to i32
    %cond3A_48 = arith.constant 0 : i32
    %cond3A_49 = arith.cmpi ne, %convert_element_type3A_47, %cond3A_48 : i32
    scf.if %cond3A_49 {
      %get3A_50 = arith.constant 0 : index
      %get3A_51 = arith.constant 0 : index
      %get3A_52 = vector.load %arg9[%get3A_50, %get3A_51] : memref<1024x128xf32, #tpu.memory_space<vmem>>, vector<1024x128xf32>
      %get3A_53 = arith.constant 0 : index
      %get3A_54 = vector.load %arg10[%get3A_53] : memref<1024xf32, #tpu.memory_space<vmem>>, vector<1024xf32>
      %broadcast_in_dim3A_55 = vector.shape_cast %get3A_54 : vector<1024xf32> to vector<1024x1xf32>
      %div3A = vector.broadcast %broadcast_in_dim3A_55 : vector<1024x1xf32> to vector<1024x128xf32>
      %div3A_56 = arith.divf %get3A_52, %div3A : vector<1024x128xf32>
      %get3A_57 = arith.constant 0 : index
      %get3A_58 = arith.constant 0 : index
      %get3A_59 = vector.load %arg4[%get3A_57, %get3A_58] : memref<128x128xf32, #tpu.memory_space<vmem>>, vector<128x128xf32>
      %dot_general3A_60 = arith.constant dense<0.000000e+00> : vector<1024x128xf32>
      %dot_general3A_61 = tpu.matmul %div3A_56, %get3A_59, %dot_general3A_60 {dimension_numbers = #tpu.dot_dimension_numbers<[1], [0], [0], [1], [0, 0, 1, 1], [], []>, transpose_lhs_hint = false} : vector<1024x128xf32>, vector<128x128xf32>, vector<1024x128xf32> -> vector<1024x128xf32>
      %get3A_62 = arith.constant 0 : index
      %get3A_63 = arith.constant 0 : index
      %get3A_64 = vector.load %arg5[%get3A_62, %get3A_63] : memref<2x128xf32, #tpu.memory_space<vmem>>, vector<2x128xf32>
      %dot_general3A_65 = arith.constant dense<0.000000e+00> : vector<1024x128xf32>
      %dot_general3A_66 = tpu.matmul %get3A_6, %get3A_64, %dot_general3A_65 {dimension_numbers = #tpu.dot_dimension_numbers<[1], [0], [0], [1], [0, 0, 1, 1], [], []>, transpose_lhs_hint = false} : vector<1024x2xf32>, vector<2x128xf32>, vector<1024x128xf32> -> vector<1024x128xf32>
      %add3A_67 = arith.addf %dot_general3A_61, %dot_general3A_66 : vector<1024x128xf32>
      %get3A_68 = arith.constant 0 : index
      %get3A_69 = vector.load %arg6[%get3A_68] : memref<128xf32, #tpu.memory_space<vmem>>, vector<128xf32>
      %broadcast_in_dim3A_70 = vector.shape_cast %get3A_69 : vector<128xf32> to vector<1x128xf32>
      %add3A_71 = vector.broadcast %broadcast_in_dim3A_70 : vector<1x128xf32> to vector<1024x128xf32>
      %add3A_72 = arith.addf %add3A_67, %add3A_71 : vector<1024x128xf32>
      %max3A = arith.constant 0.000000e+00 : f32
      %max3A_73 = vector.broadcast %max3A : f32 to vector<1024x128xf32>
      %max3A_74 = arith.maximumf %add3A_72, %max3A_73 : vector<1024x128xf32>
      %get3A_75 = arith.constant 0 : index
      %get3A_76 = arith.constant 0 : index
      %get3A_77 = vector.load %arg7[%get3A_75, %get3A_76] : memref<128x8xf32, #tpu.memory_space<vmem>>, vector<128x8xf32>
      %dot_general3A_78 = arith.constant dense<0.000000e+00> : vector<1024x8xf32>
      %dot_general3A_79 = tpu.matmul %max3A_74, %get3A_77, %dot_general3A_78 {dimension_numbers = #tpu.dot_dimension_numbers<[1], [0], [0], [1], [0, 0, 1, 1], [], []>, transpose_lhs_hint = false} : vector<1024x128xf32>, vector<128x8xf32>, vector<1024x8xf32> -> vector<1024x8xf32>
      %get3A_80 = arith.constant 0 : index
      %get3A_81 = vector.load %arg8[%get3A_80] : memref<8xf32, #tpu.memory_space<vmem>>, vector<8xf32>
      %broadcast_in_dim3A_82 = vector.shape_cast %get3A_81 : vector<8xf32> to vector<1x8xf32>
      %add3A_83 = vector.broadcast %broadcast_in_dim3A_82 : vector<1x8xf32> to vector<1024x8xf32>
      %add3A_84 = arith.addf %dot_general3A_79, %add3A_83 : vector<1024x8xf32>
      %swap3A_85 = arith.constant 0 : index
      %swap3A_86 = arith.constant 0 : index
      %swap3A_87 = vector.load %arg11[%swap3A_85, %swap3A_86] : memref<1024x8xf32, #tpu.memory_space<vmem>>, vector<1024x8xf32>
      tpu.vector_store %arg11[%swap3A_85, %swap3A_86], %add3A_84 {strides = array<i32>} : memref<1024x8xf32, #tpu.memory_space<vmem>>, vector<1024x8xf32>,
    } else {
    }
    return
  }
  func.func @transform_0(%arg0: i32) -> (i32, i32) {
    %c0_i32 = arith.constant 0 : i32
    %c0_i32_0 = arith.constant 0 : i32
    %c0_i32_1 = arith.constant 0 : i32
    return %c0_i32, %c0_i32_0 : i32, i32
  }
  func.func @transform_1(%arg0: i32) -> (i32, i32) {
    %c0_i32 = arith.constant 0 : i32
    %c0_i32_0 = arith.constant 0 : i32
    return %arg0, %c0_i32 : i32, i32
  }
  func.func @transform_2(%arg0: i32) -> (i32, i32, i32) {
    %c0_i32 = arith.constant 0 : i32
    %c0_i32_0 = arith.constant 0 : i32
    %c0_i32_1 = arith.constant 0 : i32
    return %c0_i32, %arg0, %c0_i32_0 : i32, i32, i32
  }
  func.func @transform_3(%arg0: i32) -> (i32, i32) {
    %c0_i32 = arith.constant 0 : i32
    %c0_i32_0 = arith.constant 0 : i32
    %c0_i32_1 = arith.constant 0 : i32
    return %c0_i32, %c0_i32_0 : i32, i32
  }
  func.func @transform_4(%arg0: i32) -> (i32, i32) {
    %c0_i32 = arith.constant 0 : i32
    %c0_i32_0 = arith.constant 0 : i32
    %c0_i32_1 = arith.constant 0 : i32
    return %c0_i32, %c0_i32_0 : i32, i32
  }
  func.func @transform_5(%arg0: i32) -> i32 {
    %c0_i32 = arith.constant 0 : i32
    %c0_i32_0 = arith.constant 0 : i32
    return %c0_i32 : i32
  }
  func.func @transform_6(%arg0: i32) -> (i32, i32) {
    %c0_i32 = arith.constant 0 : i32
    %c0_i32_0 = arith.constant 0 : i32
    %c0_i32_1 = arith.constant 0 : i32
    return %c0_i32, %c0_i32_0 : i32, i32
  }
  func.func @transform_7(%arg0: i32) -> i32 {
    %c0_i32 = arith.constant 0 : i32
    %c0_i32_0 = arith.constant 0 : i32
    return %c0_i32 : i32
  }
  func.func @transform_8(%arg0: i32) -> (i32, i32) {
    %c0_i32 = arith.constant 0 : i32
    %c0_i32_0 = arith.constant 0 : i32
    %c0_i32_1 = arith.constant 0 : i32
    return %c0_i32, %c0_i32_0 : i32, i32
  }
  func.func @transform_9(%arg0: i32) -> i32 {
    %c0_i32 = arith.constant 0 : i32
    %c0_i32_0 = arith.constant 0 : i32
    return %c0_i32 : i32
  }
  func.func @transform_10(%arg0: i32) -> (i32, i32) {
    %c0_i32 = arith.constant 0 : i32
    %c0_i32_0 = arith.constant 0 : i32
    %c0_i32_1 = arith.constant 0 : i32
    return %c0_i32, %c0_i32_0 : i32, i32
  }
}

</mosaic_0001>

<sc_bundles>
// kernel: sc_degree.3.cloned.1.call-start
scs
__scs_entry_jumppad:
0x0: {  	(pc) =	sbr.rel $0x88, $3  }
0x1: {  	(tag) =	ssettag $0x0;
	lr =	simm.s32 $0x1  }
0x2: {  	[smem:$0x3F90] =	sst lr;
	_ =	strace $0xD0000000  }
0x3: {  	_ = 	snop  }
0x4: {  	_ = 	snop  }
0x5: {  	_ = 	snop  }
0x6: {  	_ = 	snop  }
0x7: {  	_ = 	snop  }
__scs_overlays_trampoline_lowered:
0x8: {  	[smem:$0x3F9F] =	sst s0  }
0x9: {  	[smem:$0x3FA0] =	sst s1  }
0xa: {  	[smem:$0x3FA1] =	sst s2  }
0xb: {  	[smem:$0x3FA2] =	sst s3  }
0xc: {  	[smem:$0x3FA3] =	sst s4  }
0xd: {  	[smem:$0x3FA4] =	sst s5  }
0xe: {  	[smem:$0x3FA5] =	sst s6  }
0xf: {  	[smem:$0x3FA6] =	sst s7  }
0x10: {  	[smem:$0x3FA7] =	sst s8  }
0x11: {  	[smem:$0x3FA8] =	sst s9;
	s0 =	simm.s32 @!p0 $0x0  }
0x12: {  	s1 =	sld [smem:$0x3F8E];
	s0 =	simm.s32 @p0 $0x1  }
0x13: {  	[smem:$0x3FA9] =	sst s0;
	s0 =	simm.s32 @!p1 $0x0  }
0x14: {  	s2 =	sld [smem:$0x3F8D];
	s0 =	simm.s32 @p1 $0x1  }
0x15: {  	[smem:$0x3FAA] =	sst s0;
	s0 =	simm.s32 @!p2 $0x0  }
0x16: {  	s3 =	sld [smem:$0x3FDB];
	s0 =	simm.s32 @p2 $0x1  }
0x17: {  	s4 =	simm.s32 $0x1BF5;
	[smem:$0x3FAC] =	sst s0  }
0x18: {  	s0 =	sld [smem:$0x3F8F];
	_ =	swait.ge [sflag:s4], $0x0  }
0x19: {  	s7 =	sld [smem:$0x3F90]  }
0x1a: {  	s8 =	sadd.s32 $0xFFFFE003, lr  }
0x1b: {  	s9 =	sadd.s32 $0xFFFFFEF7, lr;
	s5 =	simm.s32 $0xFFFFFFFF;
	p2 =	slt.u32 s8, $0xFFFFF086  }
0x1c: {  	p1 =	slt.u32 s9, $0xF7A;
	s5 =	simm.s32 @!p2 $0x0  }
0x1d: {  	s5 =	simm.s32 @p1 $0x1;
	p0 =	seq.s32 s7, s2  }
0x1e: {  	s7 =	smul.u32 @!p0 $0xF7A, s2;
	p2 =	seq.s32 @!p0 s5, $0x0  }
0x1f: {  	s9 =	smul.u32 $0xF7A, s1;
	s8 =	simm.s32 @!p0 $0x1BF5;
	p2 =	por !p2, p0  }
0x20: {  	[sflag:s8] =	ssyncset.s32 @!p0 $0xFFFFF086;
	s6 =	sadd.s32 @!p0 s3, s7;
	s7 =	simm.s32 @!p0 $0x108  }
0x21: {  	s3 =	sadd.s32 s3, s9;
	s6 =	sadd.s32 @!p0 $0x88, s6;
	s7 =	simm.s32 @p2 $0x1082  }
0x22: {  	[simem:s7], [sflag:s8] =	dma.local @!p0 [hbm:s6], $0xF7A  }
0x23: {  	s9 =	sor.u32 $0xD0000000, s2;
	s6 =	simm.s32 $0x108;
	_ =	swait.ge @!p0 [sflag:s8], $0x0  }
0x24: {  	s3 =	sadd.s32 $0x88, s3;
	s6 =	simm.s32 @!p1 $0x1082;
	[sflag:s4] =	ssyncset.s32 $0xFFFFF086  }
0x25: {  	[simem:s6], [sflag:s4] =	dma.local [hbm:s3], $0xF7A  }
0x26: {  	[smem:$0x3F90] =	sst s1;
	(tag) =	ssettag s2;
	_ =	strace s9  }
0x27: {  	s1 =	sld [smem:$0x3FA0]  }
0x28: {  	s2 =	sld [smem:$0x3FA1]  }
0x29: {  	s4 =	sld [smem:$0x3FA3]  }
0x2a: {  	p0 =	seq.s32 s5, $0x0;
	s5 =	sld [smem:$0x3FA4]  }
0x2b: {  	s6 =	sld [smem:$0x3FA5]  }
0x2c: {  	s7 =	sld [smem:$0x3FA6]  }
0x2d: {  	s3 =	simm.s32 $0x108;
	s8 =	sld [smem:$0x3FA7]  }
0x2e: {  	s3 =	simm.s32 @!p0 $0x1082;
	s9 =	sld [smem:$0x3FA8]  }
0x2f: {  	lr =	sadd.s32 s0, s3;
	s0 =	sld [smem:$0x3F9F]  }
0x30: {  	s3 =	sld [smem:$0x3FA2]  }
0x31: {  	[smem:$0x3FAB] =	sst s10  }
0x32: {  	s10 =	sld [smem:$0x3FA9];
	_ =	sdelay $0x3  }
0x33: {  	p0 =	seq.s32 s10, $0x1;
	s10 =	sld [smem:$0x3FAB];
	_ =	sdelay $0x3  }
0x34: {  	[smem:$0x3FAB] =	sst s10  }
0x35: {  	s10 =	sld [smem:$0x3FAA];
	_ =	sdelay $0x3  }
0x36: {  	p1 =	seq.s32 s10, $0x1;
	s10 =	sld [smem:$0x3FAB];
	_ =	sdelay $0x3  }
0x37: {  	[smem:$0x3FAB] =	sst s10  }
0x38: {  	s10 =	sld [smem:$0x3FAC]  }
0x39: {  	_ = 	snop;
	(pc) =	sbr.ind lr, $3  }
0x3a: {  	_ = 	snop  }
0x3b: {  	_ = 	snop  }
0x3c: {  	p2 =	seq.s32 s10, $0x1;
	s10 =	sld [smem:$0x3FAB]  }
0x3d: {  	_ =	shalt  }
0x3e: {  	_ =	shalt  }
0x3f: {  	_ =	shalt  }
0x40: {  	_ =	shalt  }
0x41: {  	_ =	shalt  }
0x42: {  	_ =	shalt  }
0x43: {  	_ =	shalt  }
0x44: {  	_ =	shalt  }
0x45: {  	_ =	shalt  }
0x46: {  	_ =	shalt  }
0x47: {  	_ =	shalt  }
0x48: {  	_ =	shalt  }
0x49: {  	_ =	shalt  }
0x4a: {  	_ =	shalt  }
0x4b: {  	_ =	shalt  }
0x4c: {  	_ =	shalt  }
0x4d: {  	_ =	shalt  }
0x4e: {  	_ =	shalt  }
0x4f: {  	_ =	shalt  }
0x50: {  	_ =	shalt  }
0x51: {  	_ =	shalt  }
0x52: {  	_ =	shalt  }
0x53: {  	_ =	shalt  }
0x54: {  	_ =	shalt  }
0x55: {  	_ =	shalt  }
0x56: {  	_ =	shalt  }
0x57: {  	_ =	shalt  }
0x58: {  	_ =	shalt  }
0x59: {  	_ =	shalt  }
0x5a: {  	_ =	shalt  }
0x5b: {  	_ =	shalt  }
0x5c: {  	_ =	shalt  }
0x5d: {  	_ =	shalt  }
0x5e: {  	_ =	shalt  }
0x5f: {  	_ =	shalt  }
0x60: {  	_ =	shalt  }
0x61: {  	_ =	shalt  }
0x62: {  	_ =	shalt  }
0x63: {  	_ =	shalt  }
0x64: {  	_ =	shalt  }
0x65: {  	_ =	shalt  }
0x66: {  	_ =	shalt  }
0x67: {  	_ =	shalt  }
0x68: {  	_ =	shalt  }
0x69: {  	_ =	shalt  }
0x6a: {  	_ =	shalt  }
0x6b: {  	_ =	shalt  }
0x6c: {  	_ =	shalt  }
0x6d: {  	_ =	shalt  }
0x6e: {  	_ =	shalt  }
0x6f: {  	_ =	shalt  }
0x70: {  	_ =	shalt  }
0x71: {  	_ =	shalt  }
0x72: {  	_ =	shalt  }
0x73: {  	_ =	shalt  }
0x74: {  	_ =	shalt  }
0x75: {  	_ =	shalt  }
0x76: {  	_ =	shalt  }
0x77: {  	_ =	shalt  }
0x78: {  	_ =	shalt  }
0x79: {  	_ =	shalt  }
0x7a: {  	_ =	shalt  }
0x7b: {  	_ =	shalt  }
0x7c: {  	_ =	shalt  }
0x7d: {  	_ =	shalt  }
0x7e: {  	_ =	shalt  }
0x7f: {  	_ =	shalt  }
0x80: {  	_ =	shalt  }
0x81: {  	_ =	shalt  }
0x82: {  	_ =	shalt  }
0x83: {  	_ =	shalt  }
0x84: {  	_ =	shalt  }
0x85: {  	_ =	shalt  }
0x86: {  	_ =	shalt  }
0x87: {  	_ =	shalt  }
.Lfunc_end0:
.L_simem_size_0:
called_computation_lowered:
.L_overlay_start_0:
0x88: {  	s2 =	sld [smem:$0x3FD9]  }
0x89: {  	s3 =	sld [smem:$0x3FFE];
	_ =	sdelay $0x1  }
0x8a: {  	s1 =	srdreg.scid  }
0x8b: {  	s0 =	sand.u32 $0x1, s1  }
0x8c: {  	s16 =	sshll.u32 s0, $0xA;
	s2 =	sadd.s32 s3, s2  }
0x8d: {  	s2 =	sadd.s32 s2, s16  }
0x8e: {  	[smem:$0x3FB7] =	sst s2  }
0x8f: {  	_ = 	snop  }
0x90: {  	(tm) =	ssettm $0x1  }
0x91: {  	s17 =	sld [smem:$0x3FFB];
	_ =	sdelay $0x3  }
0x92: {  	_ =	strace s17  }
0x93: {  	s2 =	sld [smem:$0x3FFC];
	_ =	sdelay $0x3  }
0x94: {  	_ =	strace s2  }
0x95: {  	s2 =	sld [smem:$0x3FFD];
	_ =	sdelay $0x3  }
0x96: {  	_ =	strace s2  }
0x97: {  	_ =	strace $0x8FFFFFFF  }
0x98: {  	s18 =	sld [smem:$0x3FDB];
	_ =	sdelay $0x1  }
0x99: {  	s19 =	simm.s32 $_scs_section_size  }
0x9a: {  	s4 =	simm.s32 $_size__tile_overlayer_lowered;
	s5 =	simm.s32 $_tile_overlayer_lowered  }
0x9b: {  	s22 =	simm.s32 $0x1BFF;
	s21 =	sshll.u32 s5, $0x1;
	s2 =	sadd.s32 s19, s18  }
0x9c: {  	s6 =	simm.s32 $0x0;
	s20 =	sshll.u32 s4, $0x1;
	s4 =	sadd.s32 s21, s2  }
0x9d: {  	[timem:s6], [sflag:s22] =	dma.local [hbm:s4], s20  }
0x9e: {  	_ =	swait.ge [sflag:s22], s20  }
0x9f: {  	s3 =	ssub.s32 $0x0, s20;
	[sflag:s22] =	ssyncset.done $0x0  }
0xa0: {  	[sflag:s22] =	ssyncadd.s32 s3;
	_ =	sdelay $0x1  }
0xa1: {  	s23 =	simm.s32 $0x1B8B  }
0xa2: {  	_ =	swait.ge [sflag:s23], $0x1  }
0xa3: {  	[sflag:s23] =	ssyncset.done $0x0  }
0xa4: {  	s25 =	simm.s32 $0x1B8E;
	s24 =	sld [smem:$0x3FFE];
	[sflag:s23] =	ssyncadd.s32 $0xFFFFFFFF  }
0xa5: {  	s26 =	simm.s32 $execute0_lowered;
	[smem:$0x3FD2] =	sst s25  }
0xa6: {  	s4 =	sshll.u32 s26, $0x1;
	_ =	strace $0x80000046;
	[dreg:$0x1] =	wrdreg $0xFFFFFFFF  }
0xa7: {  	s28 =	simm.s32 $_size_execute0_lowered;
	s2 =	sadd.s32 s2, s4;
	[dreg:$0x0] =	wrdreg $0x0  }
0xa8: {  	s4 =	sshll.u32 s28, $0x1;
	[dreg:$0x2] =	wrdreg s2  }
0xa9: {  	[dreg:$0x3] =	wrdreg s4  }
0xaa: {  	[dreg:$0x4] =	wrdreg $0xC0  }
0xab: {  	_ =	task [dreg:s6], $0x5FFFF  }
0xac: {  	[dreg:$0x1] =	wrdreg $0xFFFFFFFF  }
0xad: {  	[dreg:$0x0] =	wrdreg $0x60  }
0xae: {  	[dreg:$0x2] =	wrdreg s24  }
0xaf: {  	[dreg:$0x3] =	wrdreg $0x53000  }
0xb0: {  	[dreg:$0x4] =	wrdreg $0x9  }
0xb1: {  	_ =	task.clear_ibuf [dreg:s6], $0x5FFFF;
	_ =	strace $0x90000046  }
0xb2: {  	s29 =	simm.s32 $0x9;
	_ =	strace $0x80000048  }
0xb3: {  	_ =	swait.ge [sflag:s29], $0x1  }
0xb4: {  	[sflag:s29] =	ssyncadd.s32 $0xFFFFFFFF  }
0xb5: {  	_ =	strace $0x90000048  }
0xb6: {  	_ =	sfence  }
0xb7: {  	s30 =	sld [smem:$0x0];
	_ =	sdelay $0x2  }
0xb8: {  	s31 =	sshll.u32 s1, $0xD;
	s1 =	sshrl.u32 s1, $0x2  }
0xb9: {  	s3 =	sand.u32 $0x4000, s31;
	s1 =	sadd.s32 s1, s30  }
0xba: {  	s0 =	sor.u32 s3, s0;
	s1 =	sshll.u32 s1, $0x11  }
0xbb: {  	s0 =	sor.u32 s1, s0  }
0xbc: {  	s0 =	sadd.s32 $0x8F2B, s0  }
0xbd: {  	[sflag:s0] =	ssyncadd.remote.s32 $0x1  }
0xbe: {  	_ =	sfence.sel $0xFFFF  }
0xbf: {  	[dreg:$0x0] =	wrdreg $0xFFFFFFFF;
	(pc) =	sbr.abs _section_cstart, $3  }
0xc0: {  	[dreg:$0x1] =	wrdreg $0xFFFFFFFF  }
0xc1: {  	_ =	task.clear_ibuf [dreg:s6], $0x2FFFF;
	_ =	strace $0x9FFFFFFF  }
0xc2: {  	(tm) =	ssettm $0x7FFFFFFF  }
0xc3: {  	_ =	shalt  }
tec
execute0_lowered:
.L_overlay_start_1:
0x0: {  	(tag) =	ssettag $0x1  }
0x1: {  	s1 =	srdreg.scid  }
0x2: {  	s1 =	sand.u32 $0x1, s1  }
0x3: {  	p0 =	seq.s32 s1, $0x1  }
.Ltmp0:
0x4: {  	_ = 	snop;
	(pc) =	sbr.rel @p0 .LBB2_4-.Ltmp0, $4  }
0x5: {  	s3 =	rddreg [dreg:$0x0]  }
0x6: {  	s2 =	rddreg [dreg:$0x1];
	s4 =	simm.s32 $0x0  }
0x7: {  	[smem:$0x7FF] =	sst s4  }
0x8: {  	s0 =	rddreg [dreg:$0x2];
	_ =	strace $0x80000047;
	s1 =	stileid.u32  }
0x9: {  	v0 =	vimm.f32 $1.000000000e+00  }
0xa: {  	[tilespmem:$0x5080] =	vst v0  }
0xb: {  	[tilespmem:$0x5090] =	vst v0  }
0xc: {  	[tilespmem:$0x50A0] =	vst v0  }
0xd: {  	[tilespmem:$0x50B0] =	vst v0  }
0xe: {  	[tilespmem:$0x50C0] =	vst v0  }
0xf: {  	[tilespmem:$0x50D0] =	vst v0  }
0x10: {  	[tilespmem:$0x50E0] =	vst v0  }
0x11: {  	[tilespmem:$0x50F0] =	vst v0  }
0x12: {  	[tilespmem:$0x5100] =	vst v0  }
0x13: {  	[tilespmem:$0x5110] =	vst v0  }
0x14: {  	[tilespmem:$0x5120] =	vst v0  }
0x15: {  	[tilespmem:$0x5130] =	vst v0  }
0x16: {  	[tilespmem:$0x5140] =	vst v0  }
0x17: {  	[tilespmem:$0x5150] =	vst v0  }
0x18: {  	[tilespmem:$0x5160] =	vst v0  }
0x19: {  	[tilespmem:$0x5170] =	vst v0  }
0x1a: {  	[tilespmem:$0x5180] =	vst v0  }
0x1b: {  	[tilespmem:$0x5190] =	vst v0  }
0x1c: {  	[tilespmem:$0x51A0] =	vst v0  }
0x1d: {  	[tilespmem:$0x51B0] =	vst v0  }
0x1e: {  	[tilespmem:$0x51C0] =	vst v0  }
0x1f: {  	[tilespmem:$0x51D0] =	vst v0  }
0x20: {  	[tilespmem:$0x51E0] =	vst v0  }
0x21: {  	[tilespmem:$0x51F0] =	vst v0  }
0x22: {  	[tilespmem:$0x5200] =	vst v0  }
0x23: {  	[tilespmem:$0x5210] =	vst v0  }
0x24: {  	[tilespmem:$0x5220] =	vst v0  }
0x25: {  	[tilespmem:$0x5230] =	vst v0  }
0x26: {  	[tilespmem:$0x5240] =	vst v0  }
0x27: {  	[tilespmem:$0x5250] =	vst v0  }
0x28: {  	[tilespmem:$0x5260] =	vst v0  }
0x29: {  	[tilespmem:$0x5270] =	vst v0  }
0x2a: {  	[tilespmem:$0x5280] =	vst v0  }
0x2b: {  	[tilespmem:$0x5290] =	vst v0  }
0x2c: {  	[tilespmem:$0x52A0] =	vst v0  }
0x2d: {  	[tilespmem:$0x52B0] =	vst v0  }
0x2e: {  	[tilespmem:$0x52C0] =	vst v0  }
0x2f: {  	s8 =	smul.u32 $0x280, s1;
	[tilespmem:$0x52D0] =	vst v0  }
0x30: {  	[tilespmem:$0x52E0] =	vst v0  }
0x31: {  	s6 =	simm.s32 $0x5080;
	[tilespmem:$0x52F0] =	vst v0;
	s5 =	sadd.s32 s8, s2  }
0x32: {  	[spmem:s5] =	stream.linear.scatter [tilespmem:s6], [sflag:$0x1], $0x280, $0x38;
	[tilespmem:$0x5580] =	vst v63  }
0x33: {  	s6 =	simm.s32 $0x1  }
0x34: {  	_ =	swait.ge [sflag:s6], $0x280  }
0x35: {  	[sflag:s6] =	ssyncset.done $0x0  }
0x36: {  	[sflag:s6] =	ssyncadd.s32 $0xFFFFFD80  }
0x37: {  	[tilespmem:$0x5000] =	vst v0  }
0x38: {  	s7 =	smul.u32 $0xA00, s1;
	[tilespmem:$0x5010] =	vst v0  }
0x39: {  	s9 =	sadd.s32 $0x4A00, s3;
	[tilespmem:$0x5020] =	vst v0  }
0x3a: {  	s7 =	sadd.s32 s9, s7;
	[tilespmem:$0x5030] =	vst v0  }
0x3b: {  	[tilespmem:s4], [sflag:$0x1] =	stream.linear.gather [hbm4b:s7+s4], $0x4E80, $0x38;
	[tilespmem:$0x5580] =	vst v63  }
0x3c: {  	_ =	swait.ge [sflag:s6], $0x4E80  }
0x3d: {  	[sflag:s6] =	ssyncset.done $0x0  }
0x3e: {  	s30 =	simm.s32 $0x0;
	s8 =	sshrl.u32 s8, $0x3;
	[sflag:s6] =	ssyncadd.s32 $0xFFFFB180  }
0x3f: {  	s4 =	simm.s32 $0x40;
	s7 =	simm.s32 $0x5000;
	[bflag:$0x0] =	sbarrier.arrive $0xFFFF  }
0x40: {  	[spmem:s2] =	stream.indirect.scatter.add.f32 [tilespmem:s7], [sflag:$0x1], $0x1, s30, s4, $0xb8;
	[tilespmem:$0x5580] =	vst v63  }
0x41: {  	s31 =	sadd.s32 s8, s3;
	_ =	swait.ge [sflag:s6], $0x40  }
0x42: {  	s8 =	simm.s32 $0x200;
	s3 =	sadd.s32 $0xEA00, s31;
	[sflag:s6] =	ssyncset.done $0x0  }
.LBB2_2:
0x43: {  	s9 =	sshra.s32 s8, $0x2;
	[sflag:s6] =	ssyncadd.s32 $0xFFFFFFC0;
	p0 =	sne.s32 s8, $0x13800  }
0x44: {  	[spmem:s2] =	stream.indirect.scatter.add.f32 [tilespmem:s7], [sflag:$0x1], $0x1, s9, s4, $0xb8;
	[tilespmem:$0x5580] =	vst v63  }
.Ltmp1:
0x45: {  	_ = 	snop;
	(pc) =	sbr.rel @p0 .LBB2_2-.Ltmp1, $4  }
0x46: {  	_ = 	snop  }
0x47: {  	s8 =	sadd.s32 $0x200, s8  }
0x48: {  	_ =	swait.ge [sflag:s6], $0x40  }
0x49: {  	[sflag:s6] =	ssyncset.done $0x0  }
0x4a: {  	[sflag:s6] =	ssyncadd.s32 $0xFFFFFFC0;
	s2 =	sshll.u32 s1, $0x6;
	s4 =	sshrl.u32 s5, $0x3  }
0x4b: {  	s31 =	simm.s32 $0x1;
	[bflag:$0x0] =	sbarrier.arrive $0xFFFF;
	s2 =	sor.u32 $0x1C01, s2  }
0x4c: {  	[hbm:s3], [sflag:s2] =	dma.local [spmem:s4], $0x50  }
0x4d: {  	_ =	swait.ge [sflag:s31], $0x50  }
0x4e: {  	[sflag:s31] =	ssyncset.done $0x0  }
0x4f: {  	[sflag:s31] =	ssyncadd.s32 $0xFFFFFFB0  }
.LBB2_4:
0x50: {  	_ =	sfence.sel $0x180000  }
0x51: {  	[bflag:$0x0] =	sbarrier.arrive $0xFFFF  }
0x52: {  	p0 =	sne.s32 s1, $0x0;
	_ =	strace $0x90000047  }
0x53: {  	s0 =	sadd.s32 @!p0 $0x100000, s0;
	[bflag:$0x2] =	sbarrier.arrive $0xFFFF  }
0x54: {  	[sflag:s0] =	ssyncadd.tile.s32 @!p0 $0x1;
	_ =	shalt  }
.Lfunc_end2:
_tile_overlayer_lowered:
.L_overlay_start_2:
0x55: {  	(tag) =	ssettag $0x2  }
0x56: {  	s0 =	rddreg [dreg:$0x0];
	s2 =	stileid.u32  }
0x57: {  	s1 =	rddreg [dreg:$0x1];
	p0 =	sne.s32 s2, $0x0  }
0x58: {  	s3 =	rddreg [dreg:$0x2];
	[bflag:$0x3] =	sbarrier.arrive $0xFFFF;
	s2 =	simm.s32 @!p0 $0x1C01  }
0x59: {  	[timem:s3], [sflag:s2] =	dma.local @!p0 [hbm:s0], s1  }
0x5a: {  	s0 =	simm.s32 @!p0 $0x1  }
0x5b: {  	_ =	swait.ge @!p0 [sflag:s0], s1  }
0x5c: {  	s1 =	ssub.s32 @!p0 $0x0, s1;
	[sflag:s0] =	ssyncset.done @!p0 $0x0  }
0x5d: {  	[sflag:s0] =	ssyncadd.s32 @!p0 s1  }
0x5e: {  	[bflag:$0x3] =	sbarrier.arrive $0xFFFF  }
0x5f: {  	_ =	shalt  }

// kernel: sc_spmm.12.cloned.1.call-start
scs
__scs_entry_jumppad:
0x0: {  	(pc) =	sbr.rel $0x88, $3  }
0x1: {  	(tag) =	ssettag $0x0;
	lr =	simm.s32 $0x1  }
0x2: {  	[smem:$0x3F90] =	sst lr;
	_ =	strace $0xD0000000  }
0x3: {  	_ = 	snop  }
0x4: {  	_ = 	snop  }
0x5: {  	_ = 	snop  }
0x6: {  	_ = 	snop  }
0x7: {  	_ = 	snop  }
__scs_overlays_trampoline_lowered:
0x8: {  	[smem:$0x3F9F] =	sst s0  }
0x9: {  	[smem:$0x3FA0] =	sst s1  }
0xa: {  	[smem:$0x3FA1] =	sst s2  }
0xb: {  	[smem:$0x3FA2] =	sst s3  }
0xc: {  	[smem:$0x3FA3] =	sst s4  }
0xd: {  	[smem:$0x3FA4] =	sst s5  }
0xe: {  	[smem:$0x3FA5] =	sst s6  }
0xf: {  	[smem:$0x3FA6] =	sst s7  }
0x10: {  	[smem:$0x3FA7] =	sst s8  }
0x11: {  	[smem:$0x3FA8] =	sst s9;
	s0 =	simm.s32 @!p0 $0x0  }
0x12: {  	s1 =	sld [smem:$0x3F8E];
	s0 =	simm.s32 @p0 $0x1  }
0x13: {  	[smem:$0x3FA9] =	sst s0;
	s0 =	simm.s32 @!p1 $0x0  }
0x14: {  	s2 =	sld [smem:$0x3F8D];
	s0 =	simm.s32 @p1 $0x1  }
0x15: {  	[smem:$0x3FAA] =	sst s0;
	s0 =	simm.s32 @!p2 $0x0  }
0x16: {  	s3 =	sld [smem:$0x3FDB];
	s0 =	simm.s32 @p2 $0x1  }
0x17: {  	s4 =	simm.s32 $0x1BF5;
	[smem:$0x3FAC] =	sst s0  }
0x18: {  	s0 =	sld [smem:$0x3F8F];
	_ =	swait.ge [sflag:s4], $0x0  }
0x19: {  	s7 =	sld [smem:$0x3F90]  }
0x1a: {  	s8 =	sadd.s32 $0xFFFFE003, lr  }
0x1b: {  	s9 =	sadd.s32 $0xFFFFFEF7, lr;
	s5 =	simm.s32 $0xFFFFFFFF;
	p2 =	slt.u32 s8, $0xFFFFF086  }
0x1c: {  	p1 =	slt.u32 s9, $0xF7A;
	s5 =	simm.s32 @!p2 $0x0  }
0x1d: {  	s5 =	simm.s32 @p1 $0x1;
	p0 =	seq.s32 s7, s2  }
0x1e: {  	s7 =	smul.u32 @!p0 $0xF7A, s2;
	p2 =	seq.s32 @!p0 s5, $0x0  }
0x1f: {  	s9 =	smul.u32 $0xF7A, s1;
	s8 =	simm.s32 @!p0 $0x1BF5;
	p2 =	por !p2, p0  }
0x20: {  	[sflag:s8] =	ssyncset.s32 @!p0 $0xFFFFF086;
	s6 =	sadd.s32 @!p0 s3, s7;
	s7 =	simm.s32 @!p0 $0x108  }
0x21: {  	s3 =	sadd.s32 s3, s9;
	s6 =	sadd.s32 @!p0 $0x88, s6;
	s7 =	simm.s32 @p2 $0x1082  }
0x22: {  	[simem:s7], [sflag:s8] =	dma.local @!p0 [hbm:s6], $0xF7A  }
0x23: {  	s9 =	sor.u32 $0xD0000000, s2;
	s6 =	simm.s32 $0x108;
	_ =	swait.ge @!p0 [sflag:s8], $0x0  }
0x24: {  	s3 =	sadd.s32 $0x88, s3;
	s6 =	simm.s32 @!p1 $0x1082;
	[sflag:s4] =	ssyncset.s32 $0xFFFFF086  }
0x25: {  	[simem:s6], [sflag:s4] =	dma.local [hbm:s3], $0xF7A  }
0x26: {  	[smem:$0x3F90] =	sst s1;
	(tag) =	ssettag s2;
	_ =	strace s9  }
0x27: {  	s1 =	sld [smem:$0x3FA0]  }
0x28: {  	s2 =	sld [smem:$0x3FA1]  }
0x29: {  	s4 =	sld [smem:$0x3FA3]  }
0x2a: {  	p0 =	seq.s32 s5, $0x0;
	s5 =	sld [smem:$0x3FA4]  }
0x2b: {  	s6 =	sld [smem:$0x3FA5]  }
0x2c: {  	s7 =	sld [smem:$0x3FA6]  }
0x2d: {  	s3 =	simm.s32 $0x108;
	s8 =	sld [smem:$0x3FA7]  }
0x2e: {  	s3 =	simm.s32 @!p0 $0x1082;
	s9 =	sld [smem:$0x3FA8]  }
0x2f: {  	lr =	sadd.s32 s0, s3;
	s0 =	sld [smem:$0x3F9F]  }
0x30: {  	s3 =	sld [smem:$0x3FA2]  }
0x31: {  	[smem:$0x3FAB] =	sst s10  }
0x32: {  	s10 =	sld [smem:$0x3FA9];
	_ =	sdelay $0x3  }
0x33: {  	p0 =	seq.s32 s10, $0x1;
	s10 =	sld [smem:$0x3FAB];
	_ =	sdelay $0x3  }
0x34: {  	[smem:$0x3FAB] =	sst s10  }
0x35: {  	s10 =	sld [smem:$0x3FAA];
	_ =	sdelay $0x3  }
0x36: {  	p1 =	seq.s32 s10, $0x1;
	s10 =	sld [smem:$0x3FAB];
	_ =	sdelay $0x3  }
0x37: {  	[smem:$0x3FAB] =	sst s10  }
0x38: {  	s10 =	sld [smem:$0x3FAC]  }
0x39: {  	_ = 	snop;
	(pc) =	sbr.ind lr, $3  }
0x3a: {  	_ = 	snop  }
0x3b: {  	_ = 	snop  }
0x3c: {  	p2 =	seq.s32 s10, $0x1;
	s10 =	sld [smem:$0x3FAB]  }
0x3d: {  	_ =	shalt  }
0x3e: {  	_ =	shalt  }
0x3f: {  	_ =	shalt  }
0x40: {  	_ =	shalt  }
0x41: {  	_ =	shalt  }
0x42: {  	_ =	shalt  }
0x43: {  	_ =	shalt  }
0x44: {  	_ =	shalt  }
0x45: {  	_ =	shalt  }
0x46: {  	_ =	shalt  }
0x47: {  	_ =	shalt  }
0x48: {  	_ =	shalt  }
0x49: {  	_ =	shalt  }
0x4a: {  	_ =	shalt  }
0x4b: {  	_ =	shalt  }
0x4c: {  	_ =	shalt  }
0x4d: {  	_ =	shalt  }
0x4e: {  	_ =	shalt  }
0x4f: {  	_ =	shalt  }
0x50: {  	_ =	shalt  }
0x51: {  	_ =	shalt  }
0x52: {  	_ =	shalt  }
0x53: {  	_ =	shalt  }
0x54: {  	_ =	shalt  }
0x55: {  	_ =	shalt  }
0x56: {  	_ =	shalt  }
0x57: {  	_ =	shalt  }
0x58: {  	_ =	shalt  }
0x59: {  	_ =	shalt  }
0x5a: {  	_ =	shalt  }
0x5b: {  	_ =	shalt  }
0x5c: {  	_ =	shalt  }
0x5d: {  	_ =	shalt  }
0x5e: {  	_ =	shalt  }
0x5f: {  	_ =	shalt  }
0x60: {  	_ =	shalt  }
0x61: {  	_ =	shalt  }
0x62: {  	_ =	shalt  }
0x63: {  	_ =	shalt  }
0x64: {  	_ =	shalt  }
0x65: {  	_ =	shalt  }
0x66: {  	_ =	shalt  }
0x67: {  	_ =	shalt  }
0x68: {  	_ =	shalt  }
0x69: {  	_ =	shalt  }
0x6a: {  	_ =	shalt  }
0x6b: {  	_ =	shalt  }
0x6c: {  	_ =	shalt  }
0x6d: {  	_ =	shalt  }
0x6e: {  	_ =	shalt  }
0x6f: {  	_ =	shalt  }
0x70: {  	_ =	shalt  }
0x71: {  	_ =	shalt  }
0x72: {  	_ =	shalt  }
0x73: {  	_ =	shalt  }
0x74: {  	_ =	shalt  }
0x75: {  	_ =	shalt  }
0x76: {  	_ =	shalt  }
0x77: {  	_ =	shalt  }
0x78: {  	_ =	shalt  }
0x79: {  	_ =	shalt  }
0x7a: {  	_ =	shalt  }
0x7b: {  	_ =	shalt  }
0x7c: {  	_ =	shalt  }
0x7d: {  	_ =	shalt  }
0x7e: {  	_ =	shalt  }
0x7f: {  	_ =	shalt  }
0x80: {  	_ =	shalt  }
0x81: {  	_ =	shalt  }
0x82: {  	_ =	shalt  }
0x83: {  	_ =	shalt  }
0x84: {  	_ =	shalt  }
0x85: {  	_ =	shalt  }
0x86: {  	_ =	shalt  }
0x87: {  	_ =	shalt  }
.Lfunc_end0:
.L_simem_size_0:
called_computation.3_lowered:
.L_overlay_start_0:
0x88: {  	s2 =	sld [smem:$0x3FD9]  }
0x89: {  	s3 =	sld [smem:$0x3FFE];
	_ =	sdelay $0x1  }
0x8a: {  	s1 =	srdreg.scid  }
0x8b: {  	s0 =	sand.u32 $0x1, s1  }
0x8c: {  	s16 =	sshll.u32 s0, $0xA;
	s2 =	sadd.s32 s3, s2  }
0x8d: {  	s2 =	sadd.s32 s2, s16  }
0x8e: {  	[smem:$0x3FB7] =	sst s2  }
0x8f: {  	_ = 	snop  }
0x90: {  	(tm) =	ssettm $0x1  }
0x91: {  	s17 =	sld [smem:$0x3FFB];
	_ =	sdelay $0x3  }
0x92: {  	_ =	strace s17  }
0x93: {  	s2 =	sld [smem:$0x3FFC];
	_ =	sdelay $0x3  }
0x94: {  	_ =	strace s2  }
0x95: {  	s2 =	sld [smem:$0x3FFD];
	_ =	sdelay $0x3  }
0x96: {  	_ =	strace s2  }
0x97: {  	_ =	strace $0x8FFFFFFF  }
0x98: {  	s18 =	sld [smem:$0x3FDB];
	_ =	sdelay $0x1  }
0x99: {  	s19 =	simm.s32 $_scs_section_size  }
0x9a: {  	s4 =	simm.s32 $_size__tile_overlayer_lowered;
	s5 =	simm.s32 $_tile_overlayer_lowered  }
0x9b: {  	s22 =	simm.s32 $0x1BFF;
	s21 =	sshll.u32 s5, $0x1;
	s2 =	sadd.s32 s19, s18  }
0x9c: {  	s6 =	simm.s32 $0x0;
	s20 =	sshll.u32 s4, $0x1;
	s4 =	sadd.s32 s21, s2  }
0x9d: {  	[timem:s6], [sflag:s22] =	dma.local [hbm:s4], s20  }
0x9e: {  	_ =	swait.ge [sflag:s22], s20  }
0x9f: {  	s3 =	ssub.s32 $0x0, s20;
	[sflag:s22] =	ssyncset.done $0x0  }
0xa0: {  	[sflag:s22] =	ssyncadd.s32 s3;
	_ =	sdelay $0x1  }
0xa1: {  	s23 =	simm.s32 $0x1B8B  }
0xa2: {  	_ =	swait.ge [sflag:s23], $0x1  }
0xa3: {  	[sflag:s23] =	ssyncset.done $0x0  }
0xa4: {  	s25 =	simm.s32 $0x1B8E;
	s24 =	sld [smem:$0x3FFE];
	[sflag:s23] =	ssyncadd.s32 $0xFFFFFFFF  }
0xa5: {  	s26 =	simm.s32 $execute0_lowered;
	[smem:$0x3FD2] =	sst s25  }
0xa6: {  	s4 =	sshll.u32 s26, $0x1;
	_ =	strace $0x8000004F;
	[dreg:$0x1] =	wrdreg $0xFFFFFFFF  }
0xa7: {  	s28 =	simm.s32 $_size_execute0_lowered;
	s2 =	sadd.s32 s2, s4;
	[dreg:$0x0] =	wrdreg $0x0  }
0xa8: {  	s4 =	sshll.u32 s28, $0x1;
	[dreg:$0x2] =	wrdreg s2  }
0xa9: {  	[dreg:$0x3] =	wrdreg s4  }
0xaa: {  	[dreg:$0x4] =	wrdreg $0xC0  }
0xab: {  	_ =	task [dreg:s6], $0x5FFFF  }
0xac: {  	[dreg:$0x1] =	wrdreg $0xFFFFFFFF  }
0xad: {  	[dreg:$0x0] =	wrdreg $0x60  }
0xae: {  	[dreg:$0x2] =	wrdreg s24  }
0xaf: {  	[dreg:$0x3] =	wrdreg $0x42000  }
0xb0: {  	[dreg:$0x4] =	wrdreg $0x9  }
0xb1: {  	_ =	task.clear_ibuf [dreg:s6], $0x5FFFF;
	_ =	strace $0x9000004F  }
0xb2: {  	s29 =	simm.s32 $0x9;
	_ =	strace $0x80000051  }
0xb3: {  	_ =	swait.ge [sflag:s29], $0x1  }
0xb4: {  	[sflag:s29] =	ssyncadd.s32 $0xFFFFFFFF  }
0xb5: {  	_ =	strace $0x90000051  }
0xb6: {  	_ =	sfence  }
0xb7: {  	s30 =	sld [smem:$0x0];
	_ =	sdelay $0x2  }
0xb8: {  	s31 =	sshll.u32 s1, $0xD;
	s1 =	sshrl.u32 s1, $0x2  }
0xb9: {  	s3 =	sand.u32 $0x4000, s31;
	s1 =	sadd.s32 s1, s30  }
0xba: {  	s0 =	sor.u32 s3, s0;
	s1 =	sshll.u32 s1, $0x11  }
0xbb: {  	s0 =	sor.u32 s1, s0  }
0xbc: {  	s0 =	sadd.s32 $0x8F2B, s0  }
0xbd: {  	[sflag:s0] =	ssyncadd.remote.s32 $0x1  }
0xbe: {  	_ =	sfence.sel $0xFFFF  }
0xbf: {  	[dreg:$0x0] =	wrdreg $0xFFFFFFFF;
	(pc) =	sbr.abs _section_cstart, $3  }
0xc0: {  	[dreg:$0x1] =	wrdreg $0xFFFFFFFF  }
0xc1: {  	_ =	task.clear_ibuf [dreg:s6], $0x2FFFF;
	_ =	strace $0x9FFFFFFF  }
0xc2: {  	(tm) =	ssettm $0x7FFFFFFF  }
0xc3: {  	_ =	shalt  }
tec
execute0_lowered:
.L_overlay_start_1:
0x0: {  	(tag) =	ssettag $0x1  }
0x1: {  	s4 =	rddreg [dreg:$0x0]  }
0x2: {  	s2 =	rddreg [dreg:$0x1]  }
0x3: {  	s0 =	rddreg [dreg:$0x2];
	s1 =	stileid.u32  }
0x4: {  	s5 =	srdreg.scid;
	s3 =	simm.s32 $0x0;
	s13 =	simm.s32 $0x3  }
0x5: {  	s14 =	simm.s32 $0x40;
	s15 =	simm.s32 $0x200;
	s16 =	simm.s32 $0x4  }
0x6: {  	s17 =	simm.s32 $0x2200;
	s18 =	simm.s32 $0x1;
	s6 =	smul.u32 $0x13A0, s1  }
0x7: {  	s19 =	simm.s32 $0x80;
	s20 =	simm.s32 $0x2;
	s8 =	smul.u32 $0x50000, s1  }
0x8: {  	s21 =	simm.s32 $0x180;
	s5 =	sand.u32 $0x1, s5;
	s23 =	smul.u32 $0x2800, s1  }
0x9: {  	[smem:$0x7FF] =	sst s3;
	s31 =	sshll.u32 s1, $0x6;
	s7 =	smul.u32 $0x28000, s5  }
0xa: {  	_ =	strace $0x80000050;
	s5 =	ssub.s32 $0x2, s5;
	s9 =	sadd.s32 s6, s4  }
0xb: {  	s29 =	sshrl.u32 s5, $0x1;
	s30 =	sshrl.u32 s8, $0x2;
	s6 =	sor.u32 $0x1C05, s31  }
0xc: {  	s10 =	sadd.s32 s7, s4;
	s11 =	ssub.s32 s5, s29;
	s12 =	sadd.s32 s30, s2  }
0xd: {  	s7 =	sadd.s32 $0xF000, s9;
	s4 =	sadd.s32 $0x72A00, s10;
	s24 =	sadd.s32 $0xC2A00, s10  }
0xe: {  	s8 =	smax.u32 s11, $0x1;
	s9 =	sshrl.u32 s12, $0x3;
	s10 =	simm.s32 $0x5  }
0xf: {  	s11 =	sadd.s32 $0x20, s7;
	s12 =	simm.s32 $0x100;
	s22 =	sadd.s32 $0x1380, s7  }
0x10: {  	s5 =	sadd.s32 s23, s4;
	s23 =	sadd.s32 s23, s24;
	s24 =	simm.s32 $0x0  }
.LBB2_1:
0x11: {  	[spmem:s9], [sflag:s6] =	dma.local [hbm:s5], $0x2800  }
0x12: {  	_ =	swait.ge [sflag:s10], $0x2800  }
0x13: {  	[sflag:s10] =	ssyncset.done $0x0  }
0x14: {  	[sflag:s10] =	ssyncadd.s32 $0xFFFFD800  }
0x15: {  	[bflag:$0x0] =	sbarrier.arrive $0xFFFF  }
0x16: {  	[tilespmem:s3], [sflag:$0x3] =	stream.linear.gather [hbm4b:s7+s3], $0x100, $0x38;
	[tilespmem:$0x18200] =	vst v63  }
0x17: {  	_ = 	snop  }
0x18: {  	[tilespmem:s12], [sflag:$0x4] =	stream.linear.gather [hbm4b:s11+s3], $0x100, $0x38;
	[tilespmem:$0x18200] =	vst v63  }
0x19: {  	_ =	swait.ge [sflag:s13], $0x100  }
0x1a: {  	[sflag:s13] =	ssyncset.done $0x0  }
0x1b: {  	[sflag:s13] =	ssyncadd.s32 $0xFFFFFF00  }
0x1c: {  	[tilespmem:s15], [sflag:$0x1] =	stream.indirect.gather [hbm4b:s4+s14], $0x80, s3, s14, $0xb8;
	[tilespmem:$0x18200] =	vst v63  }
0x1d: {  	_ =	swait.ge [sflag:s16], $0x100  }
0x1e: {  	[sflag:s16] =	ssyncset.done $0x0  }
0x1f: {  	[sflag:s16] =	ssyncadd.s32 $0xFFFFFF00  }
0x20: {  	[tilespmem:s17], [sflag:$0x2] =	stream.indirect.gather [hbm4b:s4+s14], $0x80, s12, s14, $0xb8;
	[tilespmem:$0x18200] =	vst v63  }
0x21: {  	_ =	swait.ge [sflag:s18], $0x2000  }
0x22: {  	[sflag:s18] =	ssyncset.done $0x0  }
0x23: {  	[sflag:s18] =	ssyncadd.s32 $0xFFFFE000  }
0x24: {  	[spmem:s2] =	stream.indirect.scatter.add.f32 [tilespmem:s15], [sflag:$0x5], $0x80, s19, s14, $0xb8;
	[tilespmem:$0x18200] =	vst v63  }
0x25: {  	_ =	swait.ge [sflag:s10], $0x2000  }
0x26: {  	s26 =	sadd.s32 $0xFFFFECC0, s7;
	[sflag:s10] =	ssyncset.done $0x0  }
0x27: {  	s25 =	sadd.s32 $0x1380, s26;
	[sflag:s10] =	ssyncadd.s32 $0xFFFFE000  }
0x28: {  	[tilespmem:s3], [sflag:$0x3] =	stream.linear.gather [hbm4b:s25+s3], $0x100, $0x38;
	[tilespmem:$0x18200] =	vst v63  }
0x29: {  	_ =	swait.ge [sflag:s20], $0x2000  }
0x2a: {  	[sflag:s20] =	ssyncset.done $0x0  }
0x2b: {  	[sflag:s20] =	ssyncadd.s32 $0xFFFFE000  }
0x2c: {  	[spmem:s2] =	stream.indirect.scatter.add.f32 [tilespmem:s17], [sflag:$0x5], $0x80, s21, s14, $0xb8;
	[tilespmem:$0x18200] =	vst v63  }
0x2d: {  	_ =	swait.ge [sflag:s10], $0x2000  }
0x2e: {  	[sflag:s10] =	ssyncset.done $0x0  }
0x2f: {  	[sflag:s10] =	ssyncadd.s32 $0xFFFFE000  }
0x30: {  	_ =	swait.ge [sflag:s13], $0x100  }
0x31: {  	[sflag:s13] =	ssyncset.done $0x0  }
0x32: {  	s26 =	sadd.s32 $0x13A0, s26;
	s25 =	simm.s32 $0xFFFFED00;
	[sflag:s13] =	ssyncadd.s32 $0xFFFFFF00  }
0x33: {  	[tilespmem:s15], [sflag:$0x1] =	stream.indirect.gather [hbm4b:s4+s14], $0x80, s3, s14, $0xb8;
	[tilespmem:$0x18200] =	vst v63  }
.LBB2_2:
0x34: {  	[tilespmem:s12], [sflag:$0x4] =	stream.linear.gather [hbm4b:s26+s3], $0x100, $0x38;
	[tilespmem:$0x18200] =	vst v63  }
0x35: {  	s26 =	smov.u32 s25  }
0x36: {  	p0 =	sne.s32 s25, $0xFFFFFFC0;
	s25 =	sadd.s32 $0x40, s25;
	_ =	swait.ge [sflag:s16], $0x100  }
0x37: {  	[sflag:s16] =	ssyncset.done $0x0  }
0x38: {  	[sflag:s16] =	ssyncadd.s32 $0xFFFFFF00  }
0x39: {  	[tilespmem:s17], [sflag:$0x2] =	stream.indirect.gather [hbm4b:s4+s14], $0x80, s12, s14, $0xb8;
	[tilespmem:$0x18200] =	vst v63  }
0x3a: {  	_ =	swait.ge [sflag:s18], $0x2000  }
0x3b: {  	[sflag:s18] =	ssyncset.done $0x0  }
0x3c: {  	[sflag:s18] =	ssyncadd.s32 $0xFFFFE000  }
0x3d: {  	[spmem:s2] =	stream.indirect.scatter.add.f32 [tilespmem:s15], [sflag:$0x5], $0x80, s19, s14, $0xb8;
	[tilespmem:$0x18200] =	vst v63  }
0x3e: {  	_ =	swait.ge [sflag:s10], $0x2000  }
0x3f: {  	s26 =	sadd.s32 s26, s7;
	[sflag:s10] =	ssyncset.done $0x0  }
0x40: {  	s28 =	sadd.s32 $0x1380, s26;
	[sflag:s10] =	ssyncadd.s32 $0xFFFFE000  }
0x41: {  	[tilespmem:s3], [sflag:$0x3] =	stream.linear.gather [hbm4b:s28+s3], $0x100, $0x38;
	[tilespmem:$0x18200] =	vst v63  }
0x42: {  	_ =	swait.ge [sflag:s20], $0x2000  }
0x43: {  	[sflag:s20] =	ssyncset.done $0x0  }
0x44: {  	[sflag:s20] =	ssyncadd.s32 $0xFFFFE000  }
0x45: {  	[spmem:s2] =	stream.indirect.scatter.add.f32 [tilespmem:s17], [sflag:$0x5], $0x80, s21, s14, $0xb8;
	[tilespmem:$0x18200] =	vst v63  }
0x46: {  	_ =	swait.ge [sflag:s10], $0x2000  }
0x47: {  	[sflag:s10] =	ssyncset.done $0x0  }
0x48: {  	[sflag:s10] =	ssyncadd.s32 $0xFFFFE000  }
.Ltmp0:
0x49: {  	_ =	swait.ge [sflag:s13], $0x100;
	(pc) =	sbr.rel @p0 .LBB2_2-.Ltmp0, $4  }
0x4a: {  	[sflag:s13] =	ssyncset.done $0x0  }
0x4b: {  	[sflag:s13] =	ssyncadd.s32 $0xFFFFFF00  }
0x4c: {  	[tilespmem:s15], [sflag:$0x1] =	stream.indirect.gather [hbm4b:s4+s14], $0x80, s3, s14, $0xb8;
	[tilespmem:$0x18200] =	vst v63  }
0x4d: {  	s26 =	sadd.s32 $0x13A0, s26  }
0x4e: {  	[tilespmem:s12], [sflag:$0x4] =	stream.linear.gather [hbm4b:s26+s3], $0x100, $0x38;
	[tilespmem:$0x18200] =	vst v63  }
0x4f: {  	_ =	swait.ge [sflag:s16], $0x100  }
0x50: {  	[sflag:s16] =	ssyncset.done $0x0  }
0x51: {  	[sflag:s16] =	ssyncadd.s32 $0xFFFFFF00  }
0x52: {  	[tilespmem:s17], [sflag:$0x2] =	stream.indirect.gather [hbm4b:s4+s14], $0x80, s12, s14, $0xb8;
	[tilespmem:$0x18200] =	vst v63  }
0x53: {  	_ =	swait.ge [sflag:s18], $0x2000  }
0x54: {  	[sflag:s18] =	ssyncset.done $0x0  }
0x55: {  	[sflag:s18] =	ssyncadd.s32 $0xFFFFE000  }
0x56: {  	[spmem:s2] =	stream.indirect.scatter.add.f32 [tilespmem:s15], [sflag:$0x5], $0x80, s19, s14, $0xb8;
	[tilespmem:$0x18200] =	vst v63  }
0x57: {  	_ =	swait.ge [sflag:s10], $0x2000  }
0x58: {  	[sflag:s10] =	ssyncset.done $0x0  }
0x59: {  	[sflag:s10] =	ssyncadd.s32 $0xFFFFE000  }
0x5a: {  	[tilespmem:s3], [sflag:$0x3] =	stream.linear.gather [hbm4b:s22+s3], $0x100, $0x38;
	[tilespmem:$0x18200] =	vst v63  }
0x5b: {  	_ =	swait.ge [sflag:s20], $0x2000  }
0x5c: {  	[sflag:s20] =	ssyncset.done $0x0  }
0x5d: {  	[sflag:s20] =	ssyncadd.s32 $0xFFFFE000  }
0x5e: {  	[spmem:s2] =	stream.indirect.scatter.add.f32 [tilespmem:s17], [sflag:$0x5], $0x80, s21, s14, $0xb8;
	[tilespmem:$0x18200] =	vst v63  }
0x5f: {  	_ =	swait.ge [sflag:s10], $0x2000  }
0x60: {  	[sflag:s10] =	ssyncset.done $0x0  }
0x61: {  	[sflag:s10] =	ssyncadd.s32 $0xFFFFE000  }
0x62: {  	_ =	swait.ge [sflag:s13], $0x100  }
0x63: {  	[sflag:s13] =	ssyncset.done $0x0  }
0x64: {  	[sflag:s13] =	ssyncadd.s32 $0xFFFFFF00  }
0x65: {  	[tilespmem:s15], [sflag:$0x1] =	stream.indirect.gather [hbm4b:s4+s14], $0x80, s3, s14, $0xb8;
	[tilespmem:$0x18200] =	vst v63  }
0x66: {  	_ =	swait.ge [sflag:s18], $0x2000  }
0x67: {  	[sflag:s18] =	ssyncset.done $0x0  }
0x68: {  	[sflag:s18] =	ssyncadd.s32 $0xFFFFE000  }
0x69: {  	[spmem:s2] =	stream.indirect.scatter.add.f32 [tilespmem:s15], [sflag:$0x5], $0x80, s19, s14, $0xb8;
	[tilespmem:$0x18200] =	vst v63  }
0x6a: {  	_ =	swait.ge [sflag:s10], $0x2000  }
0x6b: {  	s24 =	sadd.s32 $0x1, s24;
	[sflag:s10] =	ssyncset.done $0x0  }
0x6c: {  	p0 =	sne.s32 s24, s8;
	[sflag:s10] =	ssyncadd.s32 $0xFFFFE000  }
.Ltmp1:
0x6d: {  	[bflag:$0x0] =	sbarrier.arrive $0xFFFF;
	(pc) =	sbr.rel @p0 .LBB2_1-.Ltmp1, $4  }
0x6e: {  	[hbm:s23], [sflag:s6] =	dma.local [spmem:s9], $0x2800  }
0x6f: {  	_ =	swait.ge [sflag:s10], $0x2800  }
0x70: {  	[sflag:s10] =	ssyncset.done $0x0  }
0x71: {  	[sflag:s10] =	ssyncadd.s32 $0xFFFFD800  }
0x72: {  	_ =	sfence.sel $0x180000  }
0x73: {  	[bflag:$0x0] =	sbarrier.arrive $0xFFFF  }
0x74: {  	p0 =	sne.s32 s1, $0x0;
	_ =	strace $0x90000050  }
0x75: {  	s0 =	sadd.s32 @!p0 $0x100000, s0;
	[bflag:$0x2] =	sbarrier.arrive $0xFFFF  }
0x76: {  	[sflag:s0] =	ssyncadd.tile.s32 @!p0 $0x1;
	_ =	shalt  }
.Lfunc_end2:
_tile_overlayer_lowered:
.L_overlay_start_2:
0x77: {  	(tag) =	ssettag $0x2  }
0x78: {  	s0 =	rddreg [dreg:$0x0];
	s2 =	stileid.u32  }
0x79: {  	s1 =	rddreg [dreg:$0x1];
	p0 =	sne.s32 s2, $0x0  }
0x7a: {  	s3 =	rddreg [dreg:$0x2];
	[bflag:$0x3] =	sbarrier.arrive $0xFFFF;
	s2 =	simm.s32 @!p0 $0x1C05  }
0x7b: {  	[timem:s3], [sflag:s2] =	dma.local @!p0 [hbm:s0], s1  }
0x7c: {  	s0 =	simm.s32 @!p0 $0x5  }
0x7d: {  	_ =	swait.ge @!p0 [sflag:s0], s1  }
0x7e: {  	s1 =	ssub.s32 @!p0 $0x0, s1;
	[sflag:s0] =	ssyncset.done @!p0 $0x0  }
0x7f: {  	[sflag:s0] =	ssyncadd.s32 @!p0 s1  }
0x80: {  	[bflag:$0x3] =	sbarrier.arrive $0xFFFF  }
0x81: {  	_ =	shalt  }

// kernel: sc_spmm.15.cloned.1.call-start
scs
__scs_entry_jumppad:
0x0: {  	(pc) =	sbr.rel $0x88, $3  }
0x1: {  	(tag) =	ssettag $0x0;
	lr =	simm.s32 $0x1  }
0x2: {  	[smem:$0x3F90] =	sst lr;
	_ =	strace $0xD0000000  }
0x3: {  	_ = 	snop  }
0x4: {  	_ = 	snop  }
0x5: {  	_ = 	snop  }
0x6: {  	_ = 	snop  }
0x7: {  	_ = 	snop  }
__scs_overlays_trampoline_lowered:
0x8: {  	[smem:$0x3F9F] =	sst s0  }
0x9: {  	[smem:$0x3FA0] =	sst s1  }
0xa: {  	[smem:$0x3FA1] =	sst s2  }
0xb: {  	[smem:$0x3FA2] =	sst s3  }
0xc: {  	[smem:$0x3FA3] =	sst s4  }
0xd: {  	[smem:$0x3FA4] =	sst s5  }
0xe: {  	[smem:$0x3FA5] =	sst s6  }
0xf: {  	[smem:$0x3FA6] =	sst s7  }
0x10: {  	[smem:$0x3FA7] =	sst s8  }
0x11: {  	[smem:$0x3FA8] =	sst s9;
	s0 =	simm.s32 @!p0 $0x0  }
0x12: {  	s1 =	sld [smem:$0x3F8E];
	s0 =	simm.s32 @p0 $0x1  }
0x13: {  	[smem:$0x3FA9] =	sst s0;
	s0 =	simm.s32 @!p1 $0x0  }
0x14: {  	s2 =	sld [smem:$0x3F8D];
	s0 =	simm.s32 @p1 $0x1  }
0x15: {  	[smem:$0x3FAA] =	sst s0;
	s0 =	simm.s32 @!p2 $0x0  }
0x16: {  	s3 =	sld [smem:$0x3FDB];
	s0 =	simm.s32 @p2 $0x1  }
0x17: {  	s4 =	simm.s32 $0x1BF5;
	[smem:$0x3FAC] =	sst s0  }
0x18: {  	s0 =	sld [smem:$0x3F8F];
	_ =	swait.ge [sflag:s4], $0x0  }
0x19: {  	s7 =	sld [smem:$0x3F90]  }
0x1a: {  	s8 =	sadd.s32 $0xFFFFE003, lr  }
0x1b: {  	s9 =	sadd.s32 $0xFFFFFEF7, lr;
	s5 =	simm.s32 $0xFFFFFFFF;
	p2 =	slt.u32 s8, $0xFFFFF086  }
0x1c: {  	p1 =	slt.u32 s9, $0xF7A;
	s5 =	simm.s32 @!p2 $0x0  }
0x1d: {  	s5 =	simm.s32 @p1 $0x1;
	p0 =	seq.s32 s7, s2  }
0x1e: {  	s7 =	smul.u32 @!p0 $0xF7A, s2;
	p2 =	seq.s32 @!p0 s5, $0x0  }
0x1f: {  	s9 =	smul.u32 $0xF7A, s1;
	s8 =	simm.s32 @!p0 $0x1BF5;
	p2 =	por !p2, p0  }
0x20: {  	[sflag:s8] =	ssyncset.s32 @!p0 $0xFFFFF086;
	s6 =	sadd.s32 @!p0 s3, s7;
	s7 =	simm.s32 @!p0 $0x108  }
0x21: {  	s3 =	sadd.s32 s3, s9;
	s6 =	sadd.s32 @!p0 $0x88, s6;
	s7 =	simm.s32 @p2 $0x1082  }
0x22: {  	[simem:s7], [sflag:s8] =	dma.local @!p0 [hbm:s6], $0xF7A  }
0x23: {  	s9 =	sor.u32 $0xD0000000, s2;
	s6 =	simm.s32 $0x108;
	_ =	swait.ge @!p0 [sflag:s8], $0x0  }
0x24: {  	s3 =	sadd.s32 $0x88, s3;
	s6 =	simm.s32 @!p1 $0x1082;
	[sflag:s4] =	ssyncset.s32 $0xFFFFF086  }
0x25: {  	[simem:s6], [sflag:s4] =	dma.local [hbm:s3], $0xF7A  }
0x26: {  	[smem:$0x3F90] =	sst s1;
	(tag) =	ssettag s2;
	_ =	strace s9  }
0x27: {  	s1 =	sld [smem:$0x3FA0]  }
0x28: {  	s2 =	sld [smem:$0x3FA1]  }
0x29: {  	s4 =	sld [smem:$0x3FA3]  }
0x2a: {  	p0 =	seq.s32 s5, $0x0;
	s5 =	sld [smem:$0x3FA4]  }
0x2b: {  	s6 =	sld [smem:$0x3FA5]  }
0x2c: {  	s7 =	sld [smem:$0x3FA6]  }
0x2d: {  	s3 =	simm.s32 $0x108;
	s8 =	sld [smem:$0x3FA7]  }
0x2e: {  	s3 =	simm.s32 @!p0 $0x1082;
	s9 =	sld [smem:$0x3FA8]  }
0x2f: {  	lr =	sadd.s32 s0, s3;
	s0 =	sld [smem:$0x3F9F]  }
0x30: {  	s3 =	sld [smem:$0x3FA2]  }
0x31: {  	[smem:$0x3FAB] =	sst s10  }
0x32: {  	s10 =	sld [smem:$0x3FA9];
	_ =	sdelay $0x3  }
0x33: {  	p0 =	seq.s32 s10, $0x1;
	s10 =	sld [smem:$0x3FAB];
	_ =	sdelay $0x3  }
0x34: {  	[smem:$0x3FAB] =	sst s10  }
0x35: {  	s10 =	sld [smem:$0x3FAA];
	_ =	sdelay $0x3  }
0x36: {  	p1 =	seq.s32 s10, $0x1;
	s10 =	sld [smem:$0x3FAB];
	_ =	sdelay $0x3  }
0x37: {  	[smem:$0x3FAB] =	sst s10  }
0x38: {  	s10 =	sld [smem:$0x3FAC]  }
0x39: {  	_ = 	snop;
	(pc) =	sbr.ind lr, $3  }
0x3a: {  	_ = 	snop  }
0x3b: {  	_ = 	snop  }
0x3c: {  	p2 =	seq.s32 s10, $0x1;
	s10 =	sld [smem:$0x3FAB]  }
0x3d: {  	_ =	shalt  }
0x3e: {  	_ =	shalt  }
0x3f: {  	_ =	shalt  }
0x40: {  	_ =	shalt  }
0x41: {  	_ =	shalt  }
0x42: {  	_ =	shalt  }
0x43: {  	_ =	shalt  }
0x44: {  	_ =	shalt  }
0x45: {  	_ =	shalt  }
0x46: {  	_ =	shalt  }
0x47: {  	_ =	shalt  }
0x48: {  	_ =	shalt  }
0x49: {  	_ =	shalt  }
0x4a: {  	_ =	shalt  }
0x4b: {  	_ =	shalt  }
0x4c: {  	_ =	shalt  }
0x4d: {  	_ =	shalt  }
0x4e: {  	_ =	shalt  }
0x4f: {  	_ =	shalt  }
0x50: {  	_ =	shalt  }
0x51: {  	_ =	shalt  }
0x52: {  	_ =	shalt  }
0x53: {  	_ =	shalt  }
0x54: {  	_ =	shalt  }
0x55: {  	_ =	shalt  }
0x56: {  	_ =	shalt  }
0x57: {  	_ =	shalt  }
0x58: {  	_ =	shalt  }
0x59: {  	_ =	shalt  }
0x5a: {  	_ =	shalt  }
0x5b: {  	_ =	shalt  }
0x5c: {  	_ =	shalt  }
0x5d: {  	_ =	shalt  }
0x5e: {  	_ =	shalt  }
0x5f: {  	_ =	shalt  }
0x60: {  	_ =	shalt  }
0x61: {  	_ =	shalt  }
0x62: {  	_ =	shalt  }
0x63: {  	_ =	shalt  }
0x64: {  	_ =	shalt  }
0x65: {  	_ =	shalt  }
0x66: {  	_ =	shalt  }
0x67: {  	_ =	shalt  }
0x68: {  	_ =	shalt  }
0x69: {  	_ =	shalt  }
0x6a: {  	_ =	shalt  }
0x6b: {  	_ =	shalt  }
0x6c: {  	_ =	shalt  }
0x6d: {  	_ =	shalt  }
0x6e: {  	_ =	shalt  }
0x6f: {  	_ =	shalt  }
0x70: {  	_ =	shalt  }
0x71: {  	_ =	shalt  }
0x72: {  	_ =	shalt  }
0x73: {  	_ =	shalt  }
0x74: {  	_ =	shalt  }
0x75: {  	_ =	shalt  }
0x76: {  	_ =	shalt  }
0x77: {  	_ =	shalt  }
0x78: {  	_ =	shalt  }
0x79: {  	_ =	shalt  }
0x7a: {  	_ =	shalt  }
0x7b: {  	_ =	shalt  }
0x7c: {  	_ =	shalt  }
0x7d: {  	_ =	shalt  }
0x7e: {  	_ =	shalt  }
0x7f: {  	_ =	shalt  }
0x80: {  	_ =	shalt  }
0x81: {  	_ =	shalt  }
0x82: {  	_ =	shalt  }
0x83: {  	_ =	shalt  }
0x84: {  	_ =	shalt  }
0x85: {  	_ =	shalt  }
0x86: {  	_ =	shalt  }
0x87: {  	_ =	shalt  }
.Lfunc_end0:
.L_simem_size_0:
called_computation.4_lowered:
.L_overlay_start_0:
0x88: {  	s2 =	sld [smem:$0x3FD9]  }
0x89: {  	s3 =	sld [smem:$0x3FFE];
	_ =	sdelay $0x1  }
0x8a: {  	s1 =	srdreg.scid  }
0x8b: {  	s0 =	sand.u32 $0x1, s1  }
0x8c: {  	s16 =	sshll.u32 s0, $0xA;
	s2 =	sadd.s32 s3, s2  }
0x8d: {  	s2 =	sadd.s32 s2, s16  }
0x8e: {  	[smem:$0x3FB7] =	sst s2  }
0x8f: {  	_ = 	snop  }
0x90: {  	(tm) =	ssettm $0x1  }
0x91: {  	s17 =	sld [smem:$0x3FFB];
	_ =	sdelay $0x3  }
0x92: {  	_ =	strace s17  }
0x93: {  	s2 =	sld [smem:$0x3FFC];
	_ =	sdelay $0x3  }
0x94: {  	_ =	strace s2  }
0x95: {  	s2 =	sld [smem:$0x3FFD];
	_ =	sdelay $0x3  }
0x96: {  	_ =	strace s2  }
0x97: {  	_ =	strace $0x8FFFFFFF  }
0x98: {  	s18 =	sld [smem:$0x3FDB];
	_ =	sdelay $0x1  }
0x99: {  	s19 =	simm.s32 $_scs_section_size  }
0x9a: {  	s4 =	simm.s32 $_size__tile_overlayer_lowered;
	s5 =	simm.s32 $_tile_overlayer_lowered  }
0x9b: {  	s22 =	simm.s32 $0x1BFF;
	s21 =	sshll.u32 s5, $0x1;
	s2 =	sadd.s32 s19, s18  }
0x9c: {  	s6 =	simm.s32 $0x0;
	s20 =	sshll.u32 s4, $0x1;
	s4 =	sadd.s32 s21, s2  }
0x9d: {  	[timem:s6], [sflag:s22] =	dma.local [hbm:s4], s20  }
0x9e: {  	_ =	swait.ge [sflag:s22], s20  }
0x9f: {  	s3 =	ssub.s32 $0x0, s20;
	[sflag:s22] =	ssyncset.done $0x0  }
0xa0: {  	[sflag:s22] =	ssyncadd.s32 s3;
	_ =	sdelay $0x1  }
0xa1: {  	s23 =	simm.s32 $0x1B8B  }
0xa2: {  	_ =	swait.ge [sflag:s23], $0x1  }
0xa3: {  	[sflag:s23] =	ssyncset.done $0x0  }
0xa4: {  	s25 =	simm.s32 $0x1B8E;
	s24 =	sld [smem:$0x3FFE];
	[sflag:s23] =	ssyncadd.s32 $0xFFFFFFFF  }
0xa5: {  	s26 =	simm.s32 $execute0_lowered;
	[smem:$0x3FD2] =	sst s25  }
0xa6: {  	s4 =	sshll.u32 s26, $0x1;
	_ =	strace $0x80000052;
	[dreg:$0x1] =	wrdreg $0xFFFFFFFF  }
0xa7: {  	s28 =	simm.s32 $_size_execute0_lowered;
	s2 =	sadd.s32 s2, s4;
	[dreg:$0x0] =	wrdreg $0x0  }
0xa8: {  	s4 =	sshll.u32 s28, $0x1;
	[dreg:$0x2] =	wrdreg s2  }
0xa9: {  	[dreg:$0x3] =	wrdreg s4  }
0xaa: {  	[dreg:$0x4] =	wrdreg $0xC0  }
0xab: {  	_ =	task [dreg:s6], $0x5FFFF  }
0xac: {  	[dreg:$0x1] =	wrdreg $0xFFFFFFFF  }
0xad: {  	[dreg:$0x0] =	wrdreg $0x60  }
0xae: {  	[dreg:$0x2] =	wrdreg s24  }
0xaf: {  	[dreg:$0x3] =	wrdreg $0x42000  }
0xb0: {  	[dreg:$0x4] =	wrdreg $0x9  }
0xb1: {  	_ =	task.clear_ibuf [dreg:s6], $0x5FFFF;
	_ =	strace $0x90000052  }
0xb2: {  	s29 =	simm.s32 $0x9;
	_ =	strace $0x80000054  }
0xb3: {  	_ =	swait.ge [sflag:s29], $0x1  }
0xb4: {  	[sflag:s29] =	ssyncadd.s32 $0xFFFFFFFF  }
0xb5: {  	_ =	strace $0x90000054  }
0xb6: {  	_ =	sfence  }
0xb7: {  	s30 =	sld [smem:$0x0];
	_ =	sdelay $0x2  }
0xb8: {  	s31 =	sshll.u32 s1, $0xD;
	s1 =	sshrl.u32 s1, $0x2  }
0xb9: {  	s3 =	sand.u32 $0x4000, s31;
	s1 =	sadd.s32 s1, s30  }
0xba: {  	s0 =	sor.u32 s3, s0;
	s1 =	sshll.u32 s1, $0x11  }
0xbb: {  	s0 =	sor.u32 s1, s0  }
0xbc: {  	s0 =	sadd.s32 $0x8F2B, s0  }
0xbd: {  	[sflag:s0] =	ssyncadd.remote.s32 $0x1  }
0xbe: {  	_ =	sfence.sel $0xFFFF  }
0xbf: {  	[dreg:$0x0] =	wrdreg $0xFFFFFFFF;
	(pc) =	sbr.abs _section_cstart, $3  }
0xc0: {  	[dreg:$0x1] =	wrdreg $0xFFFFFFFF  }
0xc1: {  	_ =	task.clear_ibuf [dreg:s6], $0x2FFFF;
	_ =	strace $0x9FFFFFFF  }
0xc2: {  	(tm) =	ssettm $0x7FFFFFFF  }
0xc3: {  	_ =	shalt  }
tec
execute0_lowered:
.L_overlay_start_1:
0x0: {  	(tag) =	ssettag $0x1  }
0x1: {  	s4 =	rddreg [dreg:$0x0]  }
0x2: {  	s2 =	rddreg [dreg:$0x1]  }
0x3: {  	s0 =	rddreg [dreg:$0x2];
	s1 =	stileid.u32  }
0x4: {  	s5 =	srdreg.scid;
	s3 =	simm.s32 $0x0;
	s13 =	simm.s32 $0x3  }
0x5: {  	s14 =	simm.s32 $0x40;
	s15 =	simm.s32 $0x200;
	s16 =	simm.s32 $0x4  }
0x6: {  	s17 =	simm.s32 $0x2200;
	s18 =	simm.s32 $0x1;
	s6 =	smul.u32 $0x13A0, s1  }
0x7: {  	s19 =	simm.s32 $0x80;
	s20 =	simm.s32 $0x2;
	s8 =	smul.u32 $0x50000, s1  }
0x8: {  	s21 =	simm.s32 $0x180;
	s5 =	sand.u32 $0x1, s5;
	s23 =	smul.u32 $0x2800, s1  }
0x9: {  	[smem:$0x7FF] =	sst s3;
	s31 =	sshll.u32 s1, $0x6;
	s7 =	smul.u32 $0x28000, s5  }
0xa: {  	_ =	strace $0x80000053;
	s5 =	ssub.s32 $0x2, s5;
	s9 =	sadd.s32 s6, s4  }
0xb: {  	s29 =	sshrl.u32 s5, $0x1;
	s30 =	sshrl.u32 s8, $0x2;
	s6 =	sor.u32 $0x1C05, s31  }
0xc: {  	s10 =	sadd.s32 s7, s4;
	s11 =	ssub.s32 s5, s29;
	s12 =	sadd.s32 s30, s2  }
0xd: {  	s7 =	sadd.s32 $0xF000, s9;
	s4 =	sadd.s32 $0x72A00, s10;
	s24 =	sadd.s32 $0xC2A00, s10  }
0xe: {  	s8 =	smax.u32 s11, $0x1;
	s9 =	sshrl.u32 s12, $0x3;
	s10 =	simm.s32 $0x5  }
0xf: {  	s11 =	sadd.s32 $0x20, s7;
	s12 =	simm.s32 $0x100;
	s22 =	sadd.s32 $0x1380, s7  }
0x10: {  	s5 =	sadd.s32 s23, s4;
	s23 =	sadd.s32 s23, s24;
	s24 =	simm.s32 $0x0  }
.LBB2_1:
0x11: {  	[spmem:s9], [sflag:s6] =	dma.local [hbm:s5], $0x2800  }
0x12: {  	_ =	swait.ge [sflag:s10], $0x2800  }
0x13: {  	[sflag:s10] =	ssyncset.done $0x0  }
0x14: {  	[sflag:s10] =	ssyncadd.s32 $0xFFFFD800  }
0x15: {  	[bflag:$0x0] =	sbarrier.arrive $0xFFFF  }
0x16: {  	[tilespmem:s3], [sflag:$0x3] =	stream.linear.gather [hbm4b:s7+s3], $0x100, $0x38;
	[tilespmem:$0x18200] =	vst v63  }
0x17: {  	_ = 	snop  }
0x18: {  	[tilespmem:s12], [sflag:$0x4] =	stream.linear.gather [hbm4b:s11+s3], $0x100, $0x38;
	[tilespmem:$0x18200] =	vst v63  }
0x19: {  	_ =	swait.ge [sflag:s13], $0x100  }
0x1a: {  	[sflag:s13] =	ssyncset.done $0x0  }
0x1b: {  	[sflag:s13] =	ssyncadd.s32 $0xFFFFFF00  }
0x1c: {  	[tilespmem:s15], [sflag:$0x1] =	stream.indirect.gather [hbm4b:s4+s14], $0x80, s3, s14, $0xb8;
	[tilespmem:$0x18200] =	vst v63  }
0x1d: {  	_ =	swait.ge [sflag:s16], $0x100  }
0x1e: {  	[sflag:s16] =	ssyncset.done $0x0  }
0x1f: {  	[sflag:s16] =	ssyncadd.s32 $0xFFFFFF00  }
0x20: {  	[tilespmem:s17], [sflag:$0x2] =	stream.indirect.gather [hbm4b:s4+s14], $0x80, s12, s14, $0xb8;
	[tilespmem:$0x18200] =	vst v63  }
0x21: {  	_ =	swait.ge [sflag:s18], $0x2000  }
0x22: {  	[sflag:s18] =	ssyncset.done $0x0  }
0x23: {  	[sflag:s18] =	ssyncadd.s32 $0xFFFFE000  }
0x24: {  	[spmem:s2] =	stream.indirect.scatter.add.f32 [tilespmem:s15], [sflag:$0x5], $0x80, s19, s14, $0xb8;
	[tilespmem:$0x18200] =	vst v63  }
0x25: {  	_ =	swait.ge [sflag:s10], $0x2000  }
0x26: {  	s26 =	sadd.s32 $0xFFFFECC0, s7;
	[sflag:s10] =	ssyncset.done $0x0  }
0x27: {  	s25 =	sadd.s32 $0x1380, s26;
	[sflag:s10] =	ssyncadd.s32 $0xFFFFE000  }
0x28: {  	[tilespmem:s3], [sflag:$0x3] =	stream.linear.gather [hbm4b:s25+s3], $0x100, $0x38;
	[tilespmem:$0x18200] =	vst v63  }
0x29: {  	_ =	swait.ge [sflag:s20], $0x2000  }
0x2a: {  	[sflag:s20] =	ssyncset.done $0x0  }
0x2b: {  	[sflag:s20] =	ssyncadd.s32 $0xFFFFE000  }
0x2c: {  	[spmem:s2] =	stream.indirect.scatter.add.f32 [tilespmem:s17], [sflag:$0x5], $0x80, s21, s14, $0xb8;
	[tilespmem:$0x18200] =	vst v63  }
0x2d: {  	_ =	swait.ge [sflag:s10], $0x2000  }
0x2e: {  	[sflag:s10] =	ssyncset.done $0x0  }
0x2f: {  	[sflag:s10] =	ssyncadd.s32 $0xFFFFE000  }
0x30: {  	_ =	swait.ge [sflag:s13], $0x100  }
0x31: {  	[sflag:s13] =	ssyncset.done $0x0  }
0x32: {  	s26 =	sadd.s32 $0x13A0, s26;
	s25 =	simm.s32 $0xFFFFED00;
	[sflag:s13] =	ssyncadd.s32 $0xFFFFFF00  }
0x33: {  	[tilespmem:s15], [sflag:$0x1] =	stream.indirect.gather [hbm4b:s4+s14], $0x80, s3, s14, $0xb8;
	[tilespmem:$0x18200] =	vst v63  }
.LBB2_2:
0x34: {  	[tilespmem:s12], [sflag:$0x4] =	stream.linear.gather [hbm4b:s26+s3], $0x100, $0x38;
	[tilespmem:$0x18200] =	vst v63  }
0x35: {  	s26 =	smov.u32 s25  }
0x36: {  	p0 =	sne.s32 s25, $0xFFFFFFC0;
	s25 =	sadd.s32 $0x40, s25;
	_ =	swait.ge [sflag:s16], $0x100  }
0x37: {  	[sflag:s16] =	ssyncset.done $0x0  }
0x38: {  	[sflag:s16] =	ssyncadd.s32 $0xFFFFFF00  }
0x39: {  	[tilespmem:s17], [sflag:$0x2] =	stream.indirect.gather [hbm4b:s4+s14], $0x80, s12, s14, $0xb8;
	[tilespmem:$0x18200] =	vst v63  }
0x3a: {  	_ =	swait.ge [sflag:s18], $0x2000  }
0x3b: {  	[sflag:s18] =	ssyncset.done $0x0  }
0x3c: {  	[sflag:s18] =	ssyncadd.s32 $0xFFFFE000  }
0x3d: {  	[spmem:s2] =	stream.indirect.scatter.add.f32 [tilespmem:s15], [sflag:$0x5], $0x80, s19, s14, $0xb8;
	[tilespmem:$0x18200] =	vst v63  }
0x3e: {  	_ =	swait.ge [sflag:s10], $0x2000  }
0x3f: {  	s26 =	sadd.s32 s26, s7;
	[sflag:s10] =	ssyncset.done $0x0  }
0x40: {  	s28 =	sadd.s32 $0x1380, s26;
	[sflag:s10] =	ssyncadd.s32 $0xFFFFE000  }
0x41: {  	[tilespmem:s3], [sflag:$0x3] =	stream.linear.gather [hbm4b:s28+s3], $0x100, $0x38;
	[tilespmem:$0x18200] =	vst v63  }
0x42: {  	_ =	swait.ge [sflag:s20], $0x2000  }
0x43: {  	[sflag:s20] =	ssyncset.done $0x0  }
0x44: {  	[sflag:s20] =	ssyncadd.s32 $0xFFFFE000  }
0x45: {  	[spmem:s2] =	stream.indirect.scatter.add.f32 [tilespmem:s17], [sflag:$0x5], $0x80, s21, s14, $0xb8;
	[tilespmem:$0x18200] =	vst v63  }
0x46: {  	_ =	swait.ge [sflag:s10], $0x2000  }
0x47: {  	[sflag:s10] =	ssyncset.done $0x0  }
0x48: {  	[sflag:s10] =	ssyncadd.s32 $0xFFFFE000  }
.Ltmp0:
0x49: {  	_ =	swait.ge [sflag:s13], $0x100;
	(pc) =	sbr.rel @p0 .LBB2_2-.Ltmp0, $4  }
0x4a: {  	[sflag:s13] =	ssyncset.done $0x0  }
0x4b: {  	[sflag:s13] =	ssyncadd.s32 $0xFFFFFF00  }
0x4c: {  	[tilespmem:s15], [sflag:$0x1] =	stream.indirect.gather [hbm4b:s4+s14], $0x80, s3, s14, $0xb8;
	[tilespmem:$0x18200] =	vst v63  }
0x4d: {  	s26 =	sadd.s32 $0x13A0, s26  }
0x4e: {  	[tilespmem:s12], [sflag:$0x4] =	stream.linear.gather [hbm4b:s26+s3], $0x100, $0x38;
	[tilespmem:$0x18200] =	vst v63  }
0x4f: {  	_ =	swait.ge [sflag:s16], $0x100  }
0x50: {  	[sflag:s16] =	ssyncset.done $0x0  }
0x51: {  	[sflag:s16] =	ssyncadd.s32 $0xFFFFFF00  }
0x52: {  	[tilespmem:s17], [sflag:$0x2] =	stream.indirect.gather [hbm4b:s4+s14], $0x80, s12, s14, $0xb8;
	[tilespmem:$0x18200] =	vst v63  }
0x53: {  	_ =	swait.ge [sflag:s18], $0x2000  }
0x54: {  	[sflag:s18] =	ssyncset.done $0x0  }
0x55: {  	[sflag:s18] =	ssyncadd.s32 $0xFFFFE000  }
0x56: {  	[spmem:s2] =	stream.indirect.scatter.add.f32 [tilespmem:s15], [sflag:$0x5], $0x80, s19, s14, $0xb8;
	[tilespmem:$0x18200] =	vst v63  }
0x57: {  	_ =	swait.ge [sflag:s10], $0x2000  }
0x58: {  	[sflag:s10] =	ssyncset.done $0x0  }
0x59: {  	[sflag:s10] =	ssyncadd.s32 $0xFFFFE000  }
0x5a: {  	[tilespmem:s3], [sflag:$0x3] =	stream.linear.gather [hbm4b:s22+s3], $0x100, $0x38;
	[tilespmem:$0x18200] =	vst v63  }
0x5b: {  	_ =	swait.ge [sflag:s20], $0x2000  }
0x5c: {  	[sflag:s20] =	ssyncset.done $0x0  }
0x5d: {  	[sflag:s20] =	ssyncadd.s32 $0xFFFFE000  }
0x5e: {  	[spmem:s2] =	stream.indirect.scatter.add.f32 [tilespmem:s17], [sflag:$0x5], $0x80, s21, s14, $0xb8;
	[tilespmem:$0x18200] =	vst v63  }
0x5f: {  	_ =	swait.ge [sflag:s10], $0x2000  }
0x60: {  	[sflag:s10] =	ssyncset.done $0x0  }
0x61: {  	[sflag:s10] =	ssyncadd.s32 $0xFFFFE000  }
0x62: {  	_ =	swait.ge [sflag:s13], $0x100  }
0x63: {  	[sflag:s13] =	ssyncset.done $0x0  }
0x64: {  	[sflag:s13] =	ssyncadd.s32 $0xFFFFFF00  }
0x65: {  	[tilespmem:s15], [sflag:$0x1] =	stream.indirect.gather [hbm4b:s4+s14], $0x80, s3, s14, $0xb8;
	[tilespmem:$0x18200] =	vst v63  }
0x66: {  	_ =	swait.ge [sflag:s18], $0x2000  }
0x67: {  	[sflag:s18] =	ssyncset.done $0x0  }
0x68: {  	[sflag:s18] =	ssyncadd.s32 $0xFFFFE000  }
0x69: {  	[spmem:s2] =	stream.indirect.scatter.add.f32 [tilespmem:s15], [sflag:$0x5], $0x80, s19, s14, $0xb8;
	[tilespmem:$0x18200] =	vst v63  }
0x6a: {  	_ =	swait.ge [sflag:s10], $0x2000  }
0x6b: {  	s24 =	sadd.s32 $0x1, s24;
	[sflag:s10] =	ssyncset.done $0x0  }
0x6c: {  	p0 =	sne.s32 s24, s8;
	[sflag:s10] =	ssyncadd.s32 $0xFFFFE000  }
.Ltmp1:
0x6d: {  	[bflag:$0x0] =	sbarrier.arrive $0xFFFF;
	(pc) =	sbr.rel @p0 .LBB2_1-.Ltmp1, $4  }
0x6e: {  	[hbm:s23], [sflag:s6] =	dma.local [spmem:s9], $0x2800  }
0x6f: {  	_ =	swait.ge [sflag:s10], $0x2800  }
0x70: {  	[sflag:s10] =	ssyncset.done $0x0  }
0x71: {  	[sflag:s10] =	ssyncadd.s32 $0xFFFFD800  }
0x72: {  	_ =	sfence.sel $0x180000  }
0x73: {  	[bflag:$0x0] =	sbarrier.arrive $0xFFFF  }
0x74: {  	p0 =	sne.s32 s1, $0x0;
	_ =	strace $0x90000053  }
0x75: {  	s0 =	sadd.s32 @!p0 $0x100000, s0;
	[bflag:$0x2] =	sbarrier.arrive $0xFFFF  }
0x76: {  	[sflag:s0] =	ssyncadd.tile.s32 @!p0 $0x1;
	_ =	shalt  }
.Lfunc_end2:
_tile_overlayer_lowered:
.L_overlay_start_2:
0x77: {  	(tag) =	ssettag $0x2  }
0x78: {  	s0 =	rddreg [dreg:$0x0];
	s2 =	stileid.u32  }
0x79: {  	s1 =	rddreg [dreg:$0x1];
	p0 =	sne.s32 s2, $0x0  }
0x7a: {  	s3 =	rddreg [dreg:$0x2];
	[bflag:$0x3] =	sbarrier.arrive $0xFFFF;
	s2 =	simm.s32 @!p0 $0x1C05  }
0x7b: {  	[timem:s3], [sflag:s2] =	dma.local @!p0 [hbm:s0], s1  }
0x7c: {  	s0 =	simm.s32 @!p0 $0x5  }
0x7d: {  	_ =	swait.ge @!p0 [sflag:s0], s1  }
0x7e: {  	s1 =	ssub.s32 @!p0 $0x0, s1;
	[sflag:s0] =	ssyncset.done @!p0 $0x0  }
0x7f: {  	[sflag:s0] =	ssyncadd.s32 @!p0 s1  }
0x80: {  	[bflag:$0x3] =	sbarrier.arrive $0xFFFF  }
0x81: {  	_ =	shalt  }

// kernel: sc_spmm.6.cloned.1.call-start
scs
__scs_entry_jumppad:
0x0: {  	(pc) =	sbr.rel $0x88, $3  }
0x1: {  	(tag) =	ssettag $0x0;
	lr =	simm.s32 $0x1  }
0x2: {  	[smem:$0x3F90] =	sst lr;
	_ =	strace $0xD0000000  }
0x3: {  	_ = 	snop  }
0x4: {  	_ = 	snop  }
0x5: {  	_ = 	snop  }
0x6: {  	_ = 	snop  }
0x7: {  	_ = 	snop  }
__scs_overlays_trampoline_lowered:
0x8: {  	[smem:$0x3F9F] =	sst s0  }
0x9: {  	[smem:$0x3FA0] =	sst s1  }
0xa: {  	[smem:$0x3FA1] =	sst s2  }
0xb: {  	[smem:$0x3FA2] =	sst s3  }
0xc: {  	[smem:$0x3FA3] =	sst s4  }
0xd: {  	[smem:$0x3FA4] =	sst s5  }
0xe: {  	[smem:$0x3FA5] =	sst s6  }
0xf: {  	[smem:$0x3FA6] =	sst s7  }
0x10: {  	[smem:$0x3FA7] =	sst s8  }
0x11: {  	[smem:$0x3FA8] =	sst s9;
	s0 =	simm.s32 @!p0 $0x0  }
0x12: {  	s1 =	sld [smem:$0x3F8E];
	s0 =	simm.s32 @p0 $0x1  }
0x13: {  	[smem:$0x3FA9] =	sst s0;
	s0 =	simm.s32 @!p1 $0x0  }
0x14: {  	s2 =	sld [smem:$0x3F8D];
	s0 =	simm.s32 @p1 $0x1  }
0x15: {  	[smem:$0x3FAA] =	sst s0;
	s0 =	simm.s32 @!p2 $0x0  }
0x16: {  	s3 =	sld [smem:$0x3FDB];
	s0 =	simm.s32 @p2 $0x1  }
0x17: {  	s4 =	simm.s32 $0x1BF5;
	[smem:$0x3FAC] =	sst s0  }
0x18: {  	s0 =	sld [smem:$0x3F8F];
	_ =	swait.ge [sflag:s4], $0x0  }
0x19: {  	s7 =	sld [smem:$0x3F90]  }
0x1a: {  	s8 =	sadd.s32 $0xFFFFE003, lr  }
0x1b: {  	s9 =	sadd.s32 $0xFFFFFEF7, lr;
	s5 =	simm.s32 $0xFFFFFFFF;
	p2 =	slt.u32 s8, $0xFFFFF086  }
0x1c: {  	p1 =	slt.u32 s9, $0xF7A;
	s5 =	simm.s32 @!p2 $0x0  }
0x1d: {  	s5 =	simm.s32 @p1 $0x1;
	p0 =	seq.s32 s7, s2  }
0x1e: {  	s7 =	smul.u32 @!p0 $0xF7A, s2;
	p2 =	seq.s32 @!p0 s5, $0x0  }
0x1f: {  	s9 =	smul.u32 $0xF7A, s1;
	s8 =	simm.s32 @!p0 $0x1BF5;
	p2 =	por !p2, p0  }
0x20: {  	[sflag:s8] =	ssyncset.s32 @!p0 $0xFFFFF086;
	s6 =	sadd.s32 @!p0 s3, s7;
	s7 =	simm.s32 @!p0 $0x108  }
0x21: {  	s3 =	sadd.s32 s3, s9;
	s6 =	sadd.s32 @!p0 $0x88, s6;
	s7 =	simm.s32 @p2 $0x1082  }
0x22: {  	[simem:s7], [sflag:s8] =	dma.local @!p0 [hbm:s6], $0xF7A  }
0x23: {  	s9 =	sor.u32 $0xD0000000, s2;
	s6 =	simm.s32 $0x108;
	_ =	swait.ge @!p0 [sflag:s8], $0x0  }
0x24: {  	s3 =	sadd.s32 $0x88, s3;
	s6 =	simm.s32 @!p1 $0x1082;
	[sflag:s4] =	ssyncset.s32 $0xFFFFF086  }
0x25: {  	[simem:s6], [sflag:s4] =	dma.local [hbm:s3], $0xF7A  }
0x26: {  	[smem:$0x3F90] =	sst s1;
	(tag) =	ssettag s2;
	_ =	strace s9  }
0x27: {  	s1 =	sld [smem:$0x3FA0]  }
0x28: {  	s2 =	sld [smem:$0x3FA1]  }
0x29: {  	s4 =	sld [smem:$0x3FA3]  }
0x2a: {  	p0 =	seq.s32 s5, $0x0;
	s5 =	sld [smem:$0x3FA4]  }
0x2b: {  	s6 =	sld [smem:$0x3FA5]  }
0x2c: {  	s7 =	sld [smem:$0x3FA6]  }
0x2d: {  	s3 =	simm.s32 $0x108;
	s8 =	sld [smem:$0x3FA7]  }
0x2e: {  	s3 =	simm.s32 @!p0 $0x1082;
	s9 =	sld [smem:$0x3FA8]  }
0x2f: {  	lr =	sadd.s32 s0, s3;
	s0 =	sld [smem:$0x3F9F]  }
0x30: {  	s3 =	sld [smem:$0x3FA2]  }
0x31: {  	[smem:$0x3FAB] =	sst s10  }
0x32: {  	s10 =	sld [smem:$0x3FA9];
	_ =	sdelay $0x3  }
0x33: {  	p0 =	seq.s32 s10, $0x1;
	s10 =	sld [smem:$0x3FAB];
	_ =	sdelay $0x3  }
0x34: {  	[smem:$0x3FAB] =	sst s10  }
0x35: {  	s10 =	sld [smem:$0x3FAA];
	_ =	sdelay $0x3  }
0x36: {  	p1 =	seq.s32 s10, $0x1;
	s10 =	sld [smem:$0x3FAB];
	_ =	sdelay $0x3  }
0x37: {  	[smem:$0x3FAB] =	sst s10  }
0x38: {  	s10 =	sld [smem:$0x3FAC]  }
0x39: {  	_ = 	snop;
	(pc) =	sbr.ind lr, $3  }
0x3a: {  	_ = 	snop  }
0x3b: {  	_ = 	snop  }
0x3c: {  	p2 =	seq.s32 s10, $0x1;
	s10 =	sld [smem:$0x3FAB]  }
0x3d: {  	_ =	shalt  }
0x3e: {  	_ =	shalt  }
0x3f: {  	_ =	shalt  }
0x40: {  	_ =	shalt  }
0x41: {  	_ =	shalt  }
0x42: {  	_ =	shalt  }
0x43: {  	_ =	shalt  }
0x44: {  	_ =	shalt  }
0x45: {  	_ =	shalt  }
0x46: {  	_ =	shalt  }
0x47: {  	_ =	shalt  }
0x48: {  	_ =	shalt  }
0x49: {  	_ =	shalt  }
0x4a: {  	_ =	shalt  }
0x4b: {  	_ =	shalt  }
0x4c: {  	_ =	shalt  }
0x4d: {  	_ =	shalt  }
0x4e: {  	_ =	shalt  }
0x4f: {  	_ =	shalt  }
0x50: {  	_ =	shalt  }
0x51: {  	_ =	shalt  }
0x52: {  	_ =	shalt  }
0x53: {  	_ =	shalt  }
0x54: {  	_ =	shalt  }
0x55: {  	_ =	shalt  }
0x56: {  	_ =	shalt  }
0x57: {  	_ =	shalt  }
0x58: {  	_ =	shalt  }
0x59: {  	_ =	shalt  }
0x5a: {  	_ =	shalt  }
0x5b: {  	_ =	shalt  }
0x5c: {  	_ =	shalt  }
0x5d: {  	_ =	shalt  }
0x5e: {  	_ =	shalt  }
0x5f: {  	_ =	shalt  }
0x60: {  	_ =	shalt  }
0x61: {  	_ =	shalt  }
0x62: {  	_ =	shalt  }
0x63: {  	_ =	shalt  }
0x64: {  	_ =	shalt  }
0x65: {  	_ =	shalt  }
0x66: {  	_ =	shalt  }
0x67: {  	_ =	shalt  }
0x68: {  	_ =	shalt  }
0x69: {  	_ =	shalt  }
0x6a: {  	_ =	shalt  }
0x6b: {  	_ =	shalt  }
0x6c: {  	_ =	shalt  }
0x6d: {  	_ =	shalt  }
0x6e: {  	_ =	shalt  }
0x6f: {  	_ =	shalt  }
0x70: {  	_ =	shalt  }
0x71: {  	_ =	shalt  }
0x72: {  	_ =	shalt  }
0x73: {  	_ =	shalt  }
0x74: {  	_ =	shalt  }
0x75: {  	_ =	shalt  }
0x76: {  	_ =	shalt  }
0x77: {  	_ =	shalt  }
0x78: {  	_ =	shalt  }
0x79: {  	_ =	shalt  }
0x7a: {  	_ =	shalt  }
0x7b: {  	_ =	shalt  }
0x7c: {  	_ =	shalt  }
0x7d: {  	_ =	shalt  }
0x7e: {  	_ =	shalt  }
0x7f: {  	_ =	shalt  }
0x80: {  	_ =	shalt  }
0x81: {  	_ =	shalt  }
0x82: {  	_ =	shalt  }
0x83: {  	_ =	shalt  }
0x84: {  	_ =	shalt  }
0x85: {  	_ =	shalt  }
0x86: {  	_ =	shalt  }
0x87: {  	_ =	shalt  }
.Lfunc_end0:
.L_simem_size_0:
called_computation.1_lowered:
.L_overlay_start_0:
0x88: {  	s2 =	sld [smem:$0x3FD9]  }
0x89: {  	s3 =	sld [smem:$0x3FFE];
	_ =	sdelay $0x1  }
0x8a: {  	s1 =	srdreg.scid  }
0x8b: {  	s0 =	sand.u32 $0x1, s1  }
0x8c: {  	s16 =	sshll.u32 s0, $0xA;
	s2 =	sadd.s32 s3, s2  }
0x8d: {  	s2 =	sadd.s32 s2, s16  }
0x8e: {  	[smem:$0x3FB7] =	sst s2  }
0x8f: {  	_ = 	snop  }
0x90: {  	(tm) =	ssettm $0x1  }
0x91: {  	s17 =	sld [smem:$0x3FFB];
	_ =	sdelay $0x3  }
0x92: {  	_ =	strace s17  }
0x93: {  	s2 =	sld [smem:$0x3FFC];
	_ =	sdelay $0x3  }
0x94: {  	_ =	strace s2  }
0x95: {  	s2 =	sld [smem:$0x3FFD];
	_ =	sdelay $0x3  }
0x96: {  	_ =	strace s2  }
0x97: {  	_ =	strace $0x8FFFFFFF  }
0x98: {  	s18 =	sld [smem:$0x3FDB];
	_ =	sdelay $0x1  }
0x99: {  	s19 =	simm.s32 $_scs_section_size  }
0x9a: {  	s4 =	simm.s32 $_size__tile_overlayer_lowered;
	s5 =	simm.s32 $_tile_overlayer_lowered  }
0x9b: {  	s22 =	simm.s32 $0x1BFF;
	s21 =	sshll.u32 s5, $0x1;
	s2 =	sadd.s32 s19, s18  }
0x9c: {  	s6 =	simm.s32 $0x0;
	s20 =	sshll.u32 s4, $0x1;
	s4 =	sadd.s32 s21, s2  }
0x9d: {  	[timem:s6], [sflag:s22] =	dma.local [hbm:s4], s20  }
0x9e: {  	_ =	swait.ge [sflag:s22], s20  }
0x9f: {  	s3 =	ssub.s32 $0x0, s20;
	[sflag:s22] =	ssyncset.done $0x0  }
0xa0: {  	[sflag:s22] =	ssyncadd.s32 s3;
	_ =	sdelay $0x1  }
0xa1: {  	s23 =	simm.s32 $0x1B8B  }
0xa2: {  	_ =	swait.ge [sflag:s23], $0x1  }
0xa3: {  	[sflag:s23] =	ssyncset.done $0x0  }
0xa4: {  	s25 =	simm.s32 $0x1B8E;
	s24 =	sld [smem:$0x3FFE];
	[sflag:s23] =	ssyncadd.s32 $0xFFFFFFFF  }
0xa5: {  	s26 =	simm.s32 $execute0_lowered;
	[smem:$0x3FD2] =	sst s25  }
0xa6: {  	s4 =	sshll.u32 s26, $0x1;
	_ =	strace $0x80000049;
	[dreg:$0x1] =	wrdreg $0xFFFFFFFF  }
0xa7: {  	s28 =	simm.s32 $_size_execute0_lowered;
	s2 =	sadd.s32 s2, s4;
	[dreg:$0x0] =	wrdreg $0x0  }
0xa8: {  	s4 =	sshll.u32 s28, $0x1;
	[dreg:$0x2] =	wrdreg s2  }
0xa9: {  	[dreg:$0x3] =	wrdreg s4  }
0xaa: {  	[dreg:$0x4] =	wrdreg $0xC0  }
0xab: {  	_ =	task [dreg:s6], $0x5FFFF  }
0xac: {  	[dreg:$0x1] =	wrdreg $0xFFFFFFFF  }
0xad: {  	[dreg:$0x0] =	wrdreg $0x60  }
0xae: {  	[dreg:$0x2] =	wrdreg s24  }
0xaf: {  	[dreg:$0x3] =	wrdreg $0x42000  }
0xb0: {  	[dreg:$0x4] =	wrdreg $0x9  }
0xb1: {  	_ =	task.clear_ibuf [dreg:s6], $0x5FFFF;
	_ =	strace $0x90000049  }
0xb2: {  	s29 =	simm.s32 $0x9;
	_ =	strace $0x8000004B  }
0xb3: {  	_ =	swait.ge [sflag:s29], $0x1  }
0xb4: {  	[sflag:s29] =	ssyncadd.s32 $0xFFFFFFFF  }
0xb5: {  	_ =	strace $0x9000004B  }
0xb6: {  	_ =	sfence  }
0xb7: {  	s30 =	sld [smem:$0x0];
	_ =	sdelay $0x2  }
0xb8: {  	s31 =	sshll.u32 s1, $0xD;
	s1 =	sshrl.u32 s1, $0x2  }
0xb9: {  	s3 =	sand.u32 $0x4000, s31;
	s1 =	sadd.s32 s1, s30  }
0xba: {  	s0 =	sor.u32 s3, s0;
	s1 =	sshll.u32 s1, $0x11  }
0xbb: {  	s0 =	sor.u32 s1, s0  }
0xbc: {  	s0 =	sadd.s32 $0x8F2B, s0  }
0xbd: {  	[sflag:s0] =	ssyncadd.remote.s32 $0x1  }
0xbe: {  	_ =	sfence.sel $0xFFFF  }
0xbf: {  	[dreg:$0x0] =	wrdreg $0xFFFFFFFF;
	(pc) =	sbr.abs _section_cstart, $3  }
0xc0: {  	[dreg:$0x1] =	wrdreg $0xFFFFFFFF  }
0xc1: {  	_ =	task.clear_ibuf [dreg:s6], $0x2FFFF;
	_ =	strace $0x9FFFFFFF  }
0xc2: {  	(tm) =	ssettm $0x7FFFFFFF  }
0xc3: {  	_ =	shalt  }
tec
execute0_lowered:
.L_overlay_start_1:
0x0: {  	(tag) =	ssettag $0x1  }
0x1: {  	s4 =	rddreg [dreg:$0x0]  }
0x2: {  	s2 =	rddreg [dreg:$0x1]  }
0x3: {  	s0 =	rddreg [dreg:$0x2];
	s1 =	stileid.u32  }
0x4: {  	s5 =	srdreg.scid;
	s3 =	simm.s32 $0x0;
	s13 =	simm.s32 $0x3  }
0x5: {  	s14 =	simm.s32 $0x40;
	s15 =	simm.s32 $0x200;
	s16 =	simm.s32 $0x4  }
0x6: {  	s17 =	simm.s32 $0x2200;
	s18 =	simm.s32 $0x1;
	s6 =	smul.u32 $0x13A0, s1  }
0x7: {  	s19 =	simm.s32 $0x80;
	s20 =	simm.s32 $0x2;
	s8 =	smul.u32 $0x50000, s1  }
0x8: {  	s21 =	simm.s32 $0x180;
	s5 =	sand.u32 $0x1, s5;
	s23 =	smul.u32 $0x2800, s1  }
0x9: {  	[smem:$0x7FF] =	sst s3;
	s31 =	sshll.u32 s1, $0x6;
	s7 =	smul.u32 $0x28000, s5  }
0xa: {  	_ =	strace $0x8000004A;
	s5 =	ssub.s32 $0x2, s5;
	s9 =	sadd.s32 s6, s4  }
0xb: {  	s29 =	sshrl.u32 s5, $0x1;
	s30 =	sshrl.u32 s8, $0x2;
	s6 =	sor.u32 $0x1C05, s31  }
0xc: {  	s10 =	sadd.s32 s7, s4;
	s11 =	ssub.s32 s5, s29;
	s12 =	sadd.s32 s30, s2  }
0xd: {  	s7 =	sadd.s32 $0xF000, s9;
	s4 =	sadd.s32 $0x72A00, s10;
	s24 =	sadd.s32 $0xC2A00, s10  }
0xe: {  	s8 =	smax.u32 s11, $0x1;
	s9 =	sshrl.u32 s12, $0x3;
	s10 =	simm.s32 $0x5  }
0xf: {  	s11 =	sadd.s32 $0x20, s7;
	s12 =	simm.s32 $0x100;
	s22 =	sadd.s32 $0x1380, s7  }
0x10: {  	s5 =	sadd.s32 s23, s4;
	s23 =	sadd.s32 s23, s24;
	s24 =	simm.s32 $0x0  }
.LBB2_1:
0x11: {  	[spmem:s9], [sflag:s6] =	dma.local [hbm:s5], $0x2800  }
0x12: {  	_ =	swait.ge [sflag:s10], $0x2800  }
0x13: {  	[sflag:s10] =	ssyncset.done $0x0  }
0x14: {  	[sflag:s10] =	ssyncadd.s32 $0xFFFFD800  }
0x15: {  	[bflag:$0x0] =	sbarrier.arrive $0xFFFF  }
0x16: {  	[tilespmem:s3], [sflag:$0x3] =	stream.linear.gather [hbm4b:s7+s3], $0x100, $0x38;
	[tilespmem:$0x18200] =	vst v63  }
0x17: {  	_ = 	snop  }
0x18: {  	[tilespmem:s12], [sflag:$0x4] =	stream.linear.gather [hbm4b:s11+s3], $0x100, $0x38;
	[tilespmem:$0x18200] =	vst v63  }
0x19: {  	_ =	swait.ge [sflag:s13], $0x100  }
0x1a: {  	[sflag:s13] =	ssyncset.done $0x0  }
0x1b: {  	[sflag:s13] =	ssyncadd.s32 $0xFFFFFF00  }
0x1c: {  	[tilespmem:s15], [sflag:$0x1] =	stream.indirect.gather [hbm4b:s4+s14], $0x80, s3, s14, $0xb8;
	[tilespmem:$0x18200] =	vst v63  }
0x1d: {  	_ =	swait.ge [sflag:s16], $0x100  }
0x1e: {  	[sflag:s16] =	ssyncset.done $0x0  }
0x1f: {  	[sflag:s16] =	ssyncadd.s32 $0xFFFFFF00  }
0x20: {  	[tilespmem:s17], [sflag:$0x2] =	stream.indirect.gather [hbm4b:s4+s14], $0x80, s12, s14, $0xb8;
	[tilespmem:$0x18200] =	vst v63  }
0x21: {  	_ =	swait.ge [sflag:s18], $0x2000  }
0x22: {  	[sflag:s18] =	ssyncset.done $0x0  }
0x23: {  	[sflag:s18] =	ssyncadd.s32 $0xFFFFE000  }
0x24: {  	[spmem:s2] =	stream.indirect.scatter.add.f32 [tilespmem:s15], [sflag:$0x5], $0x80, s19, s14, $0xb8;
	[tilespmem:$0x18200] =	vst v63  }
0x25: {  	_ =	swait.ge [sflag:s10], $0x2000  }
0x26: {  	s26 =	sadd.s32 $0xFFFFECC0, s7;
	[sflag:s10] =	ssyncset.done $0x0  }
0x27: {  	s25 =	sadd.s32 $0x1380, s26;
	[sflag:s10] =	ssyncadd.s32 $0xFFFFE000  }
0x28: {  	[tilespmem:s3], [sflag:$0x3] =	stream.linear.gather [hbm4b:s25+s3], $0x100, $0x38;
	[tilespmem:$0x18200] =	vst v63  }
0x29: {  	_ =	swait.ge [sflag:s20], $0x2000  }
0x2a: {  	[sflag:s20] =	ssyncset.done $0x0  }
0x2b: {  	[sflag:s20] =	ssyncadd.s32 $0xFFFFE000  }
0x2c: {  	[spmem:s2] =	stream.indirect.scatter.add.f32 [tilespmem:s17], [sflag:$0x5], $0x80, s21, s14, $0xb8;
	[tilespmem:$0x18200] =	vst v63  }
0x2d: {  	_ =	swait.ge [sflag:s10], $0x2000  }
0x2e: {  	[sflag:s10] =	ssyncset.done $0x0  }
0x2f: {  	[sflag:s10] =	ssyncadd.s32 $0xFFFFE000  }
0x30: {  	_ =	swait.ge [sflag:s13], $0x100  }
0x31: {  	[sflag:s13] =	ssyncset.done $0x0  }
0x32: {  	s26 =	sadd.s32 $0x13A0, s26;
	s25 =	simm.s32 $0xFFFFED00;
	[sflag:s13] =	ssyncadd.s32 $0xFFFFFF00  }
0x33: {  	[tilespmem:s15], [sflag:$0x1] =	stream.indirect.gather [hbm4b:s4+s14], $0x80, s3, s14, $0xb8;
	[tilespmem:$0x18200] =	vst v63  }
.LBB2_2:
0x34: {  	[tilespmem:s12], [sflag:$0x4] =	stream.linear.gather [hbm4b:s26+s3], $0x100, $0x38;
	[tilespmem:$0x18200] =	vst v63  }
0x35: {  	s26 =	smov.u32 s25  }
0x36: {  	p0 =	sne.s32 s25, $0xFFFFFFC0;
	s25 =	sadd.s32 $0x40, s25;
	_ =	swait.ge [sflag:s16], $0x100  }
0x37: {  	[sflag:s16] =	ssyncset.done $0x0  }
0x38: {  	[sflag:s16] =	ssyncadd.s32 $0xFFFFFF00  }
0x39: {  	[tilespmem:s17], [sflag:$0x2] =	stream.indirect.gather [hbm4b:s4+s14], $0x80, s12, s14, $0xb8;
	[tilespmem:$0x18200] =	vst v63  }
0x3a: {  	_ =	swait.ge [sflag:s18], $0x2000  }
0x3b: {  	[sflag:s18] =	ssyncset.done $0x0  }
0x3c: {  	[sflag:s18] =	ssyncadd.s32 $0xFFFFE000  }
0x3d: {  	[spmem:s2] =	stream.indirect.scatter.add.f32 [tilespmem:s15], [sflag:$0x5], $0x80, s19, s14, $0xb8;
	[tilespmem:$0x18200] =	vst v63  }
0x3e: {  	_ =	swait.ge [sflag:s10], $0x2000  }
0x3f: {  	s26 =	sadd.s32 s26, s7;
	[sflag:s10] =	ssyncset.done $0x0  }
0x40: {  	s28 =	sadd.s32 $0x1380, s26;
	[sflag:s10] =	ssyncadd.s32 $0xFFFFE000  }
0x41: {  	[tilespmem:s3], [sflag:$0x3] =	stream.linear.gather [hbm4b:s28+s3], $0x100, $0x38;
	[tilespmem:$0x18200] =	vst v63  }
0x42: {  	_ =	swait.ge [sflag:s20], $0x2000  }
0x43: {  	[sflag:s20] =	ssyncset.done $0x0  }
0x44: {  	[sflag:s20] =	ssyncadd.s32 $0xFFFFE000  }
0x45: {  	[spmem:s2] =	stream.indirect.scatter.add.f32 [tilespmem:s17], [sflag:$0x5], $0x80, s21, s14, $0xb8;
	[tilespmem:$0x18200] =	vst v63  }
0x46: {  	_ =	swait.ge [sflag:s10], $0x2000  }
0x47: {  	[sflag:s10] =	ssyncset.done $0x0  }
0x48: {  	[sflag:s10] =	ssyncadd.s32 $0xFFFFE000  }
.Ltmp0:
0x49: {  	_ =	swait.ge [sflag:s13], $0x100;
	(pc) =	sbr.rel @p0 .LBB2_2-.Ltmp0, $4  }
0x4a: {  	[sflag:s13] =	ssyncset.done $0x0  }
0x4b: {  	[sflag:s13] =	ssyncadd.s32 $0xFFFFFF00  }
0x4c: {  	[tilespmem:s15], [sflag:$0x1] =	stream.indirect.gather [hbm4b:s4+s14], $0x80, s3, s14, $0xb8;
	[tilespmem:$0x18200] =	vst v63  }
0x4d: {  	s26 =	sadd.s32 $0x13A0, s26  }
0x4e: {  	[tilespmem:s12], [sflag:$0x4] =	stream.linear.gather [hbm4b:s26+s3], $0x100, $0x38;
	[tilespmem:$0x18200] =	vst v63  }
0x4f: {  	_ =	swait.ge [sflag:s16], $0x100  }
0x50: {  	[sflag:s16] =	ssyncset.done $0x0  }
0x51: {  	[sflag:s16] =	ssyncadd.s32 $0xFFFFFF00  }
0x52: {  	[tilespmem:s17], [sflag:$0x2] =	stream.indirect.gather [hbm4b:s4+s14], $0x80, s12, s14, $0xb8;
	[tilespmem:$0x18200] =	vst v63  }
0x53: {  	_ =	swait.ge [sflag:s18], $0x2000  }
0x54: {  	[sflag:s18] =	ssyncset.done $0x0  }
0x55: {  	[sflag:s18] =	ssyncadd.s32 $0xFFFFE000  }
0x56: {  	[spmem:s2] =	stream.indirect.scatter.add.f32 [tilespmem:s15], [sflag:$0x5], $0x80, s19, s14, $0xb8;
	[tilespmem:$0x18200] =	vst v63  }
0x57: {  	_ =	swait.ge [sflag:s10], $0x2000  }
0x58: {  	[sflag:s10] =	ssyncset.done $0x0  }
0x59: {  	[sflag:s10] =	ssyncadd.s32 $0xFFFFE000  }
0x5a: {  	[tilespmem:s3], [sflag:$0x3] =	stream.linear.gather [hbm4b:s22+s3], $0x100, $0x38;
	[tilespmem:$0x18200] =	vst v63  }
0x5b: {  	_ =	swait.ge [sflag:s20], $0x2000  }
0x5c: {  	[sflag:s20] =	ssyncset.done $0x0  }
0x5d: {  	[sflag:s20] =	ssyncadd.s32 $0xFFFFE000  }
0x5e: {  	[spmem:s2] =	stream.indirect.scatter.add.f32 [tilespmem:s17], [sflag:$0x5], $0x80, s21, s14, $0xb8;
	[tilespmem:$0x18200] =	vst v63  }
0x5f: {  	_ =	swait.ge [sflag:s10], $0x2000  }
0x60: {  	[sflag:s10] =	ssyncset.done $0x0  }
0x61: {  	[sflag:s10] =	ssyncadd.s32 $0xFFFFE000  }
0x62: {  	_ =	swait.ge [sflag:s13], $0x100  }
0x63: {  	[sflag:s13] =	ssyncset.done $0x0  }
0x64: {  	[sflag:s13] =	ssyncadd.s32 $0xFFFFFF00  }
0x65: {  	[tilespmem:s15], [sflag:$0x1] =	stream.indirect.gather [hbm4b:s4+s14], $0x80, s3, s14, $0xb8;
	[tilespmem:$0x18200] =	vst v63  }
0x66: {  	_ =	swait.ge [sflag:s18], $0x2000  }
0x67: {  	[sflag:s18] =	ssyncset.done $0x0  }
0x68: {  	[sflag:s18] =	ssyncadd.s32 $0xFFFFE000  }
0x69: {  	[spmem:s2] =	stream.indirect.scatter.add.f32 [tilespmem:s15], [sflag:$0x5], $0x80, s19, s14, $0xb8;
	[tilespmem:$0x18200] =	vst v63  }
0x6a: {  	_ =	swait.ge [sflag:s10], $0x2000  }
0x6b: {  	s24 =	sadd.s32 $0x1, s24;
	[sflag:s10] =	ssyncset.done $0x0  }
0x6c: {  	p0 =	sne.s32 s24, s8;
	[sflag:s10] =	ssyncadd.s32 $0xFFFFE000  }
.Ltmp1:
0x6d: {  	[bflag:$0x0] =	sbarrier.arrive $0xFFFF;
	(pc) =	sbr.rel @p0 .LBB2_1-.Ltmp1, $4  }
0x6e: {  	[hbm:s23], [sflag:s6] =	dma.local [spmem:s9], $0x2800  }
0x6f: {  	_ =	swait.ge [sflag:s10], $0x2800  }
0x70: {  	[sflag:s10] =	ssyncset.done $0x0  }
0x71: {  	[sflag:s10] =	ssyncadd.s32 $0xFFFFD800  }
0x72: {  	_ =	sfence.sel $0x180000  }
0x73: {  	[bflag:$0x0] =	sbarrier.arrive $0xFFFF  }
0x74: {  	p0 =	sne.s32 s1, $0x0;
	_ =	strace $0x9000004A  }
0x75: {  	s0 =	sadd.s32 @!p0 $0x100000, s0;
	[bflag:$0x2] =	sbarrier.arrive $0xFFFF  }
0x76: {  	[sflag:s0] =	ssyncadd.tile.s32 @!p0 $0x1;
	_ =	shalt  }
.Lfunc_end2:
_tile_overlayer_lowered:
.L_overlay_start_2:
0x77: {  	(tag) =	ssettag $0x2  }
0x78: {  	s0 =	rddreg [dreg:$0x0];
	s2 =	stileid.u32  }
0x79: {  	s1 =	rddreg [dreg:$0x1];
	p0 =	sne.s32 s2, $0x0  }
0x7a: {  	s3 =	rddreg [dreg:$0x2];
	[bflag:$0x3] =	sbarrier.arrive $0xFFFF;
	s2 =	simm.s32 @!p0 $0x1C05  }
0x7b: {  	[timem:s3], [sflag:s2] =	dma.local @!p0 [hbm:s0], s1  }
0x7c: {  	s0 =	simm.s32 @!p0 $0x5  }
0x7d: {  	_ =	swait.ge @!p0 [sflag:s0], s1  }
0x7e: {  	s1 =	ssub.s32 @!p0 $0x0, s1;
	[sflag:s0] =	ssyncset.done @!p0 $0x0  }
0x7f: {  	[sflag:s0] =	ssyncadd.s32 @!p0 s1  }
0x80: {  	[bflag:$0x3] =	sbarrier.arrive $0xFFFF  }
0x81: {  	_ =	shalt  }

// kernel: sc_spmm.9.cloned.1.call-start
scs
__scs_entry_jumppad:
0x0: {  	(pc) =	sbr.rel $0x88, $3  }
0x1: {  	(tag) =	ssettag $0x0;
	lr =	simm.s32 $0x1  }
0x2: {  	[smem:$0x3F90] =	sst lr;
	_ =	strace $0xD0000000  }
0x3: {  	_ = 	snop  }
0x4: {  	_ = 	snop  }
0x5: {  	_ = 	snop  }
0x6: {  	_ = 	snop  }
0x7: {  	_ = 	snop  }
__scs_overlays_trampoline_lowered:
0x8: {  	[smem:$0x3F9F] =	sst s0  }
0x9: {  	[smem:$0x3FA0] =	sst s1  }
0xa: {  	[smem:$0x3FA1] =	sst s2  }
0xb: {  	[smem:$0x3FA2] =	sst s3  }
0xc: {  	[smem:$0x3FA3] =	sst s4  }
0xd: {  	[smem:$0x3FA4] =	sst s5  }
0xe: {  	[smem:$0x3FA5] =	sst s6  }
0xf: {  	[smem:$0x3FA6] =	sst s7  }
0x10: {  	[smem:$0x3FA7] =	sst s8  }
0x11: {  	[smem:$0x3FA8] =	sst s9;
	s0 =	simm.s32 @!p0 $0x0  }
0x12: {  	s1 =	sld [smem:$0x3F8E];
	s0 =	simm.s32 @p0 $0x1  }
0x13: {  	[smem:$0x3FA9] =	sst s0;
	s0 =	simm.s32 @!p1 $0x0  }
0x14: {  	s2 =	sld [smem:$0x3F8D];
	s0 =	simm.s32 @p1 $0x1  }
0x15: {  	[smem:$0x3FAA] =	sst s0;
	s0 =	simm.s32 @!p2 $0x0  }
0x16: {  	s3 =	sld [smem:$0x3FDB];
	s0 =	simm.s32 @p2 $0x1  }
0x17: {  	s4 =	simm.s32 $0x1BF5;
	[smem:$0x3FAC] =	sst s0  }
0x18: {  	s0 =	sld [smem:$0x3F8F];
	_ =	swait.ge [sflag:s4], $0x0  }
0x19: {  	s7 =	sld [smem:$0x3F90]  }
0x1a: {  	s8 =	sadd.s32 $0xFFFFE003, lr  }
0x1b: {  	s9 =	sadd.s32 $0xFFFFFEF7, lr;
	s5 =	simm.s32 $0xFFFFFFFF;
	p2 =	slt.u32 s8, $0xFFFFF086  }
0x1c: {  	p1 =	slt.u32 s9, $0xF7A;
	s5 =	simm.s32 @!p2 $0x0  }
0x1d: {  	s5 =	simm.s32 @p1 $0x1;
	p0 =	seq.s32 s7, s2  }
0x1e: {  	s7 =	smul.u32 @!p0 $0xF7A, s2;
	p2 =	seq.s32 @!p0 s5, $0x0  }
0x1f: {  	s9 =	smul.u32 $0xF7A, s1;
	s8 =	simm.s32 @!p0 $0x1BF5;
	p2 =	por !p2, p0  }
0x20: {  	[sflag:s8] =	ssyncset.s32 @!p0 $0xFFFFF086;
	s6 =	sadd.s32 @!p0 s3, s7;
	s7 =	simm.s32 @!p0 $0x108  }
0x21: {  	s3 =	sadd.s32 s3, s9;
	s6 =	sadd.s32 @!p0 $0x88, s6;
	s7 =	simm.s32 @p2 $0x1082  }
0x22: {  	[simem:s7], [sflag:s8] =	dma.local @!p0 [hbm:s6], $0xF7A  }
0x23: {  	s9 =	sor.u32 $0xD0000000, s2;
	s6 =	simm.s32 $0x108;
	_ =	swait.ge @!p0 [sflag:s8], $0x0  }
0x24: {  	s3 =	sadd.s32 $0x88, s3;
	s6 =	simm.s32 @!p1 $0x1082;
	[sflag:s4] =	ssyncset.s32 $0xFFFFF086  }
0x25: {  	[simem:s6], [sflag:s4] =	dma.local [hbm:s3], $0xF7A  }
0x26: {  	[smem:$0x3F90] =	sst s1;
	(tag) =	ssettag s2;
	_ =	strace s9  }
0x27: {  	s1 =	sld [smem:$0x3FA0]  }
0x28: {  	s2 =	sld [smem:$0x3FA1]  }
0x29: {  	s4 =	sld [smem:$0x3FA3]  }
0x2a: {  	p0 =	seq.s32 s5, $0x0;
	s5 =	sld [smem:$0x3FA4]  }
0x2b: {  	s6 =	sld [smem:$0x3FA5]  }
0x2c: {  	s7 =	sld [smem:$0x3FA6]  }
0x2d: {  	s3 =	simm.s32 $0x108;
	s8 =	sld [smem:$0x3FA7]  }
0x2e: {  	s3 =	simm.s32 @!p0 $0x1082;
	s9 =	sld [smem:$0x3FA8]  }
0x2f: {  	lr =	sadd.s32 s0, s3;
	s0 =	sld [smem:$0x3F9F]  }
0x30: {  	s3 =	sld [smem:$0x3FA2]  }
0x31: {  	[smem:$0x3FAB] =	sst s10  }
0x32: {  	s10 =	sld [smem:$0x3FA9];
	_ =	sdelay $0x3  }
0x33: {  	p0 =	seq.s32 s10, $0x1;
	s10 =	sld [smem:$0x3FAB];
	_ =	sdelay $0x3  }
0x34: {  	[smem:$0x3FAB] =	sst s10  }
0x35: {  	s10 =	sld [smem:$0x3FAA];
	_ =	sdelay $0x3  }
0x36: {  	p1 =	seq.s32 s10, $0x1;
	s10 =	sld [smem:$0x3FAB];
	_ =	sdelay $0x3  }
0x37: {  	[smem:$0x3FAB] =	sst s10  }
0x38: {  	s10 =	sld [smem:$0x3FAC]  }
0x39: {  	_ = 	snop;
	(pc) =	sbr.ind lr, $3  }
0x3a: {  	_ = 	snop  }
0x3b: {  	_ = 	snop  }
0x3c: {  	p2 =	seq.s32 s10, $0x1;
	s10 =	sld [smem:$0x3FAB]  }
0x3d: {  	_ =	shalt  }
0x3e: {  	_ =	shalt  }
0x3f: {  	_ =	shalt  }
0x40: {  	_ =	shalt  }
0x41: {  	_ =	shalt  }
0x42: {  	_ =	shalt  }
0x43: {  	_ =	shalt  }
0x44: {  	_ =	shalt  }
0x45: {  	_ =	shalt  }
0x46: {  	_ =	shalt  }
0x47: {  	_ =	shalt  }
0x48: {  	_ =	shalt  }
0x49: {  	_ =	shalt  }
0x4a: {  	_ =	shalt  }
0x4b: {  	_ =	shalt  }
0x4c: {  	_ =	shalt  }
0x4d: {  	_ =	shalt  }
0x4e: {  	_ =	shalt  }
0x4f: {  	_ =	shalt  }
0x50: {  	_ =	shalt  }
0x51: {  	_ =	shalt  }
0x52: {  	_ =	shalt  }
0x53: {  	_ =	shalt  }
0x54: {  	_ =	shalt  }
0x55: {  	_ =	shalt  }
0x56: {  	_ =	shalt  }
0x57: {  	_ =	shalt  }
0x58: {  	_ =	shalt  }
0x59: {  	_ =	shalt  }
0x5a: {  	_ =	shalt  }
0x5b: {  	_ =	shalt  }
0x5c: {  	_ =	shalt  }
0x5d: {  	_ =	shalt  }
0x5e: {  	_ =	shalt  }
0x5f: {  	_ =	shalt  }
0x60: {  	_ =	shalt  }
0x61: {  	_ =	shalt  }
0x62: {  	_ =	shalt  }
0x63: {  	_ =	shalt  }
0x64: {  	_ =	shalt  }
0x65: {  	_ =	shalt  }
0x66: {  	_ =	shalt  }
0x67: {  	_ =	shalt  }
0x68: {  	_ =	shalt  }
0x69: {  	_ =	shalt  }
0x6a: {  	_ =	shalt  }
0x6b: {  	_ =	shalt  }
0x6c: {  	_ =	shalt  }
0x6d: {  	_ =	shalt  }
0x6e: {  	_ =	shalt  }
0x6f: {  	_ =	shalt  }
0x70: {  	_ =	shalt  }
0x71: {  	_ =	shalt  }
0x72: {  	_ =	shalt  }
0x73: {  	_ =	shalt  }
0x74: {  	_ =	shalt  }
0x75: {  	_ =	shalt  }
0x76: {  	_ =	shalt  }
0x77: {  	_ =	shalt  }
0x78: {  	_ =	shalt  }
0x79: {  	_ =	shalt  }
0x7a: {  	_ =	shalt  }
0x7b: {  	_ =	shalt  }
0x7c: {  	_ =	shalt  }
0x7d: {  	_ =	shalt  }
0x7e: {  	_ =	shalt  }
0x7f: {  	_ =	shalt  }
0x80: {  	_ =	shalt  }
0x81: {  	_ =	shalt  }
0x82: {  	_ =	shalt  }
0x83: {  	_ =	shalt  }
0x84: {  	_ =	shalt  }
0x85: {  	_ =	shalt  }
0x86: {  	_ =	shalt  }
0x87: {  	_ =	shalt  }
.Lfunc_end0:
.L_simem_size_0:
called_computation.2_lowered:
.L_overlay_start_0:
0x88: {  	s2 =	sld [smem:$0x3FD9]  }
0x89: {  	s3 =	sld [smem:$0x3FFE];
	_ =	sdelay $0x1  }
0x8a: {  	s1 =	srdreg.scid  }
0x8b: {  	s0 =	sand.u32 $0x1, s1  }
0x8c: {  	s16 =	sshll.u32 s0, $0xA;
	s2 =	sadd.s32 s3, s2  }
0x8d: {  	s2 =	sadd.s32 s2, s16  }
0x8e: {  	[smem:$0x3FB7] =	sst s2  }
0x8f: {  	_ = 	snop  }
0x90: {  	(tm) =	ssettm $0x1  }
0x91: {  	s17 =	sld [smem:$0x3FFB];
	_ =	sdelay $0x3  }
0x92: {  	_ =	strace s17  }
0x93: {  	s2 =	sld [smem:$0x3FFC];
	_ =	sdelay $0x3  }
0x94: {  	_ =	strace s2  }
0x95: {  	s2 =	sld [smem:$0x3FFD];
	_ =	sdelay $0x3  }
0x96: {  	_ =	strace s2  }
0x97: {  	_ =	strace $0x8FFFFFFF  }
0x98: {  	s18 =	sld [smem:$0x3FDB];
	_ =	sdelay $0x1  }
0x99: {  	s19 =	simm.s32 $_scs_section_size  }
0x9a: {  	s4 =	simm.s32 $_size__tile_overlayer_lowered;
	s5 =	simm.s32 $_tile_overlayer_lowered  }
0x9b: {  	s22 =	simm.s32 $0x1BFF;
	s21 =	sshll.u32 s5, $0x1;
	s2 =	sadd.s32 s19, s18  }
0x9c: {  	s6 =	simm.s32 $0x0;
	s20 =	sshll.u32 s4, $0x1;
	s4 =	sadd.s32 s21, s2  }
0x9d: {  	[timem:s6], [sflag:s22] =	dma.local [hbm:s4], s20  }
0x9e: {  	_ =	swait.ge [sflag:s22], s20  }
0x9f: {  	s3 =	ssub.s32 $0x0, s20;
	[sflag:s22] =	ssyncset.done $0x0  }
0xa0: {  	[sflag:s22] =	ssyncadd.s32 s3;
	_ =	sdelay $0x1  }
0xa1: {  	s23 =	simm.s32 $0x1B8B  }
0xa2: {  	_ =	swait.ge [sflag:s23], $0x1  }
0xa3: {  	[sflag:s23] =	ssyncset.done $0x0  }
0xa4: {  	s25 =	simm.s32 $0x1B8E;
	s24 =	sld [smem:$0x3FFE];
	[sflag:s23] =	ssyncadd.s32 $0xFFFFFFFF  }
0xa5: {  	s26 =	simm.s32 $execute0_lowered;
	[smem:$0x3FD2] =	sst s25  }
0xa6: {  	s4 =	sshll.u32 s26, $0x1;
	_ =	strace $0x8000004C;
	[dreg:$0x1] =	wrdreg $0xFFFFFFFF  }
0xa7: {  	s28 =	simm.s32 $_size_execute0_lowered;
	s2 =	sadd.s32 s2, s4;
	[dreg:$0x0] =	wrdreg $0x0  }
0xa8: {  	s4 =	sshll.u32 s28, $0x1;
	[dreg:$0x2] =	wrdreg s2  }
0xa9: {  	[dreg:$0x3] =	wrdreg s4  }
0xaa: {  	[dreg:$0x4] =	wrdreg $0xC0  }
0xab: {  	_ =	task [dreg:s6], $0x5FFFF  }
0xac: {  	[dreg:$0x1] =	wrdreg $0xFFFFFFFF  }
0xad: {  	[dreg:$0x0] =	wrdreg $0x60  }
0xae: {  	[dreg:$0x2] =	wrdreg s24  }
0xaf: {  	[dreg:$0x3] =	wrdreg $0x42000  }
0xb0: {  	[dreg:$0x4] =	wrdreg $0x9  }
0xb1: {  	_ =	task.clear_ibuf [dreg:s6], $0x5FFFF;
	_ =	strace $0x9000004C  }
0xb2: {  	s29 =	simm.s32 $0x9;
	_ =	strace $0x8000004E  }
0xb3: {  	_ =	swait.ge [sflag:s29], $0x1  }
0xb4: {  	[sflag:s29] =	ssyncadd.s32 $0xFFFFFFFF  }
0xb5: {  	_ =	strace $0x9000004E  }
0xb6: {  	_ =	sfence  }
0xb7: {  	s30 =	sld [smem:$0x0];
	_ =	sdelay $0x2  }
0xb8: {  	s31 =	sshll.u32 s1, $0xD;
	s1 =	sshrl.u32 s1, $0x2  }
0xb9: {  	s3 =	sand.u32 $0x4000, s31;
	s1 =	sadd.s32 s1, s30  }
0xba: {  	s0 =	sor.u32 s3, s0;
	s1 =	sshll.u32 s1, $0x11  }
0xbb: {  	s0 =	sor.u32 s1, s0  }
0xbc: {  	s0 =	sadd.s32 $0x8F2B, s0  }
0xbd: {  	[sflag:s0] =	ssyncadd.remote.s32 $0x1  }
0xbe: {  	_ =	sfence.sel $0xFFFF  }
0xbf: {  	[dreg:$0x0] =	wrdreg $0xFFFFFFFF;
	(pc) =	sbr.abs _section_cstart, $3  }
0xc0: {  	[dreg:$0x1] =	wrdreg $0xFFFFFFFF  }
0xc1: {  	_ =	task.clear_ibuf [dreg:s6], $0x2FFFF;
	_ =	strace $0x9FFFFFFF  }
0xc2: {  	(tm) =	ssettm $0x7FFFFFFF  }
0xc3: {  	_ =	shalt  }
tec
execute0_lowered:
.L_overlay_start_1:
0x0: {  	(tag) =	ssettag $0x1  }
0x1: {  	s4 =	rddreg [dreg:$0x0]  }
0x2: {  	s2 =	rddreg [dreg:$0x1]  }
0x3: {  	s0 =	rddreg [dreg:$0x2];
	s1 =	stileid.u32  }
0x4: {  	s5 =	srdreg.scid;
	s3 =	simm.s32 $0x0;
	s13 =	simm.s32 $0x3  }
0x5: {  	s14 =	simm.s32 $0x40;
	s15 =	simm.s32 $0x200;
	s16 =	simm.s32 $0x4  }
0x6: {  	s17 =	simm.s32 $0x2200;
	s18 =	simm.s32 $0x1;
	s6 =	smul.u32 $0x13A0, s1  }
0x7: {  	s19 =	simm.s32 $0x80;
	s20 =	simm.s32 $0x2;
	s8 =	smul.u32 $0x50000, s1  }
0x8: {  	s21 =	simm.s32 $0x180;
	s5 =	sand.u32 $0x1, s5;
	s23 =	smul.u32 $0x2800, s1  }
0x9: {  	[smem:$0x7FF] =	sst s3;
	s31 =	sshll.u32 s1, $0x6;
	s7 =	smul.u32 $0x28000, s5  }
0xa: {  	_ =	strace $0x8000004D;
	s5 =	ssub.s32 $0x2, s5;
	s9 =	sadd.s32 s6, s4  }
0xb: {  	s29 =	sshrl.u32 s5, $0x1;
	s30 =	sshrl.u32 s8, $0x2;
	s6 =	sor.u32 $0x1C05, s31  }
0xc: {  	s10 =	sadd.s32 s7, s4;
	s11 =	ssub.s32 s5, s29;
	s12 =	sadd.s32 s30, s2  }
0xd: {  	s7 =	sadd.s32 $0xF000, s9;
	s4 =	sadd.s32 $0x72A00, s10;
	s24 =	sadd.s32 $0xC2A00, s10  }
0xe: {  	s8 =	smax.u32 s11, $0x1;
	s9 =	sshrl.u32 s12, $0x3;
	s10 =	simm.s32 $0x5  }
0xf: {  	s11 =	sadd.s32 $0x20, s7;
	s12 =	simm.s32 $0x100;
	s22 =	sadd.s32 $0x1380, s7  }
0x10: {  	s5 =	sadd.s32 s23, s4;
	s23 =	sadd.s32 s23, s24;
	s24 =	simm.s32 $0x0  }
.LBB2_1:
0x11: {  	[spmem:s9], [sflag:s6] =	dma.local [hbm:s5], $0x2800  }
0x12: {  	_ =	swait.ge [sflag:s10], $0x2800  }
0x13: {  	[sflag:s10] =	ssyncset.done $0x0  }
0x14: {  	[sflag:s10] =	ssyncadd.s32 $0xFFFFD800  }
0x15: {  	[bflag:$0x0] =	sbarrier.arrive $0xFFFF  }
0x16: {  	[tilespmem:s3], [sflag:$0x3] =	stream.linear.gather [hbm4b:s7+s3], $0x100, $0x38;
	[tilespmem:$0x18200] =	vst v63  }
0x17: {  	_ = 	snop  }
0x18: {  	[tilespmem:s12], [sflag:$0x4] =	stream.linear.gather [hbm4b:s11+s3], $0x100, $0x38;
	[tilespmem:$0x18200] =	vst v63  }
0x19: {  	_ =	swait.ge [sflag:s13], $0x100  }
0x1a: {  	[sflag:s13] =	ssyncset.done $0x0  }
0x1b: {  	[sflag:s13] =	ssyncadd.s32 $0xFFFFFF00  }
0x1c: {  	[tilespmem:s15], [sflag:$0x1] =	stream.indirect.gather [hbm4b:s4+s14], $0x80, s3, s14, $0xb8;
	[tilespmem:$0x18200] =	vst v63  }
0x1d: {  	_ =	swait.ge [sflag:s16], $0x100  }
0x1e: {  	[sflag:s16] =	ssyncset.done $0x0  }
0x1f: {  	[sflag:s16] =	ssyncadd.s32 $0xFFFFFF00  }
0x20: {  	[tilespmem:s17], [sflag:$0x2] =	stream.indirect.gather [hbm4b:s4+s14], $0x80, s12, s14, $0xb8;
	[tilespmem:$0x18200] =	vst v63  }
0x21: {  	_ =	swait.ge [sflag:s18], $0x2000  }
0x22: {  	[sflag:s18] =	ssyncset.done $0x0  }
0x23: {  	[sflag:s18] =	ssyncadd.s32 $0xFFFFE000  }
0x24: {  	[spmem:s2] =	stream.indirect.scatter.add.f32 [tilespmem:s15], [sflag:$0x5], $0x80, s19, s14, $0xb8;
	[tilespmem:$0x18200] =	vst v63  }
0x25: {  	_ =	swait.ge [sflag:s10], $0x2000  }
0x26: {  	s26 =	sadd.s32 $0xFFFFECC0, s7;
	[sflag:s10] =	ssyncset.done $0x0  }
0x27: {  	s25 =	sadd.s32 $0x1380, s26;
	[sflag:s10] =	ssyncadd.s32 $0xFFFFE000  }
0x28: {  	[tilespmem:s3], [sflag:$0x3] =	stream.linear.gather [hbm4b:s25+s3], $0x100, $0x38;
	[tilespmem:$0x18200] =	vst v63  }
0x29: {  	_ =	swait.ge [sflag:s20], $0x2000  }
0x2a: {  	[sflag:s20] =	ssyncset.done $0x0  }
0x2b: {  	[sflag:s20] =	ssyncadd.s32 $0xFFFFE000  }
0x2c: {  	[spmem:s2] =	stream.indirect.scatter.add.f32 [tilespmem:s17], [sflag:$0x5], $0x80, s21, s14, $0xb8;
	[tilespmem:$0x18200] =	vst v63  }
0x2d: {  	_ =	swait.ge [sflag:s10], $0x2000  }
0x2e: {  	[sflag:s10] =	ssyncset.done $0x0  }
0x2f: {  	[sflag:s10] =	ssyncadd.s32 $0xFFFFE000  }
0x30: {  	_ =	swait.ge [sflag:s13], $0x100  }
0x31: {  	[sflag:s13] =	ssyncset.done $0x0  }
0x32: {  	s26 =	sadd.s32 $0x13A0, s26;
	s25 =	simm.s32 $0xFFFFED00;
	[sflag:s13] =	ssyncadd.s32 $0xFFFFFF00  }
0x33: {  	[tilespmem:s15], [sflag:$0x1] =	stream.indirect.gather [hbm4b:s4+s14], $0x80, s3, s14, $0xb8;
	[tilespmem:$0x18200] =	vst v63  }
.LBB2_2:
0x34: {  	[tilespmem:s12], [sflag:$0x4] =	stream.linear.gather [hbm4b:s26+s3], $0x100, $0x38;
	[tilespmem:$0x18200] =	vst v63  }
0x35: {  	s26 =	smov.u32 s25  }
0x36: {  	p0 =	sne.s32 s25, $0xFFFFFFC0;
	s25 =	sadd.s32 $0x40, s25;
	_ =	swait.ge [sflag:s16], $0x100  }
0x37: {  	[sflag:s16] =	ssyncset.done $0x0  }
0x38: {  	[sflag:s16] =	ssyncadd.s32 $0xFFFFFF00  }
0x39: {  	[tilespmem:s17], [sflag:$0x2] =	stream.indirect.gather [hbm4b:s4+s14], $0x80, s12, s14, $0xb8;
	[tilespmem:$0x18200] =	vst v63  }
0x3a: {  	_ =	swait.ge [sflag:s18], $0x2000  }
0x3b: {  	[sflag:s18] =	ssyncset.done $0x0  }
0x3c: {  	[sflag:s18] =	ssyncadd.s32 $0xFFFFE000  }
0x3d: {  	[spmem:s2] =	stream.indirect.scatter.add.f32 [tilespmem:s15], [sflag:$0x5], $0x80, s19, s14, $0xb8;
	[tilespmem:$0x18200] =	vst v63  }
0x3e: {  	_ =	swait.ge [sflag:s10], $0x2000  }
0x3f: {  	s26 =	sadd.s32 s26, s7;
	[sflag:s10] =	ssyncset.done $0x0  }
0x40: {  	s28 =	sadd.s32 $0x1380, s26;
	[sflag:s10] =	ssyncadd.s32 $0xFFFFE000  }
0x41: {  	[tilespmem:s3], [sflag:$0x3] =	stream.linear.gather [hbm4b:s28+s3], $0x100, $0x38;
	[tilespmem:$0x18200] =	vst v63  }
0x42: {  	_ =	swait.ge [sflag:s20], $0x2000  }
0x43: {  	[sflag:s20] =	ssyncset.done $0x0  }
0x44: {  	[sflag:s20] =	ssyncadd.s32 $0xFFFFE000  }
0x45: {  	[spmem:s2] =	stream.indirect.scatter.add.f32 [tilespmem:s17], [sflag:$0x5], $0x80, s21, s14, $0xb8;
	[tilespmem:$0x18200] =	vst v63  }
0x46: {  	_ =	swait.ge [sflag:s10], $0x2000  }
0x47: {  	[sflag:s10] =	ssyncset.done $0x0  }
0x48: {  	[sflag:s10] =	ssyncadd.s32 $0xFFFFE000  }
.Ltmp0:
0x49: {  	_ =	swait.ge [sflag:s13], $0x100;
	(pc) =	sbr.rel @p0 .LBB2_2-.Ltmp0, $4  }
0x4a: {  	[sflag:s13] =	ssyncset.done $0x0  }
0x4b: {  	[sflag:s13] =	ssyncadd.s32 $0xFFFFFF00  }
0x4c: {  	[tilespmem:s15], [sflag:$0x1] =	stream.indirect.gather [hbm4b:s4+s14], $0x80, s3, s14, $0xb8;
	[tilespmem:$0x18200] =	vst v63  }
0x4d: {  	s26 =	sadd.s32 $0x13A0, s26  }
0x4e: {  	[tilespmem:s12], [sflag:$0x4] =	stream.linear.gather [hbm4b:s26+s3], $0x100, $0x38;
	[tilespmem:$0x18200] =	vst v63  }
0x4f: {  	_ =	swait.ge [sflag:s16], $0x100  }
0x50: {  	[sflag:s16] =	ssyncset.done $0x0  }
0x51: {  	[sflag:s16] =	ssyncadd.s32 $0xFFFFFF00  }
0x52: {  	[tilespmem:s17], [sflag:$0x2] =	stream.indirect.gather [hbm4b:s4+s14], $0x80, s12, s14, $0xb8;
	[tilespmem:$0x18200] =	vst v63  }
0x53: {  	_ =	swait.ge [sflag:s18], $0x2000  }
0x54: {  	[sflag:s18] =	ssyncset.done $0x0  }
0x55: {  	[sflag:s18] =	ssyncadd.s32 $0xFFFFE000  }
0x56: {  	[spmem:s2] =	stream.indirect.scatter.add.f32 [tilespmem:s15], [sflag:$0x5], $0x80, s19, s14, $0xb8;
	[tilespmem:$0x18200] =	vst v63  }
0x57: {  	_ =	swait.ge [sflag:s10], $0x2000  }
0x58: {  	[sflag:s10] =	ssyncset.done $0x0  }
0x59: {  	[sflag:s10] =	ssyncadd.s32 $0xFFFFE000  }
0x5a: {  	[tilespmem:s3], [sflag:$0x3] =	stream.linear.gather [hbm4b:s22+s3], $0x100, $0x38;
	[tilespmem:$0x18200] =	vst v63  }
0x5b: {  	_ =	swait.ge [sflag:s20], $0x2000  }
0x5c: {  	[sflag:s20] =	ssyncset.done $0x0  }
0x5d: {  	[sflag:s20] =	ssyncadd.s32 $0xFFFFE000  }
0x5e: {  	[spmem:s2] =	stream.indirect.scatter.add.f32 [tilespmem:s17], [sflag:$0x5], $0x80, s21, s14, $0xb8;
	[tilespmem:$0x18200] =	vst v63  }
0x5f: {  	_ =	swait.ge [sflag:s10], $0x2000  }
0x60: {  	[sflag:s10] =	ssyncset.done $0x0  }
0x61: {  	[sflag:s10] =	ssyncadd.s32 $0xFFFFE000  }
0x62: {  	_ =	swait.ge [sflag:s13], $0x100  }
0x63: {  	[sflag:s13] =	ssyncset.done $0x0  }
0x64: {  	[sflag:s13] =	ssyncadd.s32 $0xFFFFFF00  }
0x65: {  	[tilespmem:s15], [sflag:$0x1] =	stream.indirect.gather [hbm4b:s4+s14], $0x80, s3, s14, $0xb8;
	[tilespmem:$0x18200] =	vst v63  }
0x66: {  	_ =	swait.ge [sflag:s18], $0x2000  }
0x67: {  	[sflag:s18] =	ssyncset.done $0x0  }
0x68: {  	[sflag:s18] =	ssyncadd.s32 $0xFFFFE000  }
0x69: {  	[spmem:s2] =	stream.indirect.scatter.add.f32 [tilespmem:s15], [sflag:$0x5], $0x80, s19, s14, $0xb8;
	[tilespmem:$0x18200] =	vst v63  }
0x6a: {  	_ =	swait.ge [sflag:s10], $0x2000  }
0x6b: {  	s24 =	sadd.s32 $0x1, s24;
	[sflag:s10] =	ssyncset.done $0x0  }
0x6c: {  	p0 =	sne.s32 s24, s8;
	[sflag:s10] =	ssyncadd.s32 $0xFFFFE000  }
.Ltmp1:
0x6d: {  	[bflag:$0x0] =	sbarrier.arrive $0xFFFF;
	(pc) =	sbr.rel @p0 .LBB2_1-.Ltmp1, $4  }
0x6e: {  	[hbm:s23], [sflag:s6] =	dma.local [spmem:s9], $0x2800  }
0x6f: {  	_ =	swait.ge [sflag:s10], $0x2800  }
0x70: {  	[sflag:s10] =	ssyncset.done $0x0  }
0x71: {  	[sflag:s10] =	ssyncadd.s32 $0xFFFFD800  }
0x72: {  	_ =	sfence.sel $0x180000  }
0x73: {  	[bflag:$0x0] =	sbarrier.arrive $0xFFFF  }
0x74: {  	p0 =	sne.s32 s1, $0x0;
	_ =	strace $0x9000004D  }
0x75: {  	s0 =	sadd.s32 @!p0 $0x100000, s0;
	[bflag:$0x2] =	sbarrier.arrive $0xFFFF  }
0x76: {  	[sflag:s0] =	ssyncadd.tile.s32 @!p0 $0x1;
	_ =	shalt  }
.Lfunc_end2:
_tile_overlayer_lowered:
.L_overlay_start_2:
0x77: {  	(tag) =	ssettag $0x2  }
0x78: {  	s0 =	rddreg [dreg:$0x0];
	s2 =	stileid.u32  }
0x79: {  	s1 =	rddreg [dreg:$0x1];
	p0 =	sne.s32 s2, $0x0  }
0x7a: {  	s3 =	rddreg [dreg:$0x2];
	[bflag:$0x3] =	sbarrier.arrive $0xFFFF;
	s2 =	simm.s32 @!p0 $0x1C05  }
0x7b: {  	[timem:s3], [sflag:s2] =	dma.local @!p0 [hbm:s0], s1  }
0x7c: {  	s0 =	simm.s32 @!p0 $0x5  }
0x7d: {  	_ =	swait.ge @!p0 [sflag:s0], s1  }
0x7e: {  	s1 =	ssub.s32 @!p0 $0x0, s1;
	[sflag:s0] =	ssyncset.done @!p0 $0x0  }
0x7f: {  	[sflag:s0] =	ssyncadd.s32 @!p0 s1  }
0x80: {  	[bflag:$0x3] =	sbarrier.arrive $0xFFFF  }
0x81: {  	_ =	shalt  }

</sc_bundles>
